<compile_context>
chip_gen: v7x
topology: tpu7x:2x2x1
jax: 0.10.2.dev20260603
libtpu: 0.0.44.dev20260713+nightly
codegen_flags: <defaults>
</compile_context>

<pallas_src>
import functools

import jax
import jax.numpy as jnp
from jax import lax
from jax.experimental import pallas as pl
from jax.experimental.pallas import tpu as pltpu
from jax.experimental.pallas import tpu_sc as plsc

N = 10000
E = 320000
D = 128
B = 1024

NC = 2
NS = 16
L = 16
NW = NC * NS
EPW = E // NW
CHUNK = 80
NCHUNK = EPW // CHUNK
KV = D // L

_mesh = plsc.VectorSubcoreMesh(core_axis_name="c", subcore_axis_name="s")


def _wid():
    return lax.axis_index("s") * NC + lax.axis_index("c")


def _proj_body(xj_ref, xi_ref, wj_ref, wi_ref, bias_ref, lw_ref,
               oj_ref, oi_ref, sj_ref, si_ref):
    oj = jnp.dot(xj_ref[...], wj_ref[...], preferred_element_type=jnp.float32)
    oi = jnp.dot(xi_ref[...], wi_ref[...],
                 preferred_element_type=jnp.float32) + bias_ref[...]
    oj_ref[...] = oj
    oi_ref[...] = oi
    lw_col = lw_ref[...].reshape(D, 1)
    sj_ref[...] = jnp.dot(oj, lw_col, preferred_element_type=jnp.float32)
    si_ref[...] = jnp.dot(oi, lw_col, preferred_element_type=jnp.float32)


def _project(x_j, x_i, w_j, w_i, bias2d, lw2d):
    blk = 2000
    grid = (N // blk,)
    return pl.pallas_call(
        _proj_body,
        grid=grid,
        in_specs=[
            pl.BlockSpec((blk, D), lambda i: (i, 0)),
            pl.BlockSpec((blk, D), lambda i: (i, 0)),
            pl.BlockSpec((D, D), lambda i: (0, 0)),
            pl.BlockSpec((D, D), lambda i: (0, 0)),
            pl.BlockSpec((1, D), lambda i: (0, 0)),
            pl.BlockSpec((1, D), lambda i: (0, 0)),
        ],
        out_specs=[
            pl.BlockSpec((blk, D), lambda i: (i, 0)),
            pl.BlockSpec((blk, D), lambda i: (i, 0)),
            pl.BlockSpec((blk, 1), lambda i: (i, 0)),
            pl.BlockSpec((blk, 1), lambda i: (i, 0)),
        ],
        out_shape=[
            jax.ShapeDtypeStruct((N, D), jnp.float32),
            jax.ShapeDtypeStruct((N, D), jnp.float32),
            jax.ShapeDtypeStruct((N, 1), jnp.float32),
            jax.ShapeDtypeStruct((N, 1), jnp.float32),
        ],
    )(x_j, x_i, w_j, w_i, bias2d, lw2d)


def _alpha_body(xj_hbm, xib_hbm, srcr_hbm, dstr_hbm, lw_hbm, lwp_hbm,
                ids_hbm,
                ex_hbm, sump_hbm,
                src_all, dst_all, u_rows, v_rows, a_buf, lw_v, lwp_v,
                ids_buf, s_v, s_loc, sem_u0, sem_v0, sem_u1, sem_v1):
    w = _wid()
    base = w * EPW
    pltpu.sync_copy(lw_hbm, lw_v)
    pltpu.sync_copy(lwp_hbm, lwp_v)
    pltpu.sync_copy(srcr_hbm.at[w], src_all)
    pltpu.sync_copy(dstr_hbm.at[w], dst_all)
    pltpu.sync_copy(ids_hbm.at[pl.ds(base, EPW)], ids_buf)
    lw_regs = [lw_v[pl.ds(k * L, L)] for k in range(KV)]
    lwp_regs = [lwp_v[pl.ds(k * L, L)] for k in range(KV)]
    lanes = jnp.arange(L, dtype=jnp.int32)
    sems = [(sem_u0, sem_v0), (sem_u1, sem_v1)]

    def zero_step(bq, _):
        s_loc[bq] = jnp.float32(0.0)
        return 0

    lax.fori_loop(0, B, zero_step, 0)

    def fetch(cc, bb):
        su, sv = sems[bb]
        pltpu.async_copy(xj_hbm.at[src_all.at[cc]], u_rows.at[bb], su)
        pltpu.async_copy(xib_hbm.at[dst_all.at[cc]], v_rows.at[bb], sv)

    def drain(cc, bb):
        su, sv = sems[bb]
        pltpu.make_async_copy(
            xj_hbm.at[src_all.at[cc]], u_rows.at[bb], su).wait()
        pltpu.make_async_copy(
            xib_hbm.at[dst_all.at[cc]], v_rows.at[bb], sv).wait()

    fetch(0, 0)

    def chunk_step(c, carry):
        b = lax.rem(c, 2)

        @pl.when(jnp.logical_and(c + 1 < NCHUNK, b == 0))
        def _():
            fetch(c + 1, 1)

        @pl.when(jnp.logical_and(c + 1 < NCHUNK, b == 1))
        def _():
            fetch(c + 1, 0)

        @pl.when(b == 0)
        def _():
            drain(c, 0)

        @pl.when(b == 1)
        def _():
            drain(c, 1)

        def group_step(g, _g):
            e0 = g * L
            vec = jnp.zeros((L,), jnp.float32)
            for j in range(L):
                e = e0 + j
                acc1 = jnp.zeros((L,), jnp.float32)
                acc2 = jnp.zeros((L,), jnp.float32)
                for k in range(KV):
                    t = (u_rows[b, e, pl.ds(k * L, L)]
                         + v_rows[b, e, pl.ds(k * L, L)])
                    acc1 = acc1 + lw_regs[k] * jnp.maximum(t, 0.0)
                    acc2 = acc2 + lwp_regs[k] * jnp.minimum(t, 0.0)
                vec = jnp.where(lanes == j, jnp.sum(acc1 + acc2), vec)
            a_buf[pl.ds(c * CHUNK + g * L, L)] = jnp.exp(vec)
            return _g

        lax.fori_loop(0, CHUNK // L, group_step, 0)

        def seg_step(q, carry2):
            cur, acc = carry2
            off = c * CHUNK + q * L
            ids = ids_buf[pl.ds(off, L)]
            xs = a_buf[pl.ds(off, L)]
            for j in range(L):
                sid = ids[j]
                x = xs[j]
                pred = sid != cur
                acc = jnp.where(pred, x, acc + x)
                cur = jnp.where(pred, sid, cur)
                s_loc[cur] = acc
            return cur, acc

        return lax.fori_loop(0, CHUNK // L, seg_step, carry)

    cur0 = ids_buf[pl.ds(0, L)][0]
    lax.fori_loop(0, NCHUNK, chunk_step, (cur0, jnp.float32(0.0)))

    def pack_step(jv, _):
        pvec = jnp.zeros((L,), jnp.float32)
        for j in range(L):
            pvec = jnp.where(lanes == j, s_loc[jv * L + j], pvec)
        s_v[pl.ds(jv * L, L)] = pvec
        return 0

    lax.fori_loop(0, B // L, pack_step, 0)

    pltpu.sync_copy(a_buf, ex_hbm.at[pl.ds(base, EPW)])
    pltpu.sync_copy(s_v, sump_hbm.at[w])


_alpha_kernel = functools.partial(
    pl.kernel,
    out_type=[
        jax.ShapeDtypeStruct((E,), jnp.float32),
        jax.ShapeDtypeStruct((NW, B), jnp.float32),
    ],
    mesh=_mesh,
    compiler_params=pltpu.CompilerParams(needs_layout_passes=False),
    scratch_types=[
        pltpu.VMEM((NCHUNK, CHUNK), jnp.int32),
        pltpu.VMEM((NCHUNK, CHUNK), jnp.int32),
        pltpu.VMEM((2, CHUNK, D), jnp.float32),
        pltpu.VMEM((2, CHUNK, D), jnp.float32),
        pltpu.VMEM((EPW,), jnp.float32),
        pltpu.VMEM((D,), jnp.float32),
        pltpu.VMEM((D,), jnp.float32),
        pltpu.VMEM((EPW,), jnp.int32),
        pltpu.VMEM((B,), jnp.float32),
        pltpu.SMEM((B,), jnp.float32),
        pltpu.SemaphoreType.DMA,
        pltpu.SemaphoreType.DMA,
        pltpu.SemaphoreType.DMA,
        pltpu.SemaphoreType.DMA,
    ],
)(_alpha_body)


def _norm_body(ex_hbm, ids_hbm, sump_hbm,
               out_hbm,
               ex_buf, ids_buf, sp_buf, s_buf):
    w = _wid()
    base = w * EPW
    pltpu.sync_copy(sump_hbm, sp_buf)
    pltpu.sync_copy(ex_hbm.at[pl.ds(base, EPW)], ex_buf)
    pltpu.sync_copy(ids_hbm.at[pl.ds(base, EPW)], ids_buf)

    def comb_step(j, _):
        def row_step(r, acc):
            return acc + sp_buf[r, pl.ds(j * L, L)]

        s_buf[pl.ds(j * L, L)] = lax.fori_loop(
            0, NW, row_step, jnp.zeros((L,), jnp.float32))
        return 0

    lax.fori_loop(0, B // L, comb_step, 0)

    def norm_step(i, _):
        ids = ids_buf[pl.ds(i * L, L)]
        s = plsc.load_gather(s_buf, [ids])
        ex_buf[pl.ds(i * L, L)] = ex_buf[pl.ds(i * L, L)] / s
        return 0

    lax.fori_loop(0, EPW // L, norm_step, 0)
    pltpu.sync_copy(ex_buf, out_hbm.at[pl.ds(base, EPW)])


_norm_kernel = functools.partial(
    pl.kernel,
    out_type=jax.ShapeDtypeStruct((E,), jnp.float32),
    mesh=_mesh,
    compiler_params=pltpu.CompilerParams(needs_layout_passes=False),
    scratch_types=[
        pltpu.VMEM((EPW,), jnp.float32),
        pltpu.VMEM((EPW,), jnp.int32),
        pltpu.VMEM((NW, B), jnp.float32),
        pltpu.VMEM((B,), jnp.float32),
    ],
)(_norm_body)


def kernel(x_j, x_i, edge_index, edge_index_batch, w_j, w_i, bias,
           prelu_w, lin_w, lin_b):
    src = edge_index[0].reshape(NW, NCHUNK, CHUNK)
    dst = edge_index[1].reshape(NW, NCHUNK, CHUNK)
    bias2d = bias.reshape(1, D)
    lw2d = lin_w.reshape(1, D)
    lw = lin_w.reshape(D)
    lwp = (prelu_w[0] * lin_w).reshape(D)

    xj, xib, sj, si = _project(x_j, x_i, w_j, w_i, bias2d, lw2d)
    ex, sump = _alpha_kernel(xj, xib, src, dst, lw, lwp, edge_index_batch)
    return _norm_kernel(ex, edge_index_batch, sump)

# --- scband reference (transcript-rebuilt; emitter-appended) ---
"""Pipeline reference for scband-co-attention-layer-drug-bank-47081431499268 (READ-ONLY COPY).

The authoritative reference and input builder live on the scoring server;
editing this copy changes nothing except your own understanding.
"""

import jax, jax.numpy as jnp
import numpy as np

N = 10000
E = 320000
D = 128
B = 1024  # number of pair-batch segments


def setup_inputs(seed: int = 0) -> dict:
    key = jax.random.key(seed)
    ks = jax.random.split(key, 10)
    x_j = jax.random.normal(ks[0], (N, D), dtype=jnp.float32)
    x_i = jax.random.normal(ks[1], (N, D), dtype=jnp.float32)
    edge_index = jax.random.randint(ks[2], (2, E), 0, N, dtype=jnp.int32)
    edge_index_batch = jnp.sort(jax.random.randint(ks[3], (E,), 0, B, dtype=jnp.int32))
    # learned parameters (glorot-ish scale)
    scale = float(np.sqrt(2.0 / (D + D)))
    w_j = jax.random.normal(ks[4], (D, D), dtype=jnp.float32) * scale
    w_i = jax.random.normal(ks[5], (D, D), dtype=jnp.float32) * scale
    bias = jnp.zeros((D,), dtype=jnp.float32)
    prelu_w = jnp.full((1,), 0.25, dtype=jnp.float32)  # nn.PReLU default
    lin_scale = float(np.sqrt(1.0 / D))
    lin_w = jax.random.uniform(ks[6], (1, D), dtype=jnp.float32, minval=-lin_scale, maxval=lin_scale)
    lin_b = jax.random.uniform(ks[7], (1,), dtype=jnp.float32, minval=-lin_scale, maxval=lin_scale)
    return {
        "x_j": x_j,
        "x_i": x_i,
        "edge_index": edge_index,
        "edge_index_batch": edge_index_batch,
        "w_j": w_j,
        "w_i": w_i,
        "bias": bias,
        "prelu_w": prelu_w,
        "lin_w": lin_w,
        "lin_b": lin_b,
    }


def reference(x_j, x_i, edge_index, edge_index_batch, w_j, w_i, bias, prelu_w, lin_w, lin_b):
    xi = x_i @ w_i
    xj = x_j @ w_j
    src = edge_index[0]
    dst = edge_index[1]
    x_j_i = jnp.take(xj, src, axis=0) + jnp.take(xi, dst, axis=0) + bias
    # mlp: PReLU then Linear(out_feats, 1)
    h = jnp.where(x_j_i >= 0, x_j_i, prelu_w * x_j_i)
    alpha = (h @ lin_w.T + lin_b).reshape(-1)
    # segment softmax over edge_index_batch (PyG-style softmax)
    m = jax.ops.segment_max(alpha, edge_index_batch, num_segments=B)
    e = jnp.exp(alpha - m[edge_index_batch])
    s = jax.ops.segment_sum(e, edge_index_batch, num_segments=B)
    attentions = e / (s[edge_index_batch] + 1e-16)
    return attentions

if __name__ == "__main__":
    import jax
    _d = setup_inputs()
    print(jax.jit(kernel)(*tuple(_d.values())))

</pallas_src>

<mosaic_0001>
#map = affine_map<(d0, d1) -> (0)>
#map1 = affine_map<(d0, d1) -> (0, 0)>
module attributes {stable_mosaic.version = 14 : i64} {
  func.func @_norm_body(%arg0: i32, %arg1: i32, %arg2: memref<320000xf32, #tpu.memory_space<hbm>>, %arg3: memref<320000xi32, #tpu.memory_space<hbm>>, %arg4: memref<32x1024xf32, #tpu.memory_space<hbm>>, %arg5: memref<320000xf32, #tpu.memory_space<hbm>>, %arg6: memref<10000xf32, #tpu.memory_space<vmem>>, %arg7: memref<10000xi32, #tpu.memory_space<vmem>>, %arg8: memref<32x1024xf32, #tpu.memory_space<vmem>>, %arg9: memref<1024xf32, #tpu.memory_space<vmem>>) attributes {dimension_semantics = [#tpu.dimension_semantics<core_parallel>, #tpu.dimension_semantics<subcore_parallel>], iteration_bounds = array<i64: 2, 16>, scalar_prefetch = 0 : i64, scratch_operands = 4 : i64, tpu.core_type = #tpu.core_type<sc_vector_subcore>, window_params = [{transform_indices = #map}, {transform_indices = #map}, {transform_indices = #map1}, {transform_indices = #map}]} {
    %mul3A = arith.constant 2 : i32
    %mul3A_0 = arith.muli %arg1, %mul3A : i32
    %add3A = arith.addi %mul3A_0, %arg0 : i32
    %mul3A_1 = arith.constant 10000 : i32
    %mul3A_2 = arith.muli %add3A, %mul3A_1 : i32
    "tpu.region"() ({
      %run_scoped3A = tpu.sem_alloc : memref<!tpu.dma_semaphore, #tpu.memory_space<semaphore_mem>>
      tpu.enqueue_dma source(%arg4 : memref<32x1024xf32, #tpu.memory_space<hbm>>) target(%arg8 : memref<32x1024xf32, #tpu.memory_space<vmem>>) target_semaphore(%run_scoped3A : memref<!tpu.dma_semaphore, #tpu.memory_space<semaphore_mem>>)
      tpu.wait_dma2 semaphore(%run_scoped3A : memref<!tpu.dma_semaphore, #tpu.memory_space<semaphore_mem>>) src(%arg4 : memref<32x1024xf32, #tpu.memory_space<hbm>>) dst(%arg8 : memref<32x1024xf32, #tpu.memory_space<vmem>>)
      tpu.yield
    }) : () -> ()
    "tpu.region"() ({
      %run_scoped3A = tpu.sem_alloc : memref<!tpu.dma_semaphore, #tpu.memory_space<semaphore_mem>>
      %dma_start3A = tpu.memref_slice %arg2[%mul3A_2] : memref<320000xf32, #tpu.memory_space<hbm>> -> memref<10000xf32, #tpu.memory_space<hbm>>
      %dma_start3A_16 = tpu.memref_slice %arg2[%mul3A_2] : memref<320000xf32, #tpu.memory_space<hbm>> -> memref<10000xf32, #tpu.memory_space<hbm>>
      tpu.enqueue_dma source(%dma_start3A_16 : memref<10000xf32, #tpu.memory_space<hbm>>) target(%arg6 : memref<10000xf32, #tpu.memory_space<vmem>>) target_semaphore(%run_scoped3A : memref<!tpu.dma_semaphore, #tpu.memory_space<semaphore_mem>>)
      %dma_wait3A = tpu.memref_slice %arg2[%mul3A_2] : memref<320000xf32, #tpu.memory_space<hbm>> -> memref<10000xf32, #tpu.memory_space<hbm>>
      %dma_wait3A_17 = tpu.memref_slice %arg2[%mul3A_2] : memref<320000xf32, #tpu.memory_space<hbm>> -> memref<10000xf32, #tpu.memory_space<hbm>>
      tpu.wait_dma2 semaphore(%run_scoped3A : memref<!tpu.dma_semaphore, #tpu.memory_space<semaphore_mem>>) src(%dma_wait3A_17 : memref<10000xf32, #tpu.memory_space<hbm>>) dst(%arg6 : memref<10000xf32, #tpu.memory_space<vmem>>)
      tpu.yield
    }) : () -> ()
    "tpu.region"() ({
      %run_scoped3A = tpu.sem_alloc : memref<!tpu.dma_semaphore, #tpu.memory_space<semaphore_mem>>
      %dma_start3A = tpu.memref_slice %arg3[%mul3A_2] : memref<320000xi32, #tpu.memory_space<hbm>> -> memref<10000xi32, #tpu.memory_space<hbm>>
      %dma_start3A_16 = tpu.memref_slice %arg3[%mul3A_2] : memref<320000xi32, #tpu.memory_space<hbm>> -> memref<10000xi32, #tpu.memory_space<hbm>>
      tpu.enqueue_dma source(%dma_start3A_16 : memref<10000xi32, #tpu.memory_space<hbm>>) target(%arg7 : memref<10000xi32, #tpu.memory_space<vmem>>) target_semaphore(%run_scoped3A : memref<!tpu.dma_semaphore, #tpu.memory_space<semaphore_mem>>)
      %dma_wait3A = tpu.memref_slice %arg3[%mul3A_2] : memref<320000xi32, #tpu.memory_space<hbm>> -> memref<10000xi32, #tpu.memory_space<hbm>>
      %dma_wait3A_17 = tpu.memref_slice %arg3[%mul3A_2] : memref<320000xi32, #tpu.memory_space<hbm>> -> memref<10000xi32, #tpu.memory_space<hbm>>
      tpu.wait_dma2 semaphore(%run_scoped3A : memref<!tpu.dma_semaphore, #tpu.memory_space<semaphore_mem>>) src(%dma_wait3A_17 : memref<10000xi32, #tpu.memory_space<hbm>>) dst(%arg7 : memref<10000xi32, #tpu.memory_space<vmem>>)
      tpu.yield
    }) : () -> ()
    %scan3A = arith.constant 0 : i32
    %scan3A_3 = arith.constant 0 : i32
    %scan3A_4 = arith.constant 64 : i32
    %scan3A_5 = arith.addi %scan3A_3, %scan3A_4 : i32
    %scan3A_6 = arith.constant 1 : i32
    %scan3A_7 = scf.for %scan3A_16 = %scan3A_3 to %scan3A_5 step %scan3A_6 iter_args(%scan3A_17 = %scan3A) -> (i32)  : i32 {
      %broadcast_in_dim3A = arith.constant 0.000000e+00 : f32
      %broadcast_in_dim3A_18 = vector.broadcast %broadcast_in_dim3A : f32 to vector<16xf32>
      %scan3A_19 = arith.constant 0 : i32
      %scan3A_20 = arith.constant 32 : i32
      %scan3A_21 = arith.addi %scan3A_19, %scan3A_20 : i32
      %scan3A_22 = arith.constant 1 : i32
      %scan3A_23 = scf.for %scan3A_29 = %scan3A_19 to %scan3A_21 step %scan3A_22 iter_args(%scan3A_30 = %broadcast_in_dim3A_18) -> (vector<16xf32>)  : i32 {
        %mul3A_31 = arith.constant 16 : i32
        %mul3A_32 = arith.muli %scan3A_16, %mul3A_31 : i32
        %get3A = arith.index_cast %scan3A_29 : i32 to index
        %get3A_33 = arith.index_cast %mul3A_32 : i32 to index
        %get3A_34 = tpu.vector_load %arg8[%get3A, %get3A_33] {strides = array<i32>} : memref<32x1024xf32, #tpu.memory_space<vmem>>, vector<16xf32>,
        %add3A_35 = arith.addf %scan3A_30, %get3A_34 : vector<16xf32>
        scf.yield %add3A_35 : vector<16xf32>
      }
      %scan3A_24 = arith.constant 32 : i32
      %mul3A_25 = arith.constant 16 : i32
      %mul3A_26 = arith.muli %scan3A_16, %mul3A_25 : i32
      %swap3A = arith.index_cast %mul3A_26 : i32 to index
      %swap3A_27 = tpu.vector_load %arg9[%swap3A] {strides = array<i32>} : memref<1024xf32, #tpu.memory_space<vmem>>, vector<16xf32>,
      tpu.vector_store %arg9[%swap3A], %scan3A_23 {strides = array<i32>} : memref<1024xf32, #tpu.memory_space<vmem>>, vector<16xf32>,
      %scan3A_28 = arith.constant 0 : i32
      scf.yield %scan3A_28 : i32
    }
    %scan3A_8 = arith.constant 64 : i32
    %scan3A_9 = arith.constant 0 : i32
    %scan3A_10 = arith.constant 0 : i32
    %scan3A_11 = arith.constant 625 : i32
    %scan3A_12 = arith.addi %scan3A_10, %scan3A_11 : i32
    %scan3A_13 = arith.constant 1 : i32
    %scan3A_14 = scf.for %scan3A_16 = %scan3A_10 to %scan3A_12 step %scan3A_13 iter_args(%scan3A_17 = %scan3A_9) -> (i32)  : i32 {
      %mul3A_18 = arith.constant 16 : i32
      %mul3A_19 = arith.muli %scan3A_16, %mul3A_18 : i32
      %get3A = arith.index_cast %mul3A_19 : i32 to index
      %get3A_20 = tpu.vector_load %arg7[%get3A] {strides = array<i32>} : memref<10000xi32, #tpu.memory_space<vmem>>, vector<16xi32>,
      %gather3A = tpu.vector_load_idx %arg9[%get3A_20] : memref<1024xf32, #tpu.memory_space<vmem>>[vector<16xi32>], vector<16xf32>,
      %mul3A_21 = arith.constant 16 : i32
      %mul3A_22 = arith.muli %scan3A_16, %mul3A_21 : i32
      %get3A_23 = arith.index_cast %mul3A_22 : i32 to index
      %get3A_24 = tpu.vector_load %arg6[%get3A_23] {strides = array<i32>} : memref<10000xf32, #tpu.memory_space<vmem>>, vector<16xf32>,
      %div3A = arith.divf %get3A_24, %gather3A : vector<16xf32>
      %mul3A_25 = arith.constant 16 : i32
      %mul3A_26 = arith.muli %scan3A_16, %mul3A_25 : i32
      %swap3A = arith.index_cast %mul3A_26 : i32 to index
      %swap3A_27 = tpu.vector_load %arg6[%swap3A] {strides = array<i32>} : memref<10000xf32, #tpu.memory_space<vmem>>, vector<16xf32>,
      tpu.vector_store %arg6[%swap3A], %div3A {strides = array<i32>} : memref<10000xf32, #tpu.memory_space<vmem>>, vector<16xf32>,
      %scan3A_28 = arith.constant 0 : i32
      scf.yield %scan3A_28 : i32
    }
    %scan3A_15 = arith.constant 625 : i32
    "tpu.region"() ({
      %run_scoped3A = tpu.sem_alloc : memref<!tpu.dma_semaphore, #tpu.memory_space<semaphore_mem>>
      %dma_start3A = tpu.memref_slice %arg5[%mul3A_2] : memref<320000xf32, #tpu.memory_space<hbm>> -> memref<10000xf32, #tpu.memory_space<hbm>>
      %dma_start3A_16 = tpu.memref_slice %arg5[%mul3A_2] : memref<320000xf32, #tpu.memory_space<hbm>> -> memref<10000xf32, #tpu.memory_space<hbm>>
      tpu.enqueue_dma source(%arg6 : memref<10000xf32, #tpu.memory_space<vmem>>) target(%dma_start3A_16 : memref<10000xf32, #tpu.memory_space<hbm>>) target_semaphore(%run_scoped3A : memref<!tpu.dma_semaphore, #tpu.memory_space<semaphore_mem>>)
      %dma_wait3A = tpu.memref_slice %arg5[%mul3A_2] : memref<320000xf32, #tpu.memory_space<hbm>> -> memref<10000xf32, #tpu.memory_space<hbm>>
      %dma_wait3A_17 = tpu.memref_slice %arg5[%mul3A_2] : memref<320000xf32, #tpu.memory_space<hbm>> -> memref<10000xf32, #tpu.memory_space<hbm>>
      tpu.wait_dma2 semaphore(%run_scoped3A : memref<!tpu.dma_semaphore, #tpu.memory_space<semaphore_mem>>) src(%arg6 : memref<10000xf32, #tpu.memory_space<vmem>>) dst(%dma_wait3A_17 : memref<10000xf32, #tpu.memory_space<hbm>>)
      tpu.yield
    }) : () -> ()
    return
  }
}

#map = affine_map<(d0, d1) -> (0, 0)>
#map1 = affine_map<(d0, d1) -> (0, 0, 0)>
#map2 = affine_map<(d0, d1) -> (0)>
module attributes {stable_mosaic.version = 14 : i64} {
  func.func @_alpha_body(%arg0: i32, %arg1: i32, %arg2: memref<10000x128xf32, #tpu.memory_space<hbm>>, %arg3: memref<10000x128xf32, #tpu.memory_space<hbm>>, %arg4: memref<32x125x80xi32, #tpu.memory_space<hbm>>, %arg5: memref<32x125x80xi32, #tpu.memory_space<hbm>>, %arg6: memref<128xf32, #tpu.memory_space<hbm>>, %arg7: memref<128xf32, #tpu.memory_space<hbm>>, %arg8: memref<320000xi32, #tpu.memory_space<hbm>>, %arg9: memref<320000xf32, #tpu.memory_space<hbm>>, %arg10: memref<32x1024xf32, #tpu.memory_space<hbm>>, %arg11: memref<125x80xi32, #tpu.memory_space<vmem>>, %arg12: memref<125x80xi32, #tpu.memory_space<vmem>>, %arg13: memref<2x80x128xf32, #tpu.memory_space<vmem>>, %arg14: memref<2x80x128xf32, #tpu.memory_space<vmem>>, %arg15: memref<10000xf32, #tpu.memory_space<vmem>>, %arg16: memref<128xf32, #tpu.memory_space<vmem>>, %arg17: memref<128xf32, #tpu.memory_space<vmem>>, %arg18: memref<10000xi32, #tpu.memory_space<vmem>>, %arg19: memref<1024xf32, #tpu.memory_space<vmem>>, %arg20: memref<1024xf32, #tpu.memory_space<smem>>, %arg21: memref<!tpu.dma_semaphore, #tpu.memory_space<semaphore_mem>>, %arg22: memref<!tpu.dma_semaphore, #tpu.memory_space<semaphore_mem>>, %arg23: memref<!tpu.dma_semaphore, #tpu.memory_space<semaphore_mem>>, %arg24: memref<!tpu.dma_semaphore, #tpu.memory_space<semaphore_mem>>) attributes {dimension_semantics = [#tpu.dimension_semantics<core_parallel>, #tpu.dimension_semantics<subcore_parallel>], iteration_bounds = array<i64: 2, 16>, scalar_prefetch = 0 : i64, scratch_operands = 14 : i64, tpu.core_type = #tpu.core_type<sc_vector_subcore>, window_params = [{transform_indices = #map}, {transform_indices = #map}, {transform_indices = #map1}, {transform_indices = #map1}, {transform_indices = #map2}, {transform_indices = #map2}, {transform_indices = #map2}, {transform_indices = #map2}, {transform_indices = #map}]} {
    %mul3A = arith.constant 2 : i32
    %mul3A_0 = arith.muli %arg1, %mul3A : i32
    %add3A = arith.addi %mul3A_0, %arg0 : i32
    %mul3A_1 = arith.constant 10000 : i32
    %mul3A_2 = arith.muli %add3A, %mul3A_1 : i32
    "tpu.region"() ({
      %run_scoped3A = tpu.sem_alloc : memref<!tpu.dma_semaphore, #tpu.memory_space<semaphore_mem>>
      tpu.enqueue_dma source(%arg6 : memref<128xf32, #tpu.memory_space<hbm>>) target(%arg16 : memref<128xf32, #tpu.memory_space<vmem>>) target_semaphore(%run_scoped3A : memref<!tpu.dma_semaphore, #tpu.memory_space<semaphore_mem>>)
      tpu.wait_dma2 semaphore(%run_scoped3A : memref<!tpu.dma_semaphore, #tpu.memory_space<semaphore_mem>>) src(%arg6 : memref<128xf32, #tpu.memory_space<hbm>>) dst(%arg16 : memref<128xf32, #tpu.memory_space<vmem>>)
      tpu.yield
    }) : () -> ()
    "tpu.region"() ({
      %run_scoped3A = tpu.sem_alloc : memref<!tpu.dma_semaphore, #tpu.memory_space<semaphore_mem>>
      tpu.enqueue_dma source(%arg7 : memref<128xf32, #tpu.memory_space<hbm>>) target(%arg17 : memref<128xf32, #tpu.memory_space<vmem>>) target_semaphore(%run_scoped3A : memref<!tpu.dma_semaphore, #tpu.memory_space<semaphore_mem>>)
      tpu.wait_dma2 semaphore(%run_scoped3A : memref<!tpu.dma_semaphore, #tpu.memory_space<semaphore_mem>>) src(%arg7 : memref<128xf32, #tpu.memory_space<hbm>>) dst(%arg17 : memref<128xf32, #tpu.memory_space<vmem>>)
      tpu.yield
    }) : () -> ()
    "tpu.region"() ({
      %run_scoped3A = tpu.sem_alloc : memref<!tpu.dma_semaphore, #tpu.memory_space<semaphore_mem>>
      %dma_start3A_79 = arith.constant 0 : i32
      %dma_start3A_80 = arith.constant 0 : i32
      %dma_start3A_81 = tpu.memref_slice %arg4[%add3A, %dma_start3A_79, %dma_start3A_80] : memref<32x125x80xi32, #tpu.memory_space<hbm>> -> memref<1x125x80xi32, #tpu.memory_space<hbm>>
      %dma_start3A_82 = tpu.memref_squeeze %dma_start3A_81 : memref<1x125x80xi32, #tpu.memory_space<hbm>> -> memref<125x80xi32, #tpu.memory_space<hbm>>
      %dma_start3A_83 = arith.constant 0 : i32
      %dma_start3A_84 = arith.constant 0 : i32
      %dma_start3A_85 = tpu.memref_slice %arg4[%add3A, %dma_start3A_83, %dma_start3A_84] : memref<32x125x80xi32, #tpu.memory_space<hbm>> -> memref<1x125x80xi32, #tpu.memory_space<hbm>>
      %dma_start3A_86 = tpu.memref_squeeze %dma_start3A_85 : memref<1x125x80xi32, #tpu.memory_space<hbm>> -> memref<125x80xi32, #tpu.memory_space<hbm>>
      tpu.enqueue_dma source(%dma_start3A_86 : memref<125x80xi32, #tpu.memory_space<hbm>>) target(%arg11 : memref<125x80xi32, #tpu.memory_space<vmem>>) target_semaphore(%run_scoped3A : memref<!tpu.dma_semaphore, #tpu.memory_space<semaphore_mem>>)
      %dma_wait3A = arith.constant 0 : i32
      %dma_wait3A_87 = arith.constant 0 : i32
      %dma_wait3A_88 = tpu.memref_slice %arg4[%add3A, %dma_wait3A, %dma_wait3A_87] : memref<32x125x80xi32, #tpu.memory_space<hbm>> -> memref<1x125x80xi32, #tpu.memory_space<hbm>>
      %dma_wait3A_89 = tpu.memref_squeeze %dma_wait3A_88 : memref<1x125x80xi32, #tpu.memory_space<hbm>> -> memref<125x80xi32, #tpu.memory_space<hbm>>
      %dma_wait3A_90 = arith.constant 0 : i32
      %dma_wait3A_91 = arith.constant 0 : i32
      %dma_wait3A_92 = tpu.memref_slice %arg4[%add3A, %dma_wait3A_90, %dma_wait3A_91] : memref<32x125x80xi32, #tpu.memory_space<hbm>> -> memref<1x125x80xi32, #tpu.memory_space<hbm>>
      %dma_wait3A_93 = tpu.memref_squeeze %dma_wait3A_92 : memref<1x125x80xi32, #tpu.memory_space<hbm>> -> memref<125x80xi32, #tpu.memory_space<hbm>>
      tpu.wait_dma2 semaphore(%run_scoped3A : memref<!tpu.dma_semaphore, #tpu.memory_space<semaphore_mem>>) src(%dma_wait3A_93 : memref<125x80xi32, #tpu.memory_space<hbm>>) dst(%arg11 : memref<125x80xi32, #tpu.memory_space<vmem>>)
      tpu.yield
    }) : () -> ()
    "tpu.region"() ({
      %run_scoped3A = tpu.sem_alloc : memref<!tpu.dma_semaphore, #tpu.memory_space<semaphore_mem>>
      %dma_start3A_79 = arith.constant 0 : i32
      %dma_start3A_80 = arith.constant 0 : i32
      %dma_start3A_81 = tpu.memref_slice %arg5[%add3A, %dma_start3A_79, %dma_start3A_80] : memref<32x125x80xi32, #tpu.memory_space<hbm>> -> memref<1x125x80xi32, #tpu.memory_space<hbm>>
      %dma_start3A_82 = tpu.memref_squeeze %dma_start3A_81 : memref<1x125x80xi32, #tpu.memory_space<hbm>> -> memref<125x80xi32, #tpu.memory_space<hbm>>
      %dma_start3A_83 = arith.constant 0 : i32
      %dma_start3A_84 = arith.constant 0 : i32
      %dma_start3A_85 = tpu.memref_slice %arg5[%add3A, %dma_start3A_83, %dma_start3A_84] : memref<32x125x80xi32, #tpu.memory_space<hbm>> -> memref<1x125x80xi32, #tpu.memory_space<hbm>>
      %dma_start3A_86 = tpu.memref_squeeze %dma_start3A_85 : memref<1x125x80xi32, #tpu.memory_space<hbm>> -> memref<125x80xi32, #tpu.memory_space<hbm>>
      tpu.enqueue_dma source(%dma_start3A_86 : memref<125x80xi32, #tpu.memory_space<hbm>>) target(%arg12 : memref<125x80xi32, #tpu.memory_space<vmem>>) target_semaphore(%run_scoped3A : memref<!tpu.dma_semaphore, #tpu.memory_space<semaphore_mem>>)
      %dma_wait3A = arith.constant 0 : i32
      %dma_wait3A_87 = arith.constant 0 : i32
      %dma_wait3A_88 = tpu.memref_slice %arg5[%add3A, %dma_wait3A, %dma_wait3A_87] : memref<32x125x80xi32, #tpu.memory_space<hbm>> -> memref<1x125x80xi32, #tpu.memory_space<hbm>>
      %dma_wait3A_89 = tpu.memref_squeeze %dma_wait3A_88 : memref<1x125x80xi32, #tpu.memory_space<hbm>> -> memref<125x80xi32, #tpu.memory_space<hbm>>
      %dma_wait3A_90 = arith.constant 0 : i32
      %dma_wait3A_91 = arith.constant 0 : i32
      %dma_wait3A_92 = tpu.memref_slice %arg5[%add3A, %dma_wait3A_90, %dma_wait3A_91] : memref<32x125x80xi32, #tpu.memory_space<hbm>> -> memref<1x125x80xi32, #tpu.memory_space<hbm>>
      %dma_wait3A_93 = tpu.memref_squeeze %dma_wait3A_92 : memref<1x125x80xi32, #tpu.memory_space<hbm>> -> memref<125x80xi32, #tpu.memory_space<hbm>>
      tpu.wait_dma2 semaphore(%run_scoped3A : memref<!tpu.dma_semaphore, #tpu.memory_space<semaphore_mem>>) src(%dma_wait3A_93 : memref<125x80xi32, #tpu.memory_space<hbm>>) dst(%arg12 : memref<125x80xi32, #tpu.memory_space<vmem>>)
      tpu.yield
    }) : () -> ()
    "tpu.region"() ({
      %run_scoped3A = tpu.sem_alloc : memref<!tpu.dma_semaphore, #tpu.memory_space<semaphore_mem>>
      %dma_start3A_79 = tpu.memref_slice %arg8[%mul3A_2] : memref<320000xi32, #tpu.memory_space<hbm>> -> memref<10000xi32, #tpu.memory_space<hbm>>
      %dma_start3A_80 = tpu.memref_slice %arg8[%mul3A_2] : memref<320000xi32, #tpu.memory_space<hbm>> -> memref<10000xi32, #tpu.memory_space<hbm>>
      tpu.enqueue_dma source(%dma_start3A_80 : memref<10000xi32, #tpu.memory_space<hbm>>) target(%arg18 : memref<10000xi32, #tpu.memory_space<vmem>>) target_semaphore(%run_scoped3A : memref<!tpu.dma_semaphore, #tpu.memory_space<semaphore_mem>>)
      %dma_wait3A = tpu.memref_slice %arg8[%mul3A_2] : memref<320000xi32, #tpu.memory_space<hbm>> -> memref<10000xi32, #tpu.memory_space<hbm>>
      %dma_wait3A_81 = tpu.memref_slice %arg8[%mul3A_2] : memref<320000xi32, #tpu.memory_space<hbm>> -> memref<10000xi32, #tpu.memory_space<hbm>>
      tpu.wait_dma2 semaphore(%run_scoped3A : memref<!tpu.dma_semaphore, #tpu.memory_space<semaphore_mem>>) src(%dma_wait3A_81 : memref<10000xi32, #tpu.memory_space<hbm>>) dst(%arg18 : memref<10000xi32, #tpu.memory_space<vmem>>)
      tpu.yield
    }) : () -> ()
    %get3A = arith.constant 0 : index
    %get3A_3 = tpu.vector_load %arg16[%get3A] {strides = array<i32>} : memref<128xf32, #tpu.memory_space<vmem>>, vector<16xf32>,
    %get3A_4 = arith.constant 16 : index
    %get3A_5 = tpu.vector_load %arg16[%get3A_4] {strides = array<i32>} : memref<128xf32, #tpu.memory_space<vmem>>, vector<16xf32>,
    %get3A_6 = arith.constant 32 : index
    %get3A_7 = tpu.vector_load %arg16[%get3A_6] {strides = array<i32>} : memref<128xf32, #tpu.memory_space<vmem>>, vector<16xf32>,
    %get3A_8 = arith.constant 48 : index
    %get3A_9 = tpu.vector_load %arg16[%get3A_8] {strides = array<i32>} : memref<128xf32, #tpu.memory_space<vmem>>, vector<16xf32>,
    %get3A_10 = arith.constant 64 : index
    %get3A_11 = tpu.vector_load %arg16[%get3A_10] {strides = array<i32>} : memref<128xf32, #tpu.memory_space<vmem>>, vector<16xf32>,
    %get3A_12 = arith.constant 80 : index
    %get3A_13 = tpu.vector_load %arg16[%get3A_12] {strides = array<i32>} : memref<128xf32, #tpu.memory_space<vmem>>, vector<16xf32>,
    %get3A_14 = arith.constant 96 : index
    %get3A_15 = tpu.vector_load %arg16[%get3A_14] {strides = array<i32>} : memref<128xf32, #tpu.memory_space<vmem>>, vector<16xf32>,
    %get3A_16 = arith.constant 112 : index
    %get3A_17 = tpu.vector_load %arg16[%get3A_16] {strides = array<i32>} : memref<128xf32, #tpu.memory_space<vmem>>, vector<16xf32>,
    %get3A_18 = arith.constant 0 : index
    %get3A_19 = tpu.vector_load %arg17[%get3A_18] {strides = array<i32>} : memref<128xf32, #tpu.memory_space<vmem>>, vector<16xf32>,
    %get3A_20 = arith.constant 16 : index
    %get3A_21 = tpu.vector_load %arg17[%get3A_20] {strides = array<i32>} : memref<128xf32, #tpu.memory_space<vmem>>, vector<16xf32>,
    %get3A_22 = arith.constant 32 : index
    %get3A_23 = tpu.vector_load %arg17[%get3A_22] {strides = array<i32>} : memref<128xf32, #tpu.memory_space<vmem>>, vector<16xf32>,
    %get3A_24 = arith.constant 48 : index
    %get3A_25 = tpu.vector_load %arg17[%get3A_24] {strides = array<i32>} : memref<128xf32, #tpu.memory_space<vmem>>, vector<16xf32>,
    %get3A_26 = arith.constant 64 : index
    %get3A_27 = tpu.vector_load %arg17[%get3A_26] {strides = array<i32>} : memref<128xf32, #tpu.memory_space<vmem>>, vector<16xf32>,
    %get3A_28 = arith.constant 80 : index
    %get3A_29 = tpu.vector_load %arg17[%get3A_28] {strides = array<i32>} : memref<128xf32, #tpu.memory_space<vmem>>, vector<16xf32>,
    %get3A_30 = arith.constant 96 : index
    %get3A_31 = tpu.vector_load %arg17[%get3A_30] {strides = array<i32>} : memref<128xf32, #tpu.memory_space<vmem>>, vector<16xf32>,
    %get3A_32 = arith.constant 112 : index
    %get3A_33 = tpu.vector_load %arg17[%get3A_32] {strides = array<i32>} : memref<128xf32, #tpu.memory_space<vmem>>, vector<16xf32>,
    %iota3A = tpu.iota {dimensions = array<i32: 0>} : vector<16xi32>
    %scan3A = arith.constant 0 : i32
    %scan3A_34 = arith.constant 0 : i32
    %scan3A_35 = arith.constant 1024 : i32
    %scan3A_36 = arith.addi %scan3A_34, %scan3A_35 : i32
    %scan3A_37 = arith.constant 1 : i32
    %scan3A_38 = scf.for %scan3A_79 = %scan3A_34 to %scan3A_36 step %scan3A_37 iter_args(%scan3A_80 = %scan3A) -> (i32)  : i32 {
      %swap3A = arith.constant 0.000000e+00 : f32
      %swap3A_81 = arith.index_cast %scan3A_79 : i32 to index
      %swap3A_82 = memref.load %arg20[%swap3A_81] : memref<1024xf32, #tpu.memory_space<smem>>
      memref.store %swap3A, %arg20[%swap3A_81] : memref<1024xf32, #tpu.memory_space<smem>>
      %scan3A_83 = arith.constant 0 : i32
      scf.yield %scan3A_83 : i32
    }
    %scan3A_39 = arith.constant 1024 : i32
    %dma_start3A = arith.constant 0 : i32
    %dma_start3A_40 = arith.constant 0 : i32
    %dma_start3A_41 = arith.constant 0 : i32
    %dma_start3A_42 = arith.constant 0 : i32
    %dma_start3A_43 = tpu.memref_slice %arg13[%dma_start3A_40, %dma_start3A_41, %dma_start3A_42] : memref<2x80x128xf32, #tpu.memory_space<vmem>> -> memref<1x80x128xf32, #tpu.memory_space<vmem>>
    %dma_start3A_44 = tpu.memref_squeeze %dma_start3A_43 : memref<1x80x128xf32, #tpu.memory_space<vmem>> -> memref<80x128xf32, #tpu.memory_space<vmem>>
    %dma_start3A_45 = arith.constant 0 : i32
    %dma_start3A_46 = tpu.memref_slice %arg11[%dma_start3A, %dma_start3A_45] : memref<125x80xi32, #tpu.memory_space<vmem>> -> memref<1x80xi32, #tpu.memory_space<vmem>>
    %dma_start3A_47 = tpu.memref_squeeze %dma_start3A_46 : memref<1x80xi32, #tpu.memory_space<vmem>> -> memref<80xi32, #tpu.memory_space<vmem>>
    %dma_start3A_48 = arith.constant 0 : i32
    %dma_start3A_49 = arith.constant 0 : i32
    %dma_start3A_50 = tpu.memref_slice %arg2[%dma_start3A_48, %dma_start3A_49] : memref<10000x128xf32, #tpu.memory_space<hbm>> -> memref<10000x128xf32, #tpu.memory_space<hbm>>
    tpu.enqueue_indirect_dma source(%dma_start3A_50 : memref<10000x128xf32, #tpu.memory_space<hbm>>) target(%dma_start3A_44 : memref<80x128xf32, #tpu.memory_space<vmem>>) offsets(%dma_start3A_47 : memref<80xi32, #tpu.memory_space<vmem>>) semaphore(%arg21 : memref<!tpu.dma_semaphore, #tpu.memory_space<semaphore_mem>>)
    %dma_start3A_51 = arith.constant 0 : i32
    %dma_start3A_52 = arith.constant 0 : i32
    %dma_start3A_53 = arith.constant 0 : i32
    %dma_start3A_54 = arith.constant 0 : i32
    %dma_start3A_55 = tpu.memref_slice %arg14[%dma_start3A_52, %dma_start3A_53, %dma_start3A_54] : memref<2x80x128xf32, #tpu.memory_space<vmem>> -> memref<1x80x128xf32, #tpu.memory_space<vmem>>
    %dma_start3A_56 = tpu.memref_squeeze %dma_start3A_55 : memref<1x80x128xf32, #tpu.memory_space<vmem>> -> memref<80x128xf32, #tpu.memory_space<vmem>>
    %dma_start3A_57 = arith.constant 0 : i32
    %dma_start3A_58 = tpu.memref_slice %arg12[%dma_start3A_51, %dma_start3A_57] : memref<125x80xi32, #tpu.memory_space<vmem>> -> memref<1x80xi32, #tpu.memory_space<vmem>>
    %dma_start3A_59 = tpu.memref_squeeze %dma_start3A_58 : memref<1x80xi32, #tpu.memory_space<vmem>> -> memref<80xi32, #tpu.memory_space<vmem>>
    %dma_start3A_60 = arith.constant 0 : i32
    %dma_start3A_61 = arith.constant 0 : i32
    %dma_start3A_62 = tpu.memref_slice %arg3[%dma_start3A_60, %dma_start3A_61] : memref<10000x128xf32, #tpu.memory_space<hbm>> -> memref<10000x128xf32, #tpu.memory_space<hbm>>
    tpu.enqueue_indirect_dma source(%dma_start3A_62 : memref<10000x128xf32, #tpu.memory_space<hbm>>) target(%dma_start3A_56 : memref<80x128xf32, #tpu.memory_space<vmem>>) offsets(%dma_start3A_59 : memref<80xi32, #tpu.memory_space<vmem>>) semaphore(%arg22 : memref<!tpu.dma_semaphore, #tpu.memory_space<semaphore_mem>>)
    %get3A_63 = arith.constant 0 : index
    %get3A_64 = tpu.vector_load %arg18[%get3A_63] {strides = array<i32>} : memref<10000xi32, #tpu.memory_space<vmem>>, vector<16xi32>,
    %slice3A = vector.extract_strided_slice %get3A_64 {offsets = [0], sizes = [1], strides = [1]} : vector<16xi32> to vector<1xi32>
    %squeeze3A = vector.extract %slice3A[0] : i32 from vector<1xi32>
    %scan3A_65 = arith.constant 0.000000e+00 : f32
    %scan3A_66 = arith.constant 0 : i32
    %scan3A_67 = arith.constant 125 : i32
    %scan3A_68 = arith.addi %scan3A_66, %scan3A_67 : i32
    %scan3A_69 = arith.constant 1 : i32
    %scan3A_70:2 = scf.for %scan3A_79 = %scan3A_66 to %scan3A_68 step %scan3A_69 iter_args(%scan3A_80 = %squeeze3A, %scan3A_81 = %scan3A_65) -> (i32, f32)  : i32 {
      %rem3A = arith.constant 2 : i32
      %rem3A_82 = arith.remsi %scan3A_79, %rem3A : i32
      %add3A_83 = arith.constant 1 : i32
      %add3A_84 = arith.addi %scan3A_79, %add3A_83 : i32
      %lt3A = arith.constant 125 : i32
      %lt3A_85 = arith.cmpi slt, %add3A_84, %lt3A : i32
      %eq3A = arith.constant 0 : i32
      %eq3A_86 = arith.cmpi eq, %rem3A_82, %eq3A : i32
      %and3A = arith.andi %lt3A_85, %eq3A_86 : i1
      %convert_element_type3A = arith.extui %and3A : i1 to i32
      %cond3A = arith.constant 0 : i32
      %cond3A_87 = arith.cmpi ne, %convert_element_type3A, %cond3A : i32
      scf.if %cond3A_87 {
        %add3A_120 = arith.constant 1 : i32
        %add3A_121 = arith.addi %scan3A_79, %add3A_120 : i32
        %dma_start3A_122 = arith.constant 1 : i32
        %dma_start3A_123 = arith.constant 0 : i32
        %dma_start3A_124 = arith.constant 0 : i32
        %dma_start3A_125 = tpu.memref_slice %arg13[%dma_start3A_122, %dma_start3A_123, %dma_start3A_124] : memref<2x80x128xf32, #tpu.memory_space<vmem>> -> memref<1x80x128xf32, #tpu.memory_space<vmem>>
        %dma_start3A_126 = tpu.memref_squeeze %dma_start3A_125 : memref<1x80x128xf32, #tpu.memory_space<vmem>> -> memref<80x128xf32, #tpu.memory_space<vmem>>
        %dma_start3A_127 = arith.constant 0 : i32
        %dma_start3A_128 = tpu.memref_slice %arg11[%add3A_121, %dma_start3A_127] : memref<125x80xi32, #tpu.memory_space<vmem>> -> memref<1x80xi32, #tpu.memory_space<vmem>>
        %dma_start3A_129 = tpu.memref_squeeze %dma_start3A_128 : memref<1x80xi32, #tpu.memory_space<vmem>> -> memref<80xi32, #tpu.memory_space<vmem>>
        %dma_start3A_130 = arith.constant 0 : i32
        %dma_start3A_131 = arith.constant 0 : i32
        %dma_start3A_132 = tpu.memref_slice %arg2[%dma_start3A_130, %dma_start3A_131] : memref<10000x128xf32, #tpu.memory_space<hbm>> -> memref<10000x128xf32, #tpu.memory_space<hbm>>
        tpu.enqueue_indirect_dma source(%dma_start3A_132 : memref<10000x128xf32, #tpu.memory_space<hbm>>) target(%dma_start3A_126 : memref<80x128xf32, #tpu.memory_space<vmem>>) offsets(%dma_start3A_129 : memref<80xi32, #tpu.memory_space<vmem>>) semaphore(%arg23 : memref<!tpu.dma_semaphore, #tpu.memory_space<semaphore_mem>>)
        %dma_start3A_133 = arith.constant 1 : i32
        %dma_start3A_134 = arith.constant 0 : i32
        %dma_start3A_135 = arith.constant 0 : i32
        %dma_start3A_136 = tpu.memref_slice %arg14[%dma_start3A_133, %dma_start3A_134, %dma_start3A_135] : memref<2x80x128xf32, #tpu.memory_space<vmem>> -> memref<1x80x128xf32, #tpu.memory_space<vmem>>
        %dma_start3A_137 = tpu.memref_squeeze %dma_start3A_136 : memref<1x80x128xf32, #tpu.memory_space<vmem>> -> memref<80x128xf32, #tpu.memory_space<vmem>>
        %dma_start3A_138 = arith.constant 0 : i32
        %dma_start3A_139 = tpu.memref_slice %arg12[%add3A_121, %dma_start3A_138] : memref<125x80xi32, #tpu.memory_space<vmem>> -> memref<1x80xi32, #tpu.memory_space<vmem>>
        %dma_start3A_140 = tpu.memref_squeeze %dma_start3A_139 : memref<1x80xi32, #tpu.memory_space<vmem>> -> memref<80xi32, #tpu.memory_space<vmem>>
        %dma_start3A_141 = arith.constant 0 : i32
        %dma_start3A_142 = arith.constant 0 : i32
        %dma_start3A_143 = tpu.memref_slice %arg3[%dma_start3A_141, %dma_start3A_142] : memref<10000x128xf32, #tpu.memory_space<hbm>> -> memref<10000x128xf32, #tpu.memory_space<hbm>>
        tpu.enqueue_indirect_dma source(%dma_start3A_143 : memref<10000x128xf32, #tpu.memory_space<hbm>>) target(%dma_start3A_137 : memref<80x128xf32, #tpu.memory_space<vmem>>) offsets(%dma_start3A_140 : memref<80xi32, #tpu.memory_space<vmem>>) semaphore(%arg24 : memref<!tpu.dma_semaphore, #tpu.memory_space<semaphore_mem>>)
      } else {
      }
      %add3A_88 = arith.constant 1 : i32
      %add3A_89 = arith.addi %scan3A_79, %add3A_88 : i32
      %lt3A_90 = arith.constant 125 : i32
      %lt3A_91 = arith.cmpi slt, %add3A_89, %lt3A_90 : i32
      %eq3A_92 = arith.constant 1 : i32
      %eq3A_93 = arith.cmpi eq, %rem3A_82, %eq3A_92 : i32
      %and3A_94 = arith.andi %lt3A_91, %eq3A_93 : i1
      %convert_element_type3A_95 = arith.extui %and3A_94 : i1 to i32
      %cond3A_96 = arith.constant 0 : i32
      %cond3A_97 = arith.cmpi ne, %convert_element_type3A_95, %cond3A_96 : i32
      scf.if %cond3A_97 {
        %add3A_120 = arith.constant 1 : i32
        %add3A_121 = arith.addi %scan3A_79, %add3A_120 : i32
        %dma_start3A_122 = arith.constant 0 : i32
        %dma_start3A_123 = arith.constant 0 : i32
        %dma_start3A_124 = arith.constant 0 : i32
        %dma_start3A_125 = tpu.memref_slice %arg13[%dma_start3A_122, %dma_start3A_123, %dma_start3A_124] : memref<2x80x128xf32, #tpu.memory_space<vmem>> -> memref<1x80x128xf32, #tpu.memory_space<vmem>>
        %dma_start3A_126 = tpu.memref_squeeze %dma_start3A_125 : memref<1x80x128xf32, #tpu.memory_space<vmem>> -> memref<80x128xf32, #tpu.memory_space<vmem>>
        %dma_start3A_127 = arith.constant 0 : i32
        %dma_start3A_128 = tpu.memref_slice %arg11[%add3A_121, %dma_start3A_127] : memref<125x80xi32, #tpu.memory_space<vmem>> -> memref<1x80xi32, #tpu.memory_space<vmem>>
        %dma_start3A_129 = tpu.memref_squeeze %dma_start3A_128 : memref<1x80xi32, #tpu.memory_space<vmem>> -> memref<80xi32, #tpu.memory_space<vmem>>
        %dma_start3A_130 = arith.constant 0 : i32
        %dma_start3A_131 = arith.constant 0 : i32
        %dma_start3A_132 = tpu.memref_slice %arg2[%dma_start3A_130, %dma_start3A_131] : memref<10000x128xf32, #tpu.memory_space<hbm>> -> memref<10000x128xf32, #tpu.memory_space<hbm>>
        tpu.enqueue_indirect_dma source(%dma_start3A_132 : memref<10000x128xf32, #tpu.memory_space<hbm>>) target(%dma_start3A_126 : memref<80x128xf32, #tpu.memory_space<vmem>>) offsets(%dma_start3A_129 : memref<80xi32, #tpu.memory_space<vmem>>) semaphore(%arg21 : memref<!tpu.dma_semaphore, #tpu.memory_space<semaphore_mem>>)
        %dma_start3A_133 = arith.constant 0 : i32
        %dma_start3A_134 = arith.constant 0 : i32
        %dma_start3A_135 = arith.constant 0 : i32
        %dma_start3A_136 = tpu.memref_slice %arg14[%dma_start3A_133, %dma_start3A_134, %dma_start3A_135] : memref<2x80x128xf32, #tpu.memory_space<vmem>> -> memref<1x80x128xf32, #tpu.memory_space<vmem>>
        %dma_start3A_137 = tpu.memref_squeeze %dma_start3A_136 : memref<1x80x128xf32, #tpu.memory_space<vmem>> -> memref<80x128xf32, #tpu.memory_space<vmem>>
        %dma_start3A_138 = arith.constant 0 : i32
        %dma_start3A_139 = tpu.memref_slice %arg12[%add3A_121, %dma_start3A_138] : memref<125x80xi32, #tpu.memory_space<vmem>> -> memref<1x80xi32, #tpu.memory_space<vmem>>
        %dma_start3A_140 = tpu.memref_squeeze %dma_start3A_139 : memref<1x80xi32, #tpu.memory_space<vmem>> -> memref<80xi32, #tpu.memory_space<vmem>>
        %dma_start3A_141 = arith.constant 0 : i32
        %dma_start3A_142 = arith.constant 0 : i32
        %dma_start3A_143 = tpu.memref_slice %arg3[%dma_start3A_141, %dma_start3A_142] : memref<10000x128xf32, #tpu.memory_space<hbm>> -> memref<10000x128xf32, #tpu.memory_space<hbm>>
        tpu.enqueue_indirect_dma source(%dma_start3A_143 : memref<10000x128xf32, #tpu.memory_space<hbm>>) target(%dma_start3A_137 : memref<80x128xf32, #tpu.memory_space<vmem>>) offsets(%dma_start3A_140 : memref<80xi32, #tpu.memory_space<vmem>>) semaphore(%arg22 : memref<!tpu.dma_semaphore, #tpu.memory_space<semaphore_mem>>)
      } else {
      }
      %eq3A_98 = arith.constant 0 : i32
      %eq3A_99 = arith.cmpi eq, %rem3A_82, %eq3A_98 : i32
      %convert_element_type3A_100 = arith.extui %eq3A_99 : i1 to i32
      %cond3A_101 = arith.constant 0 : i32
      %cond3A_102 = arith.cmpi ne, %convert_element_type3A_100, %cond3A_101 : i32
      scf.if %cond3A_102 {
        %dma_wait3A = arith.constant 0 : i32
        %dma_wait3A_120 = arith.constant 0 : i32
        %dma_wait3A_121 = arith.constant 0 : i32
        %dma_wait3A_122 = tpu.memref_slice %arg13[%dma_wait3A, %dma_wait3A_120, %dma_wait3A_121] : memref<2x80x128xf32, #tpu.memory_space<vmem>> -> memref<1x80x128xf32, #tpu.memory_space<vmem>>
        %dma_wait3A_123 = tpu.memref_squeeze %dma_wait3A_122 : memref<1x80x128xf32, #tpu.memory_space<vmem>> -> memref<80x128xf32, #tpu.memory_space<vmem>>
        %dma_wait3A_124 = arith.constant 0 : i32
        %dma_wait3A_125 = tpu.memref_slice %arg11[%scan3A_79, %dma_wait3A_124] : memref<125x80xi32, #tpu.memory_space<vmem>> -> memref<1x80xi32, #tpu.memory_space<vmem>>
        %dma_wait3A_126 = tpu.memref_squeeze %dma_wait3A_125 : memref<1x80xi32, #tpu.memory_space<vmem>> -> memref<80xi32, #tpu.memory_space<vmem>>
        %dma_wait3A_127 = arith.constant 0 : i32
        %dma_wait3A_128 = arith.constant 0 : i32
        %dma_wait3A_129 = tpu.memref_slice %arg2[%dma_wait3A_127, %dma_wait3A_128] : memref<10000x128xf32, #tpu.memory_space<hbm>> -> memref<10000x128xf32, #tpu.memory_space<hbm>>
        tpu.wait_indirect_dma semaphore(%arg21 : memref<!tpu.dma_semaphore, #tpu.memory_space<semaphore_mem>>) src(%dma_wait3A_129 : memref<10000x128xf32, #tpu.memory_space<hbm>>) dst(%dma_wait3A_123 : memref<80x128xf32, #tpu.memory_space<vmem>>)
        %dma_wait3A_130 = arith.constant 0 : i32
        %dma_wait3A_131 = arith.constant 0 : i32
        %dma_wait3A_132 = arith.constant 0 : i32
        %dma_wait3A_133 = tpu.memref_slice %arg14[%dma_wait3A_130, %dma_wait3A_131, %dma_wait3A_132] : memref<2x80x128xf32, #tpu.memory_space<vmem>> -> memref<1x80x128xf32, #tpu.memory_space<vmem>>
        %dma_wait3A_134 = tpu.memref_squeeze %dma_wait3A_133 : memref<1x80x128xf32, #tpu.memory_space<vmem>> -> memref<80x128xf32, #tpu.memory_space<vmem>>
        %dma_wait3A_135 = arith.constant 0 : i32
        %dma_wait3A_136 = tpu.memref_slice %arg12[%scan3A_79, %dma_wait3A_135] : memref<125x80xi32, #tpu.memory_space<vmem>> -> memref<1x80xi32, #tpu.memory_space<vmem>>
        %dma_wait3A_137 = tpu.memref_squeeze %dma_wait3A_136 : memref<1x80xi32, #tpu.memory_space<vmem>> -> memref<80xi32, #tpu.memory_space<vmem>>
        %dma_wait3A_138 = arith.constant 0 : i32
        %dma_wait3A_139 = arith.constant 0 : i32
        %dma_wait3A_140 = tpu.memref_slice %arg3[%dma_wait3A_138, %dma_wait3A_139] : memref<10000x128xf32, #tpu.memory_space<hbm>> -> memref<10000x128xf32, #tpu.memory_space<hbm>>
        tpu.wait_indirect_dma semaphore(%arg22 : memref<!tpu.dma_semaphore, #tpu.memory_space<semaphore_mem>>) src(%dma_wait3A_140 : memref<10000x128xf32, #tpu.memory_space<hbm>>) dst(%dma_wait3A_134 : memref<80x128xf32, #tpu.memory_space<vmem>>)
      } else {
      }
      %eq3A_103 = arith.constant 1 : i32
      %eq3A_104 = arith.cmpi eq, %rem3A_82, %eq3A_103 : i32
      %convert_element_type3A_105 = arith.extui %eq3A_104 : i1 to i32
      %cond3A_106 = arith.constant 0 : i32
      %cond3A_107 = arith.cmpi ne, %convert_element_type3A_105, %cond3A_106 : i32
      scf.if %cond3A_107 {
        %dma_wait3A = arith.constant 1 : i32
        %dma_wait3A_120 = arith.constant 0 : i32
        %dma_wait3A_121 = arith.constant 0 : i32
        %dma_wait3A_122 = tpu.memref_slice %arg13[%dma_wait3A, %dma_wait3A_120, %dma_wait3A_121] : memref<2x80x128xf32, #tpu.memory_space<vmem>> -> memref<1x80x128xf32, #tpu.memory_space<vmem>>
        %dma_wait3A_123 = tpu.memref_squeeze %dma_wait3A_122 : memref<1x80x128xf32, #tpu.memory_space<vmem>> -> memref<80x128xf32, #tpu.memory_space<vmem>>
        %dma_wait3A_124 = arith.constant 0 : i32
        %dma_wait3A_125 = tpu.memref_slice %arg11[%scan3A_79, %dma_wait3A_124] : memref<125x80xi32, #tpu.memory_space<vmem>> -> memref<1x80xi32, #tpu.memory_space<vmem>>
        %dma_wait3A_126 = tpu.memref_squeeze %dma_wait3A_125 : memref<1x80xi32, #tpu.memory_space<vmem>> -> memref<80xi32, #tpu.memory_space<vmem>>
        %dma_wait3A_127 = arith.constant 0 : i32
        %dma_wait3A_128 = arith.constant 0 : i32
        %dma_wait3A_129 = tpu.memref_slice %arg2[%dma_wait3A_127, %dma_wait3A_128] : memref<10000x128xf32, #tpu.memory_space<hbm>> -> memref<10000x128xf32, #tpu.memory_space<hbm>>
        tpu.wait_indirect_dma semaphore(%arg23 : memref<!tpu.dma_semaphore, #tpu.memory_space<semaphore_mem>>) src(%dma_wait3A_129 : memref<10000x128xf32, #tpu.memory_space<hbm>>) dst(%dma_wait3A_123 : memref<80x128xf32, #tpu.memory_space<vmem>>)
        %dma_wait3A_130 = arith.constant 1 : i32
        %dma_wait3A_131 = arith.constant 0 : i32
        %dma_wait3A_132 = arith.constant 0 : i32
        %dma_wait3A_133 = tpu.memref_slice %arg14[%dma_wait3A_130, %dma_wait3A_131, %dma_wait3A_132] : memref<2x80x128xf32, #tpu.memory_space<vmem>> -> memref<1x80x128xf32, #tpu.memory_space<vmem>>
        %dma_wait3A_134 = tpu.memref_squeeze %dma_wait3A_133 : memref<1x80x128xf32, #tpu.memory_space<vmem>> -> memref<80x128xf32, #tpu.memory_space<vmem>>
        %dma_wait3A_135 = arith.constant 0 : i32
        %dma_wait3A_136 = tpu.memref_slice %arg12[%scan3A_79, %dma_wait3A_135] : memref<125x80xi32, #tpu.memory_space<vmem>> -> memref<1x80xi32, #tpu.memory_space<vmem>>
        %dma_wait3A_137 = tpu.memref_squeeze %dma_wait3A_136 : memref<1x80xi32, #tpu.memory_space<vmem>> -> memref<80xi32, #tpu.memory_space<vmem>>
        %dma_wait3A_138 = arith.constant 0 : i32
        %dma_wait3A_139 = arith.constant 0 : i32
        %dma_wait3A_140 = tpu.memref_slice %arg3[%dma_wait3A_138, %dma_wait3A_139] : memref<10000x128xf32, #tpu.memory_space<hbm>> -> memref<10000x128xf32, #tpu.memory_space<hbm>>
        tpu.wait_indirect_dma semaphore(%arg24 : memref<!tpu.dma_semaphore, #tpu.memory_space<semaphore_mem>>) src(%dma_wait3A_140 : memref<10000x128xf32, #tpu.memory_space<hbm>>) dst(%dma_wait3A_134 : memref<80x128xf32, #tpu.memory_space<vmem>>)
      } else {
      }
      %scan3A_108 = arith.constant 0 : i32
      %scan3A_109 = arith.constant 0 : i32
      %scan3A_110 = arith.constant 5 : i32
      %scan3A_111 = arith.addi %scan3A_109, %scan3A_110 : i32
      %scan3A_112 = arith.constant 1 : i32
      scf.for %scan3A_120 = %scan3A_109 to %scan3A_111 step %scan3A_112  : i32 {
        %mul3A_121 = arith.constant 16 : i32
        %mul3A_122 = arith.muli %scan3A_120, %mul3A_121 : i32
        %broadcast_in_dim3A = arith.constant 0.000000e+00 : f32
        %broadcast_in_dim3A_123 = vector.broadcast %broadcast_in_dim3A : f32 to vector<16xf32>
        %add3A_124 = arith.constant 0 : i32
        %add3A_125 = arith.addi %mul3A_122, %add3A_124 : i32
        %broadcast_in_dim3A_126 = arith.constant 0.000000e+00 : f32
        %broadcast_in_dim3A_127 = vector.broadcast %broadcast_in_dim3A_126 : f32 to vector<16xf32>
        %broadcast_in_dim3A_128 = arith.constant 0.000000e+00 : f32
        %broadcast_in_dim3A_129 = vector.broadcast %broadcast_in_dim3A_128 : f32 to vector<16xf32>
        %get3A_130 = arith.index_cast %rem3A_82 : i32 to index
        %get3A_131 = arith.index_cast %add3A_125 : i32 to index
        %get3A_132 = arith.constant 0 : index
        %get3A_133 = tpu.vector_load %arg13[%get3A_130, %get3A_131, %get3A_132] {strides = array<i32>} : memref<2x80x128xf32, #tpu.memory_space<vmem>>, vector<16xf32>,
        %get3A_134 = arith.index_cast %rem3A_82 : i32 to index
        %get3A_135 = arith.index_cast %add3A_125 : i32 to index
        %get3A_136 = arith.constant 0 : index
        %get3A_137 = tpu.vector_load %arg14[%get3A_134, %get3A_135, %get3A_136] {strides = array<i32>} : memref<2x80x128xf32, #tpu.memory_space<vmem>>, vector<16xf32>,
        %add3A_138 = arith.addf %get3A_133, %get3A_137 : vector<16xf32>
        %max3A = arith.constant 0.000000e+00 : f32
        %max3A_139 = vector.broadcast %max3A : f32 to vector<16xf32>
        %max3A_140 = arith.maximumf %add3A_138, %max3A_139 : vector<16xf32>
        %mul3A_141 = arith.mulf %get3A_3, %max3A_140 : vector<16xf32>
        %add3A_142 = arith.addf %broadcast_in_dim3A_127, %mul3A_141 : vector<16xf32>
        %min3A = arith.constant 0.000000e+00 : f32
        %min3A_143 = vector.broadcast %min3A : f32 to vector<16xf32>
        %min3A_144 = arith.minimumf %add3A_138, %min3A_143 : vector<16xf32>
        %mul3A_145 = arith.mulf %get3A_19, %min3A_144 : vector<16xf32>
        %add3A_146 = arith.addf %broadcast_in_dim3A_129, %mul3A_145 : vector<16xf32>
        %get3A_147 = arith.index_cast %rem3A_82 : i32 to index
        %get3A_148 = arith.index_cast %add3A_125 : i32 to index
        %get3A_149 = arith.constant 16 : index
        %get3A_150 = tpu.vector_load %arg13[%get3A_147, %get3A_148, %get3A_149] {strides = array<i32>} : memref<2x80x128xf32, #tpu.memory_space<vmem>>, vector<16xf32>,
        %get3A_151 = arith.index_cast %rem3A_82 : i32 to index
        %get3A_152 = arith.index_cast %add3A_125 : i32 to index
        %get3A_153 = arith.constant 16 : index
        %get3A_154 = tpu.vector_load %arg14[%get3A_151, %get3A_152, %get3A_153] {strides = array<i32>} : memref<2x80x128xf32, #tpu.memory_space<vmem>>, vector<16xf32>,
        %add3A_155 = arith.addf %get3A_150, %get3A_154 : vector<16xf32>
        %max3A_156 = arith.constant 0.000000e+00 : f32
        %max3A_157 = vector.broadcast %max3A_156 : f32 to vector<16xf32>
        %max3A_158 = arith.maximumf %add3A_155, %max3A_157 : vector<16xf32>
        %mul3A_159 = arith.mulf %get3A_5, %max3A_158 : vector<16xf32>
        %add3A_160 = arith.addf %add3A_142, %mul3A_159 : vector<16xf32>
        %min3A_161 = arith.constant 0.000000e+00 : f32
        %min3A_162 = vector.broadcast %min3A_161 : f32 to vector<16xf32>
        %min3A_163 = arith.minimumf %add3A_155, %min3A_162 : vector<16xf32>
        %mul3A_164 = arith.mulf %get3A_21, %min3A_163 : vector<16xf32>
        %add3A_165 = arith.addf %add3A_146, %mul3A_164 : vector<16xf32>
        %get3A_166 = arith.index_cast %rem3A_82 : i32 to index
        %get3A_167 = arith.index_cast %add3A_125 : i32 to index
        %get3A_168 = arith.constant 32 : index
        %get3A_169 = tpu.vector_load %arg13[%get3A_166, %get3A_167, %get3A_168] {strides = array<i32>} : memref<2x80x128xf32, #tpu.memory_space<vmem>>, vector<16xf32>,
        %get3A_170 = arith.index_cast %rem3A_82 : i32 to index
        %get3A_171 = arith.index_cast %add3A_125 : i32 to index
        %get3A_172 = arith.constant 32 : index
        %get3A_173 = tpu.vector_load %arg14[%get3A_170, %get3A_171, %get3A_172] {strides = array<i32>} : memref<2x80x128xf32, #tpu.memory_space<vmem>>, vector<16xf32>,
        %add3A_174 = arith.addf %get3A_169, %get3A_173 : vector<16xf32>
        %max3A_175 = arith.constant 0.000000e+00 : f32
        %max3A_176 = vector.broadcast %max3A_175 : f32 to vector<16xf32>
        %max3A_177 = arith.maximumf %add3A_174, %max3A_176 : vector<16xf32>
        %mul3A_178 = arith.mulf %get3A_7, %max3A_177 : vector<16xf32>
        %add3A_179 = arith.addf %add3A_160, %mul3A_178 : vector<16xf32>
        %min3A_180 = arith.constant 0.000000e+00 : f32
        %min3A_181 = vector.broadcast %min3A_180 : f32 to vector<16xf32>
        %min3A_182 = arith.minimumf %add3A_174, %min3A_181 : vector<16xf32>
        %mul3A_183 = arith.mulf %get3A_23, %min3A_182 : vector<16xf32>
        %add3A_184 = arith.addf %add3A_165, %mul3A_183 : vector<16xf32>
        %get3A_185 = arith.index_cast %rem3A_82 : i32 to index
        %get3A_186 = arith.index_cast %add3A_125 : i32 to index
        %get3A_187 = arith.constant 48 : index
        %get3A_188 = tpu.vector_load %arg13[%get3A_185, %get3A_186, %get3A_187] {strides = array<i32>} : memref<2x80x128xf32, #tpu.memory_space<vmem>>, vector<16xf32>,
        %get3A_189 = arith.index_cast %rem3A_82 : i32 to index
        %get3A_190 = arith.index_cast %add3A_125 : i32 to index
        %get3A_191 = arith.constant 48 : index
        %get3A_192 = tpu.vector_load %arg14[%get3A_189, %get3A_190, %get3A_191] {strides = array<i32>} : memref<2x80x128xf32, #tpu.memory_space<vmem>>, vector<16xf32>,
        %add3A_193 = arith.addf %get3A_188, %get3A_192 : vector<16xf32>
        %max3A_194 = arith.constant 0.000000e+00 : f32
        %max3A_195 = vector.broadcast %max3A_194 : f32 to vector<16xf32>
        %max3A_196 = arith.maximumf %add3A_193, %max3A_195 : vector<16xf32>
        %mul3A_197 = arith.mulf %get3A_9, %max3A_196 : vector<16xf32>
        %add3A_198 = arith.addf %add3A_179, %mul3A_197 : vector<16xf32>
        %min3A_199 = arith.constant 0.000000e+00 : f32
        %min3A_200 = vector.broadcast %min3A_199 : f32 to vector<16xf32>
        %min3A_201 = arith.minimumf %add3A_193, %min3A_200 : vector<16xf32>
        %mul3A_202 = arith.mulf %get3A_25, %min3A_201 : vector<16xf32>
        %add3A_203 = arith.addf %add3A_184, %mul3A_202 : vector<16xf32>
        %get3A_204 = arith.index_cast %rem3A_82 : i32 to index
        %get3A_205 = arith.index_cast %add3A_125 : i32 to index
        %get3A_206 = arith.constant 64 : index
        %get3A_207 = tpu.vector_load %arg13[%get3A_204, %get3A_205, %get3A_206] {strides = array<i32>} : memref<2x80x128xf32, #tpu.memory_space<vmem>>, vector<16xf32>,
        %get3A_208 = arith.index_cast %rem3A_82 : i32 to index
        %get3A_209 = arith.index_cast %add3A_125 : i32 to index
        %get3A_210 = arith.constant 64 : index
        %get3A_211 = tpu.vector_load %arg14[%get3A_208, %get3A_209, %get3A_210] {strides = array<i32>} : memref<2x80x128xf32, #tpu.memory_space<vmem>>, vector<16xf32>,
        %add3A_212 = arith.addf %get3A_207, %get3A_211 : vector<16xf32>
        %max3A_213 = arith.constant 0.000000e+00 : f32
        %max3A_214 = vector.broadcast %max3A_213 : f32 to vector<16xf32>
        %max3A_215 = arith.maximumf %add3A_212, %max3A_214 : vector<16xf32>
        %mul3A_216 = arith.mulf %get3A_11, %max3A_215 : vector<16xf32>
        %add3A_217 = arith.addf %add3A_198, %mul3A_216 : vector<16xf32>
        %min3A_218 = arith.constant 0.000000e+00 : f32
        %min3A_219 = vector.broadcast %min3A_218 : f32 to vector<16xf32>
        %min3A_220 = arith.minimumf %add3A_212, %min3A_219 : vector<16xf32>
        %mul3A_221 = arith.mulf %get3A_27, %min3A_220 : vector<16xf32>
        %add3A_222 = arith.addf %add3A_203, %mul3A_221 : vector<16xf32>
        %get3A_223 = arith.index_cast %rem3A_82 : i32 to index
        %get3A_224 = arith.index_cast %add3A_125 : i32 to index
        %get3A_225 = arith.constant 80 : index
        %get3A_226 = tpu.vector_load %arg13[%get3A_223, %get3A_224, %get3A_225] {strides = array<i32>} : memref<2x80x128xf32, #tpu.memory_space<vmem>>, vector<16xf32>,
        %get3A_227 = arith.index_cast %rem3A_82 : i32 to index
        %get3A_228 = arith.index_cast %add3A_125 : i32 to index
        %get3A_229 = arith.constant 80 : index
        %get3A_230 = tpu.vector_load %arg14[%get3A_227, %get3A_228, %get3A_229] {strides = array<i32>} : memref<2x80x128xf32, #tpu.memory_space<vmem>>, vector<16xf32>,
        %add3A_231 = arith.addf %get3A_226, %get3A_230 : vector<16xf32>
        %max3A_232 = arith.constant 0.000000e+00 : f32
        %max3A_233 = vector.broadcast %max3A_232 : f32 to vector<16xf32>
        %max3A_234 = arith.maximumf %add3A_231, %max3A_233 : vector<16xf32>
        %mul3A_235 = arith.mulf %get3A_13, %max3A_234 : vector<16xf32>
        %add3A_236 = arith.addf %add3A_217, %mul3A_235 : vector<16xf32>
        %min3A_237 = arith.constant 0.000000e+00 : f32
        %min3A_238 = vector.broadcast %min3A_237 : f32 to vector<16xf32>
        %min3A_239 = arith.minimumf %add3A_231, %min3A_238 : vector<16xf32>
        %mul3A_240 = arith.mulf %get3A_29, %min3A_239 : vector<16xf32>
        %add3A_241 = arith.addf %add3A_222, %mul3A_240 : vector<16xf32>
        %get3A_242 = arith.index_cast %rem3A_82 : i32 to index
        %get3A_243 = arith.index_cast %add3A_125 : i32 to index
        %get3A_244 = arith.constant 96 : index
        %get3A_245 = tpu.vector_load %arg13[%get3A_242, %get3A_243, %get3A_244] {strides = array<i32>} : memref<2x80x128xf32, #tpu.memory_space<vmem>>, vector<16xf32>,
        %get3A_246 = arith.index_cast %rem3A_82 : i32 to index
        %get3A_247 = arith.index_cast %add3A_125 : i32 to index
        %get3A_248 = arith.constant 96 : index
        %get3A_249 = tpu.vector_load %arg14[%get3A_246, %get3A_247, %get3A_248] {strides = array<i32>} : memref<2x80x128xf32, #tpu.memory_space<vmem>>, vector<16xf32>,
        %add3A_250 = arith.addf %get3A_245, %get3A_249 : vector<16xf32>
        %max3A_251 = arith.constant 0.000000e+00 : f32
        %max3A_252 = vector.broadcast %max3A_251 : f32 to vector<16xf32>
        %max3A_253 = arith.maximumf %add3A_250, %max3A_252 : vector<16xf32>
        %mul3A_254 = arith.mulf %get3A_15, %max3A_253 : vector<16xf32>
        %add3A_255 = arith.addf %add3A_236, %mul3A_254 : vector<16xf32>
        %min3A_256 = arith.constant 0.000000e+00 : f32
        %min3A_257 = vector.broadcast %min3A_256 : f32 to vector<16xf32>
        %min3A_258 = arith.minimumf %add3A_250, %min3A_257 : vector<16xf32>
        %mul3A_259 = arith.mulf %get3A_31, %min3A_258 : vector<16xf32>
        %add3A_260 = arith.addf %add3A_241, %mul3A_259 : vector<16xf32>
        %get3A_261 = arith.index_cast %rem3A_82 : i32 to index
        %get3A_262 = arith.index_cast %add3A_125 : i32 to index
        %get3A_263 = arith.constant 112 : index
        %get3A_264 = tpu.vector_load %arg13[%get3A_261, %get3A_262, %get3A_263] {strides = array<i32>} : memref<2x80x128xf32, #tpu.memory_space<vmem>>, vector<16xf32>,
        %get3A_265 = arith.index_cast %rem3A_82 : i32 to index
        %get3A_266 = arith.index_cast %add3A_125 : i32 to index
        %get3A_267 = arith.constant 112 : index
        %get3A_268 = tpu.vector_load %arg14[%get3A_265, %get3A_266, %get3A_267] {strides = array<i32>} : memref<2x80x128xf32, #tpu.memory_space<vmem>>, vector<16xf32>,
        %add3A_269 = arith.addf %get3A_264, %get3A_268 : vector<16xf32>
        %max3A_270 = arith.constant 0.000000e+00 : f32
        %max3A_271 = vector.broadcast %max3A_270 : f32 to vector<16xf32>
        %max3A_272 = arith.maximumf %add3A_269, %max3A_271 : vector<16xf32>
        %mul3A_273 = arith.mulf %get3A_17, %max3A_272 : vector<16xf32>
        %add3A_274 = arith.addf %add3A_255, %mul3A_273 : vector<16xf32>
        %min3A_275 = arith.constant 0.000000e+00 : f32
        %min3A_276 = vector.broadcast %min3A_275 : f32 to vector<16xf32>
        %min3A_277 = arith.minimumf %add3A_269, %min3A_276 : vector<16xf32>
        %mul3A_278 = arith.mulf %get3A_33, %min3A_277 : vector<16xf32>
        %add3A_279 = arith.addf %add3A_260, %mul3A_278 : vector<16xf32>
        %eq3A_280 = arith.constant 0 : i32
        %eq3A_281 = vector.broadcast %eq3A_280 : i32 to vector<16xi32>
        %eq3A_282 = arith.cmpi eq, %iota3A, %eq3A_281 : vector<16xi32>
        %add3A_283 = arith.addf %add3A_274, %add3A_279 : vector<16xf32>
        %reduce_sum3A = arith.constant true
        %reduce_sum3A_284 = vector.broadcast %reduce_sum3A : i1 to vector<16xi1>
        %reduce_sum3A_285 = tpu.scan <sum>, %add3A_283 masked %reduce_sum3A_284 : vector<16xf32>, vector<16xi1> -> vector<16xf32>
        %reduce_sum3A_286 = vector.extract %reduce_sum3A_285[15] : f32 from vector<16xf32>
        %broadcast_in_dim3A_287 = vector.broadcast %reduce_sum3A_286 : f32 to vector<16xf32>
        %select_n3A = arith.select %eq3A_282, %broadcast_in_dim3A_287, %broadcast_in_dim3A_123 : vector<16xi1>, vector<16xf32>
        %add3A_288 = arith.constant 1 : i32
        %add3A_289 = arith.addi %mul3A_122, %add3A_288 : i32
        %broadcast_in_dim3A_290 = arith.constant 0.000000e+00 : f32
        %broadcast_in_dim3A_291 = vector.broadcast %broadcast_in_dim3A_290 : f32 to vector<16xf32>
        %broadcast_in_dim3A_292 = arith.constant 0.000000e+00 : f32
        %broadcast_in_dim3A_293 = vector.broadcast %broadcast_in_dim3A_292 : f32 to vector<16xf32>
        %get3A_294 = arith.index_cast %rem3A_82 : i32 to index
        %get3A_295 = arith.index_cast %add3A_289 : i32 to index
        %get3A_296 = arith.constant 0 : index
        %get3A_297 = tpu.vector_load %arg13[%get3A_294, %get3A_295, %get3A_296] {strides = array<i32>} : memref<2x80x128xf32, #tpu.memory_space<vmem>>, vector<16xf32>,
        %get3A_298 = arith.index_cast %rem3A_82 : i32 to index
        %get3A_299 = arith.index_cast %add3A_289 : i32 to index
        %get3A_300 = arith.constant 0 : index
        %get3A_301 = tpu.vector_load %arg14[%get3A_298, %get3A_299, %get3A_300] {strides = array<i32>} : memref<2x80x128xf32, #tpu.memory_space<vmem>>, vector<16xf32>,
        %add3A_302 = arith.addf %get3A_297, %get3A_301 : vector<16xf32>
        %max3A_303 = arith.constant 0.000000e+00 : f32
        %max3A_304 = vector.broadcast %max3A_303 : f32 to vector<16xf32>
        %max3A_305 = arith.maximumf %add3A_302, %max3A_304 : vector<16xf32>
        %mul3A_306 = arith.mulf %get3A_3, %max3A_305 : vector<16xf32>
        %add3A_307 = arith.addf %broadcast_in_dim3A_291, %mul3A_306 : vector<16xf32>
        %min3A_308 = arith.constant 0.000000e+00 : f32
        %min3A_309 = vector.broadcast %min3A_308 : f32 to vector<16xf32>
        %min3A_310 = arith.minimumf %add3A_302, %min3A_309 : vector<16xf32>
        %mul3A_311 = arith.mulf %get3A_19, %min3A_310 : vector<16xf32>
        %add3A_312 = arith.addf %broadcast_in_dim3A_293, %mul3A_311 : vector<16xf32>
        %get3A_313 = arith.index_cast %rem3A_82 : i32 to index
        %get3A_314 = arith.index_cast %add3A_289 : i32 to index
        %get3A_315 = arith.constant 16 : index
        %get3A_316 = tpu.vector_load %arg13[%get3A_313, %get3A_314, %get3A_315] {strides = array<i32>} : memref<2x80x128xf32, #tpu.memory_space<vmem>>, vector<16xf32>,
        %get3A_317 = arith.index_cast %rem3A_82 : i32 to index
        %get3A_318 = arith.index_cast %add3A_289 : i32 to index
        %get3A_319 = arith.constant 16 : index
        %get3A_320 = tpu.vector_load %arg14[%get3A_317, %get3A_318, %get3A_319] {strides = array<i32>} : memref<2x80x128xf32, #tpu.memory_space<vmem>>, vector<16xf32>,
        %add3A_321 = arith.addf %get3A_316, %get3A_320 : vector<16xf32>
        %max3A_322 = arith.constant 0.000000e+00 : f32
        %max3A_323 = vector.broadcast %max3A_322 : f32 to vector<16xf32>
        %max3A_324 = arith.maximumf %add3A_321, %max3A_323 : vector<16xf32>
        %mul3A_325 = arith.mulf %get3A_5, %max3A_324 : vector<16xf32>
        %add3A_326 = arith.addf %add3A_307, %mul3A_325 : vector<16xf32>
        %min3A_327 = arith.constant 0.000000e+00 : f32
        %min3A_328 = vector.broadcast %min3A_327 : f32 to vector<16xf32>
        %min3A_329 = arith.minimumf %add3A_321, %min3A_328 : vector<16xf32>
        %mul3A_330 = arith.mulf %get3A_21, %min3A_329 : vector<16xf32>
        %add3A_331 = arith.addf %add3A_312, %mul3A_330 : vector<16xf32>
        %get3A_332 = arith.index_cast %rem3A_82 : i32 to index
        %get3A_333 = arith.index_cast %add3A_289 : i32 to index
        %get3A_334 = arith.constant 32 : index
        %get3A_335 = tpu.vector_load %arg13[%get3A_332, %get3A_333, %get3A_334] {strides = array<i32>} : memref<2x80x128xf32, #tpu.memory_space<vmem>>, vector<16xf32>,
        %get3A_336 = arith.index_cast %rem3A_82 : i32 to index
        %get3A_337 = arith.index_cast %add3A_289 : i32 to index
        %get3A_338 = arith.constant 32 : index
        %get3A_339 = tpu.vector_load %arg14[%get3A_336, %get3A_337, %get3A_338] {strides = array<i32>} : memref<2x80x128xf32, #tpu.memory_space<vmem>>, vector<16xf32>,
        %add3A_340 = arith.addf %get3A_335, %get3A_339 : vector<16xf32>
        %max3A_341 = arith.constant 0.000000e+00 : f32
        %max3A_342 = vector.broadcast %max3A_341 : f32 to vector<16xf32>
        %max3A_343 = arith.maximumf %add3A_340, %max3A_342 : vector<16xf32>
        %mul3A_344 = arith.mulf %get3A_7, %max3A_343 : vector<16xf32>
        %add3A_345 = arith.addf %add3A_326, %mul3A_344 : vector<16xf32>
        %min3A_346 = arith.constant 0.000000e+00 : f32
        %min3A_347 = vector.broadcast %min3A_346 : f32 to vector<16xf32>
        %min3A_348 = arith.minimumf %add3A_340, %min3A_347 : vector<16xf32>
        %mul3A_349 = arith.mulf %get3A_23, %min3A_348 : vector<16xf32>
        %add3A_350 = arith.addf %add3A_331, %mul3A_349 : vector<16xf32>
        %get3A_351 = arith.index_cast %rem3A_82 : i32 to index
        %get3A_352 = arith.index_cast %add3A_289 : i32 to index
        %get3A_353 = arith.constant 48 : index
        %get3A_354 = tpu.vector_load %arg13[%get3A_351, %get3A_352, %get3A_353] {strides = array<i32>} : memref<2x80x128xf32, #tpu.memory_space<vmem>>, vector<16xf32>,
        %get3A_355 = arith.index_cast %rem3A_82 : i32 to index
        %get3A_356 = arith.index_cast %add3A_289 : i32 to index
        %get3A_357 = arith.constant 48 : index
        %get3A_358 = tpu.vector_load %arg14[%get3A_355, %get3A_356, %get3A_357] {strides = array<i32>} : memref<2x80x128xf32, #tpu.memory_space<vmem>>, vector<16xf32>,
        %add3A_359 = arith.addf %get3A_354, %get3A_358 : vector<16xf32>
        %max3A_360 = arith.constant 0.000000e+00 : f32
        %max3A_361 = vector.broadcast %max3A_360 : f32 to vector<16xf32>
        %max3A_362 = arith.maximumf %add3A_359, %max3A_361 : vector<16xf32>
        %mul3A_363 = arith.mulf %get3A_9, %max3A_362 : vector<16xf32>
        %add3A_364 = arith.addf %add3A_345, %mul3A_363 : vector<16xf32>
        %min3A_365 = arith.constant 0.000000e+00 : f32
        %min3A_366 = vector.broadcast %min3A_365 : f32 to vector<16xf32>
        %min3A_367 = arith.minimumf %add3A_359, %min3A_366 : vector<16xf32>
        %mul3A_368 = arith.mulf %get3A_25, %min3A_367 : vector<16xf32>
        %add3A_369 = arith.addf %add3A_350, %mul3A_368 : vector<16xf32>
        %get3A_370 = arith.index_cast %rem3A_82 : i32 to index
        %get3A_371 = arith.index_cast %add3A_289 : i32 to index
        %get3A_372 = arith.constant 64 : index
        %get3A_373 = tpu.vector_load %arg13[%get3A_370, %get3A_371, %get3A_372] {strides = array<i32>} : memref<2x80x128xf32, #tpu.memory_space<vmem>>, vector<16xf32>,
        %get3A_374 = arith.index_cast %rem3A_82 : i32 to index
        %get3A_375 = arith.index_cast %add3A_289 : i32 to index
        %get3A_376 = arith.constant 64 : index
        %get3A_377 = tpu.vector_load %arg14[%get3A_374, %get3A_375, %get3A_376] {strides = array<i32>} : memref<2x80x128xf32, #tpu.memory_space<vmem>>, vector<16xf32>,
        %add3A_378 = arith.addf %get3A_373, %get3A_377 : vector<16xf32>
        %max3A_379 = arith.constant 0.000000e+00 : f32
        %max3A_380 = vector.broadcast %max3A_379 : f32 to vector<16xf32>
        %max3A_381 = arith.maximumf %add3A_378, %max3A_380 : vector<16xf32>
        %mul3A_382 = arith.mulf %get3A_11, %max3A_381 : vector<16xf32>
        %add3A_383 = arith.addf %add3A_364, %mul3A_382 : vector<16xf32>
        %min3A_384 = arith.constant 0.000000e+00 : f32
        %min3A_385 = vector.broadcast %min3A_384 : f32 to vector<16xf32>
        %min3A_386 = arith.minimumf %add3A_378, %min3A_385 : vector<16xf32>
        %mul3A_387 = arith.mulf %get3A_27, %min3A_386 : vector<16xf32>
        %add3A_388 = arith.addf %add3A_369, %mul3A_387 : vector<16xf32>
        %get3A_389 = arith.index_cast %rem3A_82 : i32 to index
        %get3A_390 = arith.index_cast %add3A_289 : i32 to index
        %get3A_391 = arith.constant 80 : index
        %get3A_392 = tpu.vector_load %arg13[%get3A_389, %get3A_390, %get3A_391] {strides = array<i32>} : memref<2x80x128xf32, #tpu.memory_space<vmem>>, vector<16xf32>,
        %get3A_393 = arith.index_cast %rem3A_82 : i32 to index
        %get3A_394 = arith.index_cast %add3A_289 : i32 to index
        %get3A_395 = arith.constant 80 : index
        %get3A_396 = tpu.vector_load %arg14[%get3A_393, %get3A_394, %get3A_395] {strides = array<i32>} : memref<2x80x128xf32, #tpu.memory_space<vmem>>, vector<16xf32>,
        %add3A_397 = arith.addf %get3A_392, %get3A_396 : vector<16xf32>
        %max3A_398 = arith.constant 0.000000e+00 : f32
        %max3A_399 = vector.broadcast %max3A_398 : f32 to vector<16xf32>
        %max3A_400 = arith.maximumf %add3A_397, %max3A_399 : vector<16xf32>
        %mul3A_401 = arith.mulf %get3A_13, %max3A_400 : vector<16xf32>
        %add3A_402 = arith.addf %add3A_383, %mul3A_401 : vector<16xf32>
        %min3A_403 = arith.constant 0.000000e+00 : f32
        %min3A_404 = vector.broadcast %min3A_403 : f32 to vector<16xf32>
        %min3A_405 = arith.minimumf %add3A_397, %min3A_404 : vector<16xf32>
        %mul3A_406 = arith.mulf %get3A_29, %min3A_405 : vector<16xf32>
        %add3A_407 = arith.addf %add3A_388, %mul3A_406 : vector<16xf32>
        %get3A_408 = arith.index_cast %rem3A_82 : i32 to index
        %get3A_409 = arith.index_cast %add3A_289 : i32 to index
        %get3A_410 = arith.constant 96 : index
        %get3A_411 = tpu.vector_load %arg13[%get3A_408, %get3A_409, %get3A_410] {strides = array<i32>} : memref<2x80x128xf32, #tpu.memory_space<vmem>>, vector<16xf32>,
        %get3A_412 = arith.index_cast %rem3A_82 : i32 to index
        %get3A_413 = arith.index_cast %add3A_289 : i32 to index
        %get3A_414 = arith.constant 96 : index
        %get3A_415 = tpu.vector_load %arg14[%get3A_412, %get3A_413, %get3A_414] {strides = array<i32>} : memref<2x80x128xf32, #tpu.memory_space<vmem>>, vector<16xf32>,
        %add3A_416 = arith.addf %get3A_411, %get3A_415 : vector<16xf32>
        %max3A_417 = arith.constant 0.000000e+00 : f32
        %max3A_418 = vector.broadcast %max3A_417 : f32 to vector<16xf32>
        %max3A_419 = arith.maximumf %add3A_416, %max3A_418 : vector<16xf32>
        %mul3A_420 = arith.mulf %get3A_15, %max3A_419 : vector<16xf32>
        %add3A_421 = arith.addf %add3A_402, %mul3A_420 : vector<16xf32>
        %min3A_422 = arith.constant 0.000000e+00 : f32
        %min3A_423 = vector.broadcast %min3A_422 : f32 to vector<16xf32>
        %min3A_424 = arith.minimumf %add3A_416, %min3A_423 : vector<16xf32>
        %mul3A_425 = arith.mulf %get3A_31, %min3A_424 : vector<16xf32>
        %add3A_426 = arith.addf %add3A_407, %mul3A_425 : vector<16xf32>
        %get3A_427 = arith.index_cast %rem3A_82 : i32 to index
        %get3A_428 = arith.index_cast %add3A_289 : i32 to index
        %get3A_429 = arith.constant 112 : index
        %get3A_430 = tpu.vector_load %arg13[%get3A_427, %get3A_428, %get3A_429] {strides = array<i32>} : memref<2x80x128xf32, #tpu.memory_space<vmem>>, vector<16xf32>,
        %get3A_431 = arith.index_cast %rem3A_82 : i32 to index
        %get3A_432 = arith.index_cast %add3A_289 : i32 to index
        %get3A_433 = arith.constant 112 : index
        %get3A_434 = tpu.vector_load %arg14[%get3A_431, %get3A_432, %get3A_433] {strides = array<i32>} : memref<2x80x128xf32, #tpu.memory_space<vmem>>, vector<16xf32>,
        %add3A_435 = arith.addf %get3A_430, %get3A_434 : vector<16xf32>
        %max3A_436 = arith.constant 0.000000e+00 : f32
        %max3A_437 = vector.broadcast %max3A_436 : f32 to vector<16xf32>
        %max3A_438 = arith.maximumf %add3A_435, %max3A_437 : vector<16xf32>
        %mul3A_439 = arith.mulf %get3A_17, %max3A_438 : vector<16xf32>
        %add3A_440 = arith.addf %add3A_421, %mul3A_439 : vector<16xf32>
        %min3A_441 = arith.constant 0.000000e+00 : f32
        %min3A_442 = vector.broadcast %min3A_441 : f32 to vector<16xf32>
        %min3A_443 = arith.minimumf %add3A_435, %min3A_442 : vector<16xf32>
        %mul3A_444 = arith.mulf %get3A_33, %min3A_443 : vector<16xf32>
        %add3A_445 = arith.addf %add3A_426, %mul3A_444 : vector<16xf32>
        %eq3A_446 = arith.constant 1 : i32
        %eq3A_447 = vector.broadcast %eq3A_446 : i32 to vector<16xi32>
        %eq3A_448 = arith.cmpi eq, %iota3A, %eq3A_447 : vector<16xi32>
        %add3A_449 = arith.addf %add3A_440, %add3A_445 : vector<16xf32>
        %reduce_sum3A_450 = arith.constant true
        %reduce_sum3A_451 = vector.broadcast %reduce_sum3A_450 : i1 to vector<16xi1>
        %reduce_sum3A_452 = tpu.scan <sum>, %add3A_449 masked %reduce_sum3A_451 : vector<16xf32>, vector<16xi1> -> vector<16xf32>
        %reduce_sum3A_453 = vector.extract %reduce_sum3A_452[15] : f32 from vector<16xf32>
        %broadcast_in_dim3A_454 = vector.broadcast %reduce_sum3A_453 : f32 to vector<16xf32>
        %select_n3A_455 = arith.select %eq3A_448, %broadcast_in_dim3A_454, %select_n3A : vector<16xi1>, vector<16xf32>
        %add3A_456 = arith.constant 2 : i32
        %add3A_457 = arith.addi %mul3A_122, %add3A_456 : i32
        %broadcast_in_dim3A_458 = arith.constant 0.000000e+00 : f32
        %broadcast_in_dim3A_459 = vector.broadcast %broadcast_in_dim3A_458 : f32 to vector<16xf32>
        %broadcast_in_dim3A_460 = arith.constant 0.000000e+00 : f32
        %broadcast_in_dim3A_461 = vector.broadcast %broadcast_in_dim3A_460 : f32 to vector<16xf32>
        %get3A_462 = arith.index_cast %rem3A_82 : i32 to index
        %get3A_463 = arith.index_cast %add3A_457 : i32 to index
        %get3A_464 = arith.constant 0 : index
        %get3A_465 = tpu.vector_load %arg13[%get3A_462, %get3A_463, %get3A_464] {strides = array<i32>} : memref<2x80x128xf32, #tpu.memory_space<vmem>>, vector<16xf32>,
        %get3A_466 = arith.index_cast %rem3A_82 : i32 to index
        %get3A_467 = arith.index_cast %add3A_457 : i32 to index
        %get3A_468 = arith.constant 0 : index
        %get3A_469 = tpu.vector_load %arg14[%get3A_466, %get3A_467, %get3A_468] {strides = array<i32>} : memref<2x80x128xf32, #tpu.memory_space<vmem>>, vector<16xf32>,
        %add3A_470 = arith.addf %get3A_465, %get3A_469 : vector<16xf32>
        %max3A_471 = arith.constant 0.000000e+00 : f32
        %max3A_472 = vector.broadcast %max3A_471 : f32 to vector<16xf32>
        %max3A_473 = arith.maximumf %add3A_470, %max3A_472 : vector<16xf32>
        %mul3A_474 = arith.mulf %get3A_3, %max3A_473 : vector<16xf32>
        %add3A_475 = arith.addf %broadcast_in_dim3A_459, %mul3A_474 : vector<16xf32>
        %min3A_476 = arith.constant 0.000000e+00 : f32
        %min3A_477 = vector.broadcast %min3A_476 : f32 to vector<16xf32>
        %min3A_478 = arith.minimumf %add3A_470, %min3A_477 : vector<16xf32>
        %mul3A_479 = arith.mulf %get3A_19, %min3A_478 : vector<16xf32>
        %add3A_480 = arith.addf %broadcast_in_dim3A_461, %mul3A_479 : vector<16xf32>
        %get3A_481 = arith.index_cast %rem3A_82 : i32 to index
        %get3A_482 = arith.index_cast %add3A_457 : i32 to index
        %get3A_483 = arith.constant 16 : index
        %get3A_484 = tpu.vector_load %arg13[%get3A_481, %get3A_482, %get3A_483] {strides = array<i32>} : memref<2x80x128xf32, #tpu.memory_space<vmem>>, vector<16xf32>,
        %get3A_485 = arith.index_cast %rem3A_82 : i32 to index
        %get3A_486 = arith.index_cast %add3A_457 : i32 to index
        %get3A_487 = arith.constant 16 : index
        %get3A_488 = tpu.vector_load %arg14[%get3A_485, %get3A_486, %get3A_487] {strides = array<i32>} : memref<2x80x128xf32, #tpu.memory_space<vmem>>, vector<16xf32>,
        %add3A_489 = arith.addf %get3A_484, %get3A_488 : vector<16xf32>
        %max3A_490 = arith.constant 0.000000e+00 : f32
        %max3A_491 = vector.broadcast %max3A_490 : f32 to vector<16xf32>
        %max3A_492 = arith.maximumf %add3A_489, %max3A_491 : vector<16xf32>
        %mul3A_493 = arith.mulf %get3A_5, %max3A_492 : vector<16xf32>
        %add3A_494 = arith.addf %add3A_475, %mul3A_493 : vector<16xf32>
        %min3A_495 = arith.constant 0.000000e+00 : f32
        %min3A_496 = vector.broadcast %min3A_495 : f32 to vector<16xf32>
        %min3A_497 = arith.minimumf %add3A_489, %min3A_496 : vector<16xf32>
        %mul3A_498 = arith.mulf %get3A_21, %min3A_497 : vector<16xf32>
        %add3A_499 = arith.addf %add3A_480, %mul3A_498 : vector<16xf32>
        %get3A_500 = arith.index_cast %rem3A_82 : i32 to index
        %get3A_501 = arith.index_cast %add3A_457 : i32 to index
        %get3A_502 = arith.constant 32 : index
        %get3A_503 = tpu.vector_load %arg13[%get3A_500, %get3A_501, %get3A_502] {strides = array<i32>} : memref<2x80x128xf32, #tpu.memory_space<vmem>>, vector<16xf32>,
        %get3A_504 = arith.index_cast %rem3A_82 : i32 to index
        %get3A_505 = arith.index_cast %add3A_457 : i32 to index
        %get3A_506 = arith.constant 32 : index
        %get3A_507 = tpu.vector_load %arg14[%get3A_504, %get3A_505, %get3A_506] {strides = array<i32>} : memref<2x80x128xf32, #tpu.memory_space<vmem>>, vector<16xf32>,
        %add3A_508 = arith.addf %get3A_503, %get3A_507 : vector<16xf32>
        %max3A_509 = arith.constant 0.000000e+00 : f32
        %max3A_510 = vector.broadcast %max3A_509 : f32 to vector<16xf32>
        %max3A_511 = arith.maximumf %add3A_508, %max3A_510 : vector<16xf32>
        %mul3A_512 = arith.mulf %get3A_7, %max3A_511 : vector<16xf32>
        %add3A_513 = arith.addf %add3A_494, %mul3A_512 : vector<16xf32>
        %min3A_514 = arith.constant 0.000000e+00 : f32
        %min3A_515 = vector.broadcast %min3A_514 : f32 to vector<16xf32>
        %min3A_516 = arith.minimumf %add3A_508, %min3A_515 : vector<16xf32>
        %mul3A_517 = arith.mulf %get3A_23, %min3A_516 : vector<16xf32>
        %add3A_518 = arith.addf %add3A_499, %mul3A_517 : vector<16xf32>
        %get3A_519 = arith.index_cast %rem3A_82 : i32 to index
        %get3A_520 = arith.index_cast %add3A_457 : i32 to index
        %get3A_521 = arith.constant 48 : index
        %get3A_522 = tpu.vector_load %arg13[%get3A_519, %get3A_520, %get3A_521] {strides = array<i32>} : memref<2x80x128xf32, #tpu.memory_space<vmem>>, vector<16xf32>,
        %get3A_523 = arith.index_cast %rem3A_82 : i32 to index
        %get3A_524 = arith.index_cast %add3A_457 : i32 to index
        %get3A_525 = arith.constant 48 : index
        %get3A_526 = tpu.vector_load %arg14[%get3A_523, %get3A_524, %get3A_525] {strides = array<i32>} : memref<2x80x128xf32, #tpu.memory_space<vmem>>, vector<16xf32>,
        %add3A_527 = arith.addf %get3A_522, %get3A_526 : vector<16xf32>
        %max3A_528 = arith.constant 0.000000e+00 : f32
        %max3A_529 = vector.broadcast %max3A_528 : f32 to vector<16xf32>
        %max3A_530 = arith.maximumf %add3A_527, %max3A_529 : vector<16xf32>
        %mul3A_531 = arith.mulf %get3A_9, %max3A_530 : vector<16xf32>
        %add3A_532 = arith.addf %add3A_513, %mul3A_531 : vector<16xf32>
        %min3A_533 = arith.constant 0.000000e+00 : f32
        %min3A_534 = vector.broadcast %min3A_533 : f32 to vector<16xf32>
        %min3A_535 = arith.minimumf %add3A_527, %min3A_534 : vector<16xf32>
        %mul3A_536 = arith.mulf %get3A_25, %min3A_535 : vector<16xf32>
        %add3A_537 = arith.addf %add3A_518, %mul3A_536 : vector<16xf32>
        %get3A_538 = arith.index_cast %rem3A_82 : i32 to index
        %get3A_539 = arith.index_cast %add3A_457 : i32 to index
        %get3A_540 = arith.constant 64 : index
        %get3A_541 = tpu.vector_load %arg13[%get3A_538, %get3A_539, %get3A_540] {strides = array<i32>} : memref<2x80x128xf32, #tpu.memory_space<vmem>>, vector<16xf32>,
        %get3A_542 = arith.index_cast %rem3A_82 : i32 to index
        %get3A_543 = arith.index_cast %add3A_457 : i32 to index
        %get3A_544 = arith.constant 64 : index
        %get3A_545 = tpu.vector_load %arg14[%get3A_542, %get3A_543, %get3A_544] {strides = array<i32>} : memref<2x80x128xf32, #tpu.memory_space<vmem>>, vector<16xf32>,
        %add3A_546 = arith.addf %get3A_541, %get3A_545 : vector<16xf32>
        %max3A_547 = arith.constant 0.000000e+00 : f32
        %max3A_548 = vector.broadcast %max3A_547 : f32 to vector<16xf32>
        %max3A_549 = arith.maximumf %add3A_546, %max3A_548 : vector<16xf32>
        %mul3A_550 = arith.mulf %get3A_11, %max3A_549 : vector<16xf32>
        %add3A_551 = arith.addf %add3A_532, %mul3A_550 : vector<16xf32>
        %min3A_552 = arith.constant 0.000000e+00 : f32
        %min3A_553 = vector.broadcast %min3A_552 : f32 to vector<16xf32>
        %min3A_554 = arith.minimumf %add3A_546, %min3A_553 : vector<16xf32>
        %mul3A_555 = arith.mulf %get3A_27, %min3A_554 : vector<16xf32>
        %add3A_556 = arith.addf %add3A_537, %mul3A_555 : vector<16xf32>
        %get3A_557 = arith.index_cast %rem3A_82 : i32 to index
        %get3A_558 = arith.index_cast %add3A_457 : i32 to index
        %get3A_559 = arith.constant 80 : index
        %get3A_560 = tpu.vector_load %arg13[%get3A_557, %get3A_558, %get3A_559] {strides = array<i32>} : memref<2x80x128xf32, #tpu.memory_space<vmem>>, vector<16xf32>,
        %get3A_561 = arith.index_cast %rem3A_82 : i32 to index
        %get3A_562 = arith.index_cast %add3A_457 : i32 to index
        %get3A_563 = arith.constant 80 : index
        %get3A_564 = tpu.vector_load %arg14[%get3A_561, %get3A_562, %get3A_563] {strides = array<i32>} : memref<2x80x128xf32, #tpu.memory_space<vmem>>, vector<16xf32>,
        %add3A_565 = arith.addf %get3A_560, %get3A_564 : vector<16xf32>
        %max3A_566 = arith.constant 0.000000e+00 : f32
        %max3A_567 = vector.broadcast %max3A_566 : f32 to vector<16xf32>
        %max3A_568 = arith.maximumf %add3A_565, %max3A_567 : vector<16xf32>
        %mul3A_569 = arith.mulf %get3A_13, %max3A_568 : vector<16xf32>
        %add3A_570 = arith.addf %add3A_551, %mul3A_569 : vector<16xf32>
        %min3A_571 = arith.constant 0.000000e+00 : f32
        %min3A_572 = vector.broadcast %min3A_571 : f32 to vector<16xf32>
        %min3A_573 = arith.minimumf %add3A_565, %min3A_572 : vector<16xf32>
        %mul3A_574 = arith.mulf %get3A_29, %min3A_573 : vector<16xf32>
        %add3A_575 = arith.addf %add3A_556, %mul3A_574 : vector<16xf32>
        %get3A_576 = arith.index_cast %rem3A_82 : i32 to index
        %get3A_577 = arith.index_cast %add3A_457 : i32 to index
        %get3A_578 = arith.constant 96 : index
        %get3A_579 = tpu.vector_load %arg13[%get3A_576, %get3A_577, %get3A_578] {strides = array<i32>} : memref<2x80x128xf32, #tpu.memory_space<vmem>>, vector<16xf32>,
        %get3A_580 = arith.index_cast %rem3A_82 : i32 to index
        %get3A_581 = arith.index_cast %add3A_457 : i32 to index
        %get3A_582 = arith.constant 96 : index
        %get3A_583 = tpu.vector_load %arg14[%get3A_580, %get3A_581, %get3A_582] {strides = array<i32>} : memref<2x80x128xf32, #tpu.memory_space<vmem>>, vector<16xf32>,
        %add3A_584 = arith.addf %get3A_579, %get3A_583 : vector<16xf32>
        %max3A_585 = arith.constant 0.000000e+00 : f32
        %max3A_586 = vector.broadcast %max3A_585 : f32 to vector<16xf32>
        %max3A_587 = arith.maximumf %add3A_584, %max3A_586 : vector<16xf32>
        %mul3A_588 = arith.mulf %get3A_15, %max3A_587 : vector<16xf32>
        %add3A_589 = arith.addf %add3A_570, %mul3A_588 : vector<16xf32>
        %min3A_590 = arith.constant 0.000000e+00 : f32
        %min3A_591 = vector.broadcast %min3A_590 : f32 to vector<16xf32>
        %min3A_592 = arith.minimumf %add3A_584, %min3A_591 : vector<16xf32>
        %mul3A_593 = arith.mulf %get3A_31, %min3A_592 : vector<16xf32>
        %add3A_594 = arith.addf %add3A_575, %mul3A_593 : vector<16xf32>
        %get3A_595 = arith.index_cast %rem3A_82 : i32 to index
        %get3A_596 = arith.index_cast %add3A_457 : i32 to index
        %get3A_597 = arith.constant 112 : index
        %get3A_598 = tpu.vector_load %arg13[%get3A_595, %get3A_596, %get3A_597] {strides = array<i32>} : memref<2x80x128xf32, #tpu.memory_space<vmem>>, vector<16xf32>,
        %get3A_599 = arith.index_cast %rem3A_82 : i32 to index
        %get3A_600 = arith.index_cast %add3A_457 : i32 to index
        %get3A_601 = arith.constant 112 : index
        %get3A_602 = tpu.vector_load %arg14[%get3A_599, %get3A_600, %get3A_601] {strides = array<i32>} : memref<2x80x128xf32, #tpu.memory_space<vmem>>, vector<16xf32>,
        %add3A_603 = arith.addf %get3A_598, %get3A_602 : vector<16xf32>
        %max3A_604 = arith.constant 0.000000e+00 : f32
        %max3A_605 = vector.broadcast %max3A_604 : f32 to vector<16xf32>
        %max3A_606 = arith.maximumf %add3A_603, %max3A_605 : vector<16xf32>
        %mul3A_607 = arith.mulf %get3A_17, %max3A_606 : vector<16xf32>
        %add3A_608 = arith.addf %add3A_589, %mul3A_607 : vector<16xf32>
        %min3A_609 = arith.constant 0.000000e+00 : f32
        %min3A_610 = vector.broadcast %min3A_609 : f32 to vector<16xf32>
        %min3A_611 = arith.minimumf %add3A_603, %min3A_610 : vector<16xf32>
        %mul3A_612 = arith.mulf %get3A_33, %min3A_611 : vector<16xf32>
        %add3A_613 = arith.addf %add3A_594, %mul3A_612 : vector<16xf32>
        %eq3A_614 = arith.constant 2 : i32
        %eq3A_615 = vector.broadcast %eq3A_614 : i32 to vector<16xi32>
        %eq3A_616 = arith.cmpi eq, %iota3A, %eq3A_615 : vector<16xi32>
        %add3A_617 = arith.addf %add3A_608, %add3A_613 : vector<16xf32>
        %reduce_sum3A_618 = arith.constant true
        %reduce_sum3A_619 = vector.broadcast %reduce_sum3A_618 : i1 to vector<16xi1>
        %reduce_sum3A_620 = tpu.scan <sum>, %add3A_617 masked %reduce_sum3A_619 : vector<16xf32>, vector<16xi1> -> vector<16xf32>
        %reduce_sum3A_621 = vector.extract %reduce_sum3A_620[15] : f32 from vector<16xf32>
        %broadcast_in_dim3A_622 = vector.broadcast %reduce_sum3A_621 : f32 to vector<16xf32>
        %select_n3A_623 = arith.select %eq3A_616, %broadcast_in_dim3A_622, %select_n3A_455 : vector<16xi1>, vector<16xf32>
        %add3A_624 = arith.constant 3 : i32
        %add3A_625 = arith.addi %mul3A_122, %add3A_624 : i32
        %broadcast_in_dim3A_626 = arith.constant 0.000000e+00 : f32
        %broadcast_in_dim3A_627 = vector.broadcast %broadcast_in_dim3A_626 : f32 to vector<16xf32>
        %broadcast_in_dim3A_628 = arith.constant 0.000000e+00 : f32
        %broadcast_in_dim3A_629 = vector.broadcast %broadcast_in_dim3A_628 : f32 to vector<16xf32>
        %get3A_630 = arith.index_cast %rem3A_82 : i32 to index
        %get3A_631 = arith.index_cast %add3A_625 : i32 to index
        %get3A_632 = arith.constant 0 : index
        %get3A_633 = tpu.vector_load %arg13[%get3A_630, %get3A_631, %get3A_632] {strides = array<i32>} : memref<2x80x128xf32, #tpu.memory_space<vmem>>, vector<16xf32>,
        %get3A_634 = arith.index_cast %rem3A_82 : i32 to index
        %get3A_635 = arith.index_cast %add3A_625 : i32 to index
        %get3A_636 = arith.constant 0 : index
        %get3A_637 = tpu.vector_load %arg14[%get3A_634, %get3A_635, %get3A_636] {strides = array<i32>} : memref<2x80x128xf32, #tpu.memory_space<vmem>>, vector<16xf32>,
        %add3A_638 = arith.addf %get3A_633, %get3A_637 : vector<16xf32>
        %max3A_639 = arith.constant 0.000000e+00 : f32
        %max3A_640 = vector.broadcast %max3A_639 : f32 to vector<16xf32>
        %max3A_641 = arith.maximumf %add3A_638, %max3A_640 : vector<16xf32>
        %mul3A_642 = arith.mulf %get3A_3, %max3A_641 : vector<16xf32>
        %add3A_643 = arith.addf %broadcast_in_dim3A_627, %mul3A_642 : vector<16xf32>
        %min3A_644 = arith.constant 0.000000e+00 : f32
        %min3A_645 = vector.broadcast %min3A_644 : f32 to vector<16xf32>
        %min3A_646 = arith.minimumf %add3A_638, %min3A_645 : vector<16xf32>
        %mul3A_647 = arith.mulf %get3A_19, %min3A_646 : vector<16xf32>
        %add3A_648 = arith.addf %broadcast_in_dim3A_629, %mul3A_647 : vector<16xf32>
        %get3A_649 = arith.index_cast %rem3A_82 : i32 to index
        %get3A_650 = arith.index_cast %add3A_625 : i32 to index
        %get3A_651 = arith.constant 16 : index
        %get3A_652 = tpu.vector_load %arg13[%get3A_649, %get3A_650, %get3A_651] {strides = array<i32>} : memref<2x80x128xf32, #tpu.memory_space<vmem>>, vector<16xf32>,
        %get3A_653 = arith.index_cast %rem3A_82 : i32 to index
        %get3A_654 = arith.index_cast %add3A_625 : i32 to index
        %get3A_655 = arith.constant 16 : index
        %get3A_656 = tpu.vector_load %arg14[%get3A_653, %get3A_654, %get3A_655] {strides = array<i32>} : memref<2x80x128xf32, #tpu.memory_space<vmem>>, vector<16xf32>,
        %add3A_657 = arith.addf %get3A_652, %get3A_656 : vector<16xf32>
        %max3A_658 = arith.constant 0.000000e+00 : f32
        %max3A_659 = vector.broadcast %max3A_658 : f32 to vector<16xf32>
        %max3A_660 = arith.maximumf %add3A_657, %max3A_659 : vector<16xf32>
        %mul3A_661 = arith.mulf %get3A_5, %max3A_660 : vector<16xf32>
        %add3A_662 = arith.addf %add3A_643, %mul3A_661 : vector<16xf32>
        %min3A_663 = arith.constant 0.000000e+00 : f32
        %min3A_664 = vector.broadcast %min3A_663 : f32 to vector<16xf32>
        %min3A_665 = arith.minimumf %add3A_657, %min3A_664 : vector<16xf32>
        %mul3A_666 = arith.mulf %get3A_21, %min3A_665 : vector<16xf32>
        %add3A_667 = arith.addf %add3A_648, %mul3A_666 : vector<16xf32>
        %get3A_668 = arith.index_cast %rem3A_82 : i32 to index
        %get3A_669 = arith.index_cast %add3A_625 : i32 to index
        %get3A_670 = arith.constant 32 : index
        %get3A_671 = tpu.vector_load %arg13[%get3A_668, %get3A_669, %get3A_670] {strides = array<i32>} : memref<2x80x128xf32, #tpu.memory_space<vmem>>, vector<16xf32>,
        %get3A_672 = arith.index_cast %rem3A_82 : i32 to index
        %get3A_673 = arith.index_cast %add3A_625 : i32 to index
        %get3A_674 = arith.constant 32 : index
        %get3A_675 = tpu.vector_load %arg14[%get3A_672, %get3A_673, %get3A_674] {strides = array<i32>} : memref<2x80x128xf32, #tpu.memory_space<vmem>>, vector<16xf32>,
        %add3A_676 = arith.addf %get3A_671, %get3A_675 : vector<16xf32>
        %max3A_677 = arith.constant 0.000000e+00 : f32
        %max3A_678 = vector.broadcast %max3A_677 : f32 to vector<16xf32>
        %max3A_679 = arith.maximumf %add3A_676, %max3A_678 : vector<16xf32>
        %mul3A_680 = arith.mulf %get3A_7, %max3A_679 : vector<16xf32>
        %add3A_681 = arith.addf %add3A_662, %mul3A_680 : vector<16xf32>
        %min3A_682 = arith.constant 0.000000e+00 : f32
        %min3A_683 = vector.broadcast %min3A_682 : f32 to vector<16xf32>
        %min3A_684 = arith.minimumf %add3A_676, %min3A_683 : vector<16xf32>
        %mul3A_685 = arith.mulf %get3A_23, %min3A_684 : vector<16xf32>
        %add3A_686 = arith.addf %add3A_667, %mul3A_685 : vector<16xf32>
        %get3A_687 = arith.index_cast %rem3A_82 : i32 to index
        %get3A_688 = arith.index_cast %add3A_625 : i32 to index
        %get3A_689 = arith.constant 48 : index
        %get3A_690 = tpu.vector_load %arg13[%get3A_687, %get3A_688, %get3A_689] {strides = array<i32>} : memref<2x80x128xf32, #tpu.memory_space<vmem>>, vector<16xf32>,
        %get3A_691 = arith.index_cast %rem3A_82 : i32 to index
        %get3A_692 = arith.index_cast %add3A_625 : i32 to index
        %get3A_693 = arith.constant 48 : index
        %get3A_694 = tpu.vector_load %arg14[%get3A_691, %get3A_692, %get3A_693] {strides = array<i32>} : memref<2x80x128xf32, #tpu.memory_space<vmem>>, vector<16xf32>,
        %add3A_695 = arith.addf %get3A_690, %get3A_694 : vector<16xf32>
        %max3A_696 = arith.constant 0.000000e+00 : f32
        %max3A_697 = vector.broadcast %max3A_696 : f32 to vector<16xf32>
        %max3A_698 = arith.maximumf %add3A_695, %max3A_697 : vector<16xf32>
        %mul3A_699 = arith.mulf %get3A_9, %max3A_698 : vector<16xf32>
        %add3A_700 = arith.addf %add3A_681, %mul3A_699 : vector<16xf32>
        %min3A_701 = arith.constant 0.000000e+00 : f32
        %min3A_702 = vector.broadcast %min3A_701 : f32 to vector<16xf32>
        %min3A_703 = arith.minimumf %add3A_695, %min3A_702 : vector<16xf32>
        %mul3A_704 = arith.mulf %get3A_25, %min3A_703 : vector<16xf32>
        %add3A_705 = arith.addf %add3A_686, %mul3A_704 : vector<16xf32>
        %get3A_706 = arith.index_cast %rem3A_82 : i32 to index
        %get3A_707 = arith.index_cast %add3A_625 : i32 to index
        %get3A_708 = arith.constant 64 : index
        %get3A_709 = tpu.vector_load %arg13[%get3A_706, %get3A_707, %get3A_708] {strides = array<i32>} : memref<2x80x128xf32, #tpu.memory_space<vmem>>, vector<16xf32>,
        %get3A_710 = arith.index_cast %rem3A_82 : i32 to index
        %get3A_711 = arith.index_cast %add3A_625 : i32 to index
        %get3A_712 = arith.constant 64 : index
        %get3A_713 = tpu.vector_load %arg14[%get3A_710, %get3A_711, %get3A_712] {strides = array<i32>} : memref<2x80x128xf32, #tpu.memory_space<vmem>>, vector<16xf32>,
        %add3A_714 = arith.addf %get3A_709, %get3A_713 : vector<16xf32>
        %max3A_715 = arith.constant 0.000000e+00 : f32
        %max3A_716 = vector.broadcast %max3A_715 : f32 to vector<16xf32>
        %max3A_717 = arith.maximumf %add3A_714, %max3A_716 : vector<16xf32>
        %mul3A_718 = arith.mulf %get3A_11, %max3A_717 : vector<16xf32>
        %add3A_719 = arith.addf %add3A_700, %mul3A_718 : vector<16xf32>
        %min3A_720 = arith.constant 0.000000e+00 : f32
        %min3A_721 = vector.broadcast %min3A_720 : f32 to vector<16xf32>
        %min3A_722 = arith.minimumf %add3A_714, %min3A_721 : vector<16xf32>
        %mul3A_723 = arith.mulf %get3A_27, %min3A_722 : vector<16xf32>
        %add3A_724 = arith.addf %add3A_705, %mul3A_723 : vector<16xf32>
        %get3A_725 = arith.index_cast %rem3A_82 : i32 to index
        %get3A_726 = arith.index_cast %add3A_625 : i32 to index
        %get3A_727 = arith.constant 80 : index
        %get3A_728 = tpu.vector_load %arg13[%get3A_725, %get3A_726, %get3A_727] {strides = array<i32>} : memref<2x80x128xf32, #tpu.memory_space<vmem>>, vector<16xf32>,
        %get3A_729 = arith.index_cast %rem3A_82 : i32 to index
        %get3A_730 = arith.index_cast %add3A_625 : i32 to index
        %get3A_731 = arith.constant 80 : index
        %get3A_732 = tpu.vector_load %arg14[%get3A_729, %get3A_730, %get3A_731] {strides = array<i32>} : memref<2x80x128xf32, #tpu.memory_space<vmem>>, vector<16xf32>,
        %add3A_733 = arith.addf %get3A_728, %get3A_732 : vector<16xf32>
        %max3A_734 = arith.constant 0.000000e+00 : f32
        %max3A_735 = vector.broadcast %max3A_734 : f32 to vector<16xf32>
        %max3A_736 = arith.maximumf %add3A_733, %max3A_735 : vector<16xf32>
        %mul3A_737 = arith.mulf %get3A_13, %max3A_736 : vector<16xf32>
        %add3A_738 = arith.addf %add3A_719, %mul3A_737 : vector<16xf32>
        %min3A_739 = arith.constant 0.000000e+00 : f32
        %min3A_740 = vector.broadcast %min3A_739 : f32 to vector<16xf32>
        %min3A_741 = arith.minimumf %add3A_733, %min3A_740 : vector<16xf32>
        %mul3A_742 = arith.mulf %get3A_29, %min3A_741 : vector<16xf32>
        %add3A_743 = arith.addf %add3A_724, %mul3A_742 : vector<16xf32>
        %get3A_744 = arith.index_cast %rem3A_82 : i32 to index
        %get3A_745 = arith.index_cast %add3A_625 : i32 to index
        %get3A_746 = arith.constant 96 : index
        %get3A_747 = tpu.vector_load %arg13[%get3A_744, %get3A_745, %get3A_746] {strides = array<i32>} : memref<2x80x128xf32, #tpu.memory_space<vmem>>, vector<16xf32>,
        %get3A_748 = arith.index_cast %rem3A_82 : i32 to index
        %get3A_749 = arith.index_cast %add3A_625 : i32 to index
        %get3A_750 = arith.constant 96 : index
        %get3A_751 = tpu.vector_load %arg14[%get3A_748, %get3A_749, %get3A_750] {strides = array<i32>} : memref<2x80x128xf32, #tpu.memory_space<vmem>>, vector<16xf32>,
        %add3A_752 = arith.addf %get3A_747, %get3A_751 : vector<16xf32>
        %max3A_753 = arith.constant 0.000000e+00 : f32
        %max3A_754 = vector.broadcast %max3A_753 : f32 to vector<16xf32>
        %max3A_755 = arith.maximumf %add3A_752, %max3A_754 : vector<16xf32>
        %mul3A_756 = arith.mulf %get3A_15, %max3A_755 : vector<16xf32>
        %add3A_757 = arith.addf %add3A_738, %mul3A_756 : vector<16xf32>
        %min3A_758 = arith.constant 0.000000e+00 : f32
        %min3A_759 = vector.broadcast %min3A_758 : f32 to vector<16xf32>
        %min3A_760 = arith.minimumf %add3A_752, %min3A_759 : vector<16xf32>
        %mul3A_761 = arith.mulf %get3A_31, %min3A_760 : vector<16xf32>
        %add3A_762 = arith.addf %add3A_743, %mul3A_761 : vector<16xf32>
        %get3A_763 = arith.index_cast %rem3A_82 : i32 to index
        %get3A_764 = arith.index_cast %add3A_625 : i32 to index
        %get3A_765 = arith.constant 112 : index
        %get3A_766 = tpu.vector_load %arg13[%get3A_763, %get3A_764, %get3A_765] {strides = array<i32>} : memref<2x80x128xf32, #tpu.memory_space<vmem>>, vector<16xf32>,
        %get3A_767 = arith.index_cast %rem3A_82 : i32 to index
        %get3A_768 = arith.index_cast %add3A_625 : i32 to index
        %get3A_769 = arith.constant 112 : index
        %get3A_770 = tpu.vector_load %arg14[%get3A_767, %get3A_768, %get3A_769] {strides = array<i32>} : memref<2x80x128xf32, #tpu.memory_space<vmem>>, vector<16xf32>,
        %add3A_771 = arith.addf %get3A_766, %get3A_770 : vector<16xf32>
        %max3A_772 = arith.constant 0.000000e+00 : f32
        %max3A_773 = vector.broadcast %max3A_772 : f32 to vector<16xf32>
        %max3A_774 = arith.maximumf %add3A_771, %max3A_773 : vector<16xf32>
        %mul3A_775 = arith.mulf %get3A_17, %max3A_774 : vector<16xf32>
        %add3A_776 = arith.addf %add3A_757, %mul3A_775 : vector<16xf32>
        %min3A_777 = arith.constant 0.000000e+00 : f32
        %min3A_778 = vector.broadcast %min3A_777 : f32 to vector<16xf32>
        %min3A_779 = arith.minimumf %add3A_771, %min3A_778 : vector<16xf32>
        %mul3A_780 = arith.mulf %get3A_33, %min3A_779 : vector<16xf32>
        %add3A_781 = arith.addf %add3A_762, %mul3A_780 : vector<16xf32>
        %eq3A_782 = arith.constant 3 : i32
        %eq3A_783 = vector.broadcast %eq3A_782 : i32 to vector<16xi32>
        %eq3A_784 = arith.cmpi eq, %iota3A, %eq3A_783 : vector<16xi32>
        %add3A_785 = arith.addf %add3A_776, %add3A_781 : vector<16xf32>
        %reduce_sum3A_786 = arith.constant true
        %reduce_sum3A_787 = vector.broadcast %reduce_sum3A_786 : i1 to vector<16xi1>
        %reduce_sum3A_788 = tpu.scan <sum>, %add3A_785 masked %reduce_sum3A_787 : vector<16xf32>, vector<16xi1> -> vector<16xf32>
        %reduce_sum3A_789 = vector.extract %reduce_sum3A_788[15] : f32 from vector<16xf32>
        %broadcast_in_dim3A_790 = vector.broadcast %reduce_sum3A_789 : f32 to vector<16xf32>
        %select_n3A_791 = arith.select %eq3A_784, %broadcast_in_dim3A_790, %select_n3A_623 : vector<16xi1>, vector<16xf32>
        %add3A_792 = arith.constant 4 : i32
        %add3A_793 = arith.addi %mul3A_122, %add3A_792 : i32
        %broadcast_in_dim3A_794 = arith.constant 0.000000e+00 : f32
        %broadcast_in_dim3A_795 = vector.broadcast %broadcast_in_dim3A_794 : f32 to vector<16xf32>
        %broadcast_in_dim3A_796 = arith.constant 0.000000e+00 : f32
        %broadcast_in_dim3A_797 = vector.broadcast %broadcast_in_dim3A_796 : f32 to vector<16xf32>
        %get3A_798 = arith.index_cast %rem3A_82 : i32 to index
        %get3A_799 = arith.index_cast %add3A_793 : i32 to index
        %get3A_800 = arith.constant 0 : index
        %get3A_801 = tpu.vector_load %arg13[%get3A_798, %get3A_799, %get3A_800] {strides = array<i32>} : memref<2x80x128xf32, #tpu.memory_space<vmem>>, vector<16xf32>,
        %get3A_802 = arith.index_cast %rem3A_82 : i32 to index
        %get3A_803 = arith.index_cast %add3A_793 : i32 to index
        %get3A_804 = arith.constant 0 : index
        %get3A_805 = tpu.vector_load %arg14[%get3A_802, %get3A_803, %get3A_804] {strides = array<i32>} : memref<2x80x128xf32, #tpu.memory_space<vmem>>, vector<16xf32>,
        %add3A_806 = arith.addf %get3A_801, %get3A_805 : vector<16xf32>
        %max3A_807 = arith.constant 0.000000e+00 : f32
        %max3A_808 = vector.broadcast %max3A_807 : f32 to vector<16xf32>
        %max3A_809 = arith.maximumf %add3A_806, %max3A_808 : vector<16xf32>
        %mul3A_810 = arith.mulf %get3A_3, %max3A_809 : vector<16xf32>
        %add3A_811 = arith.addf %broadcast_in_dim3A_795, %mul3A_810 : vector<16xf32>
        %min3A_812 = arith.constant 0.000000e+00 : f32
        %min3A_813 = vector.broadcast %min3A_812 : f32 to vector<16xf32>
        %min3A_814 = arith.minimumf %add3A_806, %min3A_813 : vector<16xf32>
        %mul3A_815 = arith.mulf %get3A_19, %min3A_814 : vector<16xf32>
        %add3A_816 = arith.addf %broadcast_in_dim3A_797, %mul3A_815 : vector<16xf32>
        %get3A_817 = arith.index_cast %rem3A_82 : i32 to index
        %get3A_818 = arith.index_cast %add3A_793 : i32 to index
        %get3A_819 = arith.constant 16 : index
        %get3A_820 = tpu.vector_load %arg13[%get3A_817, %get3A_818, %get3A_819] {strides = array<i32>} : memref<2x80x128xf32, #tpu.memory_space<vmem>>, vector<16xf32>,
        %get3A_821 = arith.index_cast %rem3A_82 : i32 to index
        %get3A_822 = arith.index_cast %add3A_793 : i32 to index
        %get3A_823 = arith.constant 16 : index
        %get3A_824 = tpu.vector_load %arg14[%get3A_821, %get3A_822, %get3A_823] {strides = array<i32>} : memref<2x80x128xf32, #tpu.memory_space<vmem>>, vector<16xf32>,
        %add3A_825 = arith.addf %get3A_820, %get3A_824 : vector<16xf32>
        %max3A_826 = arith.constant 0.000000e+00 : f32
        %max3A_827 = vector.broadcast %max3A_826 : f32 to vector<16xf32>
        %max3A_828 = arith.maximumf %add3A_825, %max3A_827 : vector<16xf32>
        %mul3A_829 = arith.mulf %get3A_5, %max3A_828 : vector<16xf32>
        %add3A_830 = arith.addf %add3A_811, %mul3A_829 : vector<16xf32>
        %min3A_831 = arith.constant 0.000000e+00 : f32
        %min3A_832 = vector.broadcast %min3A_831 : f32 to vector<16xf32>
        %min3A_833 = arith.minimumf %add3A_825, %min3A_832 : vector<16xf32>
        %mul3A_834 = arith.mulf %get3A_21, %min3A_833 : vector<16xf32>
        %add3A_835 = arith.addf %add3A_816, %mul3A_834 : vector<16xf32>
        %get3A_836 = arith.index_cast %rem3A_82 : i32 to index
        %get3A_837 = arith.index_cast %add3A_793 : i32 to index
        %get3A_838 = arith.constant 32 : index
        %get3A_839 = tpu.vector_load %arg13[%get3A_836, %get3A_837, %get3A_838] {strides = array<i32>} : memref<2x80x128xf32, #tpu.memory_space<vmem>>, vector<16xf32>,
        %get3A_840 = arith.index_cast %rem3A_82 : i32 to index
        %get3A_841 = arith.index_cast %add3A_793 : i32 to index
        %get3A_842 = arith.constant 32 : index
        %get3A_843 = tpu.vector_load %arg14[%get3A_840, %get3A_841, %get3A_842] {strides = array<i32>} : memref<2x80x128xf32, #tpu.memory_space<vmem>>, vector<16xf32>,
        %add3A_844 = arith.addf %get3A_839, %get3A_843 : vector<16xf32>
        %max3A_845 = arith.constant 0.000000e+00 : f32
        %max3A_846 = vector.broadcast %max3A_845 : f32 to vector<16xf32>
        %max3A_847 = arith.maximumf %add3A_844, %max3A_846 : vector<16xf32>
        %mul3A_848 = arith.mulf %get3A_7, %max3A_847 : vector<16xf32>
        %add3A_849 = arith.addf %add3A_830, %mul3A_848 : vector<16xf32>
        %min3A_850 = arith.constant 0.000000e+00 : f32
        %min3A_851 = vector.broadcast %min3A_850 : f32 to vector<16xf32>
        %min3A_852 = arith.minimumf %add3A_844, %min3A_851 : vector<16xf32>
        %mul3A_853 = arith.mulf %get3A_23, %min3A_852 : vector<16xf32>
        %add3A_854 = arith.addf %add3A_835, %mul3A_853 : vector<16xf32>
        %get3A_855 = arith.index_cast %rem3A_82 : i32 to index
        %get3A_856 = arith.index_cast %add3A_793 : i32 to index
        %get3A_857 = arith.constant 48 : index
        %get3A_858 = tpu.vector_load %arg13[%get3A_855, %get3A_856, %get3A_857] {strides = array<i32>} : memref<2x80x128xf32, #tpu.memory_space<vmem>>, vector<16xf32>,
        %get3A_859 = arith.index_cast %rem3A_82 : i32 to index
        %get3A_860 = arith.index_cast %add3A_793 : i32 to index
        %get3A_861 = arith.constant 48 : index
        %get3A_862 = tpu.vector_load %arg14[%get3A_859, %get3A_860, %get3A_861] {strides = array<i32>} : memref<2x80x128xf32, #tpu.memory_space<vmem>>, vector<16xf32>,
        %add3A_863 = arith.addf %get3A_858, %get3A_862 : vector<16xf32>
        %max3A_864 = arith.constant 0.000000e+00 : f32
        %max3A_865 = vector.broadcast %max3A_864 : f32 to vector<16xf32>
        %max3A_866 = arith.maximumf %add3A_863, %max3A_865 : vector<16xf32>
        %mul3A_867 = arith.mulf %get3A_9, %max3A_866 : vector<16xf32>
        %add3A_868 = arith.addf %add3A_849, %mul3A_867 : vector<16xf32>
        %min3A_869 = arith.constant 0.000000e+00 : f32
        %min3A_870 = vector.broadcast %min3A_869 : f32 to vector<16xf32>
        %min3A_871 = arith.minimumf %add3A_863, %min3A_870 : vector<16xf32>
        %mul3A_872 = arith.mulf %get3A_25, %min3A_871 : vector<16xf32>
        %add3A_873 = arith.addf %add3A_854, %mul3A_872 : vector<16xf32>
        %get3A_874 = arith.index_cast %rem3A_82 : i32 to index
        %get3A_875 = arith.index_cast %add3A_793 : i32 to index
        %get3A_876 = arith.constant 64 : index
        %get3A_877 = tpu.vector_load %arg13[%get3A_874, %get3A_875, %get3A_876] {strides = array<i32>} : memref<2x80x128xf32, #tpu.memory_space<vmem>>, vector<16xf32>,
        %get3A_878 = arith.index_cast %rem3A_82 : i32 to index
        %get3A_879 = arith.index_cast %add3A_793 : i32 to index
        %get3A_880 = arith.constant 64 : index
        %get3A_881 = tpu.vector_load %arg14[%get3A_878, %get3A_879, %get3A_880] {strides = array<i32>} : memref<2x80x128xf32, #tpu.memory_space<vmem>>, vector<16xf32>,
        %add3A_882 = arith.addf %get3A_877, %get3A_881 : vector<16xf32>
        %max3A_883 = arith.constant 0.000000e+00 : f32
        %max3A_884 = vector.broadcast %max3A_883 : f32 to vector<16xf32>
        %max3A_885 = arith.maximumf %add3A_882, %max3A_884 : vector<16xf32>
        %mul3A_886 = arith.mulf %get3A_11, %max3A_885 : vector<16xf32>
        %add3A_887 = arith.addf %add3A_868, %mul3A_886 : vector<16xf32>
        %min3A_888 = arith.constant 0.000000e+00 : f32
        %min3A_889 = vector.broadcast %min3A_888 : f32 to vector<16xf32>
        %min3A_890 = arith.minimumf %add3A_882, %min3A_889 : vector<16xf32>
        %mul3A_891 = arith.mulf %get3A_27, %min3A_890 : vector<16xf32>
        %add3A_892 = arith.addf %add3A_873, %mul3A_891 : vector<16xf32>
        %get3A_893 = arith.index_cast %rem3A_82 : i32 to index
        %get3A_894 = arith.index_cast %add3A_793 : i32 to index
        %get3A_895 = arith.constant 80 : index
        %get3A_896 = tpu.vector_load %arg13[%get3A_893, %get3A_894, %get3A_895] {strides = array<i32>} : memref<2x80x128xf32, #tpu.memory_space<vmem>>, vector<16xf32>,
        %get3A_897 = arith.index_cast %rem3A_82 : i32 to index
        %get3A_898 = arith.index_cast %add3A_793 : i32 to index
        %get3A_899 = arith.constant 80 : index
        %get3A_900 = tpu.vector_load %arg14[%get3A_897, %get3A_898, %get3A_899] {strides = array<i32>} : memref<2x80x128xf32, #tpu.memory_space<vmem>>, vector<16xf32>,
        %add3A_901 = arith.addf %get3A_896, %get3A_900 : vector<16xf32>
        %max3A_902 = arith.constant 0.000000e+00 : f32
        %max3A_903 = vector.broadcast %max3A_902 : f32 to vector<16xf32>
        %max3A_904 = arith.maximumf %add3A_901, %max3A_903 : vector<16xf32>
        %mul3A_905 = arith.mulf %get3A_13, %max3A_904 : vector<16xf32>
        %add3A_906 = arith.addf %add3A_887, %mul3A_905 : vector<16xf32>
        %min3A_907 = arith.constant 0.000000e+00 : f32
        %min3A_908 = vector.broadcast %min3A_907 : f32 to vector<16xf32>
        %min3A_909 = arith.minimumf %add3A_901, %min3A_908 : vector<16xf32>
        %mul3A_910 = arith.mulf %get3A_29, %min3A_909 : vector<16xf32>
        %add3A_911 = arith.addf %add3A_892, %mul3A_910 : vector<16xf32>
        %get3A_912 = arith.index_cast %rem3A_82 : i32 to index
        %get3A_913 = arith.index_cast %add3A_793 : i32 to index
        %get3A_914 = arith.constant 96 : index
        %get3A_915 = tpu.vector_load %arg13[%get3A_912, %get3A_913, %get3A_914] {strides = array<i32>} : memref<2x80x128xf32, #tpu.memory_space<vmem>>, vector<16xf32>,
        %get3A_916 = arith.index_cast %rem3A_82 : i32 to index
        %get3A_917 = arith.index_cast %add3A_793 : i32 to index
        %get3A_918 = arith.constant 96 : index
        %get3A_919 = tpu.vector_load %arg14[%get3A_916, %get3A_917, %get3A_918] {strides = array<i32>} : memref<2x80x128xf32, #tpu.memory_space<vmem>>, vector<16xf32>,
        %add3A_920 = arith.addf %get3A_915, %get3A_919 : vector<16xf32>
        %max3A_921 = arith.constant 0.000000e+00 : f32
        %max3A_922 = vector.broadcast %max3A_921 : f32 to vector<16xf32>
        %max3A_923 = arith.maximumf %add3A_920, %max3A_922 : vector<16xf32>
        %mul3A_924 = arith.mulf %get3A_15, %max3A_923 : vector<16xf32>
        %add3A_925 = arith.addf %add3A_906, %mul3A_924 : vector<16xf32>
        %min3A_926 = arith.constant 0.000000e+00 : f32
        %min3A_927 = vector.broadcast %min3A_926 : f32 to vector<16xf32>
        %min3A_928 = arith.minimumf %add3A_920, %min3A_927 : vector<16xf32>
        %mul3A_929 = arith.mulf %get3A_31, %min3A_928 : vector<16xf32>
        %add3A_930 = arith.addf %add3A_911, %mul3A_929 : vector<16xf32>
        %get3A_931 = arith.index_cast %rem3A_82 : i32 to index
        %get3A_932 = arith.index_cast %add3A_793 : i32 to index
        %get3A_933 = arith.constant 112 : index
        %get3A_934 = tpu.vector_load %arg13[%get3A_931, %get3A_932, %get3A_933] {strides = array<i32>} : memref<2x80x128xf32, #tpu.memory_space<vmem>>, vector<16xf32>,
        %get3A_935 = arith.index_cast %rem3A_82 : i32 to index
        %get3A_936 = arith.index_cast %add3A_793 : i32 to index
        %get3A_937 = arith.constant 112 : index
        %get3A_938 = tpu.vector_load %arg14[%get3A_935, %get3A_936, %get3A_937] {strides = array<i32>} : memref<2x80x128xf32, #tpu.memory_space<vmem>>, vector<16xf32>,
        %add3A_939 = arith.addf %get3A_934, %get3A_938 : vector<16xf32>
        %max3A_940 = arith.constant 0.000000e+00 : f32
        %max3A_941 = vector.broadcast %max3A_940 : f32 to vector<16xf32>
        %max3A_942 = arith.maximumf %add3A_939, %max3A_941 : vector<16xf32>
        %mul3A_943 = arith.mulf %get3A_17, %max3A_942 : vector<16xf32>
        %add3A_944 = arith.addf %add3A_925, %mul3A_943 : vector<16xf32>
        %min3A_945 = arith.constant 0.000000e+00 : f32
        %min3A_946 = vector.broadcast %min3A_945 : f32 to vector<16xf32>
        %min3A_947 = arith.minimumf %add3A_939, %min3A_946 : vector<16xf32>
        %mul3A_948 = arith.mulf %get3A_33, %min3A_947 : vector<16xf32>
        %add3A_949 = arith.addf %add3A_930, %mul3A_948 : vector<16xf32>
        %eq3A_950 = arith.constant 4 : i32
        %eq3A_951 = vector.broadcast %eq3A_950 : i32 to vector<16xi32>
        %eq3A_952 = arith.cmpi eq, %iota3A, %eq3A_951 : vector<16xi32>
        %add3A_953 = arith.addf %add3A_944, %add3A_949 : vector<16xf32>
        %reduce_sum3A_954 = arith.constant true
        %reduce_sum3A_955 = vector.broadcast %reduce_sum3A_954 : i1 to vector<16xi1>
        %reduce_sum3A_956 = tpu.scan <sum>, %add3A_953 masked %reduce_sum3A_955 : vector<16xf32>, vector<16xi1> -> vector<16xf32>
        %reduce_sum3A_957 = vector.extract %reduce_sum3A_956[15] : f32 from vector<16xf32>
        %broadcast_in_dim3A_958 = vector.broadcast %reduce_sum3A_957 : f32 to vector<16xf32>
        %select_n3A_959 = arith.select %eq3A_952, %broadcast_in_dim3A_958, %select_n3A_791 : vector<16xi1>, vector<16xf32>
        %add3A_960 = arith.constant 5 : i32
        %add3A_961 = arith.addi %mul3A_122, %add3A_960 : i32
        %broadcast_in_dim3A_962 = arith.constant 0.000000e+00 : f32
        %broadcast_in_dim3A_963 = vector.broadcast %broadcast_in_dim3A_962 : f32 to vector<16xf32>
        %broadcast_in_dim3A_964 = arith.constant 0.000000e+00 : f32
        %broadcast_in_dim3A_965 = vector.broadcast %broadcast_in_dim3A_964 : f32 to vector<16xf32>
        %get3A_966 = arith.index_cast %rem3A_82 : i32 to index
        %get3A_967 = arith.index_cast %add3A_961 : i32 to index
        %get3A_968 = arith.constant 0 : index
        %get3A_969 = tpu.vector_load %arg13[%get3A_966, %get3A_967, %get3A_968] {strides = array<i32>} : memref<2x80x128xf32, #tpu.memory_space<vmem>>, vector<16xf32>,
        %get3A_970 = arith.index_cast %rem3A_82 : i32 to index
        %get3A_971 = arith.index_cast %add3A_961 : i32 to index
        %get3A_972 = arith.constant 0 : index
        %get3A_973 = tpu.vector_load %arg14[%get3A_970, %get3A_971, %get3A_972] {strides = array<i32>} : memref<2x80x128xf32, #tpu.memory_space<vmem>>, vector<16xf32>,
        %add3A_974 = arith.addf %get3A_969, %get3A_973 : vector<16xf32>
        %max3A_975 = arith.constant 0.000000e+00 : f32
        %max3A_976 = vector.broadcast %max3A_975 : f32 to vector<16xf32>
        %max3A_977 = arith.maximumf %add3A_974, %max3A_976 : vector<16xf32>
        %mul3A_978 = arith.mulf %get3A_3, %max3A_977 : vector<16xf32>
        %add3A_979 = arith.addf %broadcast_in_dim3A_963, %mul3A_978 : vector<16xf32>
        %min3A_980 = arith.constant 0.000000e+00 : f32
        %min3A_981 = vector.broadcast %min3A_980 : f32 to vector<16xf32>
        %min3A_982 = arith.minimumf %add3A_974, %min3A_981 : vector<16xf32>
        %mul3A_983 = arith.mulf %get3A_19, %min3A_982 : vector<16xf32>
        %add3A_984 = arith.addf %broadcast_in_dim3A_965, %mul3A_983 : vector<16xf32>
        %get3A_985 = arith.index_cast %rem3A_82 : i32 to index
        %get3A_986 = arith.index_cast %add3A_961 : i32 to index
        %get3A_987 = arith.constant 16 : index
        %get3A_988 = tpu.vector_load %arg13[%get3A_985, %get3A_986, %get3A_987] {strides = array<i32>} : memref<2x80x128xf32, #tpu.memory_space<vmem>>, vector<16xf32>,
        %get3A_989 = arith.index_cast %rem3A_82 : i32 to index
        %get3A_990 = arith.index_cast %add3A_961 : i32 to index
        %get3A_991 = arith.constant 16 : index
        %get3A_992 = tpu.vector_load %arg14[%get3A_989, %get3A_990, %get3A_991] {strides = array<i32>} : memref<2x80x128xf32, #tpu.memory_space<vmem>>, vector<16xf32>,
        %add3A_993 = arith.addf %get3A_988, %get3A_992 : vector<16xf32>
        %max3A_994 = arith.constant 0.000000e+00 : f32
        %max3A_995 = vector.broadcast %max3A_994 : f32 to vector<16xf32>
        %max3A_996 = arith.maximumf %add3A_993, %max3A_995 : vector<16xf32>
        %mul3A_997 = arith.mulf %get3A_5, %max3A_996 : vector<16xf32>
        %add3A_998 = arith.addf %add3A_979, %mul3A_997 : vector<16xf32>
        %min3A_999 = arith.constant 0.000000e+00 : f32
        %min3A_1000 = vector.broadcast %min3A_999 : f32 to vector<16xf32>
        %min3A_1001 = arith.minimumf %add3A_993, %min3A_1000 : vector<16xf32>
        %mul3A_1002 = arith.mulf %get3A_21, %min3A_1001 : vector<16xf32>
        %add3A_1003 = arith.addf %add3A_984, %mul3A_1002 : vector<16xf32>
        %get3A_1004 = arith.index_cast %rem3A_82 : i32 to index
        %get3A_1005 = arith.index_cast %add3A_961 : i32 to index
        %get3A_1006 = arith.constant 32 : index
        %get3A_1007 = tpu.vector_load %arg13[%get3A_1004, %get3A_1005, %get3A_1006] {strides = array<i32>} : memref<2x80x128xf32, #tpu.memory_space<vmem>>, vector<16xf32>,
        %get3A_1008 = arith.index_cast %rem3A_82 : i32 to index
        %get3A_1009 = arith.index_cast %add3A_961 : i32 to index
        %get3A_1010 = arith.constant 32 : index
        %get3A_1011 = tpu.vector_load %arg14[%get3A_1008, %get3A_1009, %get3A_1010] {strides = array<i32>} : memref<2x80x128xf32, #tpu.memory_space<vmem>>, vector<16xf32>,
        %add3A_1012 = arith.addf %get3A_1007, %get3A_1011 : vector<16xf32>
        %max3A_1013 = arith.constant 0.000000e+00 : f32
        %max3A_1014 = vector.broadcast %max3A_1013 : f32 to vector<16xf32>
        %max3A_1015 = arith.maximumf %add3A_1012, %max3A_1014 : vector<16xf32>
        %mul3A_1016 = arith.mulf %get3A_7, %max3A_1015 : vector<16xf32>
        %add3A_1017 = arith.addf %add3A_998, %mul3A_1016 : vector<16xf32>
        %min3A_1018 = arith.constant 0.000000e+00 : f32
        %min3A_1019 = vector.broadcast %min3A_1018 : f32 to vector<16xf32>
        %min3A_1020 = arith.minimumf %add3A_1012, %min3A_1019 : vector<16xf32>
        %mul3A_1021 = arith.mulf %get3A_23, %min3A_1020 : vector<16xf32>
        %add3A_1022 = arith.addf %add3A_1003, %mul3A_1021 : vector<16xf32>
        %get3A_1023 = arith.index_cast %rem3A_82 : i32 to index
        %get3A_1024 = arith.index_cast %add3A_961 : i32 to index
        %get3A_1025 = arith.constant 48 : index
        %get3A_1026 = tpu.vector_load %arg13[%get3A_1023, %get3A_1024, %get3A_1025] {strides = array<i32>} : memref<2x80x128xf32, #tpu.memory_space<vmem>>, vector<16xf32>,
        %get3A_1027 = arith.index_cast %rem3A_82 : i32 to index
        %get3A_1028 = arith.index_cast %add3A_961 : i32 to index
        %get3A_1029 = arith.constant 48 : index
        %get3A_1030 = tpu.vector_load %arg14[%get3A_1027, %get3A_1028, %get3A_1029] {strides = array<i32>} : memref<2x80x128xf32, #tpu.memory_space<vmem>>, vector<16xf32>,
        %add3A_1031 = arith.addf %get3A_1026, %get3A_1030 : vector<16xf32>
        %max3A_1032 = arith.constant 0.000000e+00 : f32
        %max3A_1033 = vector.broadcast %max3A_1032 : f32 to vector<16xf32>
        %max3A_1034 = arith.maximumf %add3A_1031, %max3A_1033 : vector<16xf32>
        %mul3A_1035 = arith.mulf %get3A_9, %max3A_1034 : vector<16xf32>
        %add3A_1036 = arith.addf %add3A_1017, %mul3A_1035 : vector<16xf32>
        %min3A_1037 = arith.constant 0.000000e+00 : f32
        %min3A_1038 = vector.broadcast %min3A_1037 : f32 to vector<16xf32>
        %min3A_1039 = arith.minimumf %add3A_1031, %min3A_1038 : vector<16xf32>
        %mul3A_1040 = arith.mulf %get3A_25, %min3A_1039 : vector<16xf32>
        %add3A_1041 = arith.addf %add3A_1022, %mul3A_1040 : vector<16xf32>
        %get3A_1042 = arith.index_cast %rem3A_82 : i32 to index
        %get3A_1043 = arith.index_cast %add3A_961 : i32 to index
        %get3A_1044 = arith.constant 64 : index
        %get3A_1045 = tpu.vector_load %arg13[%get3A_1042, %get3A_1043, %get3A_1044] {strides = array<i32>} : memref<2x80x128xf32, #tpu.memory_space<vmem>>, vector<16xf32>,
        %get3A_1046 = arith.index_cast %rem3A_82 : i32 to index
        %get3A_1047 = arith.index_cast %add3A_961 : i32 to index
        %get3A_1048 = arith.constant 64 : index
        %get3A_1049 = tpu.vector_load %arg14[%get3A_1046, %get3A_1047, %get3A_1048] {strides = array<i32>} : memref<2x80x128xf32, #tpu.memory_space<vmem>>, vector<16xf32>,
        %add3A_1050 = arith.addf %get3A_1045, %get3A_1049 : vector<16xf32>
        %max3A_1051 = arith.constant 0.000000e+00 : f32
        %max3A_1052 = vector.broadcast %max3A_1051 : f32 to vector<16xf32>
        %max3A_1053 = arith.maximumf %add3A_1050, %max3A_1052 : vector<16xf32>
        %mul3A_1054 = arith.mulf %get3A_11, %max3A_1053 : vector<16xf32>
        %add3A_1055 = arith.addf %add3A_1036, %mul3A_1054 : vector<16xf32>
        %min3A_1056 = arith.constant 0.000000e+00 : f32
        %min3A_1057 = vector.broadcast %min3A_1056 : f32 to vector<16xf32>
        %min3A_1058 = arith.minimumf %add3A_1050, %min3A_1057 : vector<16xf32>
        %mul3A_1059 = arith.mulf %get3A_27, %min3A_1058 : vector<16xf32>
        %add3A_1060 = arith.addf %add3A_1041, %mul3A_1059 : vector<16xf32>
        %get3A_1061 = arith.index_cast %rem3A_82 : i32 to index
        %get3A_1062 = arith.index_cast %add3A_961 : i32 to index
        %get3A_1063 = arith.constant 80 : index
        %get3A_1064 = tpu.vector_load %arg13[%get3A_1061, %get3A_1062, %get3A_1063] {strides = array<i32>} : memref<2x80x128xf32, #tpu.memory_space<vmem>>, vector<16xf32>,
        %get3A_1065 = arith.index_cast %rem3A_82 : i32 to index
        %get3A_1066 = arith.index_cast %add3A_961 : i32 to index
        %get3A_1067 = arith.constant 80 : index
        %get3A_1068 = tpu.vector_load %arg14[%get3A_1065, %get3A_1066, %get3A_1067] {strides = array<i32>} : memref<2x80x128xf32, #tpu.memory_space<vmem>>, vector<16xf32>,
        %add3A_1069 = arith.addf %get3A_1064, %get3A_1068 : vector<16xf32>
        %max3A_1070 = arith.constant 0.000000e+00 : f32
        %max3A_1071 = vector.broadcast %max3A_1070 : f32 to vector<16xf32>
        %max3A_1072 = arith.maximumf %add3A_1069, %max3A_1071 : vector<16xf32>
        %mul3A_1073 = arith.mulf %get3A_13, %max3A_1072 : vector<16xf32>
        %add3A_1074 = arith.addf %add3A_1055, %mul3A_1073 : vector<16xf32>
        %min3A_1075 = arith.constant 0.000000e+00 : f32
        %min3A_1076 = vector.broadcast %min3A_1075 : f32 to vector<16xf32>
        %min3A_1077 = arith.minimumf %add3A_1069, %min3A_1076 : vector<16xf32>
        %mul3A_1078 = arith.mulf %get3A_29, %min3A_1077 : vector<16xf32>
        %add3A_1079 = arith.addf %add3A_1060, %mul3A_1078 : vector<16xf32>
        %get3A_1080 = arith.index_cast %rem3A_82 : i32 to index
        %get3A_1081 = arith.index_cast %add3A_961 : i32 to index
        %get3A_1082 = arith.constant 96 : index
        %get3A_1083 = tpu.vector_load %arg13[%get3A_1080, %get3A_1081, %get3A_1082] {strides = array<i32>} : memref<2x80x128xf32, #tpu.memory_space<vmem>>, vector<16xf32>,
        %get3A_1084 = arith.index_cast %rem3A_82 : i32 to index
        %get3A_1085 = arith.index_cast %add3A_961 : i32 to index
        %get3A_1086 = arith.constant 96 : index
        %get3A_1087 = tpu.vector_load %arg14[%get3A_1084, %get3A_1085, %get3A_1086] {strides = array<i32>} : memref<2x80x128xf32, #tpu.memory_space<vmem>>, vector<16xf32>,
        %add3A_1088 = arith.addf %get3A_1083, %get3A_1087 : vector<16xf32>
        %max3A_1089 = arith.constant 0.000000e+00 : f32
        %max3A_1090 = vector.broadcast %max3A_1089 : f32 to vector<16xf32>
        %max3A_1091 = arith.maximumf %add3A_1088, %max3A_1090 : vector<16xf32>
        %mul3A_1092 = arith.mulf %get3A_15, %max3A_1091 : vector<16xf32>
        %add3A_1093 = arith.addf %add3A_1074, %mul3A_1092 : vector<16xf32>
        %min3A_1094 = arith.constant 0.000000e+00 : f32
        %min3A_1095 = vector.broadcast %min3A_1094 : f32 to vector<16xf32>
        %min3A_1096 = arith.minimumf %add3A_1088, %min3A_1095 : vector<16xf32>
        %mul3A_1097 = arith.mulf %get3A_31, %min3A_1096 : vector<16xf32>
        %add3A_1098 = arith.addf %add3A_1079, %mul3A_1097 : vector<16xf32>
        %get3A_1099 = arith.index_cast %rem3A_82 : i32 to index
        %get3A_1100 = arith.index_cast %add3A_961 : i32 to index
        %get3A_1101 = arith.constant 112 : index
        %get3A_1102 = tpu.vector_load %arg13[%get3A_1099, %get3A_1100, %get3A_1101] {strides = array<i32>} : memref<2x80x128xf32, #tpu.memory_space<vmem>>, vector<16xf32>,
        %get3A_1103 = arith.index_cast %rem3A_82 : i32 to index
        %get3A_1104 = arith.index_cast %add3A_961 : i32 to index
        %get3A_1105 = arith.constant 112 : index
        %get3A_1106 = tpu.vector_load %arg14[%get3A_1103, %get3A_1104, %get3A_1105] {strides = array<i32>} : memref<2x80x128xf32, #tpu.memory_space<vmem>>, vector<16xf32>,
        %add3A_1107 = arith.addf %get3A_1102, %get3A_1106 : vector<16xf32>
        %max3A_1108 = arith.constant 0.000000e+00 : f32
        %max3A_1109 = vector.broadcast %max3A_1108 : f32 to vector<16xf32>
        %max3A_1110 = arith.maximumf %add3A_1107, %max3A_1109 : vector<16xf32>
        %mul3A_1111 = arith.mulf %get3A_17, %max3A_1110 : vector<16xf32>
        %add3A_1112 = arith.addf %add3A_1093, %mul3A_1111 : vector<16xf32>
        %min3A_1113 = arith.constant 0.000000e+00 : f32
        %min3A_1114 = vector.broadcast %min3A_1113 : f32 to vector<16xf32>
        %min3A_1115 = arith.minimumf %add3A_1107, %min3A_1114 : vector<16xf32>
        %mul3A_1116 = arith.mulf %get3A_33, %min3A_1115 : vector<16xf32>
        %add3A_1117 = arith.addf %add3A_1098, %mul3A_1116 : vector<16xf32>
        %eq3A_1118 = arith.constant 5 : i32
        %eq3A_1119 = vector.broadcast %eq3A_1118 : i32 to vector<16xi32>
        %eq3A_1120 = arith.cmpi eq, %iota3A, %eq3A_1119 : vector<16xi32>
        %add3A_1121 = arith.addf %add3A_1112, %add3A_1117 : vector<16xf32>
        %reduce_sum3A_1122 = arith.constant true
        %reduce_sum3A_1123 = vector.broadcast %reduce_sum3A_1122 : i1 to vector<16xi1>
        %reduce_sum3A_1124 = tpu.scan <sum>, %add3A_1121 masked %reduce_sum3A_1123 : vector<16xf32>, vector<16xi1> -> vector<16xf32>
        %reduce_sum3A_1125 = vector.extract %reduce_sum3A_1124[15] : f32 from vector<16xf32>
        %broadcast_in_dim3A_1126 = vector.broadcast %reduce_sum3A_1125 : f32 to vector<16xf32>
        %select_n3A_1127 = arith.select %eq3A_1120, %broadcast_in_dim3A_1126, %select_n3A_959 : vector<16xi1>, vector<16xf32>
        %add3A_1128 = arith.constant 6 : i32
        %add3A_1129 = arith.addi %mul3A_122, %add3A_1128 : i32
        %broadcast_in_dim3A_1130 = arith.constant 0.000000e+00 : f32
        %broadcast_in_dim3A_1131 = vector.broadcast %broadcast_in_dim3A_1130 : f32 to vector<16xf32>
        %broadcast_in_dim3A_1132 = arith.constant 0.000000e+00 : f32
        %broadcast_in_dim3A_1133 = vector.broadcast %broadcast_in_dim3A_1132 : f32 to vector<16xf32>
        %get3A_1134 = arith.index_cast %rem3A_82 : i32 to index
        %get3A_1135 = arith.index_cast %add3A_1129 : i32 to index
        %get3A_1136 = arith.constant 0 : index
        %get3A_1137 = tpu.vector_load %arg13[%get3A_1134, %get3A_1135, %get3A_1136] {strides = array<i32>} : memref<2x80x128xf32, #tpu.memory_space<vmem>>, vector<16xf32>,
        %get3A_1138 = arith.index_cast %rem3A_82 : i32 to index
        %get3A_1139 = arith.index_cast %add3A_1129 : i32 to index
        %get3A_1140 = arith.constant 0 : index
        %get3A_1141 = tpu.vector_load %arg14[%get3A_1138, %get3A_1139, %get3A_1140] {strides = array<i32>} : memref<2x80x128xf32, #tpu.memory_space<vmem>>, vector<16xf32>,
        %add3A_1142 = arith.addf %get3A_1137, %get3A_1141 : vector<16xf32>
        %max3A_1143 = arith.constant 0.000000e+00 : f32
        %max3A_1144 = vector.broadcast %max3A_1143 : f32 to vector<16xf32>
        %max3A_1145 = arith.maximumf %add3A_1142, %max3A_1144 : vector<16xf32>
        %mul3A_1146 = arith.mulf %get3A_3, %max3A_1145 : vector<16xf32>
        %add3A_1147 = arith.addf %broadcast_in_dim3A_1131, %mul3A_1146 : vector<16xf32>
        %min3A_1148 = arith.constant 0.000000e+00 : f32
        %min3A_1149 = vector.broadcast %min3A_1148 : f32 to vector<16xf32>
        %min3A_1150 = arith.minimumf %add3A_1142, %min3A_1149 : vector<16xf32>
        %mul3A_1151 = arith.mulf %get3A_19, %min3A_1150 : vector<16xf32>
        %add3A_1152 = arith.addf %broadcast_in_dim3A_1133, %mul3A_1151 : vector<16xf32>
        %get3A_1153 = arith.index_cast %rem3A_82 : i32 to index
        %get3A_1154 = arith.index_cast %add3A_1129 : i32 to index
        %get3A_1155 = arith.constant 16 : index
        %get3A_1156 = tpu.vector_load %arg13[%get3A_1153, %get3A_1154, %get3A_1155] {strides = array<i32>} : memref<2x80x128xf32, #tpu.memory_space<vmem>>, vector<16xf32>,
        %get3A_1157 = arith.index_cast %rem3A_82 : i32 to index
        %get3A_1158 = arith.index_cast %add3A_1129 : i32 to index
        %get3A_1159 = arith.constant 16 : index
        %get3A_1160 = tpu.vector_load %arg14[%get3A_1157, %get3A_1158, %get3A_1159] {strides = array<i32>} : memref<2x80x128xf32, #tpu.memory_space<vmem>>, vector<16xf32>,
        %add3A_1161 = arith.addf %get3A_1156, %get3A_1160 : vector<16xf32>
        %max3A_1162 = arith.constant 0.000000e+00 : f32
        %max3A_1163 = vector.broadcast %max3A_1162 : f32 to vector<16xf32>
        %max3A_1164 = arith.maximumf %add3A_1161, %max3A_1163 : vector<16xf32>
        %mul3A_1165 = arith.mulf %get3A_5, %max3A_1164 : vector<16xf32>
        %add3A_1166 = arith.addf %add3A_1147, %mul3A_1165 : vector<16xf32>
        %min3A_1167 = arith.constant 0.000000e+00 : f32
        %min3A_1168 = vector.broadcast %min3A_1167 : f32 to vector<16xf32>
        %min3A_1169 = arith.minimumf %add3A_1161, %min3A_1168 : vector<16xf32>
        %mul3A_1170 = arith.mulf %get3A_21, %min3A_1169 : vector<16xf32>
        %add3A_1171 = arith.addf %add3A_1152, %mul3A_1170 : vector<16xf32>
        %get3A_1172 = arith.index_cast %rem3A_82 : i32 to index
        %get3A_1173 = arith.index_cast %add3A_1129 : i32 to index
        %get3A_1174 = arith.constant 32 : index
        %get3A_1175 = tpu.vector_load %arg13[%get3A_1172, %get3A_1173, %get3A_1174] {strides = array<i32>} : memref<2x80x128xf32, #tpu.memory_space<vmem>>, vector<16xf32>,
        %get3A_1176 = arith.index_cast %rem3A_82 : i32 to index
        %get3A_1177 = arith.index_cast %add3A_1129 : i32 to index
        %get3A_1178 = arith.constant 32 : index
        %get3A_1179 = tpu.vector_load %arg14[%get3A_1176, %get3A_1177, %get3A_1178] {strides = array<i32>} : memref<2x80x128xf32, #tpu.memory_space<vmem>>, vector<16xf32>,
        %add3A_1180 = arith.addf %get3A_1175, %get3A_1179 : vector<16xf32>
        %max3A_1181 = arith.constant 0.000000e+00 : f32
        %max3A_1182 = vector.broadcast %max3A_1181 : f32 to vector<16xf32>
        %max3A_1183 = arith.maximumf %add3A_1180, %max3A_1182 : vector<16xf32>
        %mul3A_1184 = arith.mulf %get3A_7, %max3A_1183 : vector<16xf32>
        %add3A_1185 = arith.addf %add3A_1166, %mul3A_1184 : vector<16xf32>
        %min3A_1186 = arith.constant 0.000000e+00 : f32
        %min3A_1187 = vector.broadcast %min3A_1186 : f32 to vector<16xf32>
        %min3A_1188 = arith.minimumf %add3A_1180, %min3A_1187 : vector<16xf32>
        %mul3A_1189 = arith.mulf %get3A_23, %min3A_1188 : vector<16xf32>
        %add3A_1190 = arith.addf %add3A_1171, %mul3A_1189 : vector<16xf32>
        %get3A_1191 = arith.index_cast %rem3A_82 : i32 to index
        %get3A_1192 = arith.index_cast %add3A_1129 : i32 to index
        %get3A_1193 = arith.constant 48 : index
        %get3A_1194 = tpu.vector_load %arg13[%get3A_1191, %get3A_1192, %get3A_1193] {strides = array<i32>} : memref<2x80x128xf32, #tpu.memory_space<vmem>>, vector<16xf32>,
        %get3A_1195 = arith.index_cast %rem3A_82 : i32 to index
        %get3A_1196 = arith.index_cast %add3A_1129 : i32 to index
        %get3A_1197 = arith.constant 48 : index
        %get3A_1198 = tpu.vector_load %arg14[%get3A_1195, %get3A_1196, %get3A_1197] {strides = array<i32>} : memref<2x80x128xf32, #tpu.memory_space<vmem>>, vector<16xf32>,
        %add3A_1199 = arith.addf %get3A_1194, %get3A_1198 : vector<16xf32>
        %max3A_1200 = arith.constant 0.000000e+00 : f32
        %max3A_1201 = vector.broadcast %max3A_1200 : f32 to vector<16xf32>
        %max3A_1202 = arith.maximumf %add3A_1199, %max3A_1201 : vector<16xf32>
        %mul3A_1203 = arith.mulf %get3A_9, %max3A_1202 : vector<16xf32>
        %add3A_1204 = arith.addf %add3A_1185, %mul3A_1203 : vector<16xf32>
        %min3A_1205 = arith.constant 0.000000e+00 : f32
        %min3A_1206 = vector.broadcast %min3A_1205 : f32 to vector<16xf32>
        %min3A_1207 = arith.minimumf %add3A_1199, %min3A_1206 : vector<16xf32>
        %mul3A_1208 = arith.mulf %get3A_25, %min3A_1207 : vector<16xf32>
        %add3A_1209 = arith.addf %add3A_1190, %mul3A_1208 : vector<16xf32>
        %get3A_1210 = arith.index_cast %rem3A_82 : i32 to index
        %get3A_1211 = arith.index_cast %add3A_1129 : i32 to index
        %get3A_1212 = arith.constant 64 : index
        %get3A_1213 = tpu.vector_load %arg13[%get3A_1210, %get3A_1211, %get3A_1212] {strides = array<i32>} : memref<2x80x128xf32, #tpu.memory_space<vmem>>, vector<16xf32>,
        %get3A_1214 = arith.index_cast %rem3A_82 : i32 to index
        %get3A_1215 = arith.index_cast %add3A_1129 : i32 to index
        %get3A_1216 = arith.constant 64 : index
        %get3A_1217 = tpu.vector_load %arg14[%get3A_1214, %get3A_1215, %get3A_1216] {strides = array<i32>} : memref<2x80x128xf32, #tpu.memory_space<vmem>>, vector<16xf32>,
        %add3A_1218 = arith.addf %get3A_1213, %get3A_1217 : vector<16xf32>
        %max3A_1219 = arith.constant 0.000000e+00 : f32
        %max3A_1220 = vector.broadcast %max3A_1219 : f32 to vector<16xf32>
        %max3A_1221 = arith.maximumf %add3A_1218, %max3A_1220 : vector<16xf32>
        %mul3A_1222 = arith.mulf %get3A_11, %max3A_1221 : vector<16xf32>
        %add3A_1223 = arith.addf %add3A_1204, %mul3A_1222 : vector<16xf32>
        %min3A_1224 = arith.constant 0.000000e+00 : f32
        %min3A_1225 = vector.broadcast %min3A_1224 : f32 to vector<16xf32>
        %min3A_1226 = arith.minimumf %add3A_1218, %min3A_1225 : vector<16xf32>
        %mul3A_1227 = arith.mulf %get3A_27, %min3A_1226 : vector<16xf32>
        %add3A_1228 = arith.addf %add3A_1209, %mul3A_1227 : vector<16xf32>
        %get3A_1229 = arith.index_cast %rem3A_82 : i32 to index
        %get3A_1230 = arith.index_cast %add3A_1129 : i32 to index
        %get3A_1231 = arith.constant 80 : index
        %get3A_1232 = tpu.vector_load %arg13[%get3A_1229, %get3A_1230, %get3A_1231] {strides = array<i32>} : memref<2x80x128xf32, #tpu.memory_space<vmem>>, vector<16xf32>,
        %get3A_1233 = arith.index_cast %rem3A_82 : i32 to index
        %get3A_1234 = arith.index_cast %add3A_1129 : i32 to index
        %get3A_1235 = arith.constant 80 : index
        %get3A_1236 = tpu.vector_load %arg14[%get3A_1233, %get3A_1234, %get3A_1235] {strides = array<i32>} : memref<2x80x128xf32, #tpu.memory_space<vmem>>, vector<16xf32>,
        %add3A_1237 = arith.addf %get3A_1232, %get3A_1236 : vector<16xf32>
        %max3A_1238 = arith.constant 0.000000e+00 : f32
        %max3A_1239 = vector.broadcast %max3A_1238 : f32 to vector<16xf32>
        %max3A_1240 = arith.maximumf %add3A_1237, %max3A_1239 : vector<16xf32>
        %mul3A_1241 = arith.mulf %get3A_13, %max3A_1240 : vector<16xf32>
        %add3A_1242 = arith.addf %add3A_1223, %mul3A_1241 : vector<16xf32>
        %min3A_1243 = arith.constant 0.000000e+00 : f32
        %min3A_1244 = vector.broadcast %min3A_1243 : f32 to vector<16xf32>
        %min3A_1245 = arith.minimumf %add3A_1237, %min3A_1244 : vector<16xf32>
        %mul3A_1246 = arith.mulf %get3A_29, %min3A_1245 : vector<16xf32>
        %add3A_1247 = arith.addf %add3A_1228, %mul3A_1246 : vector<16xf32>
        %get3A_1248 = arith.index_cast %rem3A_82 : i32 to index
        %get3A_1249 = arith.index_cast %add3A_1129 : i32 to index
        %get3A_1250 = arith.constant 96 : index
        %get3A_1251 = tpu.vector_load %arg13[%get3A_1248, %get3A_1249, %get3A_1250] {strides = array<i32>} : memref<2x80x128xf32, #tpu.memory_space<vmem>>, vector<16xf32>,
        %get3A_1252 = arith.index_cast %rem3A_82 : i32 to index
        %get3A_1253 = arith.index_cast %add3A_1129 : i32 to index
        %get3A_1254 = arith.constant 96 : index
        %get3A_1255 = tpu.vector_load %arg14[%get3A_1252, %get3A_1253, %get3A_1254] {strides = array<i32>} : memref<2x80x128xf32, #tpu.memory_space<vmem>>, vector<16xf32>,
        %add3A_1256 = arith.addf %get3A_1251, %get3A_1255 : vector<16xf32>
        %max3A_1257 = arith.constant 0.000000e+00 : f32
        %max3A_1258 = vector.broadcast %max3A_1257 : f32 to vector<16xf32>
        %max3A_1259 = arith.maximumf %add3A_1256, %max3A_1258 : vector<16xf32>
        %mul3A_1260 = arith.mulf %get3A_15, %max3A_1259 : vector<16xf32>
        %add3A_1261 = arith.addf %add3A_1242, %mul3A_1260 : vector<16xf32>
        %min3A_1262 = arith.constant 0.000000e+00 : f32
        %min3A_1263 = vector.broadcast %min3A_1262 : f32 to vector<16xf32>
        %min3A_1264 = arith.minimumf %add3A_1256, %min3A_1263 : vector<16xf32>
        %mul3A_1265 = arith.mulf %get3A_31, %min3A_1264 : vector<16xf32>
        %add3A_1266 = arith.addf %add3A_1247, %mul3A_1265 : vector<16xf32>
        %get3A_1267 = arith.index_cast %rem3A_82 : i32 to index
        %get3A_1268 = arith.index_cast %add3A_1129 : i32 to index
        %get3A_1269 = arith.constant 112 : index
        %get3A_1270 = tpu.vector_load %arg13[%get3A_1267, %get3A_1268, %get3A_1269] {strides = array<i32>} : memref<2x80x128xf32, #tpu.memory_space<vmem>>, vector<16xf32>,
        %get3A_1271 = arith.index_cast %rem3A_82 : i32 to index
        %get3A_1272 = arith.index_cast %add3A_1129 : i32 to index
        %get3A_1273 = arith.constant 112 : index
        %get3A_1274 = tpu.vector_load %arg14[%get3A_1271, %get3A_1272, %get3A_1273] {strides = array<i32>} : memref<2x80x128xf32, #tpu.memory_space<vmem>>, vector<16xf32>,
        %add3A_1275 = arith.addf %get3A_1270, %get3A_1274 : vector<16xf32>
        %max3A_1276 = arith.constant 0.000000e+00 : f32
        %max3A_1277 = vector.broadcast %max3A_1276 : f32 to vector<16xf32>
        %max3A_1278 = arith.maximumf %add3A_1275, %max3A_1277 : vector<16xf32>
        %mul3A_1279 = arith.mulf %get3A_17, %max3A_1278 : vector<16xf32>
        %add3A_1280 = arith.addf %add3A_1261, %mul3A_1279 : vector<16xf32>
        %min3A_1281 = arith.constant 0.000000e+00 : f32
        %min3A_1282 = vector.broadcast %min3A_1281 : f32 to vector<16xf32>
        %min3A_1283 = arith.minimumf %add3A_1275, %min3A_1282 : vector<16xf32>
        %mul3A_1284 = arith.mulf %get3A_33, %min3A_1283 : vector<16xf32>
        %add3A_1285 = arith.addf %add3A_1266, %mul3A_1284 : vector<16xf32>
        %eq3A_1286 = arith.constant 6 : i32
        %eq3A_1287 = vector.broadcast %eq3A_1286 : i32 to vector<16xi32>
        %eq3A_1288 = arith.cmpi eq, %iota3A, %eq3A_1287 : vector<16xi32>
        %add3A_1289 = arith.addf %add3A_1280, %add3A_1285 : vector<16xf32>
        %reduce_sum3A_1290 = arith.constant true
        %reduce_sum3A_1291 = vector.broadcast %reduce_sum3A_1290 : i1 to vector<16xi1>
        %reduce_sum3A_1292 = tpu.scan <sum>, %add3A_1289 masked %reduce_sum3A_1291 : vector<16xf32>, vector<16xi1> -> vector<16xf32>
        %reduce_sum3A_1293 = vector.extract %reduce_sum3A_1292[15] : f32 from vector<16xf32>
        %broadcast_in_dim3A_1294 = vector.broadcast %reduce_sum3A_1293 : f32 to vector<16xf32>
        %select_n3A_1295 = arith.select %eq3A_1288, %broadcast_in_dim3A_1294, %select_n3A_1127 : vector<16xi1>, vector<16xf32>
        %add3A_1296 = arith.constant 7 : i32
        %add3A_1297 = arith.addi %mul3A_122, %add3A_1296 : i32
        %broadcast_in_dim3A_1298 = arith.constant 0.000000e+00 : f32
        %broadcast_in_dim3A_1299 = vector.broadcast %broadcast_in_dim3A_1298 : f32 to vector<16xf32>
        %broadcast_in_dim3A_1300 = arith.constant 0.000000e+00 : f32
        %broadcast_in_dim3A_1301 = vector.broadcast %broadcast_in_dim3A_1300 : f32 to vector<16xf32>
        %get3A_1302 = arith.index_cast %rem3A_82 : i32 to index
        %get3A_1303 = arith.index_cast %add3A_1297 : i32 to index
        %get3A_1304 = arith.constant 0 : index
        %get3A_1305 = tpu.vector_load %arg13[%get3A_1302, %get3A_1303, %get3A_1304] {strides = array<i32>} : memref<2x80x128xf32, #tpu.memory_space<vmem>>, vector<16xf32>,
        %get3A_1306 = arith.index_cast %rem3A_82 : i32 to index
        %get3A_1307 = arith.index_cast %add3A_1297 : i32 to index
        %get3A_1308 = arith.constant 0 : index
        %get3A_1309 = tpu.vector_load %arg14[%get3A_1306, %get3A_1307, %get3A_1308] {strides = array<i32>} : memref<2x80x128xf32, #tpu.memory_space<vmem>>, vector<16xf32>,
        %add3A_1310 = arith.addf %get3A_1305, %get3A_1309 : vector<16xf32>
        %max3A_1311 = arith.constant 0.000000e+00 : f32
        %max3A_1312 = vector.broadcast %max3A_1311 : f32 to vector<16xf32>
        %max3A_1313 = arith.maximumf %add3A_1310, %max3A_1312 : vector<16xf32>
        %mul3A_1314 = arith.mulf %get3A_3, %max3A_1313 : vector<16xf32>
        %add3A_1315 = arith.addf %broadcast_in_dim3A_1299, %mul3A_1314 : vector<16xf32>
        %min3A_1316 = arith.constant 0.000000e+00 : f32
        %min3A_1317 = vector.broadcast %min3A_1316 : f32 to vector<16xf32>
        %min3A_1318 = arith.minimumf %add3A_1310, %min3A_1317 : vector<16xf32>
        %mul3A_1319 = arith.mulf %get3A_19, %min3A_1318 : vector<16xf32>
        %add3A_1320 = arith.addf %broadcast_in_dim3A_1301, %mul3A_1319 : vector<16xf32>
        %get3A_1321 = arith.index_cast %rem3A_82 : i32 to index
        %get3A_1322 = arith.index_cast %add3A_1297 : i32 to index
        %get3A_1323 = arith.constant 16 : index
        %get3A_1324 = tpu.vector_load %arg13[%get3A_1321, %get3A_1322, %get3A_1323] {strides = array<i32>} : memref<2x80x128xf32, #tpu.memory_space<vmem>>, vector<16xf32>,
        %get3A_1325 = arith.index_cast %rem3A_82 : i32 to index
        %get3A_1326 = arith.index_cast %add3A_1297 : i32 to index
        %get3A_1327 = arith.constant 16 : index
        %get3A_1328 = tpu.vector_load %arg14[%get3A_1325, %get3A_1326, %get3A_1327] {strides = array<i32>} : memref<2x80x128xf32, #tpu.memory_space<vmem>>, vector<16xf32>,
        %add3A_1329 = arith.addf %get3A_1324, %get3A_1328 : vector<16xf32>
        %max3A_1330 = arith.constant 0.000000e+00 : f32
        %max3A_1331 = vector.broadcast %max3A_1330 : f32 to vector<16xf32>
        %max3A_1332 = arith.maximumf %add3A_1329, %max3A_1331 : vector<16xf32>
        %mul3A_1333 = arith.mulf %get3A_5, %max3A_1332 : vector<16xf32>
        %add3A_1334 = arith.addf %add3A_1315, %mul3A_1333 : vector<16xf32>
        %min3A_1335 = arith.constant 0.000000e+00 : f32
        %min3A_1336 = vector.broadcast %min3A_1335 : f32 to vector<16xf32>
        %min3A_1337 = arith.minimumf %add3A_1329, %min3A_1336 : vector<16xf32>
        %mul3A_1338 = arith.mulf %get3A_21, %min3A_1337 : vector<16xf32>
        %add3A_1339 = arith.addf %add3A_1320, %mul3A_1338 : vector<16xf32>
        %get3A_1340 = arith.index_cast %rem3A_82 : i32 to index
        %get3A_1341 = arith.index_cast %add3A_1297 : i32 to index
        %get3A_1342 = arith.constant 32 : index
        %get3A_1343 = tpu.vector_load %arg13[%get3A_1340, %get3A_1341, %get3A_1342] {strides = array<i32>} : memref<2x80x128xf32, #tpu.memory_space<vmem>>, vector<16xf32>,
        %get3A_1344 = arith.index_cast %rem3A_82 : i32 to index
        %get3A_1345 = arith.index_cast %add3A_1297 : i32 to index
        %get3A_1346 = arith.constant 32 : index
        %get3A_1347 = tpu.vector_load %arg14[%get3A_1344, %get3A_1345, %get3A_1346] {strides = array<i32>} : memref<2x80x128xf32, #tpu.memory_space<vmem>>, vector<16xf32>,
        %add3A_1348 = arith.addf %get3A_1343, %get3A_1347 : vector<16xf32>
        %max3A_1349 = arith.constant 0.000000e+00 : f32
        %max3A_1350 = vector.broadcast %max3A_1349 : f32 to vector<16xf32>
        %max3A_1351 = arith.maximumf %add3A_1348, %max3A_1350 : vector<16xf32>
        %mul3A_1352 = arith.mulf %get3A_7, %max3A_1351 : vector<16xf32>
        %add3A_1353 = arith.addf %add3A_1334, %mul3A_1352 : vector<16xf32>
        %min3A_1354 = arith.constant 0.000000e+00 : f32
        %min3A_1355 = vector.broadcast %min3A_1354 : f32 to vector<16xf32>
        %min3A_1356 = arith.minimumf %add3A_1348, %min3A_1355 : vector<16xf32>
        %mul3A_1357 = arith.mulf %get3A_23, %min3A_1356 : vector<16xf32>
        %add3A_1358 = arith.addf %add3A_1339, %mul3A_1357 : vector<16xf32>
        %get3A_1359 = arith.index_cast %rem3A_82 : i32 to index
        %get3A_1360 = arith.index_cast %add3A_1297 : i32 to index
        %get3A_1361 = arith.constant 48 : index
        %get3A_1362 = tpu.vector_load %arg13[%get3A_1359, %get3A_1360, %get3A_1361] {strides = array<i32>} : memref<2x80x128xf32, #tpu.memory_space<vmem>>, vector<16xf32>,
        %get3A_1363 = arith.index_cast %rem3A_82 : i32 to index
        %get3A_1364 = arith.index_cast %add3A_1297 : i32 to index
        %get3A_1365 = arith.constant 48 : index
        %get3A_1366 = tpu.vector_load %arg14[%get3A_1363, %get3A_1364, %get3A_1365] {strides = array<i32>} : memref<2x80x128xf32, #tpu.memory_space<vmem>>, vector<16xf32>,
        %add3A_1367 = arith.addf %get3A_1362, %get3A_1366 : vector<16xf32>
        %max3A_1368 = arith.constant 0.000000e+00 : f32
        %max3A_1369 = vector.broadcast %max3A_1368 : f32 to vector<16xf32>
        %max3A_1370 = arith.maximumf %add3A_1367, %max3A_1369 : vector<16xf32>
        %mul3A_1371 = arith.mulf %get3A_9, %max3A_1370 : vector<16xf32>
        %add3A_1372 = arith.addf %add3A_1353, %mul3A_1371 : vector<16xf32>
        %min3A_1373 = arith.constant 0.000000e+00 : f32
        %min3A_1374 = vector.broadcast %min3A_1373 : f32 to vector<16xf32>
        %min3A_1375 = arith.minimumf %add3A_1367, %min3A_1374 : vector<16xf32>
        %mul3A_1376 = arith.mulf %get3A_25, %min3A_1375 : vector<16xf32>
        %add3A_1377 = arith.addf %add3A_1358, %mul3A_1376 : vector<16xf32>
        %get3A_1378 = arith.index_cast %rem3A_82 : i32 to index
        %get3A_1379 = arith.index_cast %add3A_1297 : i32 to index
        %get3A_1380 = arith.constant 64 : index
        %get3A_1381 = tpu.vector_load %arg13[%get3A_1378, %get3A_1379, %get3A_1380] {strides = array<i32>} : memref<2x80x128xf32, #tpu.memory_space<vmem>>, vector<16xf32>,
        %get3A_1382 = arith.index_cast %rem3A_82 : i32 to index
        %get3A_1383 = arith.index_cast %add3A_1297 : i32 to index
        %get3A_1384 = arith.constant 64 : index
        %get3A_1385 = tpu.vector_load %arg14[%get3A_1382, %get3A_1383, %get3A_1384] {strides = array<i32>} : memref<2x80x128xf32, #tpu.memory_space<vmem>>, vector<16xf32>,
        %add3A_1386 = arith.addf %get3A_1381, %get3A_1385 : vector<16xf32>
        %max3A_1387 = arith.constant 0.000000e+00 : f32
        %max3A_1388 = vector.broadcast %max3A_1387 : f32 to vector<16xf32>
        %max3A_1389 = arith.maximumf %add3A_1386, %max3A_1388 : vector<16xf32>
        %mul3A_1390 = arith.mulf %get3A_11, %max3A_1389 : vector<16xf32>
        %add3A_1391 = arith.addf %add3A_1372, %mul3A_1390 : vector<16xf32>
        %min3A_1392 = arith.constant 0.000000e+00 : f32
        %min3A_1393 = vector.broadcast %min3A_1392 : f32 to vector<16xf32>
        %min3A_1394 = arith.minimumf %add3A_1386, %min3A_1393 : vector<16xf32>
        %mul3A_1395 = arith.mulf %get3A_27, %min3A_1394 : vector<16xf32>
        %add3A_1396 = arith.addf %add3A_1377, %mul3A_1395 : vector<16xf32>
        %get3A_1397 = arith.index_cast %rem3A_82 : i32 to index
        %get3A_1398 = arith.index_cast %add3A_1297 : i32 to index
        %get3A_1399 = arith.constant 80 : index
        %get3A_1400 = tpu.vector_load %arg13[%get3A_1397, %get3A_1398, %get3A_1399] {strides = array<i32>} : memref<2x80x128xf32, #tpu.memory_space<vmem>>, vector<16xf32>,
        %get3A_1401 = arith.index_cast %rem3A_82 : i32 to index
        %get3A_1402 = arith.index_cast %add3A_1297 : i32 to index
        %get3A_1403 = arith.constant 80 : index
        %get3A_1404 = tpu.vector_load %arg14[%get3A_1401, %get3A_1402, %get3A_1403] {strides = array<i32>} : memref<2x80x128xf32, #tpu.memory_space<vmem>>, vector<16xf32>,
        %add3A_1405 = arith.addf %get3A_1400, %get3A_1404 : vector<16xf32>
        %max3A_1406 = arith.constant 0.000000e+00 : f32
        %max3A_1407 = vector.broadcast %max3A_1406 : f32 to vector<16xf32>
        %max3A_1408 = arith.maximumf %add3A_1405, %max3A_1407 : vector<16xf32>
        %mul3A_1409 = arith.mulf %get3A_13, %max3A_1408 : vector<16xf32>
        %add3A_1410 = arith.addf %add3A_1391, %mul3A_1409 : vector<16xf32>
        %min3A_1411 = arith.constant 0.000000e+00 : f32
        %min3A_1412 = vector.broadcast %min3A_1411 : f32 to vector<16xf32>
        %min3A_1413 = arith.minimumf %add3A_1405, %min3A_1412 : vector<16xf32>
        %mul3A_1414 = arith.mulf %get3A_29, %min3A_1413 : vector<16xf32>
        %add3A_1415 = arith.addf %add3A_1396, %mul3A_1414 : vector<16xf32>
        %get3A_1416 = arith.index_cast %rem3A_82 : i32 to index
        %get3A_1417 = arith.index_cast %add3A_1297 : i32 to index
        %get3A_1418 = arith.constant 96 : index
        %get3A_1419 = tpu.vector_load %arg13[%get3A_1416, %get3A_1417, %get3A_1418] {strides = array<i32>} : memref<2x80x128xf32, #tpu.memory_space<vmem>>, vector<16xf32>,
        %get3A_1420 = arith.index_cast %rem3A_82 : i32 to index
        %get3A_1421 = arith.index_cast %add3A_1297 : i32 to index
        %get3A_1422 = arith.constant 96 : index
        %get3A_1423 = tpu.vector_load %arg14[%get3A_1420, %get3A_1421, %get3A_1422] {strides = array<i32>} : memref<2x80x128xf32, #tpu.memory_space<vmem>>, vector<16xf32>,
        %add3A_1424 = arith.addf %get3A_1419, %get3A_1423 : vector<16xf32>
        %max3A_1425 = arith.constant 0.000000e+00 : f32
        %max3A_1426 = vector.broadcast %max3A_1425 : f32 to vector<16xf32>
        %max3A_1427 = arith.maximumf %add3A_1424, %max3A_1426 : vector<16xf32>
        %mul3A_1428 = arith.mulf %get3A_15, %max3A_1427 : vector<16xf32>
        %add3A_1429 = arith.addf %add3A_1410, %mul3A_1428 : vector<16xf32>
        %min3A_1430 = arith.constant 0.000000e+00 : f32
        %min3A_1431 = vector.broadcast %min3A_1430 : f32 to vector<16xf32>
        %min3A_1432 = arith.minimumf %add3A_1424, %min3A_1431 : vector<16xf32>
        %mul3A_1433 = arith.mulf %get3A_31, %min3A_1432 : vector<16xf32>
        %add3A_1434 = arith.addf %add3A_1415, %mul3A_1433 : vector<16xf32>
        %get3A_1435 = arith.index_cast %rem3A_82 : i32 to index
        %get3A_1436 = arith.index_cast %add3A_1297 : i32 to index
        %get3A_1437 = arith.constant 112 : index
        %get3A_1438 = tpu.vector_load %arg13[%get3A_1435, %get3A_1436, %get3A_1437] {strides = array<i32>} : memref<2x80x128xf32, #tpu.memory_space<vmem>>, vector<16xf32>,
        %get3A_1439 = arith.index_cast %rem3A_82 : i32 to index
        %get3A_1440 = arith.index_cast %add3A_1297 : i32 to index
        %get3A_1441 = arith.constant 112 : index
        %get3A_1442 = tpu.vector_load %arg14[%get3A_1439, %get3A_1440, %get3A_1441] {strides = array<i32>} : memref<2x80x128xf32, #tpu.memory_space<vmem>>, vector<16xf32>,
        %add3A_1443 = arith.addf %get3A_1438, %get3A_1442 : vector<16xf32>
        %max3A_1444 = arith.constant 0.000000e+00 : f32
        %max3A_1445 = vector.broadcast %max3A_1444 : f32 to vector<16xf32>
        %max3A_1446 = arith.maximumf %add3A_1443, %max3A_1445 : vector<16xf32>
        %mul3A_1447 = arith.mulf %get3A_17, %max3A_1446 : vector<16xf32>
        %add3A_1448 = arith.addf %add3A_1429, %mul3A_1447 : vector<16xf32>
        %min3A_1449 = arith.constant 0.000000e+00 : f32
        %min3A_1450 = vector.broadcast %min3A_1449 : f32 to vector<16xf32>
        %min3A_1451 = arith.minimumf %add3A_1443, %min3A_1450 : vector<16xf32>
        %mul3A_1452 = arith.mulf %get3A_33, %min3A_1451 : vector<16xf32>
        %add3A_1453 = arith.addf %add3A_1434, %mul3A_1452 : vector<16xf32>
        %eq3A_1454 = arith.constant 7 : i32
        %eq3A_1455 = vector.broadcast %eq3A_1454 : i32 to vector<16xi32>
        %eq3A_1456 = arith.cmpi eq, %iota3A, %eq3A_1455 : vector<16xi32>
        %add3A_1457 = arith.addf %add3A_1448, %add3A_1453 : vector<16xf32>
        %reduce_sum3A_1458 = arith.constant true
        %reduce_sum3A_1459 = vector.broadcast %reduce_sum3A_1458 : i1 to vector<16xi1>
        %reduce_sum3A_1460 = tpu.scan <sum>, %add3A_1457 masked %reduce_sum3A_1459 : vector<16xf32>, vector<16xi1> -> vector<16xf32>
        %reduce_sum3A_1461 = vector.extract %reduce_sum3A_1460[15] : f32 from vector<16xf32>
        %broadcast_in_dim3A_1462 = vector.broadcast %reduce_sum3A_1461 : f32 to vector<16xf32>
        %select_n3A_1463 = arith.select %eq3A_1456, %broadcast_in_dim3A_1462, %select_n3A_1295 : vector<16xi1>, vector<16xf32>
        %add3A_1464 = arith.constant 8 : i32
        %add3A_1465 = arith.addi %mul3A_122, %add3A_1464 : i32
        %broadcast_in_dim3A_1466 = arith.constant 0.000000e+00 : f32
        %broadcast_in_dim3A_1467 = vector.broadcast %broadcast_in_dim3A_1466 : f32 to vector<16xf32>
        %broadcast_in_dim3A_1468 = arith.constant 0.000000e+00 : f32
        %broadcast_in_dim3A_1469 = vector.broadcast %broadcast_in_dim3A_1468 : f32 to vector<16xf32>
        %get3A_1470 = arith.index_cast %rem3A_82 : i32 to index
        %get3A_1471 = arith.index_cast %add3A_1465 : i32 to index
        %get3A_1472 = arith.constant 0 : index
        %get3A_1473 = tpu.vector_load %arg13[%get3A_1470, %get3A_1471, %get3A_1472] {strides = array<i32>} : memref<2x80x128xf32, #tpu.memory_space<vmem>>, vector<16xf32>,
        %get3A_1474 = arith.index_cast %rem3A_82 : i32 to index
        %get3A_1475 = arith.index_cast %add3A_1465 : i32 to index
        %get3A_1476 = arith.constant 0 : index
        %get3A_1477 = tpu.vector_load %arg14[%get3A_1474, %get3A_1475, %get3A_1476] {strides = array<i32>} : memref<2x80x128xf32, #tpu.memory_space<vmem>>, vector<16xf32>,
        %add3A_1478 = arith.addf %get3A_1473, %get3A_1477 : vector<16xf32>
        %max3A_1479 = arith.constant 0.000000e+00 : f32
        %max3A_1480 = vector.broadcast %max3A_1479 : f32 to vector<16xf32>
        %max3A_1481 = arith.maximumf %add3A_1478, %max3A_1480 : vector<16xf32>
        %mul3A_1482 = arith.mulf %get3A_3, %max3A_1481 : vector<16xf32>
        %add3A_1483 = arith.addf %broadcast_in_dim3A_1467, %mul3A_1482 : vector<16xf32>
        %min3A_1484 = arith.constant 0.000000e+00 : f32
        %min3A_1485 = vector.broadcast %min3A_1484 : f32 to vector<16xf32>
        %min3A_1486 = arith.minimumf %add3A_1478, %min3A_1485 : vector<16xf32>
        %mul3A_1487 = arith.mulf %get3A_19, %min3A_1486 : vector<16xf32>
        %add3A_1488 = arith.addf %broadcast_in_dim3A_1469, %mul3A_1487 : vector<16xf32>
        %get3A_1489 = arith.index_cast %rem3A_82 : i32 to index
        %get3A_1490 = arith.index_cast %add3A_1465 : i32 to index
        %get3A_1491 = arith.constant 16 : index
        %get3A_1492 = tpu.vector_load %arg13[%get3A_1489, %get3A_1490, %get3A_1491] {strides = array<i32>} : memref<2x80x128xf32, #tpu.memory_space<vmem>>, vector<16xf32>,
        %get3A_1493 = arith.index_cast %rem3A_82 : i32 to index
        %get3A_1494 = arith.index_cast %add3A_1465 : i32 to index
        %get3A_1495 = arith.constant 16 : index
        %get3A_1496 = tpu.vector_load %arg14[%get3A_1493, %get3A_1494, %get3A_1495] {strides = array<i32>} : memref<2x80x128xf32, #tpu.memory_space<vmem>>, vector<16xf32>,
        %add3A_1497 = arith.addf %get3A_1492, %get3A_1496 : vector<16xf32>
        %max3A_1498 = arith.constant 0.000000e+00 : f32
        %max3A_1499 = vector.broadcast %max3A_1498 : f32 to vector<16xf32>
        %max3A_1500 = arith.maximumf %add3A_1497, %max3A_1499 : vector<16xf32>
        %mul3A_1501 = arith.mulf %get3A_5, %max3A_1500 : vector<16xf32>
        %add3A_1502 = arith.addf %add3A_1483, %mul3A_1501 : vector<16xf32>
        %min3A_1503 = arith.constant 0.000000e+00 : f32
        %min3A_1504 = vector.broadcast %min3A_1503 : f32 to vector<16xf32>
        %min3A_1505 = arith.minimumf %add3A_1497, %min3A_1504 : vector<16xf32>
        %mul3A_1506 = arith.mulf %get3A_21, %min3A_1505 : vector<16xf32>
        %add3A_1507 = arith.addf %add3A_1488, %mul3A_1506 : vector<16xf32>
        %get3A_1508 = arith.index_cast %rem3A_82 : i32 to index
        %get3A_1509 = arith.index_cast %add3A_1465 : i32 to index
        %get3A_1510 = arith.constant 32 : index
        %get3A_1511 = tpu.vector_load %arg13[%get3A_1508, %get3A_1509, %get3A_1510] {strides = array<i32>} : memref<2x80x128xf32, #tpu.memory_space<vmem>>, vector<16xf32>,
        %get3A_1512 = arith.index_cast %rem3A_82 : i32 to index
        %get3A_1513 = arith.index_cast %add3A_1465 : i32 to index
        %get3A_1514 = arith.constant 32 : index
        %get3A_1515 = tpu.vector_load %arg14[%get3A_1512, %get3A_1513, %get3A_1514] {strides = array<i32>} : memref<2x80x128xf32, #tpu.memory_space<vmem>>, vector<16xf32>,
        %add3A_1516 = arith.addf %get3A_1511, %get3A_1515 : vector<16xf32>
        %max3A_1517 = arith.constant 0.000000e+00 : f32
        %max3A_1518 = vector.broadcast %max3A_1517 : f32 to vector<16xf32>
        %max3A_1519 = arith.maximumf %add3A_1516, %max3A_1518 : vector<16xf32>
        %mul3A_1520 = arith.mulf %get3A_7, %max3A_1519 : vector<16xf32>
        %add3A_1521 = arith.addf %add3A_1502, %mul3A_1520 : vector<16xf32>
        %min3A_1522 = arith.constant 0.000000e+00 : f32
        %min3A_1523 = vector.broadcast %min3A_1522 : f32 to vector<16xf32>
        %min3A_1524 = arith.minimumf %add3A_1516, %min3A_1523 : vector<16xf32>
        %mul3A_1525 = arith.mulf %get3A_23, %min3A_1524 : vector<16xf32>
        %add3A_1526 = arith.addf %add3A_1507, %mul3A_1525 : vector<16xf32>
        %get3A_1527 = arith.index_cast %rem3A_82 : i32 to index
        %get3A_1528 = arith.index_cast %add3A_1465 : i32 to index
        %get3A_1529 = arith.constant 48 : index
        %get3A_1530 = tpu.vector_load %arg13[%get3A_1527, %get3A_1528, %get3A_1529] {strides = array<i32>} : memref<2x80x128xf32, #tpu.memory_space<vmem>>, vector<16xf32>,
        %get3A_1531 = arith.index_cast %rem3A_82 : i32 to index
        %get3A_1532 = arith.index_cast %add3A_1465 : i32 to index
        %get3A_1533 = arith.constant 48 : index
        %get3A_1534 = tpu.vector_load %arg14[%get3A_1531, %get3A_1532, %get3A_1533] {strides = array<i32>} : memref<2x80x128xf32, #tpu.memory_space<vmem>>, vector<16xf32>,
        %add3A_1535 = arith.addf %get3A_1530, %get3A_1534 : vector<16xf32>
        %max3A_1536 = arith.constant 0.000000e+00 : f32
        %max3A_1537 = vector.broadcast %max3A_1536 : f32 to vector<16xf32>
        %max3A_1538 = arith.maximumf %add3A_1535, %max3A_1537 : vector<16xf32>
        %mul3A_1539 = arith.mulf %get3A_9, %max3A_1538 : vector<16xf32>
        %add3A_1540 = arith.addf %add3A_1521, %mul3A_1539 : vector<16xf32>
        %min3A_1541 = arith.constant 0.000000e+00 : f32
        %min3A_1542 = vector.broadcast %min3A_1541 : f32 to vector<16xf32>
        %min3A_1543 = arith.minimumf %add3A_1535, %min3A_1542 : vector<16xf32>
        %mul3A_1544 = arith.mulf %get3A_25, %min3A_1543 : vector<16xf32>
        %add3A_1545 = arith.addf %add3A_1526, %mul3A_1544 : vector<16xf32>
        %get3A_1546 = arith.index_cast %rem3A_82 : i32 to index
        %get3A_1547 = arith.index_cast %add3A_1465 : i32 to index
        %get3A_1548 = arith.constant 64 : index
        %get3A_1549 = tpu.vector_load %arg13[%get3A_1546, %get3A_1547, %get3A_1548] {strides = array<i32>} : memref<2x80x128xf32, #tpu.memory_space<vmem>>, vector<16xf32>,
        %get3A_1550 = arith.index_cast %rem3A_82 : i32 to index
        %get3A_1551 = arith.index_cast %add3A_1465 : i32 to index
        %get3A_1552 = arith.constant 64 : index
        %get3A_1553 = tpu.vector_load %arg14[%get3A_1550, %get3A_1551, %get3A_1552] {strides = array<i32>} : memref<2x80x128xf32, #tpu.memory_space<vmem>>, vector<16xf32>,
        %add3A_1554 = arith.addf %get3A_1549, %get3A_1553 : vector<16xf32>
        %max3A_1555 = arith.constant 0.000000e+00 : f32
        %max3A_1556 = vector.broadcast %max3A_1555 : f32 to vector<16xf32>
        %max3A_1557 = arith.maximumf %add3A_1554, %max3A_1556 : vector<16xf32>
        %mul3A_1558 = arith.mulf %get3A_11, %max3A_1557 : vector<16xf32>
        %add3A_1559 = arith.addf %add3A_1540, %mul3A_1558 : vector<16xf32>
        %min3A_1560 = arith.constant 0.000000e+00 : f32
        %min3A_1561 = vector.broadcast %min3A_1560 : f32 to vector<16xf32>
        %min3A_1562 = arith.minimumf %add3A_1554, %min3A_1561 : vector<16xf32>
        %mul3A_1563 = arith.mulf %get3A_27, %min3A_1562 : vector<16xf32>
        %add3A_1564 = arith.addf %add3A_1545, %mul3A_1563 : vector<16xf32>
        %get3A_1565 = arith.index_cast %rem3A_82 : i32 to index
        %get3A_1566 = arith.index_cast %add3A_1465 : i32 to index
        %get3A_1567 = arith.constant 80 : index
        %get3A_1568 = tpu.vector_load %arg13[%get3A_1565, %get3A_1566, %get3A_1567] {strides = array<i32>} : memref<2x80x128xf32, #tpu.memory_space<vmem>>, vector<16xf32>,
        %get3A_1569 = arith.index_cast %rem3A_82 : i32 to index
        %get3A_1570 = arith.index_cast %add3A_1465 : i32 to index
        %get3A_1571 = arith.constant 80 : index
        %get3A_1572 = tpu.vector_load %arg14[%get3A_1569, %get3A_1570, %get3A_1571] {strides = array<i32>} : memref<2x80x128xf32, #tpu.memory_space<vmem>>, vector<16xf32>,
        %add3A_1573 = arith.addf %get3A_1568, %get3A_1572 : vector<16xf32>
        %max3A_1574 = arith.constant 0.000000e+00 : f32
        %max3A_1575 = vector.broadcast %max3A_1574 : f32 to vector<16xf32>
        %max3A_1576 = arith.maximumf %add3A_1573, %max3A_1575 : vector<16xf32>
        %mul3A_1577 = arith.mulf %get3A_13, %max3A_1576 : vector<16xf32>
        %add3A_1578 = arith.addf %add3A_1559, %mul3A_1577 : vector<16xf32>
        %min3A_1579 = arith.constant 0.000000e+00 : f32
        %min3A_1580 = vector.broadcast %min3A_1579 : f32 to vector<16xf32>
        %min3A_1581 = arith.minimumf %add3A_1573, %min3A_1580 : vector<16xf32>
        %mul3A_1582 = arith.mulf %get3A_29, %min3A_1581 : vector<16xf32>
        %add3A_1583 = arith.addf %add3A_1564, %mul3A_1582 : vector<16xf32>
        %get3A_1584 = arith.index_cast %rem3A_82 : i32 to index
        %get3A_1585 = arith.index_cast %add3A_1465 : i32 to index
        %get3A_1586 = arith.constant 96 : index
        %get3A_1587 = tpu.vector_load %arg13[%get3A_1584, %get3A_1585, %get3A_1586] {strides = array<i32>} : memref<2x80x128xf32, #tpu.memory_space<vmem>>, vector<16xf32>,
        %get3A_1588 = arith.index_cast %rem3A_82 : i32 to index
        %get3A_1589 = arith.index_cast %add3A_1465 : i32 to index
        %get3A_1590 = arith.constant 96 : index
        %get3A_1591 = tpu.vector_load %arg14[%get3A_1588, %get3A_1589, %get3A_1590] {strides = array<i32>} : memref<2x80x128xf32, #tpu.memory_space<vmem>>, vector<16xf32>,
        %add3A_1592 = arith.addf %get3A_1587, %get3A_1591 : vector<16xf32>
        %max3A_1593 = arith.constant 0.000000e+00 : f32
        %max3A_1594 = vector.broadcast %max3A_1593 : f32 to vector<16xf32>
        %max3A_1595 = arith.maximumf %add3A_1592, %max3A_1594 : vector<16xf32>
        %mul3A_1596 = arith.mulf %get3A_15, %max3A_1595 : vector<16xf32>
        %add3A_1597 = arith.addf %add3A_1578, %mul3A_1596 : vector<16xf32>
        %min3A_1598 = arith.constant 0.000000e+00 : f32
        %min3A_1599 = vector.broadcast %min3A_1598 : f32 to vector<16xf32>
        %min3A_1600 = arith.minimumf %add3A_1592, %min3A_1599 : vector<16xf32>
        %mul3A_1601 = arith.mulf %get3A_31, %min3A_1600 : vector<16xf32>
        %add3A_1602 = arith.addf %add3A_1583, %mul3A_1601 : vector<16xf32>
        %get3A_1603 = arith.index_cast %rem3A_82 : i32 to index
        %get3A_1604 = arith.index_cast %add3A_1465 : i32 to index
        %get3A_1605 = arith.constant 112 : index
        %get3A_1606 = tpu.vector_load %arg13[%get3A_1603, %get3A_1604, %get3A_1605] {strides = array<i32>} : memref<2x80x128xf32, #tpu.memory_space<vmem>>, vector<16xf32>,
        %get3A_1607 = arith.index_cast %rem3A_82 : i32 to index
        %get3A_1608 = arith.index_cast %add3A_1465 : i32 to index
        %get3A_1609 = arith.constant 112 : index
        %get3A_1610 = tpu.vector_load %arg14[%get3A_1607, %get3A_1608, %get3A_1609] {strides = array<i32>} : memref<2x80x128xf32, #tpu.memory_space<vmem>>, vector<16xf32>,
        %add3A_1611 = arith.addf %get3A_1606, %get3A_1610 : vector<16xf32>
        %max3A_1612 = arith.constant 0.000000e+00 : f32
        %max3A_1613 = vector.broadcast %max3A_1612 : f32 to vector<16xf32>
        %max3A_1614 = arith.maximumf %add3A_1611, %max3A_1613 : vector<16xf32>
        %mul3A_1615 = arith.mulf %get3A_17, %max3A_1614 : vector<16xf32>
        %add3A_1616 = arith.addf %add3A_1597, %mul3A_1615 : vector<16xf32>
        %min3A_1617 = arith.constant 0.000000e+00 : f32
        %min3A_1618 = vector.broadcast %min3A_1617 : f32 to vector<16xf32>
        %min3A_1619 = arith.minimumf %add3A_1611, %min3A_1618 : vector<16xf32>
        %mul3A_1620 = arith.mulf %get3A_33, %min3A_1619 : vector<16xf32>
        %add3A_1621 = arith.addf %add3A_1602, %mul3A_1620 : vector<16xf32>
        %eq3A_1622 = arith.constant 8 : i32
        %eq3A_1623 = vector.broadcast %eq3A_1622 : i32 to vector<16xi32>
        %eq3A_1624 = arith.cmpi eq, %iota3A, %eq3A_1623 : vector<16xi32>
        %add3A_1625 = arith.addf %add3A_1616, %add3A_1621 : vector<16xf32>
        %reduce_sum3A_1626 = arith.constant true
        %reduce_sum3A_1627 = vector.broadcast %reduce_sum3A_1626 : i1 to vector<16xi1>
        %reduce_sum3A_1628 = tpu.scan <sum>, %add3A_1625 masked %reduce_sum3A_1627 : vector<16xf32>, vector<16xi1> -> vector<16xf32>
        %reduce_sum3A_1629 = vector.extract %reduce_sum3A_1628[15] : f32 from vector<16xf32>
        %broadcast_in_dim3A_1630 = vector.broadcast %reduce_sum3A_1629 : f32 to vector<16xf32>
        %select_n3A_1631 = arith.select %eq3A_1624, %broadcast_in_dim3A_1630, %select_n3A_1463 : vector<16xi1>, vector<16xf32>
        %add3A_1632 = arith.constant 9 : i32
        %add3A_1633 = arith.addi %mul3A_122, %add3A_1632 : i32
        %broadcast_in_dim3A_1634 = arith.constant 0.000000e+00 : f32
        %broadcast_in_dim3A_1635 = vector.broadcast %broadcast_in_dim3A_1634 : f32 to vector<16xf32>
        %broadcast_in_dim3A_1636 = arith.constant 0.000000e+00 : f32
        %broadcast_in_dim3A_1637 = vector.broadcast %broadcast_in_dim3A_1636 : f32 to vector<16xf32>
        %get3A_1638 = arith.index_cast %rem3A_82 : i32 to index
        %get3A_1639 = arith.index_cast %add3A_1633 : i32 to index
        %get3A_1640 = arith.constant 0 : index
        %get3A_1641 = tpu.vector_load %arg13[%get3A_1638, %get3A_1639, %get3A_1640] {strides = array<i32>} : memref<2x80x128xf32, #tpu.memory_space<vmem>>, vector<16xf32>,
        %get3A_1642 = arith.index_cast %rem3A_82 : i32 to index
        %get3A_1643 = arith.index_cast %add3A_1633 : i32 to index
        %get3A_1644 = arith.constant 0 : index
        %get3A_1645 = tpu.vector_load %arg14[%get3A_1642, %get3A_1643, %get3A_1644] {strides = array<i32>} : memref<2x80x128xf32, #tpu.memory_space<vmem>>, vector<16xf32>,
        %add3A_1646 = arith.addf %get3A_1641, %get3A_1645 : vector<16xf32>
        %max3A_1647 = arith.constant 0.000000e+00 : f32
        %max3A_1648 = vector.broadcast %max3A_1647 : f32 to vector<16xf32>
        %max3A_1649 = arith.maximumf %add3A_1646, %max3A_1648 : vector<16xf32>
        %mul3A_1650 = arith.mulf %get3A_3, %max3A_1649 : vector<16xf32>
        %add3A_1651 = arith.addf %broadcast_in_dim3A_1635, %mul3A_1650 : vector<16xf32>
        %min3A_1652 = arith.constant 0.000000e+00 : f32
        %min3A_1653 = vector.broadcast %min3A_1652 : f32 to vector<16xf32>
        %min3A_1654 = arith.minimumf %add3A_1646, %min3A_1653 : vector<16xf32>
        %mul3A_1655 = arith.mulf %get3A_19, %min3A_1654 : vector<16xf32>
        %add3A_1656 = arith.addf %broadcast_in_dim3A_1637, %mul3A_1655 : vector<16xf32>
        %get3A_1657 = arith.index_cast %rem3A_82 : i32 to index
        %get3A_1658 = arith.index_cast %add3A_1633 : i32 to index
        %get3A_1659 = arith.constant 16 : index
        %get3A_1660 = tpu.vector_load %arg13[%get3A_1657, %get3A_1658, %get3A_1659] {strides = array<i32>} : memref<2x80x128xf32, #tpu.memory_space<vmem>>, vector<16xf32>,
        %get3A_1661 = arith.index_cast %rem3A_82 : i32 to index
        %get3A_1662 = arith.index_cast %add3A_1633 : i32 to index
        %get3A_1663 = arith.constant 16 : index
        %get3A_1664 = tpu.vector_load %arg14[%get3A_1661, %get3A_1662, %get3A_1663] {strides = array<i32>} : memref<2x80x128xf32, #tpu.memory_space<vmem>>, vector<16xf32>,
        %add3A_1665 = arith.addf %get3A_1660, %get3A_1664 : vector<16xf32>
        %max3A_1666 = arith.constant 0.000000e+00 : f32
        %max3A_1667 = vector.broadcast %max3A_1666 : f32 to vector<16xf32>
        %max3A_1668 = arith.maximumf %add3A_1665, %max3A_1667 : vector<16xf32>
        %mul3A_1669 = arith.mulf %get3A_5, %max3A_1668 : vector<16xf32>
        %add3A_1670 = arith.addf %add3A_1651, %mul3A_1669 : vector<16xf32>
        %min3A_1671 = arith.constant 0.000000e+00 : f32
        %min3A_1672 = vector.broadcast %min3A_1671 : f32 to vector<16xf32>
        %min3A_1673 = arith.minimumf %add3A_1665, %min3A_1672 : vector<16xf32>
        %mul3A_1674 = arith.mulf %get3A_21, %min3A_1673 : vector<16xf32>
        %add3A_1675 = arith.addf %add3A_1656, %mul3A_1674 : vector<16xf32>
        %get3A_1676 = arith.index_cast %rem3A_82 : i32 to index
        %get3A_1677 = arith.index_cast %add3A_1633 : i32 to index
        %get3A_1678 = arith.constant 32 : index
        %get3A_1679 = tpu.vector_load %arg13[%get3A_1676, %get3A_1677, %get3A_1678] {strides = array<i32>} : memref<2x80x128xf32, #tpu.memory_space<vmem>>, vector<16xf32>,
        %get3A_1680 = arith.index_cast %rem3A_82 : i32 to index
        %get3A_1681 = arith.index_cast %add3A_1633 : i32 to index
        %get3A_1682 = arith.constant 32 : index
        %get3A_1683 = tpu.vector_load %arg14[%get3A_1680, %get3A_1681, %get3A_1682] {strides = array<i32>} : memref<2x80x128xf32, #tpu.memory_space<vmem>>, vector<16xf32>,
        %add3A_1684 = arith.addf %get3A_1679, %get3A_1683 : vector<16xf32>
        %max3A_1685 = arith.constant 0.000000e+00 : f32
        %max3A_1686 = vector.broadcast %max3A_1685 : f32 to vector<16xf32>
        %max3A_1687 = arith.maximumf %add3A_1684, %max3A_1686 : vector<16xf32>
        %mul3A_1688 = arith.mulf %get3A_7, %max3A_1687 : vector<16xf32>
        %add3A_1689 = arith.addf %add3A_1670, %mul3A_1688 : vector<16xf32>
        %min3A_1690 = arith.constant 0.000000e+00 : f32
        %min3A_1691 = vector.broadcast %min3A_1690 : f32 to vector<16xf32>
        %min3A_1692 = arith.minimumf %add3A_1684, %min3A_1691 : vector<16xf32>
        %mul3A_1693 = arith.mulf %get3A_23, %min3A_1692 : vector<16xf32>
        %add3A_1694 = arith.addf %add3A_1675, %mul3A_1693 : vector<16xf32>
        %get3A_1695 = arith.index_cast %rem3A_82 : i32 to index
        %get3A_1696 = arith.index_cast %add3A_1633 : i32 to index
        %get3A_1697 = arith.constant 48 : index
        %get3A_1698 = tpu.vector_load %arg13[%get3A_1695, %get3A_1696, %get3A_1697] {strides = array<i32>} : memref<2x80x128xf32, #tpu.memory_space<vmem>>, vector<16xf32>,
        %get3A_1699 = arith.index_cast %rem3A_82 : i32 to index
        %get3A_1700 = arith.index_cast %add3A_1633 : i32 to index
        %get3A_1701 = arith.constant 48 : index
        %get3A_1702 = tpu.vector_load %arg14[%get3A_1699, %get3A_1700, %get3A_1701] {strides = array<i32>} : memref<2x80x128xf32, #tpu.memory_space<vmem>>, vector<16xf32>,
        %add3A_1703 = arith.addf %get3A_1698, %get3A_1702 : vector<16xf32>
        %max3A_1704 = arith.constant 0.000000e+00 : f32
        %max3A_1705 = vector.broadcast %max3A_1704 : f32 to vector<16xf32>
        %max3A_1706 = arith.maximumf %add3A_1703, %max3A_1705 : vector<16xf32>
        %mul3A_1707 = arith.mulf %get3A_9, %max3A_1706 : vector<16xf32>
        %add3A_1708 = arith.addf %add3A_1689, %mul3A_1707 : vector<16xf32>
        %min3A_1709 = arith.constant 0.000000e+00 : f32
        %min3A_1710 = vector.broadcast %min3A_1709 : f32 to vector<16xf32>
        %min3A_1711 = arith.minimumf %add3A_1703, %min3A_1710 : vector<16xf32>
        %mul3A_1712 = arith.mulf %get3A_25, %min3A_1711 : vector<16xf32>
        %add3A_1713 = arith.addf %add3A_1694, %mul3A_1712 : vector<16xf32>
        %get3A_1714 = arith.index_cast %rem3A_82 : i32 to index
        %get3A_1715 = arith.index_cast %add3A_1633 : i32 to index
        %get3A_1716 = arith.constant 64 : index
        %get3A_1717 = tpu.vector_load %arg13[%get3A_1714, %get3A_1715, %get3A_1716] {strides = array<i32>} : memref<2x80x128xf32, #tpu.memory_space<vmem>>, vector<16xf32>,
        %get3A_1718 = arith.index_cast %rem3A_82 : i32 to index
        %get3A_1719 = arith.index_cast %add3A_1633 : i32 to index
        %get3A_1720 = arith.constant 64 : index
        %get3A_1721 = tpu.vector_load %arg14[%get3A_1718, %get3A_1719, %get3A_1720] {strides = array<i32>} : memref<2x80x128xf32, #tpu.memory_space<vmem>>, vector<16xf32>,
        %add3A_1722 = arith.addf %get3A_1717, %get3A_1721 : vector<16xf32>
        %max3A_1723 = arith.constant 0.000000e+00 : f32
        %max3A_1724 = vector.broadcast %max3A_1723 : f32 to vector<16xf32>
        %max3A_1725 = arith.maximumf %add3A_1722, %max3A_1724 : vector<16xf32>
        %mul3A_1726 = arith.mulf %get3A_11, %max3A_1725 : vector<16xf32>
        %add3A_1727 = arith.addf %add3A_1708, %mul3A_1726 : vector<16xf32>
        %min3A_1728 = arith.constant 0.000000e+00 : f32
        %min3A_1729 = vector.broadcast %min3A_1728 : f32 to vector<16xf32>
        %min3A_1730 = arith.minimumf %add3A_1722, %min3A_1729 : vector<16xf32>
        %mul3A_1731 = arith.mulf %get3A_27, %min3A_1730 : vector<16xf32>
        %add3A_1732 = arith.addf %add3A_1713, %mul3A_1731 : vector<16xf32>
        %get3A_1733 = arith.index_cast %rem3A_82 : i32 to index
        %get3A_1734 = arith.index_cast %add3A_1633 : i32 to index
        %get3A_1735 = arith.constant 80 : index
        %get3A_1736 = tpu.vector_load %arg13[%get3A_1733, %get3A_1734, %get3A_1735] {strides = array<i32>} : memref<2x80x128xf32, #tpu.memory_space<vmem>>, vector<16xf32>,
        %get3A_1737 = arith.index_cast %rem3A_82 : i32 to index
        %get3A_1738 = arith.index_cast %add3A_1633 : i32 to index
        %get3A_1739 = arith.constant 80 : index
        %get3A_1740 = tpu.vector_load %arg14[%get3A_1737, %get3A_1738, %get3A_1739] {strides = array<i32>} : memref<2x80x128xf32, #tpu.memory_space<vmem>>, vector<16xf32>,
        %add3A_1741 = arith.addf %get3A_1736, %get3A_1740 : vector<16xf32>
        %max3A_1742 = arith.constant 0.000000e+00 : f32
        %max3A_1743 = vector.broadcast %max3A_1742 : f32 to vector<16xf32>
        %max3A_1744 = arith.maximumf %add3A_1741, %max3A_1743 : vector<16xf32>
        %mul3A_1745 = arith.mulf %get3A_13, %max3A_1744 : vector<16xf32>
        %add3A_1746 = arith.addf %add3A_1727, %mul3A_1745 : vector<16xf32>
        %min3A_1747 = arith.constant 0.000000e+00 : f32
        %min3A_1748 = vector.broadcast %min3A_1747 : f32 to vector<16xf32>
        %min3A_1749 = arith.minimumf %add3A_1741, %min3A_1748 : vector<16xf32>
        %mul3A_1750 = arith.mulf %get3A_29, %min3A_1749 : vector<16xf32>
        %add3A_1751 = arith.addf %add3A_1732, %mul3A_1750 : vector<16xf32>
        %get3A_1752 = arith.index_cast %rem3A_82 : i32 to index
        %get3A_1753 = arith.index_cast %add3A_1633 : i32 to index
        %get3A_1754 = arith.constant 96 : index
        %get3A_1755 = tpu.vector_load %arg13[%get3A_1752, %get3A_1753, %get3A_1754] {strides = array<i32>} : memref<2x80x128xf32, #tpu.memory_space<vmem>>, vector<16xf32>,
        %get3A_1756 = arith.index_cast %rem3A_82 : i32 to index
        %get3A_1757 = arith.index_cast %add3A_1633 : i32 to index
        %get3A_1758 = arith.constant 96 : index
        %get3A_1759 = tpu.vector_load %arg14[%get3A_1756, %get3A_1757, %get3A_1758] {strides = array<i32>} : memref<2x80x128xf32, #tpu.memory_space<vmem>>, vector<16xf32>,
        %add3A_1760 = arith.addf %get3A_1755, %get3A_1759 : vector<16xf32>
        %max3A_1761 = arith.constant 0.000000e+00 : f32
        %max3A_1762 = vector.broadcast %max3A_1761 : f32 to vector<16xf32>
        %max3A_1763 = arith.maximumf %add3A_1760, %max3A_1762 : vector<16xf32>
        %mul3A_1764 = arith.mulf %get3A_15, %max3A_1763 : vector<16xf32>
        %add3A_1765 = arith.addf %add3A_1746, %mul3A_1764 : vector<16xf32>
        %min3A_1766 = arith.constant 0.000000e+00 : f32
        %min3A_1767 = vector.broadcast %min3A_1766 : f32 to vector<16xf32>
        %min3A_1768 = arith.minimumf %add3A_1760, %min3A_1767 : vector<16xf32>
        %mul3A_1769 = arith.mulf %get3A_31, %min3A_1768 : vector<16xf32>
        %add3A_1770 = arith.addf %add3A_1751, %mul3A_1769 : vector<16xf32>
        %get3A_1771 = arith.index_cast %rem3A_82 : i32 to index
        %get3A_1772 = arith.index_cast %add3A_1633 : i32 to index
        %get3A_1773 = arith.constant 112 : index
        %get3A_1774 = tpu.vector_load %arg13[%get3A_1771, %get3A_1772, %get3A_1773] {strides = array<i32>} : memref<2x80x128xf32, #tpu.memory_space<vmem>>, vector<16xf32>,
        %get3A_1775 = arith.index_cast %rem3A_82 : i32 to index
        %get3A_1776 = arith.index_cast %add3A_1633 : i32 to index
        %get3A_1777 = arith.constant 112 : index
        %get3A_1778 = tpu.vector_load %arg14[%get3A_1775, %get3A_1776, %get3A_1777] {strides = array<i32>} : memref<2x80x128xf32, #tpu.memory_space<vmem>>, vector<16xf32>,
        %add3A_1779 = arith.addf %get3A_1774, %get3A_1778 : vector<16xf32>
        %max3A_1780 = arith.constant 0.000000e+00 : f32
        %max3A_1781 = vector.broadcast %max3A_1780 : f32 to vector<16xf32>
        %max3A_1782 = arith.maximumf %add3A_1779, %max3A_1781 : vector<16xf32>
        %mul3A_1783 = arith.mulf %get3A_17, %max3A_1782 : vector<16xf32>
        %add3A_1784 = arith.addf %add3A_1765, %mul3A_1783 : vector<16xf32>
        %min3A_1785 = arith.constant 0.000000e+00 : f32
        %min3A_1786 = vector.broadcast %min3A_1785 : f32 to vector<16xf32>
        %min3A_1787 = arith.minimumf %add3A_1779, %min3A_1786 : vector<16xf32>
        %mul3A_1788 = arith.mulf %get3A_33, %min3A_1787 : vector<16xf32>
        %add3A_1789 = arith.addf %add3A_1770, %mul3A_1788 : vector<16xf32>
        %eq3A_1790 = arith.constant 9 : i32
        %eq3A_1791 = vector.broadcast %eq3A_1790 : i32 to vector<16xi32>
        %eq3A_1792 = arith.cmpi eq, %iota3A, %eq3A_1791 : vector<16xi32>
        %add3A_1793 = arith.addf %add3A_1784, %add3A_1789 : vector<16xf32>
        %reduce_sum3A_1794 = arith.constant true
        %reduce_sum3A_1795 = vector.broadcast %reduce_sum3A_1794 : i1 to vector<16xi1>
        %reduce_sum3A_1796 = tpu.scan <sum>, %add3A_1793 masked %reduce_sum3A_1795 : vector<16xf32>, vector<16xi1> -> vector<16xf32>
        %reduce_sum3A_1797 = vector.extract %reduce_sum3A_1796[15] : f32 from vector<16xf32>
        %broadcast_in_dim3A_1798 = vector.broadcast %reduce_sum3A_1797 : f32 to vector<16xf32>
        %select_n3A_1799 = arith.select %eq3A_1792, %broadcast_in_dim3A_1798, %select_n3A_1631 : vector<16xi1>, vector<16xf32>
        %add3A_1800 = arith.constant 10 : i32
        %add3A_1801 = arith.addi %mul3A_122, %add3A_1800 : i32
        %broadcast_in_dim3A_1802 = arith.constant 0.000000e+00 : f32
        %broadcast_in_dim3A_1803 = vector.broadcast %broadcast_in_dim3A_1802 : f32 to vector<16xf32>
        %broadcast_in_dim3A_1804 = arith.constant 0.000000e+00 : f32
        %broadcast_in_dim3A_1805 = vector.broadcast %broadcast_in_dim3A_1804 : f32 to vector<16xf32>
        %get3A_1806 = arith.index_cast %rem3A_82 : i32 to index
        %get3A_1807 = arith.index_cast %add3A_1801 : i32 to index
        %get3A_1808 = arith.constant 0 : index
        %get3A_1809 = tpu.vector_load %arg13[%get3A_1806, %get3A_1807, %get3A_1808] {strides = array<i32>} : memref<2x80x128xf32, #tpu.memory_space<vmem>>, vector<16xf32>,
        %get3A_1810 = arith.index_cast %rem3A_82 : i32 to index
        %get3A_1811 = arith.index_cast %add3A_1801 : i32 to index
        %get3A_1812 = arith.constant 0 : index
        %get3A_1813 = tpu.vector_load %arg14[%get3A_1810, %get3A_1811, %get3A_1812] {strides = array<i32>} : memref<2x80x128xf32, #tpu.memory_space<vmem>>, vector<16xf32>,
        %add3A_1814 = arith.addf %get3A_1809, %get3A_1813 : vector<16xf32>
        %max3A_1815 = arith.constant 0.000000e+00 : f32
        %max3A_1816 = vector.broadcast %max3A_1815 : f32 to vector<16xf32>
        %max3A_1817 = arith.maximumf %add3A_1814, %max3A_1816 : vector<16xf32>
        %mul3A_1818 = arith.mulf %get3A_3, %max3A_1817 : vector<16xf32>
        %add3A_1819 = arith.addf %broadcast_in_dim3A_1803, %mul3A_1818 : vector<16xf32>
        %min3A_1820 = arith.constant 0.000000e+00 : f32
        %min3A_1821 = vector.broadcast %min3A_1820 : f32 to vector<16xf32>
        %min3A_1822 = arith.minimumf %add3A_1814, %min3A_1821 : vector<16xf32>
        %mul3A_1823 = arith.mulf %get3A_19, %min3A_1822 : vector<16xf32>
        %add3A_1824 = arith.addf %broadcast_in_dim3A_1805, %mul3A_1823 : vector<16xf32>
        %get3A_1825 = arith.index_cast %rem3A_82 : i32 to index
        %get3A_1826 = arith.index_cast %add3A_1801 : i32 to index
        %get3A_1827 = arith.constant 16 : index
        %get3A_1828 = tpu.vector_load %arg13[%get3A_1825, %get3A_1826, %get3A_1827] {strides = array<i32>} : memref<2x80x128xf32, #tpu.memory_space<vmem>>, vector<16xf32>,
        %get3A_1829 = arith.index_cast %rem3A_82 : i32 to index
        %get3A_1830 = arith.index_cast %add3A_1801 : i32 to index
        %get3A_1831 = arith.constant 16 : index
        %get3A_1832 = tpu.vector_load %arg14[%get3A_1829, %get3A_1830, %get3A_1831] {strides = array<i32>} : memref<2x80x128xf32, #tpu.memory_space<vmem>>, vector<16xf32>,
        %add3A_1833 = arith.addf %get3A_1828, %get3A_1832 : vector<16xf32>
        %max3A_1834 = arith.constant 0.000000e+00 : f32
        %max3A_1835 = vector.broadcast %max3A_1834 : f32 to vector<16xf32>
        %max3A_1836 = arith.maximumf %add3A_1833, %max3A_1835 : vector<16xf32>
        %mul3A_1837 = arith.mulf %get3A_5, %max3A_1836 : vector<16xf32>
        %add3A_1838 = arith.addf %add3A_1819, %mul3A_1837 : vector<16xf32>
        %min3A_1839 = arith.constant 0.000000e+00 : f32
        %min3A_1840 = vector.broadcast %min3A_1839 : f32 to vector<16xf32>
        %min3A_1841 = arith.minimumf %add3A_1833, %min3A_1840 : vector<16xf32>
        %mul3A_1842 = arith.mulf %get3A_21, %min3A_1841 : vector<16xf32>
        %add3A_1843 = arith.addf %add3A_1824, %mul3A_1842 : vector<16xf32>
        %get3A_1844 = arith.index_cast %rem3A_82 : i32 to index
        %get3A_1845 = arith.index_cast %add3A_1801 : i32 to index
        %get3A_1846 = arith.constant 32 : index
        %get3A_1847 = tpu.vector_load %arg13[%get3A_1844, %get3A_1845, %get3A_1846] {strides = array<i32>} : memref<2x80x128xf32, #tpu.memory_space<vmem>>, vector<16xf32>,
        %get3A_1848 = arith.index_cast %rem3A_82 : i32 to index
        %get3A_1849 = arith.index_cast %add3A_1801 : i32 to index
        %get3A_1850 = arith.constant 32 : index
        %get3A_1851 = tpu.vector_load %arg14[%get3A_1848, %get3A_1849, %get3A_1850] {strides = array<i32>} : memref<2x80x128xf32, #tpu.memory_space<vmem>>, vector<16xf32>,
        %add3A_1852 = arith.addf %get3A_1847, %get3A_1851 : vector<16xf32>
        %max3A_1853 = arith.constant 0.000000e+00 : f32
        %max3A_1854 = vector.broadcast %max3A_1853 : f32 to vector<16xf32>
        %max3A_1855 = arith.maximumf %add3A_1852, %max3A_1854 : vector<16xf32>
        %mul3A_1856 = arith.mulf %get3A_7, %max3A_1855 : vector<16xf32>
        %add3A_1857 = arith.addf %add3A_1838, %mul3A_1856 : vector<16xf32>
        %min3A_1858 = arith.constant 0.000000e+00 : f32
        %min3A_1859 = vector.broadcast %min3A_1858 : f32 to vector<16xf32>
        %min3A_1860 = arith.minimumf %add3A_1852, %min3A_1859 : vector<16xf32>
        %mul3A_1861 = arith.mulf %get3A_23, %min3A_1860 : vector<16xf32>
        %add3A_1862 = arith.addf %add3A_1843, %mul3A_1861 : vector<16xf32>
        %get3A_1863 = arith.index_cast %rem3A_82 : i32 to index
        %get3A_1864 = arith.index_cast %add3A_1801 : i32 to index
        %get3A_1865 = arith.constant 48 : index
        %get3A_1866 = tpu.vector_load %arg13[%get3A_1863, %get3A_1864, %get3A_1865] {strides = array<i32>} : memref<2x80x128xf32, #tpu.memory_space<vmem>>, vector<16xf32>,
        %get3A_1867 = arith.index_cast %rem3A_82 : i32 to index
        %get3A_1868 = arith.index_cast %add3A_1801 : i32 to index
        %get3A_1869 = arith.constant 48 : index
        %get3A_1870 = tpu.vector_load %arg14[%get3A_1867, %get3A_1868, %get3A_1869] {strides = array<i32>} : memref<2x80x128xf32, #tpu.memory_space<vmem>>, vector<16xf32>,
        %add3A_1871 = arith.addf %get3A_1866, %get3A_1870 : vector<16xf32>
        %max3A_1872 = arith.constant 0.000000e+00 : f32
        %max3A_1873 = vector.broadcast %max3A_1872 : f32 to vector<16xf32>
        %max3A_1874 = arith.maximumf %add3A_1871, %max3A_1873 : vector<16xf32>
        %mul3A_1875 = arith.mulf %get3A_9, %max3A_1874 : vector<16xf32>
        %add3A_1876 = arith.addf %add3A_1857, %mul3A_1875 : vector<16xf32>
        %min3A_1877 = arith.constant 0.000000e+00 : f32
        %min3A_1878 = vector.broadcast %min3A_1877 : f32 to vector<16xf32>
        %min3A_1879 = arith.minimumf %add3A_1871, %min3A_1878 : vector<16xf32>
        %mul3A_1880 = arith.mulf %get3A_25, %min3A_1879 : vector<16xf32>
        %add3A_1881 = arith.addf %add3A_1862, %mul3A_1880 : vector<16xf32>
        %get3A_1882 = arith.index_cast %rem3A_82 : i32 to index
        %get3A_1883 = arith.index_cast %add3A_1801 : i32 to index
        %get3A_1884 = arith.constant 64 : index
        %get3A_1885 = tpu.vector_load %arg13[%get3A_1882, %get3A_1883, %get3A_1884] {strides = array<i32>} : memref<2x80x128xf32, #tpu.memory_space<vmem>>, vector<16xf32>,
        %get3A_1886 = arith.index_cast %rem3A_82 : i32 to index
        %get3A_1887 = arith.index_cast %add3A_1801 : i32 to index
        %get3A_1888 = arith.constant 64 : index
        %get3A_1889 = tpu.vector_load %arg14[%get3A_1886, %get3A_1887, %get3A_1888] {strides = array<i32>} : memref<2x80x128xf32, #tpu.memory_space<vmem>>, vector<16xf32>,
        %add3A_1890 = arith.addf %get3A_1885, %get3A_1889 : vector<16xf32>
        %max3A_1891 = arith.constant 0.000000e+00 : f32
        %max3A_1892 = vector.broadcast %max3A_1891 : f32 to vector<16xf32>
        %max3A_1893 = arith.maximumf %add3A_1890, %max3A_1892 : vector<16xf32>
        %mul3A_1894 = arith.mulf %get3A_11, %max3A_1893 : vector<16xf32>
        %add3A_1895 = arith.addf %add3A_1876, %mul3A_1894 : vector<16xf32>
        %min3A_1896 = arith.constant 0.000000e+00 : f32
        %min3A_1897 = vector.broadcast %min3A_1896 : f32 to vector<16xf32>
        %min3A_1898 = arith.minimumf %add3A_1890, %min3A_1897 : vector<16xf32>
        %mul3A_1899 = arith.mulf %get3A_27, %min3A_1898 : vector<16xf32>
        %add3A_1900 = arith.addf %add3A_1881, %mul3A_1899 : vector<16xf32>
        %get3A_1901 = arith.index_cast %rem3A_82 : i32 to index
        %get3A_1902 = arith.index_cast %add3A_1801 : i32 to index
        %get3A_1903 = arith.constant 80 : index
        %get3A_1904 = tpu.vector_load %arg13[%get3A_1901, %get3A_1902, %get3A_1903] {strides = array<i32>} : memref<2x80x128xf32, #tpu.memory_space<vmem>>, vector<16xf32>,
        %get3A_1905 = arith.index_cast %rem3A_82 : i32 to index
        %get3A_1906 = arith.index_cast %add3A_1801 : i32 to index
        %get3A_1907 = arith.constant 80 : index
        %get3A_1908 = tpu.vector_load %arg14[%get3A_1905, %get3A_1906, %get3A_1907] {strides = array<i32>} : memref<2x80x128xf32, #tpu.memory_space<vmem>>, vector<16xf32>,
        %add3A_1909 = arith.addf %get3A_1904, %get3A_1908 : vector<16xf32>
        %max3A_1910 = arith.constant 0.000000e+00 : f32
        %max3A_1911 = vector.broadcast %max3A_1910 : f32 to vector<16xf32>
        %max3A_1912 = arith.maximumf %add3A_1909, %max3A_1911 : vector<16xf32>
        %mul3A_1913 = arith.mulf %get3A_13, %max3A_1912 : vector<16xf32>
        %add3A_1914 = arith.addf %add3A_1895, %mul3A_1913 : vector<16xf32>
        %min3A_1915 = arith.constant 0.000000e+00 : f32
        %min3A_1916 = vector.broadcast %min3A_1915 : f32 to vector<16xf32>
        %min3A_1917 = arith.minimumf %add3A_1909, %min3A_1916 : vector<16xf32>
        %mul3A_1918 = arith.mulf %get3A_29, %min3A_1917 : vector<16xf32>
        %add3A_1919 = arith.addf %add3A_1900, %mul3A_1918 : vector<16xf32>
        %get3A_1920 = arith.index_cast %rem3A_82 : i32 to index
        %get3A_1921 = arith.index_cast %add3A_1801 : i32 to index
        %get3A_1922 = arith.constant 96 : index
        %get3A_1923 = tpu.vector_load %arg13[%get3A_1920, %get3A_1921, %get3A_1922] {strides = array<i32>} : memref<2x80x128xf32, #tpu.memory_space<vmem>>, vector<16xf32>,
        %get3A_1924 = arith.index_cast %rem3A_82 : i32 to index
        %get3A_1925 = arith.index_cast %add3A_1801 : i32 to index
        %get3A_1926 = arith.constant 96 : index
        %get3A_1927 = tpu.vector_load %arg14[%get3A_1924, %get3A_1925, %get3A_1926] {strides = array<i32>} : memref<2x80x128xf32, #tpu.memory_space<vmem>>, vector<16xf32>,
        %add3A_1928 = arith.addf %get3A_1923, %get3A_1927 : vector<16xf32>
        %max3A_1929 = arith.constant 0.000000e+00 : f32
        %max3A_1930 = vector.broadcast %max3A_1929 : f32 to vector<16xf32>
        %max3A_1931 = arith.maximumf %add3A_1928, %max3A_1930 : vector<16xf32>
        %mul3A_1932 = arith.mulf %get3A_15, %max3A_1931 : vector<16xf32>
        %add3A_1933 = arith.addf %add3A_1914, %mul3A_1932 : vector<16xf32>
        %min3A_1934 = arith.constant 0.000000e+00 : f32
        %min3A_1935 = vector.broadcast %min3A_1934 : f32 to vector<16xf32>
        %min3A_1936 = arith.minimumf %add3A_1928, %min3A_1935 : vector<16xf32>
        %mul3A_1937 = arith.mulf %get3A_31, %min3A_1936 : vector<16xf32>
        %add3A_1938 = arith.addf %add3A_1919, %mul3A_1937 : vector<16xf32>
        %get3A_1939 = arith.index_cast %rem3A_82 : i32 to index
        %get3A_1940 = arith.index_cast %add3A_1801 : i32 to index
        %get3A_1941 = arith.constant 112 : index
        %get3A_1942 = tpu.vector_load %arg13[%get3A_1939, %get3A_1940, %get3A_1941] {strides = array<i32>} : memref<2x80x128xf32, #tpu.memory_space<vmem>>, vector<16xf32>,
        %get3A_1943 = arith.index_cast %rem3A_82 : i32 to index
        %get3A_1944 = arith.index_cast %add3A_1801 : i32 to index
        %get3A_1945 = arith.constant 112 : index
        %get3A_1946 = tpu.vector_load %arg14[%get3A_1943, %get3A_1944, %get3A_1945] {strides = array<i32>} : memref<2x80x128xf32, #tpu.memory_space<vmem>>, vector<16xf32>,
        %add3A_1947 = arith.addf %get3A_1942, %get3A_1946 : vector<16xf32>
        %max3A_1948 = arith.constant 0.000000e+00 : f32
        %max3A_1949 = vector.broadcast %max3A_1948 : f32 to vector<16xf32>
        %max3A_1950 = arith.maximumf %add3A_1947, %max3A_1949 : vector<16xf32>
        %mul3A_1951 = arith.mulf %get3A_17, %max3A_1950 : vector<16xf32>
        %add3A_1952 = arith.addf %add3A_1933, %mul3A_1951 : vector<16xf32>
        %min3A_1953 = arith.constant 0.000000e+00 : f32
        %min3A_1954 = vector.broadcast %min3A_1953 : f32 to vector<16xf32>
        %min3A_1955 = arith.minimumf %add3A_1947, %min3A_1954 : vector<16xf32>
        %mul3A_1956 = arith.mulf %get3A_33, %min3A_1955 : vector<16xf32>
        %add3A_1957 = arith.addf %add3A_1938, %mul3A_1956 : vector<16xf32>
        %eq3A_1958 = arith.constant 10 : i32
        %eq3A_1959 = vector.broadcast %eq3A_1958 : i32 to vector<16xi32>
        %eq3A_1960 = arith.cmpi eq, %iota3A, %eq3A_1959 : vector<16xi32>
        %add3A_1961 = arith.addf %add3A_1952, %add3A_1957 : vector<16xf32>
        %reduce_sum3A_1962 = arith.constant true
        %reduce_sum3A_1963 = vector.broadcast %reduce_sum3A_1962 : i1 to vector<16xi1>
        %reduce_sum3A_1964 = tpu.scan <sum>, %add3A_1961 masked %reduce_sum3A_1963 : vector<16xf32>, vector<16xi1> -> vector<16xf32>
        %reduce_sum3A_1965 = vector.extract %reduce_sum3A_1964[15] : f32 from vector<16xf32>
        %broadcast_in_dim3A_1966 = vector.broadcast %reduce_sum3A_1965 : f32 to vector<16xf32>
        %select_n3A_1967 = arith.select %eq3A_1960, %broadcast_in_dim3A_1966, %select_n3A_1799 : vector<16xi1>, vector<16xf32>
        %add3A_1968 = arith.constant 11 : i32
        %add3A_1969 = arith.addi %mul3A_122, %add3A_1968 : i32
        %broadcast_in_dim3A_1970 = arith.constant 0.000000e+00 : f32
        %broadcast_in_dim3A_1971 = vector.broadcast %broadcast_in_dim3A_1970 : f32 to vector<16xf32>
        %broadcast_in_dim3A_1972 = arith.constant 0.000000e+00 : f32
        %broadcast_in_dim3A_1973 = vector.broadcast %broadcast_in_dim3A_1972 : f32 to vector<16xf32>
        %get3A_1974 = arith.index_cast %rem3A_82 : i32 to index
        %get3A_1975 = arith.index_cast %add3A_1969 : i32 to index
        %get3A_1976 = arith.constant 0 : index
        %get3A_1977 = tpu.vector_load %arg13[%get3A_1974, %get3A_1975, %get3A_1976] {strides = array<i32>} : memref<2x80x128xf32, #tpu.memory_space<vmem>>, vector<16xf32>,
        %get3A_1978 = arith.index_cast %rem3A_82 : i32 to index
        %get3A_1979 = arith.index_cast %add3A_1969 : i32 to index
        %get3A_1980 = arith.constant 0 : index
        %get3A_1981 = tpu.vector_load %arg14[%get3A_1978, %get3A_1979, %get3A_1980] {strides = array<i32>} : memref<2x80x128xf32, #tpu.memory_space<vmem>>, vector<16xf32>,
        %add3A_1982 = arith.addf %get3A_1977, %get3A_1981 : vector<16xf32>
        %max3A_1983 = arith.constant 0.000000e+00 : f32
        %max3A_1984 = vector.broadcast %max3A_1983 : f32 to vector<16xf32>
        %max3A_1985 = arith.maximumf %add3A_1982, %max3A_1984 : vector<16xf32>
        %mul3A_1986 = arith.mulf %get3A_3, %max3A_1985 : vector<16xf32>
        %add3A_1987 = arith.addf %broadcast_in_dim3A_1971, %mul3A_1986 : vector<16xf32>
        %min3A_1988 = arith.constant 0.000000e+00 : f32
        %min3A_1989 = vector.broadcast %min3A_1988 : f32 to vector<16xf32>
        %min3A_1990 = arith.minimumf %add3A_1982, %min3A_1989 : vector<16xf32>
        %mul3A_1991 = arith.mulf %get3A_19, %min3A_1990 : vector<16xf32>
        %add3A_1992 = arith.addf %broadcast_in_dim3A_1973, %mul3A_1991 : vector<16xf32>
        %get3A_1993 = arith.index_cast %rem3A_82 : i32 to index
        %get3A_1994 = arith.index_cast %add3A_1969 : i32 to index
        %get3A_1995 = arith.constant 16 : index
        %get3A_1996 = tpu.vector_load %arg13[%get3A_1993, %get3A_1994, %get3A_1995] {strides = array<i32>} : memref<2x80x128xf32, #tpu.memory_space<vmem>>, vector<16xf32>,
        %get3A_1997 = arith.index_cast %rem3A_82 : i32 to index
        %get3A_1998 = arith.index_cast %add3A_1969 : i32 to index
        %get3A_1999 = arith.constant 16 : index
        %get3A_2000 = tpu.vector_load %arg14[%get3A_1997, %get3A_1998, %get3A_1999] {strides = array<i32>} : memref<2x80x128xf32, #tpu.memory_space<vmem>>, vector<16xf32>,
        %add3A_2001 = arith.addf %get3A_1996, %get3A_2000 : vector<16xf32>
        %max3A_2002 = arith.constant 0.000000e+00 : f32
        %max3A_2003 = vector.broadcast %max3A_2002 : f32 to vector<16xf32>
        %max3A_2004 = arith.maximumf %add3A_2001, %max3A_2003 : vector<16xf32>
        %mul3A_2005 = arith.mulf %get3A_5, %max3A_2004 : vector<16xf32>
        %add3A_2006 = arith.addf %add3A_1987, %mul3A_2005 : vector<16xf32>
        %min3A_2007 = arith.constant 0.000000e+00 : f32
        %min3A_2008 = vector.broadcast %min3A_2007 : f32 to vector<16xf32>
        %min3A_2009 = arith.minimumf %add3A_2001, %min3A_2008 : vector<16xf32>
        %mul3A_2010 = arith.mulf %get3A_21, %min3A_2009 : vector<16xf32>
        %add3A_2011 = arith.addf %add3A_1992, %mul3A_2010 : vector<16xf32>
        %get3A_2012 = arith.index_cast %rem3A_82 : i32 to index
        %get3A_2013 = arith.index_cast %add3A_1969 : i32 to index
        %get3A_2014 = arith.constant 32 : index
        %get3A_2015 = tpu.vector_load %arg13[%get3A_2012, %get3A_2013, %get3A_2014] {strides = array<i32>} : memref<2x80x128xf32, #tpu.memory_space<vmem>>, vector<16xf32>,
        %get3A_2016 = arith.index_cast %rem3A_82 : i32 to index
        %get3A_2017 = arith.index_cast %add3A_1969 : i32 to index
        %get3A_2018 = arith.constant 32 : index
        %get3A_2019 = tpu.vector_load %arg14[%get3A_2016, %get3A_2017, %get3A_2018] {strides = array<i32>} : memref<2x80x128xf32, #tpu.memory_space<vmem>>, vector<16xf32>,
        %add3A_2020 = arith.addf %get3A_2015, %get3A_2019 : vector<16xf32>
        %max3A_2021 = arith.constant 0.000000e+00 : f32
        %max3A_2022 = vector.broadcast %max3A_2021 : f32 to vector<16xf32>
        %max3A_2023 = arith.maximumf %add3A_2020, %max3A_2022 : vector<16xf32>
        %mul3A_2024 = arith.mulf %get3A_7, %max3A_2023 : vector<16xf32>
        %add3A_2025 = arith.addf %add3A_2006, %mul3A_2024 : vector<16xf32>
        %min3A_2026 = arith.constant 0.000000e+00 : f32
        %min3A_2027 = vector.broadcast %min3A_2026 : f32 to vector<16xf32>
        %min3A_2028 = arith.minimumf %add3A_2020, %min3A_2027 : vector<16xf32>
        %mul3A_2029 = arith.mulf %get3A_23, %min3A_2028 : vector<16xf32>
        %add3A_2030 = arith.addf %add3A_2011, %mul3A_2029 : vector<16xf32>
        %get3A_2031 = arith.index_cast %rem3A_82 : i32 to index
        %get3A_2032 = arith.index_cast %add3A_1969 : i32 to index
        %get3A_2033 = arith.constant 48 : index
        %get3A_2034 = tpu.vector_load %arg13[%get3A_2031, %get3A_2032, %get3A_2033] {strides = array<i32>} : memref<2x80x128xf32, #tpu.memory_space<vmem>>, vector<16xf32>,
        %get3A_2035 = arith.index_cast %rem3A_82 : i32 to index
        %get3A_2036 = arith.index_cast %add3A_1969 : i32 to index
        %get3A_2037 = arith.constant 48 : index
        %get3A_2038 = tpu.vector_load %arg14[%get3A_2035, %get3A_2036, %get3A_2037] {strides = array<i32>} : memref<2x80x128xf32, #tpu.memory_space<vmem>>, vector<16xf32>,
        %add3A_2039 = arith.addf %get3A_2034, %get3A_2038 : vector<16xf32>
        %max3A_2040 = arith.constant 0.000000e+00 : f32
        %max3A_2041 = vector.broadcast %max3A_2040 : f32 to vector<16xf32>
        %max3A_2042 = arith.maximumf %add3A_2039, %max3A_2041 : vector<16xf32>
        %mul3A_2043 = arith.mulf %get3A_9, %max3A_2042 : vector<16xf32>
        %add3A_2044 = arith.addf %add3A_2025, %mul3A_2043 : vector<16xf32>
        %min3A_2045 = arith.constant 0.000000e+00 : f32
        %min3A_2046 = vector.broadcast %min3A_2045 : f32 to vector<16xf32>
        %min3A_2047 = arith.minimumf %add3A_2039, %min3A_2046 : vector<16xf32>
        %mul3A_2048 = arith.mulf %get3A_25, %min3A_2047 : vector<16xf32>
        %add3A_2049 = arith.addf %add3A_2030, %mul3A_2048 : vector<16xf32>
        %get3A_2050 = arith.index_cast %rem3A_82 : i32 to index
        %get3A_2051 = arith.index_cast %add3A_1969 : i32 to index
        %get3A_2052 = arith.constant 64 : index
        %get3A_2053 = tpu.vector_load %arg13[%get3A_2050, %get3A_2051, %get3A_2052] {strides = array<i32>} : memref<2x80x128xf32, #tpu.memory_space<vmem>>, vector<16xf32>,
        %get3A_2054 = arith.index_cast %rem3A_82 : i32 to index
        %get3A_2055 = arith.index_cast %add3A_1969 : i32 to index
        %get3A_2056 = arith.constant 64 : index
        %get3A_2057 = tpu.vector_load %arg14[%get3A_2054, %get3A_2055, %get3A_2056] {strides = array<i32>} : memref<2x80x128xf32, #tpu.memory_space<vmem>>, vector<16xf32>,
        %add3A_2058 = arith.addf %get3A_2053, %get3A_2057 : vector<16xf32>
        %max3A_2059 = arith.constant 0.000000e+00 : f32
        %max3A_2060 = vector.broadcast %max3A_2059 : f32 to vector<16xf32>
        %max3A_2061 = arith.maximumf %add3A_2058, %max3A_2060 : vector<16xf32>
        %mul3A_2062 = arith.mulf %get3A_11, %max3A_2061 : vector<16xf32>
        %add3A_2063 = arith.addf %add3A_2044, %mul3A_2062 : vector<16xf32>
        %min3A_2064 = arith.constant 0.000000e+00 : f32
        %min3A_2065 = vector.broadcast %min3A_2064 : f32 to vector<16xf32>
        %min3A_2066 = arith.minimumf %add3A_2058, %min3A_2065 : vector<16xf32>
        %mul3A_2067 = arith.mulf %get3A_27, %min3A_2066 : vector<16xf32>
        %add3A_2068 = arith.addf %add3A_2049, %mul3A_2067 : vector<16xf32>
        %get3A_2069 = arith.index_cast %rem3A_82 : i32 to index
        %get3A_2070 = arith.index_cast %add3A_1969 : i32 to index
        %get3A_2071 = arith.constant 80 : index
        %get3A_2072 = tpu.vector_load %arg13[%get3A_2069, %get3A_2070, %get3A_2071] {strides = array<i32>} : memref<2x80x128xf32, #tpu.memory_space<vmem>>, vector<16xf32>,
        %get3A_2073 = arith.index_cast %rem3A_82 : i32 to index
        %get3A_2074 = arith.index_cast %add3A_1969 : i32 to index
        %get3A_2075 = arith.constant 80 : index
        %get3A_2076 = tpu.vector_load %arg14[%get3A_2073, %get3A_2074, %get3A_2075] {strides = array<i32>} : memref<2x80x128xf32, #tpu.memory_space<vmem>>, vector<16xf32>,
        %add3A_2077 = arith.addf %get3A_2072, %get3A_2076 : vector<16xf32>
        %max3A_2078 = arith.constant 0.000000e+00 : f32
        %max3A_2079 = vector.broadcast %max3A_2078 : f32 to vector<16xf32>
        %max3A_2080 = arith.maximumf %add3A_2077, %max3A_2079 : vector<16xf32>
        %mul3A_2081 = arith.mulf %get3A_13, %max3A_2080 : vector<16xf32>
        %add3A_2082 = arith.addf %add3A_2063, %mul3A_2081 : vector<16xf32>
        %min3A_2083 = arith.constant 0.000000e+00 : f32
        %min3A_2084 = vector.broadcast %min3A_2083 : f32 to vector<16xf32>
        %min3A_2085 = arith.minimumf %add3A_2077, %min3A_2084 : vector<16xf32>
        %mul3A_2086 = arith.mulf %get3A_29, %min3A_2085 : vector<16xf32>
        %add3A_2087 = arith.addf %add3A_2068, %mul3A_2086 : vector<16xf32>
        %get3A_2088 = arith.index_cast %rem3A_82 : i32 to index
        %get3A_2089 = arith.index_cast %add3A_1969 : i32 to index
        %get3A_2090 = arith.constant 96 : index
        %get3A_2091 = tpu.vector_load %arg13[%get3A_2088, %get3A_2089, %get3A_2090] {strides = array<i32>} : memref<2x80x128xf32, #tpu.memory_space<vmem>>, vector<16xf32>,
        %get3A_2092 = arith.index_cast %rem3A_82 : i32 to index
        %get3A_2093 = arith.index_cast %add3A_1969 : i32 to index
        %get3A_2094 = arith.constant 96 : index
        %get3A_2095 = tpu.vector_load %arg14[%get3A_2092, %get3A_2093, %get3A_2094] {strides = array<i32>} : memref<2x80x128xf32, #tpu.memory_space<vmem>>, vector<16xf32>,
        %add3A_2096 = arith.addf %get3A_2091, %get3A_2095 : vector<16xf32>
        %max3A_2097 = arith.constant 0.000000e+00 : f32
        %max3A_2098 = vector.broadcast %max3A_2097 : f32 to vector<16xf32>
        %max3A_2099 = arith.maximumf %add3A_2096, %max3A_2098 : vector<16xf32>
        %mul3A_2100 = arith.mulf %get3A_15, %max3A_2099 : vector<16xf32>
        %add3A_2101 = arith.addf %add3A_2082, %mul3A_2100 : vector<16xf32>
        %min3A_2102 = arith.constant 0.000000e+00 : f32
        %min3A_2103 = vector.broadcast %min3A_2102 : f32 to vector<16xf32>
        %min3A_2104 = arith.minimumf %add3A_2096, %min3A_2103 : vector<16xf32>
        %mul3A_2105 = arith.mulf %get3A_31, %min3A_2104 : vector<16xf32>
        %add3A_2106 = arith.addf %add3A_2087, %mul3A_2105 : vector<16xf32>
        %get3A_2107 = arith.index_cast %rem3A_82 : i32 to index
        %get3A_2108 = arith.index_cast %add3A_1969 : i32 to index
        %get3A_2109 = arith.constant 112 : index
        %get3A_2110 = tpu.vector_load %arg13[%get3A_2107, %get3A_2108, %get3A_2109] {strides = array<i32>} : memref<2x80x128xf32, #tpu.memory_space<vmem>>, vector<16xf32>,
        %get3A_2111 = arith.index_cast %rem3A_82 : i32 to index
        %get3A_2112 = arith.index_cast %add3A_1969 : i32 to index
        %get3A_2113 = arith.constant 112 : index
        %get3A_2114 = tpu.vector_load %arg14[%get3A_2111, %get3A_2112, %get3A_2113] {strides = array<i32>} : memref<2x80x128xf32, #tpu.memory_space<vmem>>, vector<16xf32>,
        %add3A_2115 = arith.addf %get3A_2110, %get3A_2114 : vector<16xf32>
        %max3A_2116 = arith.constant 0.000000e+00 : f32
        %max3A_2117 = vector.broadcast %max3A_2116 : f32 to vector<16xf32>
        %max3A_2118 = arith.maximumf %add3A_2115, %max3A_2117 : vector<16xf32>
        %mul3A_2119 = arith.mulf %get3A_17, %max3A_2118 : vector<16xf32>
        %add3A_2120 = arith.addf %add3A_2101, %mul3A_2119 : vector<16xf32>
        %min3A_2121 = arith.constant 0.000000e+00 : f32
        %min3A_2122 = vector.broadcast %min3A_2121 : f32 to vector<16xf32>
        %min3A_2123 = arith.minimumf %add3A_2115, %min3A_2122 : vector<16xf32>
        %mul3A_2124 = arith.mulf %get3A_33, %min3A_2123 : vector<16xf32>
        %add3A_2125 = arith.addf %add3A_2106, %mul3A_2124 : vector<16xf32>
        %eq3A_2126 = arith.constant 11 : i32
        %eq3A_2127 = vector.broadcast %eq3A_2126 : i32 to vector<16xi32>
        %eq3A_2128 = arith.cmpi eq, %iota3A, %eq3A_2127 : vector<16xi32>
        %add3A_2129 = arith.addf %add3A_2120, %add3A_2125 : vector<16xf32>
        %reduce_sum3A_2130 = arith.constant true
        %reduce_sum3A_2131 = vector.broadcast %reduce_sum3A_2130 : i1 to vector<16xi1>
        %reduce_sum3A_2132 = tpu.scan <sum>, %add3A_2129 masked %reduce_sum3A_2131 : vector<16xf32>, vector<16xi1> -> vector<16xf32>
        %reduce_sum3A_2133 = vector.extract %reduce_sum3A_2132[15] : f32 from vector<16xf32>
        %broadcast_in_dim3A_2134 = vector.broadcast %reduce_sum3A_2133 : f32 to vector<16xf32>
        %select_n3A_2135 = arith.select %eq3A_2128, %broadcast_in_dim3A_2134, %select_n3A_1967 : vector<16xi1>, vector<16xf32>
        %add3A_2136 = arith.constant 12 : i32
        %add3A_2137 = arith.addi %mul3A_122, %add3A_2136 : i32
        %broadcast_in_dim3A_2138 = arith.constant 0.000000e+00 : f32
        %broadcast_in_dim3A_2139 = vector.broadcast %broadcast_in_dim3A_2138 : f32 to vector<16xf32>
        %broadcast_in_dim3A_2140 = arith.constant 0.000000e+00 : f32
        %broadcast_in_dim3A_2141 = vector.broadcast %broadcast_in_dim3A_2140 : f32 to vector<16xf32>
        %get3A_2142 = arith.index_cast %rem3A_82 : i32 to index
        %get3A_2143 = arith.index_cast %add3A_2137 : i32 to index
        %get3A_2144 = arith.constant 0 : index
        %get3A_2145 = tpu.vector_load %arg13[%get3A_2142, %get3A_2143, %get3A_2144] {strides = array<i32>} : memref<2x80x128xf32, #tpu.memory_space<vmem>>, vector<16xf32>,
        %get3A_2146 = arith.index_cast %rem3A_82 : i32 to index
        %get3A_2147 = arith.index_cast %add3A_2137 : i32 to index
        %get3A_2148 = arith.constant 0 : index
        %get3A_2149 = tpu.vector_load %arg14[%get3A_2146, %get3A_2147, %get3A_2148] {strides = array<i32>} : memref<2x80x128xf32, #tpu.memory_space<vmem>>, vector<16xf32>,
        %add3A_2150 = arith.addf %get3A_2145, %get3A_2149 : vector<16xf32>
        %max3A_2151 = arith.constant 0.000000e+00 : f32
        %max3A_2152 = vector.broadcast %max3A_2151 : f32 to vector<16xf32>
        %max3A_2153 = arith.maximumf %add3A_2150, %max3A_2152 : vector<16xf32>
        %mul3A_2154 = arith.mulf %get3A_3, %max3A_2153 : vector<16xf32>
        %add3A_2155 = arith.addf %broadcast_in_dim3A_2139, %mul3A_2154 : vector<16xf32>
        %min3A_2156 = arith.constant 0.000000e+00 : f32
        %min3A_2157 = vector.broadcast %min3A_2156 : f32 to vector<16xf32>
        %min3A_2158 = arith.minimumf %add3A_2150, %min3A_2157 : vector<16xf32>
        %mul3A_2159 = arith.mulf %get3A_19, %min3A_2158 : vector<16xf32>
        %add3A_2160 = arith.addf %broadcast_in_dim3A_2141, %mul3A_2159 : vector<16xf32>
        %get3A_2161 = arith.index_cast %rem3A_82 : i32 to index
        %get3A_2162 = arith.index_cast %add3A_2137 : i32 to index
        %get3A_2163 = arith.constant 16 : index
        %get3A_2164 = tpu.vector_load %arg13[%get3A_2161, %get3A_2162, %get3A_2163] {strides = array<i32>} : memref<2x80x128xf32, #tpu.memory_space<vmem>>, vector<16xf32>,
        %get3A_2165 = arith.index_cast %rem3A_82 : i32 to index
        %get3A_2166 = arith.index_cast %add3A_2137 : i32 to index
        %get3A_2167 = arith.constant 16 : index
        %get3A_2168 = tpu.vector_load %arg14[%get3A_2165, %get3A_2166, %get3A_2167] {strides = array<i32>} : memref<2x80x128xf32, #tpu.memory_space<vmem>>, vector<16xf32>,
        %add3A_2169 = arith.addf %get3A_2164, %get3A_2168 : vector<16xf32>
        %max3A_2170 = arith.constant 0.000000e+00 : f32
        %max3A_2171 = vector.broadcast %max3A_2170 : f32 to vector<16xf32>
        %max3A_2172 = arith.maximumf %add3A_2169, %max3A_2171 : vector<16xf32>
        %mul3A_2173 = arith.mulf %get3A_5, %max3A_2172 : vector<16xf32>
        %add3A_2174 = arith.addf %add3A_2155, %mul3A_2173 : vector<16xf32>
        %min3A_2175 = arith.constant 0.000000e+00 : f32
        %min3A_2176 = vector.broadcast %min3A_2175 : f32 to vector<16xf32>
        %min3A_2177 = arith.minimumf %add3A_2169, %min3A_2176 : vector<16xf32>
        %mul3A_2178 = arith.mulf %get3A_21, %min3A_2177 : vector<16xf32>
        %add3A_2179 = arith.addf %add3A_2160, %mul3A_2178 : vector<16xf32>
        %get3A_2180 = arith.index_cast %rem3A_82 : i32 to index
        %get3A_2181 = arith.index_cast %add3A_2137 : i32 to index
        %get3A_2182 = arith.constant 32 : index
        %get3A_2183 = tpu.vector_load %arg13[%get3A_2180, %get3A_2181, %get3A_2182] {strides = array<i32>} : memref<2x80x128xf32, #tpu.memory_space<vmem>>, vector<16xf32>,
        %get3A_2184 = arith.index_cast %rem3A_82 : i32 to index
        %get3A_2185 = arith.index_cast %add3A_2137 : i32 to index
        %get3A_2186 = arith.constant 32 : index
        %get3A_2187 = tpu.vector_load %arg14[%get3A_2184, %get3A_2185, %get3A_2186] {strides = array<i32>} : memref<2x80x128xf32, #tpu.memory_space<vmem>>, vector<16xf32>,
        %add3A_2188 = arith.addf %get3A_2183, %get3A_2187 : vector<16xf32>
        %max3A_2189 = arith.constant 0.000000e+00 : f32
        %max3A_2190 = vector.broadcast %max3A_2189 : f32 to vector<16xf32>
        %max3A_2191 = arith.maximumf %add3A_2188, %max3A_2190 : vector<16xf32>
        %mul3A_2192 = arith.mulf %get3A_7, %max3A_2191 : vector<16xf32>
        %add3A_2193 = arith.addf %add3A_2174, %mul3A_2192 : vector<16xf32>
        %min3A_2194 = arith.constant 0.000000e+00 : f32
        %min3A_2195 = vector.broadcast %min3A_2194 : f32 to vector<16xf32>
        %min3A_2196 = arith.minimumf %add3A_2188, %min3A_2195 : vector<16xf32>
        %mul3A_2197 = arith.mulf %get3A_23, %min3A_2196 : vector<16xf32>
        %add3A_2198 = arith.addf %add3A_2179, %mul3A_2197 : vector<16xf32>
        %get3A_2199 = arith.index_cast %rem3A_82 : i32 to index
        %get3A_2200 = arith.index_cast %add3A_2137 : i32 to index
        %get3A_2201 = arith.constant 48 : index
        %get3A_2202 = tpu.vector_load %arg13[%get3A_2199, %get3A_2200, %get3A_2201] {strides = array<i32>} : memref<2x80x128xf32, #tpu.memory_space<vmem>>, vector<16xf32>,
        %get3A_2203 = arith.index_cast %rem3A_82 : i32 to index
        %get3A_2204 = arith.index_cast %add3A_2137 : i32 to index
        %get3A_2205 = arith.constant 48 : index
        %get3A_2206 = tpu.vector_load %arg14[%get3A_2203, %get3A_2204, %get3A_2205] {strides = array<i32>} : memref<2x80x128xf32, #tpu.memory_space<vmem>>, vector<16xf32>,
        %add3A_2207 = arith.addf %get3A_2202, %get3A_2206 : vector<16xf32>
        %max3A_2208 = arith.constant 0.000000e+00 : f32
        %max3A_2209 = vector.broadcast %max3A_2208 : f32 to vector<16xf32>
        %max3A_2210 = arith.maximumf %add3A_2207, %max3A_2209 : vector<16xf32>
        %mul3A_2211 = arith.mulf %get3A_9, %max3A_2210 : vector<16xf32>
        %add3A_2212 = arith.addf %add3A_2193, %mul3A_2211 : vector<16xf32>
        %min3A_2213 = arith.constant 0.000000e+00 : f32
        %min3A_2214 = vector.broadcast %min3A_2213 : f32 to vector<16xf32>
        %min3A_2215 = arith.minimumf %add3A_2207, %min3A_2214 : vector<16xf32>
        %mul3A_2216 = arith.mulf %get3A_25, %min3A_2215 : vector<16xf32>
        %add3A_2217 = arith.addf %add3A_2198, %mul3A_2216 : vector<16xf32>
        %get3A_2218 = arith.index_cast %rem3A_82 : i32 to index
        %get3A_2219 = arith.index_cast %add3A_2137 : i32 to index
        %get3A_2220 = arith.constant 64 : index
        %get3A_2221 = tpu.vector_load %arg13[%get3A_2218, %get3A_2219, %get3A_2220] {strides = array<i32>} : memref<2x80x128xf32, #tpu.memory_space<vmem>>, vector<16xf32>,
        %get3A_2222 = arith.index_cast %rem3A_82 : i32 to index
        %get3A_2223 = arith.index_cast %add3A_2137 : i32 to index
        %get3A_2224 = arith.constant 64 : index
        %get3A_2225 = tpu.vector_load %arg14[%get3A_2222, %get3A_2223, %get3A_2224] {strides = array<i32>} : memref<2x80x128xf32, #tpu.memory_space<vmem>>, vector<16xf32>,
        %add3A_2226 = arith.addf %get3A_2221, %get3A_2225 : vector<16xf32>
        %max3A_2227 = arith.constant 0.000000e+00 : f32
        %max3A_2228 = vector.broadcast %max3A_2227 : f32 to vector<16xf32>
        %max3A_2229 = arith.maximumf %add3A_2226, %max3A_2228 : vector<16xf32>
        %mul3A_2230 = arith.mulf %get3A_11, %max3A_2229 : vector<16xf32>
        %add3A_2231 = arith.addf %add3A_2212, %mul3A_2230 : vector<16xf32>
        %min3A_2232 = arith.constant 0.000000e+00 : f32
        %min3A_2233 = vector.broadcast %min3A_2232 : f32 to vector<16xf32>
        %min3A_2234 = arith.minimumf %add3A_2226, %min3A_2233 : vector<16xf32>
        %mul3A_2235 = arith.mulf %get3A_27, %min3A_2234 : vector<16xf32>
        %add3A_2236 = arith.addf %add3A_2217, %mul3A_2235 : vector<16xf32>
        %get3A_2237 = arith.index_cast %rem3A_82 : i32 to index
        %get3A_2238 = arith.index_cast %add3A_2137 : i32 to index
        %get3A_2239 = arith.constant 80 : index
        %get3A_2240 = tpu.vector_load %arg13[%get3A_2237, %get3A_2238, %get3A_2239] {strides = array<i32>} : memref<2x80x128xf32, #tpu.memory_space<vmem>>, vector<16xf32>,
        %get3A_2241 = arith.index_cast %rem3A_82 : i32 to index
        %get3A_2242 = arith.index_cast %add3A_2137 : i32 to index
        %get3A_2243 = arith.constant 80 : index
        %get3A_2244 = tpu.vector_load %arg14[%get3A_2241, %get3A_2242, %get3A_2243] {strides = array<i32>} : memref<2x80x128xf32, #tpu.memory_space<vmem>>, vector<16xf32>,
        %add3A_2245 = arith.addf %get3A_2240, %get3A_2244 : vector<16xf32>
        %max3A_2246 = arith.constant 0.000000e+00 : f32
        %max3A_2247 = vector.broadcast %max3A_2246 : f32 to vector<16xf32>
        %max3A_2248 = arith.maximumf %add3A_2245, %max3A_2247 : vector<16xf32>
        %mul3A_2249 = arith.mulf %get3A_13, %max3A_2248 : vector<16xf32>
        %add3A_2250 = arith.addf %add3A_2231, %mul3A_2249 : vector<16xf32>
        %min3A_2251 = arith.constant 0.000000e+00 : f32
        %min3A_2252 = vector.broadcast %min3A_2251 : f32 to vector<16xf32>
        %min3A_2253 = arith.minimumf %add3A_2245, %min3A_2252 : vector<16xf32>
        %mul3A_2254 = arith.mulf %get3A_29, %min3A_2253 : vector<16xf32>
        %add3A_2255 = arith.addf %add3A_2236, %mul3A_2254 : vector<16xf32>
        %get3A_2256 = arith.index_cast %rem3A_82 : i32 to index
        %get3A_2257 = arith.index_cast %add3A_2137 : i32 to index
        %get3A_2258 = arith.constant 96 : index
        %get3A_2259 = tpu.vector_load %arg13[%get3A_2256, %get3A_2257, %get3A_2258] {strides = array<i32>} : memref<2x80x128xf32, #tpu.memory_space<vmem>>, vector<16xf32>,
        %get3A_2260 = arith.index_cast %rem3A_82 : i32 to index
        %get3A_2261 = arith.index_cast %add3A_2137 : i32 to index
        %get3A_2262 = arith.constant 96 : index
        %get3A_2263 = tpu.vector_load %arg14[%get3A_2260, %get3A_2261, %get3A_2262] {strides = array<i32>} : memref<2x80x128xf32, #tpu.memory_space<vmem>>, vector<16xf32>,
        %add3A_2264 = arith.addf %get3A_2259, %get3A_2263 : vector<16xf32>
        %max3A_2265 = arith.constant 0.000000e+00 : f32
        %max3A_2266 = vector.broadcast %max3A_2265 : f32 to vector<16xf32>
        %max3A_2267 = arith.maximumf %add3A_2264, %max3A_2266 : vector<16xf32>
        %mul3A_2268 = arith.mulf %get3A_15, %max3A_2267 : vector<16xf32>
        %add3A_2269 = arith.addf %add3A_2250, %mul3A_2268 : vector<16xf32>
        %min3A_2270 = arith.constant 0.000000e+00 : f32
        %min3A_2271 = vector.broadcast %min3A_2270 : f32 to vector<16xf32>
        %min3A_2272 = arith.minimumf %add3A_2264, %min3A_2271 : vector<16xf32>
        %mul3A_2273 = arith.mulf %get3A_31, %min3A_2272 : vector<16xf32>
        %add3A_2274 = arith.addf %add3A_2255, %mul3A_2273 : vector<16xf32>
        %get3A_2275 = arith.index_cast %rem3A_82 : i32 to index
        %get3A_2276 = arith.index_cast %add3A_2137 : i32 to index
        %get3A_2277 = arith.constant 112 : index
        %get3A_2278 = tpu.vector_load %arg13[%get3A_2275, %get3A_2276, %get3A_2277] {strides = array<i32>} : memref<2x80x128xf32, #tpu.memory_space<vmem>>, vector<16xf32>,
        %get3A_2279 = arith.index_cast %rem3A_82 : i32 to index
        %get3A_2280 = arith.index_cast %add3A_2137 : i32 to index
        %get3A_2281 = arith.constant 112 : index
        %get3A_2282 = tpu.vector_load %arg14[%get3A_2279, %get3A_2280, %get3A_2281] {strides = array<i32>} : memref<2x80x128xf32, #tpu.memory_space<vmem>>, vector<16xf32>,
        %add3A_2283 = arith.addf %get3A_2278, %get3A_2282 : vector<16xf32>
        %max3A_2284 = arith.constant 0.000000e+00 : f32
        %max3A_2285 = vector.broadcast %max3A_2284 : f32 to vector<16xf32>
        %max3A_2286 = arith.maximumf %add3A_2283, %max3A_2285 : vector<16xf32>
        %mul3A_2287 = arith.mulf %get3A_17, %max3A_2286 : vector<16xf32>
        %add3A_2288 = arith.addf %add3A_2269, %mul3A_2287 : vector<16xf32>
        %min3A_2289 = arith.constant 0.000000e+00 : f32
        %min3A_2290 = vector.broadcast %min3A_2289 : f32 to vector<16xf32>
        %min3A_2291 = arith.minimumf %add3A_2283, %min3A_2290 : vector<16xf32>
        %mul3A_2292 = arith.mulf %get3A_33, %min3A_2291 : vector<16xf32>
        %add3A_2293 = arith.addf %add3A_2274, %mul3A_2292 : vector<16xf32>
        %eq3A_2294 = arith.constant 12 : i32
        %eq3A_2295 = vector.broadcast %eq3A_2294 : i32 to vector<16xi32>
        %eq3A_2296 = arith.cmpi eq, %iota3A, %eq3A_2295 : vector<16xi32>
        %add3A_2297 = arith.addf %add3A_2288, %add3A_2293 : vector<16xf32>
        %reduce_sum3A_2298 = arith.constant true
        %reduce_sum3A_2299 = vector.broadcast %reduce_sum3A_2298 : i1 to vector<16xi1>
        %reduce_sum3A_2300 = tpu.scan <sum>, %add3A_2297 masked %reduce_sum3A_2299 : vector<16xf32>, vector<16xi1> -> vector<16xf32>
        %reduce_sum3A_2301 = vector.extract %reduce_sum3A_2300[15] : f32 from vector<16xf32>
        %broadcast_in_dim3A_2302 = vector.broadcast %reduce_sum3A_2301 : f32 to vector<16xf32>
        %select_n3A_2303 = arith.select %eq3A_2296, %broadcast_in_dim3A_2302, %select_n3A_2135 : vector<16xi1>, vector<16xf32>
        %add3A_2304 = arith.constant 13 : i32
        %add3A_2305 = arith.addi %mul3A_122, %add3A_2304 : i32
        %broadcast_in_dim3A_2306 = arith.constant 0.000000e+00 : f32
        %broadcast_in_dim3A_2307 = vector.broadcast %broadcast_in_dim3A_2306 : f32 to vector<16xf32>
        %broadcast_in_dim3A_2308 = arith.constant 0.000000e+00 : f32
        %broadcast_in_dim3A_2309 = vector.broadcast %broadcast_in_dim3A_2308 : f32 to vector<16xf32>
        %get3A_2310 = arith.index_cast %rem3A_82 : i32 to index
        %get3A_2311 = arith.index_cast %add3A_2305 : i32 to index
        %get3A_2312 = arith.constant 0 : index
        %get3A_2313 = tpu.vector_load %arg13[%get3A_2310, %get3A_2311, %get3A_2312] {strides = array<i32>} : memref<2x80x128xf32, #tpu.memory_space<vmem>>, vector<16xf32>,
        %get3A_2314 = arith.index_cast %rem3A_82 : i32 to index
        %get3A_2315 = arith.index_cast %add3A_2305 : i32 to index
        %get3A_2316 = arith.constant 0 : index
        %get3A_2317 = tpu.vector_load %arg14[%get3A_2314, %get3A_2315, %get3A_2316] {strides = array<i32>} : memref<2x80x128xf32, #tpu.memory_space<vmem>>, vector<16xf32>,
        %add3A_2318 = arith.addf %get3A_2313, %get3A_2317 : vector<16xf32>
        %max3A_2319 = arith.constant 0.000000e+00 : f32
        %max3A_2320 = vector.broadcast %max3A_2319 : f32 to vector<16xf32>
        %max3A_2321 = arith.maximumf %add3A_2318, %max3A_2320 : vector<16xf32>
        %mul3A_2322 = arith.mulf %get3A_3, %max3A_2321 : vector<16xf32>
        %add3A_2323 = arith.addf %broadcast_in_dim3A_2307, %mul3A_2322 : vector<16xf32>
        %min3A_2324 = arith.constant 0.000000e+00 : f32
        %min3A_2325 = vector.broadcast %min3A_2324 : f32 to vector<16xf32>
        %min3A_2326 = arith.minimumf %add3A_2318, %min3A_2325 : vector<16xf32>
        %mul3A_2327 = arith.mulf %get3A_19, %min3A_2326 : vector<16xf32>
        %add3A_2328 = arith.addf %broadcast_in_dim3A_2309, %mul3A_2327 : vector<16xf32>
        %get3A_2329 = arith.index_cast %rem3A_82 : i32 to index
        %get3A_2330 = arith.index_cast %add3A_2305 : i32 to index
        %get3A_2331 = arith.constant 16 : index
        %get3A_2332 = tpu.vector_load %arg13[%get3A_2329, %get3A_2330, %get3A_2331] {strides = array<i32>} : memref<2x80x128xf32, #tpu.memory_space<vmem>>, vector<16xf32>,
        %get3A_2333 = arith.index_cast %rem3A_82 : i32 to index
        %get3A_2334 = arith.index_cast %add3A_2305 : i32 to index
        %get3A_2335 = arith.constant 16 : index
        %get3A_2336 = tpu.vector_load %arg14[%get3A_2333, %get3A_2334, %get3A_2335] {strides = array<i32>} : memref<2x80x128xf32, #tpu.memory_space<vmem>>, vector<16xf32>,
        %add3A_2337 = arith.addf %get3A_2332, %get3A_2336 : vector<16xf32>
        %max3A_2338 = arith.constant 0.000000e+00 : f32
        %max3A_2339 = vector.broadcast %max3A_2338 : f32 to vector<16xf32>
        %max3A_2340 = arith.maximumf %add3A_2337, %max3A_2339 : vector<16xf32>
        %mul3A_2341 = arith.mulf %get3A_5, %max3A_2340 : vector<16xf32>
        %add3A_2342 = arith.addf %add3A_2323, %mul3A_2341 : vector<16xf32>
        %min3A_2343 = arith.constant 0.000000e+00 : f32
        %min3A_2344 = vector.broadcast %min3A_2343 : f32 to vector<16xf32>
        %min3A_2345 = arith.minimumf %add3A_2337, %min3A_2344 : vector<16xf32>
        %mul3A_2346 = arith.mulf %get3A_21, %min3A_2345 : vector<16xf32>
        %add3A_2347 = arith.addf %add3A_2328, %mul3A_2346 : vector<16xf32>
        %get3A_2348 = arith.index_cast %rem3A_82 : i32 to index
        %get3A_2349 = arith.index_cast %add3A_2305 : i32 to index
        %get3A_2350 = arith.constant 32 : index
        %get3A_2351 = tpu.vector_load %arg13[%get3A_2348, %get3A_2349, %get3A_2350] {strides = array<i32>} : memref<2x80x128xf32, #tpu.memory_space<vmem>>, vector<16xf32>,
        %get3A_2352 = arith.index_cast %rem3A_82 : i32 to index
        %get3A_2353 = arith.index_cast %add3A_2305 : i32 to index
        %get3A_2354 = arith.constant 32 : index
        %get3A_2355 = tpu.vector_load %arg14[%get3A_2352, %get3A_2353, %get3A_2354] {strides = array<i32>} : memref<2x80x128xf32, #tpu.memory_space<vmem>>, vector<16xf32>,
        %add3A_2356 = arith.addf %get3A_2351, %get3A_2355 : vector<16xf32>
        %max3A_2357 = arith.constant 0.000000e+00 : f32
        %max3A_2358 = vector.broadcast %max3A_2357 : f32 to vector<16xf32>
        %max3A_2359 = arith.maximumf %add3A_2356, %max3A_2358 : vector<16xf32>
        %mul3A_2360 = arith.mulf %get3A_7, %max3A_2359 : vector<16xf32>
        %add3A_2361 = arith.addf %add3A_2342, %mul3A_2360 : vector<16xf32>
        %min3A_2362 = arith.constant 0.000000e+00 : f32
        %min3A_2363 = vector.broadcast %min3A_2362 : f32 to vector<16xf32>
        %min3A_2364 = arith.minimumf %add3A_2356, %min3A_2363 : vector<16xf32>
        %mul3A_2365 = arith.mulf %get3A_23, %min3A_2364 : vector<16xf32>
        %add3A_2366 = arith.addf %add3A_2347, %mul3A_2365 : vector<16xf32>
        %get3A_2367 = arith.index_cast %rem3A_82 : i32 to index
        %get3A_2368 = arith.index_cast %add3A_2305 : i32 to index
        %get3A_2369 = arith.constant 48 : index
        %get3A_2370 = tpu.vector_load %arg13[%get3A_2367, %get3A_2368, %get3A_2369] {strides = array<i32>} : memref<2x80x128xf32, #tpu.memory_space<vmem>>, vector<16xf32>,
        %get3A_2371 = arith.index_cast %rem3A_82 : i32 to index
        %get3A_2372 = arith.index_cast %add3A_2305 : i32 to index
        %get3A_2373 = arith.constant 48 : index
        %get3A_2374 = tpu.vector_load %arg14[%get3A_2371, %get3A_2372, %get3A_2373] {strides = array<i32>} : memref<2x80x128xf32, #tpu.memory_space<vmem>>, vector<16xf32>,
        %add3A_2375 = arith.addf %get3A_2370, %get3A_2374 : vector<16xf32>
        %max3A_2376 = arith.constant 0.000000e+00 : f32
        %max3A_2377 = vector.broadcast %max3A_2376 : f32 to vector<16xf32>
        %max3A_2378 = arith.maximumf %add3A_2375, %max3A_2377 : vector<16xf32>
        %mul3A_2379 = arith.mulf %get3A_9, %max3A_2378 : vector<16xf32>
        %add3A_2380 = arith.addf %add3A_2361, %mul3A_2379 : vector<16xf32>
        %min3A_2381 = arith.constant 0.000000e+00 : f32
        %min3A_2382 = vector.broadcast %min3A_2381 : f32 to vector<16xf32>
        %min3A_2383 = arith.minimumf %add3A_2375, %min3A_2382 : vector<16xf32>
        %mul3A_2384 = arith.mulf %get3A_25, %min3A_2383 : vector<16xf32>
        %add3A_2385 = arith.addf %add3A_2366, %mul3A_2384 : vector<16xf32>
        %get3A_2386 = arith.index_cast %rem3A_82 : i32 to index
        %get3A_2387 = arith.index_cast %add3A_2305 : i32 to index
        %get3A_2388 = arith.constant 64 : index
        %get3A_2389 = tpu.vector_load %arg13[%get3A_2386, %get3A_2387, %get3A_2388] {strides = array<i32>} : memref<2x80x128xf32, #tpu.memory_space<vmem>>, vector<16xf32>,
        %get3A_2390 = arith.index_cast %rem3A_82 : i32 to index
        %get3A_2391 = arith.index_cast %add3A_2305 : i32 to index
        %get3A_2392 = arith.constant 64 : index
        %get3A_2393 = tpu.vector_load %arg14[%get3A_2390, %get3A_2391, %get3A_2392] {strides = array<i32>} : memref<2x80x128xf32, #tpu.memory_space<vmem>>, vector<16xf32>,
        %add3A_2394 = arith.addf %get3A_2389, %get3A_2393 : vector<16xf32>
        %max3A_2395 = arith.constant 0.000000e+00 : f32
        %max3A_2396 = vector.broadcast %max3A_2395 : f32 to vector<16xf32>
        %max3A_2397 = arith.maximumf %add3A_2394, %max3A_2396 : vector<16xf32>
        %mul3A_2398 = arith.mulf %get3A_11, %max3A_2397 : vector<16xf32>
        %add3A_2399 = arith.addf %add3A_2380, %mul3A_2398 : vector<16xf32>
        %min3A_2400 = arith.constant 0.000000e+00 : f32
        %min3A_2401 = vector.broadcast %min3A_2400 : f32 to vector<16xf32>
        %min3A_2402 = arith.minimumf %add3A_2394, %min3A_2401 : vector<16xf32>
        %mul3A_2403 = arith.mulf %get3A_27, %min3A_2402 : vector<16xf32>
        %add3A_2404 = arith.addf %add3A_2385, %mul3A_2403 : vector<16xf32>
        %get3A_2405 = arith.index_cast %rem3A_82 : i32 to index
        %get3A_2406 = arith.index_cast %add3A_2305 : i32 to index
        %get3A_2407 = arith.constant 80 : index
        %get3A_2408 = tpu.vector_load %arg13[%get3A_2405, %get3A_2406, %get3A_2407] {strides = array<i32>} : memref<2x80x128xf32, #tpu.memory_space<vmem>>, vector<16xf32>,
        %get3A_2409 = arith.index_cast %rem3A_82 : i32 to index
        %get3A_2410 = arith.index_cast %add3A_2305 : i32 to index
        %get3A_2411 = arith.constant 80 : index
        %get3A_2412 = tpu.vector_load %arg14[%get3A_2409, %get3A_2410, %get3A_2411] {strides = array<i32>} : memref<2x80x128xf32, #tpu.memory_space<vmem>>, vector<16xf32>,
        %add3A_2413 = arith.addf %get3A_2408, %get3A_2412 : vector<16xf32>
        %max3A_2414 = arith.constant 0.000000e+00 : f32
        %max3A_2415 = vector.broadcast %max3A_2414 : f32 to vector<16xf32>
        %max3A_2416 = arith.maximumf %add3A_2413, %max3A_2415 : vector<16xf32>
        %mul3A_2417 = arith.mulf %get3A_13, %max3A_2416 : vector<16xf32>
        %add3A_2418 = arith.addf %add3A_2399, %mul3A_2417 : vector<16xf32>
        %min3A_2419 = arith.constant 0.000000e+00 : f32
        %min3A_2420 = vector.broadcast %min3A_2419 : f32 to vector<16xf32>
        %min3A_2421 = arith.minimumf %add3A_2413, %min3A_2420 : vector<16xf32>
        %mul3A_2422 = arith.mulf %get3A_29, %min3A_2421 : vector<16xf32>
        %add3A_2423 = arith.addf %add3A_2404, %mul3A_2422 : vector<16xf32>
        %get3A_2424 = arith.index_cast %rem3A_82 : i32 to index
        %get3A_2425 = arith.index_cast %add3A_2305 : i32 to index
        %get3A_2426 = arith.constant 96 : index
        %get3A_2427 = tpu.vector_load %arg13[%get3A_2424, %get3A_2425, %get3A_2426] {strides = array<i32>} : memref<2x80x128xf32, #tpu.memory_space<vmem>>, vector<16xf32>,
        %get3A_2428 = arith.index_cast %rem3A_82 : i32 to index
        %get3A_2429 = arith.index_cast %add3A_2305 : i32 to index
        %get3A_2430 = arith.constant 96 : index
        %get3A_2431 = tpu.vector_load %arg14[%get3A_2428, %get3A_2429, %get3A_2430] {strides = array<i32>} : memref<2x80x128xf32, #tpu.memory_space<vmem>>, vector<16xf32>,
        %add3A_2432 = arith.addf %get3A_2427, %get3A_2431 : vector<16xf32>
        %max3A_2433 = arith.constant 0.000000e+00 : f32
        %max3A_2434 = vector.broadcast %max3A_2433 : f32 to vector<16xf32>
        %max3A_2435 = arith.maximumf %add3A_2432, %max3A_2434 : vector<16xf32>
        %mul3A_2436 = arith.mulf %get3A_15, %max3A_2435 : vector<16xf32>
        %add3A_2437 = arith.addf %add3A_2418, %mul3A_2436 : vector<16xf32>
        %min3A_2438 = arith.constant 0.000000e+00 : f32
        %min3A_2439 = vector.broadcast %min3A_2438 : f32 to vector<16xf32>
        %min3A_2440 = arith.minimumf %add3A_2432, %min3A_2439 : vector<16xf32>
        %mul3A_2441 = arith.mulf %get3A_31, %min3A_2440 : vector<16xf32>
        %add3A_2442 = arith.addf %add3A_2423, %mul3A_2441 : vector<16xf32>
        %get3A_2443 = arith.index_cast %rem3A_82 : i32 to index
        %get3A_2444 = arith.index_cast %add3A_2305 : i32 to index
        %get3A_2445 = arith.constant 112 : index
        %get3A_2446 = tpu.vector_load %arg13[%get3A_2443, %get3A_2444, %get3A_2445] {strides = array<i32>} : memref<2x80x128xf32, #tpu.memory_space<vmem>>, vector<16xf32>,
        %get3A_2447 = arith.index_cast %rem3A_82 : i32 to index
        %get3A_2448 = arith.index_cast %add3A_2305 : i32 to index
        %get3A_2449 = arith.constant 112 : index
        %get3A_2450 = tpu.vector_load %arg14[%get3A_2447, %get3A_2448, %get3A_2449] {strides = array<i32>} : memref<2x80x128xf32, #tpu.memory_space<vmem>>, vector<16xf32>,
        %add3A_2451 = arith.addf %get3A_2446, %get3A_2450 : vector<16xf32>
        %max3A_2452 = arith.constant 0.000000e+00 : f32
        %max3A_2453 = vector.broadcast %max3A_2452 : f32 to vector<16xf32>
        %max3A_2454 = arith.maximumf %add3A_2451, %max3A_2453 : vector<16xf32>
        %mul3A_2455 = arith.mulf %get3A_17, %max3A_2454 : vector<16xf32>
        %add3A_2456 = arith.addf %add3A_2437, %mul3A_2455 : vector<16xf32>
        %min3A_2457 = arith.constant 0.000000e+00 : f32
        %min3A_2458 = vector.broadcast %min3A_2457 : f32 to vector<16xf32>
        %min3A_2459 = arith.minimumf %add3A_2451, %min3A_2458 : vector<16xf32>
        %mul3A_2460 = arith.mulf %get3A_33, %min3A_2459 : vector<16xf32>
        %add3A_2461 = arith.addf %add3A_2442, %mul3A_2460 : vector<16xf32>
        %eq3A_2462 = arith.constant 13 : i32
        %eq3A_2463 = vector.broadcast %eq3A_2462 : i32 to vector<16xi32>
        %eq3A_2464 = arith.cmpi eq, %iota3A, %eq3A_2463 : vector<16xi32>
        %add3A_2465 = arith.addf %add3A_2456, %add3A_2461 : vector<16xf32>
        %reduce_sum3A_2466 = arith.constant true
        %reduce_sum3A_2467 = vector.broadcast %reduce_sum3A_2466 : i1 to vector<16xi1>
        %reduce_sum3A_2468 = tpu.scan <sum>, %add3A_2465 masked %reduce_sum3A_2467 : vector<16xf32>, vector<16xi1> -> vector<16xf32>
        %reduce_sum3A_2469 = vector.extract %reduce_sum3A_2468[15] : f32 from vector<16xf32>
        %broadcast_in_dim3A_2470 = vector.broadcast %reduce_sum3A_2469 : f32 to vector<16xf32>
        %select_n3A_2471 = arith.select %eq3A_2464, %broadcast_in_dim3A_2470, %select_n3A_2303 : vector<16xi1>, vector<16xf32>
        %add3A_2472 = arith.constant 14 : i32
        %add3A_2473 = arith.addi %mul3A_122, %add3A_2472 : i32
        %broadcast_in_dim3A_2474 = arith.constant 0.000000e+00 : f32
        %broadcast_in_dim3A_2475 = vector.broadcast %broadcast_in_dim3A_2474 : f32 to vector<16xf32>
        %broadcast_in_dim3A_2476 = arith.constant 0.000000e+00 : f32
        %broadcast_in_dim3A_2477 = vector.broadcast %broadcast_in_dim3A_2476 : f32 to vector<16xf32>
        %get3A_2478 = arith.index_cast %rem3A_82 : i32 to index
        %get3A_2479 = arith.index_cast %add3A_2473 : i32 to index
        %get3A_2480 = arith.constant 0 : index
        %get3A_2481 = tpu.vector_load %arg13[%get3A_2478, %get3A_2479, %get3A_2480] {strides = array<i32>} : memref<2x80x128xf32, #tpu.memory_space<vmem>>, vector<16xf32>,
        %get3A_2482 = arith.index_cast %rem3A_82 : i32 to index
        %get3A_2483 = arith.index_cast %add3A_2473 : i32 to index
        %get3A_2484 = arith.constant 0 : index
        %get3A_2485 = tpu.vector_load %arg14[%get3A_2482, %get3A_2483, %get3A_2484] {strides = array<i32>} : memref<2x80x128xf32, #tpu.memory_space<vmem>>, vector<16xf32>,
        %add3A_2486 = arith.addf %get3A_2481, %get3A_2485 : vector<16xf32>
        %max3A_2487 = arith.constant 0.000000e+00 : f32
        %max3A_2488 = vector.broadcast %max3A_2487 : f32 to vector<16xf32>
        %max3A_2489 = arith.maximumf %add3A_2486, %max3A_2488 : vector<16xf32>
        %mul3A_2490 = arith.mulf %get3A_3, %max3A_2489 : vector<16xf32>
        %add3A_2491 = arith.addf %broadcast_in_dim3A_2475, %mul3A_2490 : vector<16xf32>
        %min3A_2492 = arith.constant 0.000000e+00 : f32
        %min3A_2493 = vector.broadcast %min3A_2492 : f32 to vector<16xf32>
        %min3A_2494 = arith.minimumf %add3A_2486, %min3A_2493 : vector<16xf32>
        %mul3A_2495 = arith.mulf %get3A_19, %min3A_2494 : vector<16xf32>
        %add3A_2496 = arith.addf %broadcast_in_dim3A_2477, %mul3A_2495 : vector<16xf32>
        %get3A_2497 = arith.index_cast %rem3A_82 : i32 to index
        %get3A_2498 = arith.index_cast %add3A_2473 : i32 to index
        %get3A_2499 = arith.constant 16 : index
        %get3A_2500 = tpu.vector_load %arg13[%get3A_2497, %get3A_2498, %get3A_2499] {strides = array<i32>} : memref<2x80x128xf32, #tpu.memory_space<vmem>>, vector<16xf32>,
        %get3A_2501 = arith.index_cast %rem3A_82 : i32 to index
        %get3A_2502 = arith.index_cast %add3A_2473 : i32 to index
        %get3A_2503 = arith.constant 16 : index
        %get3A_2504 = tpu.vector_load %arg14[%get3A_2501, %get3A_2502, %get3A_2503] {strides = array<i32>} : memref<2x80x128xf32, #tpu.memory_space<vmem>>, vector<16xf32>,
        %add3A_2505 = arith.addf %get3A_2500, %get3A_2504 : vector<16xf32>
        %max3A_2506 = arith.constant 0.000000e+00 : f32
        %max3A_2507 = vector.broadcast %max3A_2506 : f32 to vector<16xf32>
        %max3A_2508 = arith.maximumf %add3A_2505, %max3A_2507 : vector<16xf32>
        %mul3A_2509 = arith.mulf %get3A_5, %max3A_2508 : vector<16xf32>
        %add3A_2510 = arith.addf %add3A_2491, %mul3A_2509 : vector<16xf32>
        %min3A_2511 = arith.constant 0.000000e+00 : f32
        %min3A_2512 = vector.broadcast %min3A_2511 : f32 to vector<16xf32>
        %min3A_2513 = arith.minimumf %add3A_2505, %min3A_2512 : vector<16xf32>
        %mul3A_2514 = arith.mulf %get3A_21, %min3A_2513 : vector<16xf32>
        %add3A_2515 = arith.addf %add3A_2496, %mul3A_2514 : vector<16xf32>
        %get3A_2516 = arith.index_cast %rem3A_82 : i32 to index
        %get3A_2517 = arith.index_cast %add3A_2473 : i32 to index
        %get3A_2518 = arith.constant 32 : index
        %get3A_2519 = tpu.vector_load %arg13[%get3A_2516, %get3A_2517, %get3A_2518] {strides = array<i32>} : memref<2x80x128xf32, #tpu.memory_space<vmem>>, vector<16xf32>,
        %get3A_2520 = arith.index_cast %rem3A_82 : i32 to index
        %get3A_2521 = arith.index_cast %add3A_2473 : i32 to index
        %get3A_2522 = arith.constant 32 : index
        %get3A_2523 = tpu.vector_load %arg14[%get3A_2520, %get3A_2521, %get3A_2522] {strides = array<i32>} : memref<2x80x128xf32, #tpu.memory_space<vmem>>, vector<16xf32>,
        %add3A_2524 = arith.addf %get3A_2519, %get3A_2523 : vector<16xf32>
        %max3A_2525 = arith.constant 0.000000e+00 : f32
        %max3A_2526 = vector.broadcast %max3A_2525 : f32 to vector<16xf32>
        %max3A_2527 = arith.maximumf %add3A_2524, %max3A_2526 : vector<16xf32>
        %mul3A_2528 = arith.mulf %get3A_7, %max3A_2527 : vector<16xf32>
        %add3A_2529 = arith.addf %add3A_2510, %mul3A_2528 : vector<16xf32>
        %min3A_2530 = arith.constant 0.000000e+00 : f32
        %min3A_2531 = vector.broadcast %min3A_2530 : f32 to vector<16xf32>
        %min3A_2532 = arith.minimumf %add3A_2524, %min3A_2531 : vector<16xf32>
        %mul3A_2533 = arith.mulf %get3A_23, %min3A_2532 : vector<16xf32>
        %add3A_2534 = arith.addf %add3A_2515, %mul3A_2533 : vector<16xf32>
        %get3A_2535 = arith.index_cast %rem3A_82 : i32 to index
        %get3A_2536 = arith.index_cast %add3A_2473 : i32 to index
        %get3A_2537 = arith.constant 48 : index
        %get3A_2538 = tpu.vector_load %arg13[%get3A_2535, %get3A_2536, %get3A_2537] {strides = array<i32>} : memref<2x80x128xf32, #tpu.memory_space<vmem>>, vector<16xf32>,
        %get3A_2539 = arith.index_cast %rem3A_82 : i32 to index
        %get3A_2540 = arith.index_cast %add3A_2473 : i32 to index
        %get3A_2541 = arith.constant 48 : index
        %get3A_2542 = tpu.vector_load %arg14[%get3A_2539, %get3A_2540, %get3A_2541] {strides = array<i32>} : memref<2x80x128xf32, #tpu.memory_space<vmem>>, vector<16xf32>,
        %add3A_2543 = arith.addf %get3A_2538, %get3A_2542 : vector<16xf32>
        %max3A_2544 = arith.constant 0.000000e+00 : f32
        %max3A_2545 = vector.broadcast %max3A_2544 : f32 to vector<16xf32>
        %max3A_2546 = arith.maximumf %add3A_2543, %max3A_2545 : vector<16xf32>
        %mul3A_2547 = arith.mulf %get3A_9, %max3A_2546 : vector<16xf32>
        %add3A_2548 = arith.addf %add3A_2529, %mul3A_2547 : vector<16xf32>
        %min3A_2549 = arith.constant 0.000000e+00 : f32
        %min3A_2550 = vector.broadcast %min3A_2549 : f32 to vector<16xf32>
        %min3A_2551 = arith.minimumf %add3A_2543, %min3A_2550 : vector<16xf32>
        %mul3A_2552 = arith.mulf %get3A_25, %min3A_2551 : vector<16xf32>
        %add3A_2553 = arith.addf %add3A_2534, %mul3A_2552 : vector<16xf32>
        %get3A_2554 = arith.index_cast %rem3A_82 : i32 to index
        %get3A_2555 = arith.index_cast %add3A_2473 : i32 to index
        %get3A_2556 = arith.constant 64 : index
        %get3A_2557 = tpu.vector_load %arg13[%get3A_2554, %get3A_2555, %get3A_2556] {strides = array<i32>} : memref<2x80x128xf32, #tpu.memory_space<vmem>>, vector<16xf32>,
        %get3A_2558 = arith.index_cast %rem3A_82 : i32 to index
        %get3A_2559 = arith.index_cast %add3A_2473 : i32 to index
        %get3A_2560 = arith.constant 64 : index
        %get3A_2561 = tpu.vector_load %arg14[%get3A_2558, %get3A_2559, %get3A_2560] {strides = array<i32>} : memref<2x80x128xf32, #tpu.memory_space<vmem>>, vector<16xf32>,
        %add3A_2562 = arith.addf %get3A_2557, %get3A_2561 : vector<16xf32>
        %max3A_2563 = arith.constant 0.000000e+00 : f32
        %max3A_2564 = vector.broadcast %max3A_2563 : f32 to vector<16xf32>
        %max3A_2565 = arith.maximumf %add3A_2562, %max3A_2564 : vector<16xf32>
        %mul3A_2566 = arith.mulf %get3A_11, %max3A_2565 : vector<16xf32>
        %add3A_2567 = arith.addf %add3A_2548, %mul3A_2566 : vector<16xf32>
        %min3A_2568 = arith.constant 0.000000e+00 : f32
        %min3A_2569 = vector.broadcast %min3A_2568 : f32 to vector<16xf32>
        %min3A_2570 = arith.minimumf %add3A_2562, %min3A_2569 : vector<16xf32>
        %mul3A_2571 = arith.mulf %get3A_27, %min3A_2570 : vector<16xf32>
        %add3A_2572 = arith.addf %add3A_2553, %mul3A_2571 : vector<16xf32>
        %get3A_2573 = arith.index_cast %rem3A_82 : i32 to index
        %get3A_2574 = arith.index_cast %add3A_2473 : i32 to index
        %get3A_2575 = arith.constant 80 : index
        %get3A_2576 = tpu.vector_load %arg13[%get3A_2573, %get3A_2574, %get3A_2575] {strides = array<i32>} : memref<2x80x128xf32, #tpu.memory_space<vmem>>, vector<16xf32>,
        %get3A_2577 = arith.index_cast %rem3A_82 : i32 to index
        %get3A_2578 = arith.index_cast %add3A_2473 : i32 to index
        %get3A_2579 = arith.constant 80 : index
        %get3A_2580 = tpu.vector_load %arg14[%get3A_2577, %get3A_2578, %get3A_2579] {strides = array<i32>} : memref<2x80x128xf32, #tpu.memory_space<vmem>>, vector<16xf32>,
        %add3A_2581 = arith.addf %get3A_2576, %get3A_2580 : vector<16xf32>
        %max3A_2582 = arith.constant 0.000000e+00 : f32
        %max3A_2583 = vector.broadcast %max3A_2582 : f32 to vector<16xf32>
        %max3A_2584 = arith.maximumf %add3A_2581, %max3A_2583 : vector<16xf32>
        %mul3A_2585 = arith.mulf %get3A_13, %max3A_2584 : vector<16xf32>
        %add3A_2586 = arith.addf %add3A_2567, %mul3A_2585 : vector<16xf32>
        %min3A_2587 = arith.constant 0.000000e+00 : f32
        %min3A_2588 = vector.broadcast %min3A_2587 : f32 to vector<16xf32>
        %min3A_2589 = arith.minimumf %add3A_2581, %min3A_2588 : vector<16xf32>
        %mul3A_2590 = arith.mulf %get3A_29, %min3A_2589 : vector<16xf32>
        %add3A_2591 = arith.addf %add3A_2572, %mul3A_2590 : vector<16xf32>
        %get3A_2592 = arith.index_cast %rem3A_82 : i32 to index
        %get3A_2593 = arith.index_cast %add3A_2473 : i32 to index
        %get3A_2594 = arith.constant 96 : index
        %get3A_2595 = tpu.vector_load %arg13[%get3A_2592, %get3A_2593, %get3A_2594] {strides = array<i32>} : memref<2x80x128xf32, #tpu.memory_space<vmem>>, vector<16xf32>,
        %get3A_2596 = arith.index_cast %rem3A_82 : i32 to index
        %get3A_2597 = arith.index_cast %add3A_2473 : i32 to index
        %get3A_2598 = arith.constant 96 : index
        %get3A_2599 = tpu.vector_load %arg14[%get3A_2596, %get3A_2597, %get3A_2598] {strides = array<i32>} : memref<2x80x128xf32, #tpu.memory_space<vmem>>, vector<16xf32>,
        %add3A_2600 = arith.addf %get3A_2595, %get3A_2599 : vector<16xf32>
        %max3A_2601 = arith.constant 0.000000e+00 : f32
        %max3A_2602 = vector.broadcast %max3A_2601 : f32 to vector<16xf32>
        %max3A_2603 = arith.maximumf %add3A_2600, %max3A_2602 : vector<16xf32>
        %mul3A_2604 = arith.mulf %get3A_15, %max3A_2603 : vector<16xf32>
        %add3A_2605 = arith.addf %add3A_2586, %mul3A_2604 : vector<16xf32>
        %min3A_2606 = arith.constant 0.000000e+00 : f32
        %min3A_2607 = vector.broadcast %min3A_2606 : f32 to vector<16xf32>
        %min3A_2608 = arith.minimumf %add3A_2600, %min3A_2607 : vector<16xf32>
        %mul3A_2609 = arith.mulf %get3A_31, %min3A_2608 : vector<16xf32>
        %add3A_2610 = arith.addf %add3A_2591, %mul3A_2609 : vector<16xf32>
        %get3A_2611 = arith.index_cast %rem3A_82 : i32 to index
        %get3A_2612 = arith.index_cast %add3A_2473 : i32 to index
        %get3A_2613 = arith.constant 112 : index
        %get3A_2614 = tpu.vector_load %arg13[%get3A_2611, %get3A_2612, %get3A_2613] {strides = array<i32>} : memref<2x80x128xf32, #tpu.memory_space<vmem>>, vector<16xf32>,
        %get3A_2615 = arith.index_cast %rem3A_82 : i32 to index
        %get3A_2616 = arith.index_cast %add3A_2473 : i32 to index
        %get3A_2617 = arith.constant 112 : index
        %get3A_2618 = tpu.vector_load %arg14[%get3A_2615, %get3A_2616, %get3A_2617] {strides = array<i32>} : memref<2x80x128xf32, #tpu.memory_space<vmem>>, vector<16xf32>,
        %add3A_2619 = arith.addf %get3A_2614, %get3A_2618 : vector<16xf32>
        %max3A_2620 = arith.constant 0.000000e+00 : f32
        %max3A_2621 = vector.broadcast %max3A_2620 : f32 to vector<16xf32>
        %max3A_2622 = arith.maximumf %add3A_2619, %max3A_2621 : vector<16xf32>
        %mul3A_2623 = arith.mulf %get3A_17, %max3A_2622 : vector<16xf32>
        %add3A_2624 = arith.addf %add3A_2605, %mul3A_2623 : vector<16xf32>
        %min3A_2625 = arith.constant 0.000000e+00 : f32
        %min3A_2626 = vector.broadcast %min3A_2625 : f32 to vector<16xf32>
        %min3A_2627 = arith.minimumf %add3A_2619, %min3A_2626 : vector<16xf32>
        %mul3A_2628 = arith.mulf %get3A_33, %min3A_2627 : vector<16xf32>
        %add3A_2629 = arith.addf %add3A_2610, %mul3A_2628 : vector<16xf32>
        %eq3A_2630 = arith.constant 14 : i32
        %eq3A_2631 = vector.broadcast %eq3A_2630 : i32 to vector<16xi32>
        %eq3A_2632 = arith.cmpi eq, %iota3A, %eq3A_2631 : vector<16xi32>
        %add3A_2633 = arith.addf %add3A_2624, %add3A_2629 : vector<16xf32>
        %reduce_sum3A_2634 = arith.constant true
        %reduce_sum3A_2635 = vector.broadcast %reduce_sum3A_2634 : i1 to vector<16xi1>
        %reduce_sum3A_2636 = tpu.scan <sum>, %add3A_2633 masked %reduce_sum3A_2635 : vector<16xf32>, vector<16xi1> -> vector<16xf32>
        %reduce_sum3A_2637 = vector.extract %reduce_sum3A_2636[15] : f32 from vector<16xf32>
        %broadcast_in_dim3A_2638 = vector.broadcast %reduce_sum3A_2637 : f32 to vector<16xf32>
        %select_n3A_2639 = arith.select %eq3A_2632, %broadcast_in_dim3A_2638, %select_n3A_2471 : vector<16xi1>, vector<16xf32>
        %add3A_2640 = arith.constant 15 : i32
        %add3A_2641 = arith.addi %mul3A_122, %add3A_2640 : i32
        %broadcast_in_dim3A_2642 = arith.constant 0.000000e+00 : f32
        %broadcast_in_dim3A_2643 = vector.broadcast %broadcast_in_dim3A_2642 : f32 to vector<16xf32>
        %broadcast_in_dim3A_2644 = arith.constant 0.000000e+00 : f32
        %broadcast_in_dim3A_2645 = vector.broadcast %broadcast_in_dim3A_2644 : f32 to vector<16xf32>
        %get3A_2646 = arith.index_cast %rem3A_82 : i32 to index
        %get3A_2647 = arith.index_cast %add3A_2641 : i32 to index
        %get3A_2648 = arith.constant 0 : index
        %get3A_2649 = tpu.vector_load %arg13[%get3A_2646, %get3A_2647, %get3A_2648] {strides = array<i32>} : memref<2x80x128xf32, #tpu.memory_space<vmem>>, vector<16xf32>,
        %get3A_2650 = arith.index_cast %rem3A_82 : i32 to index
        %get3A_2651 = arith.index_cast %add3A_2641 : i32 to index
        %get3A_2652 = arith.constant 0 : index
        %get3A_2653 = tpu.vector_load %arg14[%get3A_2650, %get3A_2651, %get3A_2652] {strides = array<i32>} : memref<2x80x128xf32, #tpu.memory_space<vmem>>, vector<16xf32>,
        %add3A_2654 = arith.addf %get3A_2649, %get3A_2653 : vector<16xf32>
        %max3A_2655 = arith.constant 0.000000e+00 : f32
        %max3A_2656 = vector.broadcast %max3A_2655 : f32 to vector<16xf32>
        %max3A_2657 = arith.maximumf %add3A_2654, %max3A_2656 : vector<16xf32>
        %mul3A_2658 = arith.mulf %get3A_3, %max3A_2657 : vector<16xf32>
        %add3A_2659 = arith.addf %broadcast_in_dim3A_2643, %mul3A_2658 : vector<16xf32>
        %min3A_2660 = arith.constant 0.000000e+00 : f32
        %min3A_2661 = vector.broadcast %min3A_2660 : f32 to vector<16xf32>
        %min3A_2662 = arith.minimumf %add3A_2654, %min3A_2661 : vector<16xf32>
        %mul3A_2663 = arith.mulf %get3A_19, %min3A_2662 : vector<16xf32>
        %add3A_2664 = arith.addf %broadcast_in_dim3A_2645, %mul3A_2663 : vector<16xf32>
        %get3A_2665 = arith.index_cast %rem3A_82 : i32 to index
        %get3A_2666 = arith.index_cast %add3A_2641 : i32 to index
        %get3A_2667 = arith.constant 16 : index
        %get3A_2668 = tpu.vector_load %arg13[%get3A_2665, %get3A_2666, %get3A_2667] {strides = array<i32>} : memref<2x80x128xf32, #tpu.memory_space<vmem>>, vector<16xf32>,
        %get3A_2669 = arith.index_cast %rem3A_82 : i32 to index
        %get3A_2670 = arith.index_cast %add3A_2641 : i32 to index
        %get3A_2671 = arith.constant 16 : index
        %get3A_2672 = tpu.vector_load %arg14[%get3A_2669, %get3A_2670, %get3A_2671] {strides = array<i32>} : memref<2x80x128xf32, #tpu.memory_space<vmem>>, vector<16xf32>,
        %add3A_2673 = arith.addf %get3A_2668, %get3A_2672 : vector<16xf32>
        %max3A_2674 = arith.constant 0.000000e+00 : f32
        %max3A_2675 = vector.broadcast %max3A_2674 : f32 to vector<16xf32>
        %max3A_2676 = arith.maximumf %add3A_2673, %max3A_2675 : vector<16xf32>
        %mul3A_2677 = arith.mulf %get3A_5, %max3A_2676 : vector<16xf32>
        %add3A_2678 = arith.addf %add3A_2659, %mul3A_2677 : vector<16xf32>
        %min3A_2679 = arith.constant 0.000000e+00 : f32
        %min3A_2680 = vector.broadcast %min3A_2679 : f32 to vector<16xf32>
        %min3A_2681 = arith.minimumf %add3A_2673, %min3A_2680 : vector<16xf32>
        %mul3A_2682 = arith.mulf %get3A_21, %min3A_2681 : vector<16xf32>
        %add3A_2683 = arith.addf %add3A_2664, %mul3A_2682 : vector<16xf32>
        %get3A_2684 = arith.index_cast %rem3A_82 : i32 to index
        %get3A_2685 = arith.index_cast %add3A_2641 : i32 to index
        %get3A_2686 = arith.constant 32 : index
        %get3A_2687 = tpu.vector_load %arg13[%get3A_2684, %get3A_2685, %get3A_2686] {strides = array<i32>} : memref<2x80x128xf32, #tpu.memory_space<vmem>>, vector<16xf32>,
        %get3A_2688 = arith.index_cast %rem3A_82 : i32 to index
        %get3A_2689 = arith.index_cast %add3A_2641 : i32 to index
        %get3A_2690 = arith.constant 32 : index
        %get3A_2691 = tpu.vector_load %arg14[%get3A_2688, %get3A_2689, %get3A_2690] {strides = array<i32>} : memref<2x80x128xf32, #tpu.memory_space<vmem>>, vector<16xf32>,
        %add3A_2692 = arith.addf %get3A_2687, %get3A_2691 : vector<16xf32>
        %max3A_2693 = arith.constant 0.000000e+00 : f32
        %max3A_2694 = vector.broadcast %max3A_2693 : f32 to vector<16xf32>
        %max3A_2695 = arith.maximumf %add3A_2692, %max3A_2694 : vector<16xf32>
        %mul3A_2696 = arith.mulf %get3A_7, %max3A_2695 : vector<16xf32>
        %add3A_2697 = arith.addf %add3A_2678, %mul3A_2696 : vector<16xf32>
        %min3A_2698 = arith.constant 0.000000e+00 : f32
        %min3A_2699 = vector.broadcast %min3A_2698 : f32 to vector<16xf32>
        %min3A_2700 = arith.minimumf %add3A_2692, %min3A_2699 : vector<16xf32>
        %mul3A_2701 = arith.mulf %get3A_23, %min3A_2700 : vector<16xf32>
        %add3A_2702 = arith.addf %add3A_2683, %mul3A_2701 : vector<16xf32>
        %get3A_2703 = arith.index_cast %rem3A_82 : i32 to index
        %get3A_2704 = arith.index_cast %add3A_2641 : i32 to index
        %get3A_2705 = arith.constant 48 : index
        %get3A_2706 = tpu.vector_load %arg13[%get3A_2703, %get3A_2704, %get3A_2705] {strides = array<i32>} : memref<2x80x128xf32, #tpu.memory_space<vmem>>, vector<16xf32>,
        %get3A_2707 = arith.index_cast %rem3A_82 : i32 to index
        %get3A_2708 = arith.index_cast %add3A_2641 : i32 to index
        %get3A_2709 = arith.constant 48 : index
        %get3A_2710 = tpu.vector_load %arg14[%get3A_2707, %get3A_2708, %get3A_2709] {strides = array<i32>} : memref<2x80x128xf32, #tpu.memory_space<vmem>>, vector<16xf32>,
        %add3A_2711 = arith.addf %get3A_2706, %get3A_2710 : vector<16xf32>
        %max3A_2712 = arith.constant 0.000000e+00 : f32
        %max3A_2713 = vector.broadcast %max3A_2712 : f32 to vector<16xf32>
        %max3A_2714 = arith.maximumf %add3A_2711, %max3A_2713 : vector<16xf32>
        %mul3A_2715 = arith.mulf %get3A_9, %max3A_2714 : vector<16xf32>
        %add3A_2716 = arith.addf %add3A_2697, %mul3A_2715 : vector<16xf32>
        %min3A_2717 = arith.constant 0.000000e+00 : f32
        %min3A_2718 = vector.broadcast %min3A_2717 : f32 to vector<16xf32>
        %min3A_2719 = arith.minimumf %add3A_2711, %min3A_2718 : vector<16xf32>
        %mul3A_2720 = arith.mulf %get3A_25, %min3A_2719 : vector<16xf32>
        %add3A_2721 = arith.addf %add3A_2702, %mul3A_2720 : vector<16xf32>
        %get3A_2722 = arith.index_cast %rem3A_82 : i32 to index
        %get3A_2723 = arith.index_cast %add3A_2641 : i32 to index
        %get3A_2724 = arith.constant 64 : index
        %get3A_2725 = tpu.vector_load %arg13[%get3A_2722, %get3A_2723, %get3A_2724] {strides = array<i32>} : memref<2x80x128xf32, #tpu.memory_space<vmem>>, vector<16xf32>,
        %get3A_2726 = arith.index_cast %rem3A_82 : i32 to index
        %get3A_2727 = arith.index_cast %add3A_2641 : i32 to index
        %get3A_2728 = arith.constant 64 : index
        %get3A_2729 = tpu.vector_load %arg14[%get3A_2726, %get3A_2727, %get3A_2728] {strides = array<i32>} : memref<2x80x128xf32, #tpu.memory_space<vmem>>, vector<16xf32>,
        %add3A_2730 = arith.addf %get3A_2725, %get3A_2729 : vector<16xf32>
        %max3A_2731 = arith.constant 0.000000e+00 : f32
        %max3A_2732 = vector.broadcast %max3A_2731 : f32 to vector<16xf32>
        %max3A_2733 = arith.maximumf %add3A_2730, %max3A_2732 : vector<16xf32>
        %mul3A_2734 = arith.mulf %get3A_11, %max3A_2733 : vector<16xf32>
        %add3A_2735 = arith.addf %add3A_2716, %mul3A_2734 : vector<16xf32>
        %min3A_2736 = arith.constant 0.000000e+00 : f32
        %min3A_2737 = vector.broadcast %min3A_2736 : f32 to vector<16xf32>
        %min3A_2738 = arith.minimumf %add3A_2730, %min3A_2737 : vector<16xf32>
        %mul3A_2739 = arith.mulf %get3A_27, %min3A_2738 : vector<16xf32>
        %add3A_2740 = arith.addf %add3A_2721, %mul3A_2739 : vector<16xf32>
        %get3A_2741 = arith.index_cast %rem3A_82 : i32 to index
        %get3A_2742 = arith.index_cast %add3A_2641 : i32 to index
        %get3A_2743 = arith.constant 80 : index
        %get3A_2744 = tpu.vector_load %arg13[%get3A_2741, %get3A_2742, %get3A_2743] {strides = array<i32>} : memref<2x80x128xf32, #tpu.memory_space<vmem>>, vector<16xf32>,
        %get3A_2745 = arith.index_cast %rem3A_82 : i32 to index
        %get3A_2746 = arith.index_cast %add3A_2641 : i32 to index
        %get3A_2747 = arith.constant 80 : index
        %get3A_2748 = tpu.vector_load %arg14[%get3A_2745, %get3A_2746, %get3A_2747] {strides = array<i32>} : memref<2x80x128xf32, #tpu.memory_space<vmem>>, vector<16xf32>,
        %add3A_2749 = arith.addf %get3A_2744, %get3A_2748 : vector<16xf32>
        %max3A_2750 = arith.constant 0.000000e+00 : f32
        %max3A_2751 = vector.broadcast %max3A_2750 : f32 to vector<16xf32>
        %max3A_2752 = arith.maximumf %add3A_2749, %max3A_2751 : vector<16xf32>
        %mul3A_2753 = arith.mulf %get3A_13, %max3A_2752 : vector<16xf32>
        %add3A_2754 = arith.addf %add3A_2735, %mul3A_2753 : vector<16xf32>
        %min3A_2755 = arith.constant 0.000000e+00 : f32
        %min3A_2756 = vector.broadcast %min3A_2755 : f32 to vector<16xf32>
        %min3A_2757 = arith.minimumf %add3A_2749, %min3A_2756 : vector<16xf32>
        %mul3A_2758 = arith.mulf %get3A_29, %min3A_2757 : vector<16xf32>
        %add3A_2759 = arith.addf %add3A_2740, %mul3A_2758 : vector<16xf32>
        %get3A_2760 = arith.index_cast %rem3A_82 : i32 to index
        %get3A_2761 = arith.index_cast %add3A_2641 : i32 to index
        %get3A_2762 = arith.constant 96 : index
        %get3A_2763 = tpu.vector_load %arg13[%get3A_2760, %get3A_2761, %get3A_2762] {strides = array<i32>} : memref<2x80x128xf32, #tpu.memory_space<vmem>>, vector<16xf32>,
        %get3A_2764 = arith.index_cast %rem3A_82 : i32 to index
        %get3A_2765 = arith.index_cast %add3A_2641 : i32 to index
        %get3A_2766 = arith.constant 96 : index
        %get3A_2767 = tpu.vector_load %arg14[%get3A_2764, %get3A_2765, %get3A_2766] {strides = array<i32>} : memref<2x80x128xf32, #tpu.memory_space<vmem>>, vector<16xf32>,
        %add3A_2768 = arith.addf %get3A_2763, %get3A_2767 : vector<16xf32>
        %max3A_2769 = arith.constant 0.000000e+00 : f32
        %max3A_2770 = vector.broadcast %max3A_2769 : f32 to vector<16xf32>
        %max3A_2771 = arith.maximumf %add3A_2768, %max3A_2770 : vector<16xf32>
        %mul3A_2772 = arith.mulf %get3A_15, %max3A_2771 : vector<16xf32>
        %add3A_2773 = arith.addf %add3A_2754, %mul3A_2772 : vector<16xf32>
        %min3A_2774 = arith.constant 0.000000e+00 : f32
        %min3A_2775 = vector.broadcast %min3A_2774 : f32 to vector<16xf32>
        %min3A_2776 = arith.minimumf %add3A_2768, %min3A_2775 : vector<16xf32>
        %mul3A_2777 = arith.mulf %get3A_31, %min3A_2776 : vector<16xf32>
        %add3A_2778 = arith.addf %add3A_2759, %mul3A_2777 : vector<16xf32>
        %get3A_2779 = arith.index_cast %rem3A_82 : i32 to index
        %get3A_2780 = arith.index_cast %add3A_2641 : i32 to index
        %get3A_2781 = arith.constant 112 : index
        %get3A_2782 = tpu.vector_load %arg13[%get3A_2779, %get3A_2780, %get3A_2781] {strides = array<i32>} : memref<2x80x128xf32, #tpu.memory_space<vmem>>, vector<16xf32>,
        %get3A_2783 = arith.index_cast %rem3A_82 : i32 to index
        %get3A_2784 = arith.index_cast %add3A_2641 : i32 to index
        %get3A_2785 = arith.constant 112 : index
        %get3A_2786 = tpu.vector_load %arg14[%get3A_2783, %get3A_2784, %get3A_2785] {strides = array<i32>} : memref<2x80x128xf32, #tpu.memory_space<vmem>>, vector<16xf32>,
        %add3A_2787 = arith.addf %get3A_2782, %get3A_2786 : vector<16xf32>
        %max3A_2788 = arith.constant 0.000000e+00 : f32
        %max3A_2789 = vector.broadcast %max3A_2788 : f32 to vector<16xf32>
        %max3A_2790 = arith.maximumf %add3A_2787, %max3A_2789 : vector<16xf32>
        %mul3A_2791 = arith.mulf %get3A_17, %max3A_2790 : vector<16xf32>
        %add3A_2792 = arith.addf %add3A_2773, %mul3A_2791 : vector<16xf32>
        %min3A_2793 = arith.constant 0.000000e+00 : f32
        %min3A_2794 = vector.broadcast %min3A_2793 : f32 to vector<16xf32>
        %min3A_2795 = arith.minimumf %add3A_2787, %min3A_2794 : vector<16xf32>
        %mul3A_2796 = arith.mulf %get3A_33, %min3A_2795 : vector<16xf32>
        %add3A_2797 = arith.addf %add3A_2778, %mul3A_2796 : vector<16xf32>
        %eq3A_2798 = arith.constant 15 : i32
        %eq3A_2799 = vector.broadcast %eq3A_2798 : i32 to vector<16xi32>
        %eq3A_2800 = arith.cmpi eq, %iota3A, %eq3A_2799 : vector<16xi32>
        %add3A_2801 = arith.addf %add3A_2792, %add3A_2797 : vector<16xf32>
        %reduce_sum3A_2802 = arith.constant true
        %reduce_sum3A_2803 = vector.broadcast %reduce_sum3A_2802 : i1 to vector<16xi1>
        %reduce_sum3A_2804 = tpu.scan <sum>, %add3A_2801 masked %reduce_sum3A_2803 : vector<16xf32>, vector<16xi1> -> vector<16xf32>
        %reduce_sum3A_2805 = vector.extract %reduce_sum3A_2804[15] : f32 from vector<16xf32>
        %broadcast_in_dim3A_2806 = vector.broadcast %reduce_sum3A_2805 : f32 to vector<16xf32>
        %select_n3A_2807 = arith.select %eq3A_2800, %broadcast_in_dim3A_2806, %select_n3A_2639 : vector<16xi1>, vector<16xf32>
        %exp3A = math.exp %select_n3A_2807 : vector<16xf32>
        %mul3A_2808 = arith.constant 80 : i32
        %mul3A_2809 = arith.muli %scan3A_79, %mul3A_2808 : i32
        %mul3A_2810 = arith.constant 16 : i32
        %mul3A_2811 = arith.muli %scan3A_120, %mul3A_2810 : i32
        %add3A_2812 = arith.addi %mul3A_2809, %mul3A_2811 : i32
        %swap3A = arith.index_cast %add3A_2812 : i32 to index
        %swap3A_2813 = tpu.vector_load %arg15[%swap3A] {strides = array<i32>} : memref<10000xf32, #tpu.memory_space<vmem>>, vector<16xf32>,
        tpu.vector_store %arg15[%swap3A], %exp3A {strides = array<i32>} : memref<10000xf32, #tpu.memory_space<vmem>>, vector<16xf32>,
      }
      %scan3A_113 = arith.constant 5 : i32
      %scan3A_114 = arith.constant 0 : i32
      %scan3A_115 = arith.constant 5 : i32
      %scan3A_116 = arith.addi %scan3A_114, %scan3A_115 : i32
      %scan3A_117 = arith.constant 1 : i32
      %scan3A_118:2 = scf.for %scan3A_120 = %scan3A_114 to %scan3A_116 step %scan3A_117 iter_args(%scan3A_121 = %scan3A_80, %scan3A_122 = %scan3A_81) -> (i32, f32)  : i32 {
        %mul3A_123 = arith.constant 80 : i32
        %mul3A_124 = arith.muli %scan3A_79, %mul3A_123 : i32
        %mul3A_125 = arith.constant 16 : i32
        %mul3A_126 = arith.muli %scan3A_120, %mul3A_125 : i32
        %add3A_127 = arith.addi %mul3A_124, %mul3A_126 : i32
        %get3A_128 = arith.index_cast %add3A_127 : i32 to index
        %get3A_129 = tpu.vector_load %arg18[%get3A_128] {strides = array<i32>} : memref<10000xi32, #tpu.memory_space<vmem>>, vector<16xi32>,
        %get3A_130 = arith.index_cast %add3A_127 : i32 to index
        %get3A_131 = tpu.vector_load %arg15[%get3A_130] {strides = array<i32>} : memref<10000xf32, #tpu.memory_space<vmem>>, vector<16xf32>,
        %slice3A_132 = vector.extract_strided_slice %get3A_129 {offsets = [0], sizes = [1], strides = [1]} : vector<16xi32> to vector<1xi32>
        %squeeze3A_133 = vector.extract %slice3A_132[0] : i32 from vector<1xi32>
        %slice3A_134 = vector.extract_strided_slice %get3A_131 {offsets = [0], sizes = [1], strides = [1]} : vector<16xf32> to vector<1xf32>
        %squeeze3A_135 = vector.extract %slice3A_134[0] : f32 from vector<1xf32>
        %ne3A = arith.cmpi ne, %squeeze3A_133, %scan3A_121 : i32
        %add3A_136 = arith.addf %scan3A_122, %squeeze3A_135 : f32
        %select_n3A = arith.select %ne3A, %squeeze3A_135, %add3A_136 : f32
        %select_n3A_137 = arith.select %ne3A, %squeeze3A_133, %scan3A_121 : i32
        %swap3A = arith.index_cast %select_n3A_137 : i32 to index
        %swap3A_138 = memref.load %arg20[%swap3A] : memref<1024xf32, #tpu.memory_space<smem>>
        memref.store %select_n3A, %arg20[%swap3A] : memref<1024xf32, #tpu.memory_space<smem>>
        %slice3A_139 = vector.extract_strided_slice %get3A_129 {offsets = [1], sizes = [1], strides = [1]} : vector<16xi32> to vector<1xi32>
        %squeeze3A_140 = vector.extract %slice3A_139[0] : i32 from vector<1xi32>
        %slice3A_141 = vector.extract_strided_slice %get3A_131 {offsets = [1], sizes = [1], strides = [1]} : vector<16xf32> to vector<1xf32>
        %squeeze3A_142 = vector.extract %slice3A_141[0] : f32 from vector<1xf32>
        %ne3A_143 = arith.cmpi ne, %squeeze3A_140, %select_n3A_137 : i32
        %add3A_144 = arith.addf %select_n3A, %squeeze3A_142 : f32
        %select_n3A_145 = arith.select %ne3A_143, %squeeze3A_142, %add3A_144 : f32
        %select_n3A_146 = arith.select %ne3A_143, %squeeze3A_140, %select_n3A_137 : i32
        %swap3A_147 = arith.index_cast %select_n3A_146 : i32 to index
        %swap3A_148 = memref.load %arg20[%swap3A_147] : memref<1024xf32, #tpu.memory_space<smem>>
        memref.store %select_n3A_145, %arg20[%swap3A_147] : memref<1024xf32, #tpu.memory_space<smem>>
        %slice3A_149 = vector.extract_strided_slice %get3A_129 {offsets = [2], sizes = [1], strides = [1]} : vector<16xi32> to vector<1xi32>
        %squeeze3A_150 = vector.extract %slice3A_149[0] : i32 from vector<1xi32>
        %slice3A_151 = vector.extract_strided_slice %get3A_131 {offsets = [2], sizes = [1], strides = [1]} : vector<16xf32> to vector<1xf32>
        %squeeze3A_152 = vector.extract %slice3A_151[0] : f32 from vector<1xf32>
        %ne3A_153 = arith.cmpi ne, %squeeze3A_150, %select_n3A_146 : i32
        %add3A_154 = arith.addf %select_n3A_145, %squeeze3A_152 : f32
        %select_n3A_155 = arith.select %ne3A_153, %squeeze3A_152, %add3A_154 : f32
        %select_n3A_156 = arith.select %ne3A_153, %squeeze3A_150, %select_n3A_146 : i32
        %swap3A_157 = arith.index_cast %select_n3A_156 : i32 to index
        %swap3A_158 = memref.load %arg20[%swap3A_157] : memref<1024xf32, #tpu.memory_space<smem>>
        memref.store %select_n3A_155, %arg20[%swap3A_157] : memref<1024xf32, #tpu.memory_space<smem>>
        %slice3A_159 = vector.extract_strided_slice %get3A_129 {offsets = [3], sizes = [1], strides = [1]} : vector<16xi32> to vector<1xi32>
        %squeeze3A_160 = vector.extract %slice3A_159[0] : i32 from vector<1xi32>
        %slice3A_161 = vector.extract_strided_slice %get3A_131 {offsets = [3], sizes = [1], strides = [1]} : vector<16xf32> to vector<1xf32>
        %squeeze3A_162 = vector.extract %slice3A_161[0] : f32 from vector<1xf32>
        %ne3A_163 = arith.cmpi ne, %squeeze3A_160, %select_n3A_156 : i32
        %add3A_164 = arith.addf %select_n3A_155, %squeeze3A_162 : f32
        %select_n3A_165 = arith.select %ne3A_163, %squeeze3A_162, %add3A_164 : f32
        %select_n3A_166 = arith.select %ne3A_163, %squeeze3A_160, %select_n3A_156 : i32
        %swap3A_167 = arith.index_cast %select_n3A_166 : i32 to index
        %swap3A_168 = memref.load %arg20[%swap3A_167] : memref<1024xf32, #tpu.memory_space<smem>>
        memref.store %select_n3A_165, %arg20[%swap3A_167] : memref<1024xf32, #tpu.memory_space<smem>>
        %slice3A_169 = vector.extract_strided_slice %get3A_129 {offsets = [4], sizes = [1], strides = [1]} : vector<16xi32> to vector<1xi32>
        %squeeze3A_170 = vector.extract %slice3A_169[0] : i32 from vector<1xi32>
        %slice3A_171 = vector.extract_strided_slice %get3A_131 {offsets = [4], sizes = [1], strides = [1]} : vector<16xf32> to vector<1xf32>
        %squeeze3A_172 = vector.extract %slice3A_171[0] : f32 from vector<1xf32>
        %ne3A_173 = arith.cmpi ne, %squeeze3A_170, %select_n3A_166 : i32
        %add3A_174 = arith.addf %select_n3A_165, %squeeze3A_172 : f32
        %select_n3A_175 = arith.select %ne3A_173, %squeeze3A_172, %add3A_174 : f32
        %select_n3A_176 = arith.select %ne3A_173, %squeeze3A_170, %select_n3A_166 : i32
        %swap3A_177 = arith.index_cast %select_n3A_176 : i32 to index
        %swap3A_178 = memref.load %arg20[%swap3A_177] : memref<1024xf32, #tpu.memory_space<smem>>
        memref.store %select_n3A_175, %arg20[%swap3A_177] : memref<1024xf32, #tpu.memory_space<smem>>
        %slice3A_179 = vector.extract_strided_slice %get3A_129 {offsets = [5], sizes = [1], strides = [1]} : vector<16xi32> to vector<1xi32>
        %squeeze3A_180 = vector.extract %slice3A_179[0] : i32 from vector<1xi32>
        %slice3A_181 = vector.extract_strided_slice %get3A_131 {offsets = [5], sizes = [1], strides = [1]} : vector<16xf32> to vector<1xf32>
        %squeeze3A_182 = vector.extract %slice3A_181[0] : f32 from vector<1xf32>
        %ne3A_183 = arith.cmpi ne, %squeeze3A_180, %select_n3A_176 : i32
        %add3A_184 = arith.addf %select_n3A_175, %squeeze3A_182 : f32
        %select_n3A_185 = arith.select %ne3A_183, %squeeze3A_182, %add3A_184 : f32
        %select_n3A_186 = arith.select %ne3A_183, %squeeze3A_180, %select_n3A_176 : i32
        %swap3A_187 = arith.index_cast %select_n3A_186 : i32 to index
        %swap3A_188 = memref.load %arg20[%swap3A_187] : memref<1024xf32, #tpu.memory_space<smem>>
        memref.store %select_n3A_185, %arg20[%swap3A_187] : memref<1024xf32, #tpu.memory_space<smem>>
        %slice3A_189 = vector.extract_strided_slice %get3A_129 {offsets = [6], sizes = [1], strides = [1]} : vector<16xi32> to vector<1xi32>
        %squeeze3A_190 = vector.extract %slice3A_189[0] : i32 from vector<1xi32>
        %slice3A_191 = vector.extract_strided_slice %get3A_131 {offsets = [6], sizes = [1], strides = [1]} : vector<16xf32> to vector<1xf32>
        %squeeze3A_192 = vector.extract %slice3A_191[0] : f32 from vector<1xf32>
        %ne3A_193 = arith.cmpi ne, %squeeze3A_190, %select_n3A_186 : i32
        %add3A_194 = arith.addf %select_n3A_185, %squeeze3A_192 : f32
        %select_n3A_195 = arith.select %ne3A_193, %squeeze3A_192, %add3A_194 : f32
        %select_n3A_196 = arith.select %ne3A_193, %squeeze3A_190, %select_n3A_186 : i32
        %swap3A_197 = arith.index_cast %select_n3A_196 : i32 to index
        %swap3A_198 = memref.load %arg20[%swap3A_197] : memref<1024xf32, #tpu.memory_space<smem>>
        memref.store %select_n3A_195, %arg20[%swap3A_197] : memref<1024xf32, #tpu.memory_space<smem>>
        %slice3A_199 = vector.extract_strided_slice %get3A_129 {offsets = [7], sizes = [1], strides = [1]} : vector<16xi32> to vector<1xi32>
        %squeeze3A_200 = vector.extract %slice3A_199[0] : i32 from vector<1xi32>
        %slice3A_201 = vector.extract_strided_slice %get3A_131 {offsets = [7], sizes = [1], strides = [1]} : vector<16xf32> to vector<1xf32>
        %squeeze3A_202 = vector.extract %slice3A_201[0] : f32 from vector<1xf32>
        %ne3A_203 = arith.cmpi ne, %squeeze3A_200, %select_n3A_196 : i32
        %add3A_204 = arith.addf %select_n3A_195, %squeeze3A_202 : f32
        %select_n3A_205 = arith.select %ne3A_203, %squeeze3A_202, %add3A_204 : f32
        %select_n3A_206 = arith.select %ne3A_203, %squeeze3A_200, %select_n3A_196 : i32
        %swap3A_207 = arith.index_cast %select_n3A_206 : i32 to index
        %swap3A_208 = memref.load %arg20[%swap3A_207] : memref<1024xf32, #tpu.memory_space<smem>>
        memref.store %select_n3A_205, %arg20[%swap3A_207] : memref<1024xf32, #tpu.memory_space<smem>>
        %slice3A_209 = vector.extract_strided_slice %get3A_129 {offsets = [8], sizes = [1], strides = [1]} : vector<16xi32> to vector<1xi32>
        %squeeze3A_210 = vector.extract %slice3A_209[0] : i32 from vector<1xi32>
        %slice3A_211 = vector.extract_strided_slice %get3A_131 {offsets = [8], sizes = [1], strides = [1]} : vector<16xf32> to vector<1xf32>
        %squeeze3A_212 = vector.extract %slice3A_211[0] : f32 from vector<1xf32>
        %ne3A_213 = arith.cmpi ne, %squeeze3A_210, %select_n3A_206 : i32
        %add3A_214 = arith.addf %select_n3A_205, %squeeze3A_212 : f32
        %select_n3A_215 = arith.select %ne3A_213, %squeeze3A_212, %add3A_214 : f32
        %select_n3A_216 = arith.select %ne3A_213, %squeeze3A_210, %select_n3A_206 : i32
        %swap3A_217 = arith.index_cast %select_n3A_216 : i32 to index
        %swap3A_218 = memref.load %arg20[%swap3A_217] : memref<1024xf32, #tpu.memory_space<smem>>
        memref.store %select_n3A_215, %arg20[%swap3A_217] : memref<1024xf32, #tpu.memory_space<smem>>
        %slice3A_219 = vector.extract_strided_slice %get3A_129 {offsets = [9], sizes = [1], strides = [1]} : vector<16xi32> to vector<1xi32>
        %squeeze3A_220 = vector.extract %slice3A_219[0] : i32 from vector<1xi32>
        %slice3A_221 = vector.extract_strided_slice %get3A_131 {offsets = [9], sizes = [1], strides = [1]} : vector<16xf32> to vector<1xf32>
        %squeeze3A_222 = vector.extract %slice3A_221[0] : f32 from vector<1xf32>
        %ne3A_223 = arith.cmpi ne, %squeeze3A_220, %select_n3A_216 : i32
        %add3A_224 = arith.addf %select_n3A_215, %squeeze3A_222 : f32
        %select_n3A_225 = arith.select %ne3A_223, %squeeze3A_222, %add3A_224 : f32
        %select_n3A_226 = arith.select %ne3A_223, %squeeze3A_220, %select_n3A_216 : i32
        %swap3A_227 = arith.index_cast %select_n3A_226 : i32 to index
        %swap3A_228 = memref.load %arg20[%swap3A_227] : memref<1024xf32, #tpu.memory_space<smem>>
        memref.store %select_n3A_225, %arg20[%swap3A_227] : memref<1024xf32, #tpu.memory_space<smem>>
        %slice3A_229 = vector.extract_strided_slice %get3A_129 {offsets = [10], sizes = [1], strides = [1]} : vector<16xi32> to vector<1xi32>
        %squeeze3A_230 = vector.extract %slice3A_229[0] : i32 from vector<1xi32>
        %slice3A_231 = vector.extract_strided_slice %get3A_131 {offsets = [10], sizes = [1], strides = [1]} : vector<16xf32> to vector<1xf32>
        %squeeze3A_232 = vector.extract %slice3A_231[0] : f32 from vector<1xf32>
        %ne3A_233 = arith.cmpi ne, %squeeze3A_230, %select_n3A_226 : i32
        %add3A_234 = arith.addf %select_n3A_225, %squeeze3A_232 : f32
        %select_n3A_235 = arith.select %ne3A_233, %squeeze3A_232, %add3A_234 : f32
        %select_n3A_236 = arith.select %ne3A_233, %squeeze3A_230, %select_n3A_226 : i32
        %swap3A_237 = arith.index_cast %select_n3A_236 : i32 to index
        %swap3A_238 = memref.load %arg20[%swap3A_237] : memref<1024xf32, #tpu.memory_space<smem>>
        memref.store %select_n3A_235, %arg20[%swap3A_237] : memref<1024xf32, #tpu.memory_space<smem>>
        %slice3A_239 = vector.extract_strided_slice %get3A_129 {offsets = [11], sizes = [1], strides = [1]} : vector<16xi32> to vector<1xi32>
        %squeeze3A_240 = vector.extract %slice3A_239[0] : i32 from vector<1xi32>
        %slice3A_241 = vector.extract_strided_slice %get3A_131 {offsets = [11], sizes = [1], strides = [1]} : vector<16xf32> to vector<1xf32>
        %squeeze3A_242 = vector.extract %slice3A_241[0] : f32 from vector<1xf32>
        %ne3A_243 = arith.cmpi ne, %squeeze3A_240, %select_n3A_236 : i32
        %add3A_244 = arith.addf %select_n3A_235, %squeeze3A_242 : f32
        %select_n3A_245 = arith.select %ne3A_243, %squeeze3A_242, %add3A_244 : f32
        %select_n3A_246 = arith.select %ne3A_243, %squeeze3A_240, %select_n3A_236 : i32
        %swap3A_247 = arith.index_cast %select_n3A_246 : i32 to index
        %swap3A_248 = memref.load %arg20[%swap3A_247] : memref<1024xf32, #tpu.memory_space<smem>>
        memref.store %select_n3A_245, %arg20[%swap3A_247] : memref<1024xf32, #tpu.memory_space<smem>>
        %slice3A_249 = vector.extract_strided_slice %get3A_129 {offsets = [12], sizes = [1], strides = [1]} : vector<16xi32> to vector<1xi32>
        %squeeze3A_250 = vector.extract %slice3A_249[0] : i32 from vector<1xi32>
        %slice3A_251 = vector.extract_strided_slice %get3A_131 {offsets = [12], sizes = [1], strides = [1]} : vector<16xf32> to vector<1xf32>
        %squeeze3A_252 = vector.extract %slice3A_251[0] : f32 from vector<1xf32>
        %ne3A_253 = arith.cmpi ne, %squeeze3A_250, %select_n3A_246 : i32
        %add3A_254 = arith.addf %select_n3A_245, %squeeze3A_252 : f32
        %select_n3A_255 = arith.select %ne3A_253, %squeeze3A_252, %add3A_254 : f32
        %select_n3A_256 = arith.select %ne3A_253, %squeeze3A_250, %select_n3A_246 : i32
        %swap3A_257 = arith.index_cast %select_n3A_256 : i32 to index
        %swap3A_258 = memref.load %arg20[%swap3A_257] : memref<1024xf32, #tpu.memory_space<smem>>
        memref.store %select_n3A_255, %arg20[%swap3A_257] : memref<1024xf32, #tpu.memory_space<smem>>
        %slice3A_259 = vector.extract_strided_slice %get3A_129 {offsets = [13], sizes = [1], strides = [1]} : vector<16xi32> to vector<1xi32>
        %squeeze3A_260 = vector.extract %slice3A_259[0] : i32 from vector<1xi32>
        %slice3A_261 = vector.extract_strided_slice %get3A_131 {offsets = [13], sizes = [1], strides = [1]} : vector<16xf32> to vector<1xf32>
        %squeeze3A_262 = vector.extract %slice3A_261[0] : f32 from vector<1xf32>
        %ne3A_263 = arith.cmpi ne, %squeeze3A_260, %select_n3A_256 : i32
        %add3A_264 = arith.addf %select_n3A_255, %squeeze3A_262 : f32
        %select_n3A_265 = arith.select %ne3A_263, %squeeze3A_262, %add3A_264 : f32
        %select_n3A_266 = arith.select %ne3A_263, %squeeze3A_260, %select_n3A_256 : i32
        %swap3A_267 = arith.index_cast %select_n3A_266 : i32 to index
        %swap3A_268 = memref.load %arg20[%swap3A_267] : memref<1024xf32, #tpu.memory_space<smem>>
        memref.store %select_n3A_265, %arg20[%swap3A_267] : memref<1024xf32, #tpu.memory_space<smem>>
        %slice3A_269 = vector.extract_strided_slice %get3A_129 {offsets = [14], sizes = [1], strides = [1]} : vector<16xi32> to vector<1xi32>
        %squeeze3A_270 = vector.extract %slice3A_269[0] : i32 from vector<1xi32>
        %slice3A_271 = vector.extract_strided_slice %get3A_131 {offsets = [14], sizes = [1], strides = [1]} : vector<16xf32> to vector<1xf32>
        %squeeze3A_272 = vector.extract %slice3A_271[0] : f32 from vector<1xf32>
        %ne3A_273 = arith.cmpi ne, %squeeze3A_270, %select_n3A_266 : i32
        %add3A_274 = arith.addf %select_n3A_265, %squeeze3A_272 : f32
        %select_n3A_275 = arith.select %ne3A_273, %squeeze3A_272, %add3A_274 : f32
        %select_n3A_276 = arith.select %ne3A_273, %squeeze3A_270, %select_n3A_266 : i32
        %swap3A_277 = arith.index_cast %select_n3A_276 : i32 to index
        %swap3A_278 = memref.load %arg20[%swap3A_277] : memref<1024xf32, #tpu.memory_space<smem>>
        memref.store %select_n3A_275, %arg20[%swap3A_277] : memref<1024xf32, #tpu.memory_space<smem>>
        %slice3A_279 = vector.extract_strided_slice %get3A_129 {offsets = [15], sizes = [1], strides = [1]} : vector<16xi32> to vector<1xi32>
        %squeeze3A_280 = vector.extract %slice3A_279[0] : i32 from vector<1xi32>
        %slice3A_281 = vector.extract_strided_slice %get3A_131 {offsets = [15], sizes = [1], strides = [1]} : vector<16xf32> to vector<1xf32>
        %squeeze3A_282 = vector.extract %slice3A_281[0] : f32 from vector<1xf32>
        %ne3A_283 = arith.cmpi ne, %squeeze3A_280, %select_n3A_276 : i32
        %add3A_284 = arith.addf %select_n3A_275, %squeeze3A_282 : f32
        %select_n3A_285 = arith.select %ne3A_283, %squeeze3A_282, %add3A_284 : f32
        %select_n3A_286 = arith.select %ne3A_283, %squeeze3A_280, %select_n3A_276 : i32
        %swap3A_287 = arith.index_cast %select_n3A_286 : i32 to index
        %swap3A_288 = memref.load %arg20[%swap3A_287] : memref<1024xf32, #tpu.memory_space<smem>>
        memref.store %select_n3A_285, %arg20[%swap3A_287] : memref<1024xf32, #tpu.memory_space<smem>>
        scf.yield %select_n3A_286, %select_n3A_285 : i32, f32
      }
      %scan3A_119 = arith.constant 5 : i32
      scf.yield %scan3A_118#0, %scan3A_118#1 : i32, f32
    }
    %scan3A_71 = arith.constant 125 : i32
    %scan3A_72 = arith.constant 0 : i32
    %scan3A_73 = arith.constant 0 : i32
    %scan3A_74 = arith.constant 64 : i32
    %scan3A_75 = arith.addi %scan3A_73, %scan3A_74 : i32
    %scan3A_76 = arith.constant 1 : i32
    %scan3A_77 = scf.for %scan3A_79 = %scan3A_73 to %scan3A_75 step %scan3A_76 iter_args(%scan3A_80 = %scan3A_72) -> (i32)  : i32 {
      %broadcast_in_dim3A = arith.constant 0.000000e+00 : f32
      %broadcast_in_dim3A_81 = vector.broadcast %broadcast_in_dim3A : f32 to vector<16xf32>
      %eq3A = arith.constant 0 : i32
      %eq3A_82 = vector.broadcast %eq3A : i32 to vector<16xi32>
      %eq3A_83 = arith.cmpi eq, %iota3A, %eq3A_82 : vector<16xi32>
      %mul3A_84 = arith.constant 16 : i32
      %mul3A_85 = arith.muli %scan3A_79, %mul3A_84 : i32
      %add3A_86 = arith.constant 0 : i32
      %add3A_87 = arith.addi %mul3A_85, %add3A_86 : i32
      %get3A_88 = arith.index_cast %add3A_87 : i32 to index
      %get3A_89 = memref.load %arg20[%get3A_88] : memref<1024xf32, #tpu.memory_space<smem>>
      %broadcast_in_dim3A_90 = vector.broadcast %get3A_89 : f32 to vector<16xf32>
      %select_n3A = arith.select %eq3A_83, %broadcast_in_dim3A_90, %broadcast_in_dim3A_81 : vector<16xi1>, vector<16xf32>
      %eq3A_91 = arith.constant 1 : i32
      %eq3A_92 = vector.broadcast %eq3A_91 : i32 to vector<16xi32>
      %eq3A_93 = arith.cmpi eq, %iota3A, %eq3A_92 : vector<16xi32>
      %mul3A_94 = arith.constant 16 : i32
      %mul3A_95 = arith.muli %scan3A_79, %mul3A_94 : i32
      %add3A_96 = arith.constant 1 : i32
      %add3A_97 = arith.addi %mul3A_95, %add3A_96 : i32
      %get3A_98 = arith.index_cast %add3A_97 : i32 to index
      %get3A_99 = memref.load %arg20[%get3A_98] : memref<1024xf32, #tpu.memory_space<smem>>
      %broadcast_in_dim3A_100 = vector.broadcast %get3A_99 : f32 to vector<16xf32>
      %select_n3A_101 = arith.select %eq3A_93, %broadcast_in_dim3A_100, %select_n3A : vector<16xi1>, vector<16xf32>
      %eq3A_102 = arith.constant 2 : i32
      %eq3A_103 = vector.broadcast %eq3A_102 : i32 to vector<16xi32>
      %eq3A_104 = arith.cmpi eq, %iota3A, %eq3A_103 : vector<16xi32>
      %mul3A_105 = arith.constant 16 : i32
      %mul3A_106 = arith.muli %scan3A_79, %mul3A_105 : i32
      %add3A_107 = arith.constant 2 : i32
      %add3A_108 = arith.addi %mul3A_106, %add3A_107 : i32
      %get3A_109 = arith.index_cast %add3A_108 : i32 to index
      %get3A_110 = memref.load %arg20[%get3A_109] : memref<1024xf32, #tpu.memory_space<smem>>
      %broadcast_in_dim3A_111 = vector.broadcast %get3A_110 : f32 to vector<16xf32>
      %select_n3A_112 = arith.select %eq3A_104, %broadcast_in_dim3A_111, %select_n3A_101 : vector<16xi1>, vector<16xf32>
      %eq3A_113 = arith.constant 3 : i32
      %eq3A_114 = vector.broadcast %eq3A_113 : i32 to vector<16xi32>
      %eq3A_115 = arith.cmpi eq, %iota3A, %eq3A_114 : vector<16xi32>
      %mul3A_116 = arith.constant 16 : i32
      %mul3A_117 = arith.muli %scan3A_79, %mul3A_116 : i32
      %add3A_118 = arith.constant 3 : i32
      %add3A_119 = arith.addi %mul3A_117, %add3A_118 : i32
      %get3A_120 = arith.index_cast %add3A_119 : i32 to index
      %get3A_121 = memref.load %arg20[%get3A_120] : memref<1024xf32, #tpu.memory_space<smem>>
      %broadcast_in_dim3A_122 = vector.broadcast %get3A_121 : f32 to vector<16xf32>
      %select_n3A_123 = arith.select %eq3A_115, %broadcast_in_dim3A_122, %select_n3A_112 : vector<16xi1>, vector<16xf32>
      %eq3A_124 = arith.constant 4 : i32
      %eq3A_125 = vector.broadcast %eq3A_124 : i32 to vector<16xi32>
      %eq3A_126 = arith.cmpi eq, %iota3A, %eq3A_125 : vector<16xi32>
      %mul3A_127 = arith.constant 16 : i32
      %mul3A_128 = arith.muli %scan3A_79, %mul3A_127 : i32
      %add3A_129 = arith.constant 4 : i32
      %add3A_130 = arith.addi %mul3A_128, %add3A_129 : i32
      %get3A_131 = arith.index_cast %add3A_130 : i32 to index
      %get3A_132 = memref.load %arg20[%get3A_131] : memref<1024xf32, #tpu.memory_space<smem>>
      %broadcast_in_dim3A_133 = vector.broadcast %get3A_132 : f32 to vector<16xf32>
      %select_n3A_134 = arith.select %eq3A_126, %broadcast_in_dim3A_133, %select_n3A_123 : vector<16xi1>, vector<16xf32>
      %eq3A_135 = arith.constant 5 : i32
      %eq3A_136 = vector.broadcast %eq3A_135 : i32 to vector<16xi32>
      %eq3A_137 = arith.cmpi eq, %iota3A, %eq3A_136 : vector<16xi32>
      %mul3A_138 = arith.constant 16 : i32
      %mul3A_139 = arith.muli %scan3A_79, %mul3A_138 : i32
      %add3A_140 = arith.constant 5 : i32
      %add3A_141 = arith.addi %mul3A_139, %add3A_140 : i32
      %get3A_142 = arith.index_cast %add3A_141 : i32 to index
      %get3A_143 = memref.load %arg20[%get3A_142] : memref<1024xf32, #tpu.memory_space<smem>>
      %broadcast_in_dim3A_144 = vector.broadcast %get3A_143 : f32 to vector<16xf32>
      %select_n3A_145 = arith.select %eq3A_137, %broadcast_in_dim3A_144, %select_n3A_134 : vector<16xi1>, vector<16xf32>
      %eq3A_146 = arith.constant 6 : i32
      %eq3A_147 = vector.broadcast %eq3A_146 : i32 to vector<16xi32>
      %eq3A_148 = arith.cmpi eq, %iota3A, %eq3A_147 : vector<16xi32>
      %mul3A_149 = arith.constant 16 : i32
      %mul3A_150 = arith.muli %scan3A_79, %mul3A_149 : i32
      %add3A_151 = arith.constant 6 : i32
      %add3A_152 = arith.addi %mul3A_150, %add3A_151 : i32
      %get3A_153 = arith.index_cast %add3A_152 : i32 to index
      %get3A_154 = memref.load %arg20[%get3A_153] : memref<1024xf32, #tpu.memory_space<smem>>
      %broadcast_in_dim3A_155 = vector.broadcast %get3A_154 : f32 to vector<16xf32>
      %select_n3A_156 = arith.select %eq3A_148, %broadcast_in_dim3A_155, %select_n3A_145 : vector<16xi1>, vector<16xf32>
      %eq3A_157 = arith.constant 7 : i32
      %eq3A_158 = vector.broadcast %eq3A_157 : i32 to vector<16xi32>
      %eq3A_159 = arith.cmpi eq, %iota3A, %eq3A_158 : vector<16xi32>
      %mul3A_160 = arith.constant 16 : i32
      %mul3A_161 = arith.muli %scan3A_79, %mul3A_160 : i32
      %add3A_162 = arith.constant 7 : i32
      %add3A_163 = arith.addi %mul3A_161, %add3A_162 : i32
      %get3A_164 = arith.index_cast %add3A_163 : i32 to index
      %get3A_165 = memref.load %arg20[%get3A_164] : memref<1024xf32, #tpu.memory_space<smem>>
      %broadcast_in_dim3A_166 = vector.broadcast %get3A_165 : f32 to vector<16xf32>
      %select_n3A_167 = arith.select %eq3A_159, %broadcast_in_dim3A_166, %select_n3A_156 : vector<16xi1>, vector<16xf32>
      %eq3A_168 = arith.constant 8 : i32
      %eq3A_169 = vector.broadcast %eq3A_168 : i32 to vector<16xi32>
      %eq3A_170 = arith.cmpi eq, %iota3A, %eq3A_169 : vector<16xi32>
      %mul3A_171 = arith.constant 16 : i32
      %mul3A_172 = arith.muli %scan3A_79, %mul3A_171 : i32
      %add3A_173 = arith.constant 8 : i32
      %add3A_174 = arith.addi %mul3A_172, %add3A_173 : i32
      %get3A_175 = arith.index_cast %add3A_174 : i32 to index
      %get3A_176 = memref.load %arg20[%get3A_175] : memref<1024xf32, #tpu.memory_space<smem>>
      %broadcast_in_dim3A_177 = vector.broadcast %get3A_176 : f32 to vector<16xf32>
      %select_n3A_178 = arith.select %eq3A_170, %broadcast_in_dim3A_177, %select_n3A_167 : vector<16xi1>, vector<16xf32>
      %eq3A_179 = arith.constant 9 : i32
      %eq3A_180 = vector.broadcast %eq3A_179 : i32 to vector<16xi32>
      %eq3A_181 = arith.cmpi eq, %iota3A, %eq3A_180 : vector<16xi32>
      %mul3A_182 = arith.constant 16 : i32
      %mul3A_183 = arith.muli %scan3A_79, %mul3A_182 : i32
      %add3A_184 = arith.constant 9 : i32
      %add3A_185 = arith.addi %mul3A_183, %add3A_184 : i32
      %get3A_186 = arith.index_cast %add3A_185 : i32 to index
      %get3A_187 = memref.load %arg20[%get3A_186] : memref<1024xf32, #tpu.memory_space<smem>>
      %broadcast_in_dim3A_188 = vector.broadcast %get3A_187 : f32 to vector<16xf32>
      %select_n3A_189 = arith.select %eq3A_181, %broadcast_in_dim3A_188, %select_n3A_178 : vector<16xi1>, vector<16xf32>
      %eq3A_190 = arith.constant 10 : i32
      %eq3A_191 = vector.broadcast %eq3A_190 : i32 to vector<16xi32>
      %eq3A_192 = arith.cmpi eq, %iota3A, %eq3A_191 : vector<16xi32>
      %mul3A_193 = arith.constant 16 : i32
      %mul3A_194 = arith.muli %scan3A_79, %mul3A_193 : i32
      %add3A_195 = arith.constant 10 : i32
      %add3A_196 = arith.addi %mul3A_194, %add3A_195 : i32
      %get3A_197 = arith.index_cast %add3A_196 : i32 to index
      %get3A_198 = memref.load %arg20[%get3A_197] : memref<1024xf32, #tpu.memory_space<smem>>
      %broadcast_in_dim3A_199 = vector.broadcast %get3A_198 : f32 to vector<16xf32>
      %select_n3A_200 = arith.select %eq3A_192, %broadcast_in_dim3A_199, %select_n3A_189 : vector<16xi1>, vector<16xf32>
      %eq3A_201 = arith.constant 11 : i32
      %eq3A_202 = vector.broadcast %eq3A_201 : i32 to vector<16xi32>
      %eq3A_203 = arith.cmpi eq, %iota3A, %eq3A_202 : vector<16xi32>
      %mul3A_204 = arith.constant 16 : i32
      %mul3A_205 = arith.muli %scan3A_79, %mul3A_204 : i32
      %add3A_206 = arith.constant 11 : i32
      %add3A_207 = arith.addi %mul3A_205, %add3A_206 : i32
      %get3A_208 = arith.index_cast %add3A_207 : i32 to index
      %get3A_209 = memref.load %arg20[%get3A_208] : memref<1024xf32, #tpu.memory_space<smem>>
      %broadcast_in_dim3A_210 = vector.broadcast %get3A_209 : f32 to vector<16xf32>
      %select_n3A_211 = arith.select %eq3A_203, %broadcast_in_dim3A_210, %select_n3A_200 : vector<16xi1>, vector<16xf32>
      %eq3A_212 = arith.constant 12 : i32
      %eq3A_213 = vector.broadcast %eq3A_212 : i32 to vector<16xi32>
      %eq3A_214 = arith.cmpi eq, %iota3A, %eq3A_213 : vector<16xi32>
      %mul3A_215 = arith.constant 16 : i32
      %mul3A_216 = arith.muli %scan3A_79, %mul3A_215 : i32
      %add3A_217 = arith.constant 12 : i32
      %add3A_218 = arith.addi %mul3A_216, %add3A_217 : i32
      %get3A_219 = arith.index_cast %add3A_218 : i32 to index
      %get3A_220 = memref.load %arg20[%get3A_219] : memref<1024xf32, #tpu.memory_space<smem>>
      %broadcast_in_dim3A_221 = vector.broadcast %get3A_220 : f32 to vector<16xf32>
      %select_n3A_222 = arith.select %eq3A_214, %broadcast_in_dim3A_221, %select_n3A_211 : vector<16xi1>, vector<16xf32>
      %eq3A_223 = arith.constant 13 : i32
      %eq3A_224 = vector.broadcast %eq3A_223 : i32 to vector<16xi32>
      %eq3A_225 = arith.cmpi eq, %iota3A, %eq3A_224 : vector<16xi32>
      %mul3A_226 = arith.constant 16 : i32
      %mul3A_227 = arith.muli %scan3A_79, %mul3A_226 : i32
      %add3A_228 = arith.constant 13 : i32
      %add3A_229 = arith.addi %mul3A_227, %add3A_228 : i32
      %get3A_230 = arith.index_cast %add3A_229 : i32 to index
      %get3A_231 = memref.load %arg20[%get3A_230] : memref<1024xf32, #tpu.memory_space<smem>>
      %broadcast_in_dim3A_232 = vector.broadcast %get3A_231 : f32 to vector<16xf32>
      %select_n3A_233 = arith.select %eq3A_225, %broadcast_in_dim3A_232, %select_n3A_222 : vector<16xi1>, vector<16xf32>
      %eq3A_234 = arith.constant 14 : i32
      %eq3A_235 = vector.broadcast %eq3A_234 : i32 to vector<16xi32>
      %eq3A_236 = arith.cmpi eq, %iota3A, %eq3A_235 : vector<16xi32>
      %mul3A_237 = arith.constant 16 : i32
      %mul3A_238 = arith.muli %scan3A_79, %mul3A_237 : i32
      %add3A_239 = arith.constant 14 : i32
      %add3A_240 = arith.addi %mul3A_238, %add3A_239 : i32
      %get3A_241 = arith.index_cast %add3A_240 : i32 to index
      %get3A_242 = memref.load %arg20[%get3A_241] : memref<1024xf32, #tpu.memory_space<smem>>
      %broadcast_in_dim3A_243 = vector.broadcast %get3A_242 : f32 to vector<16xf32>
      %select_n3A_244 = arith.select %eq3A_236, %broadcast_in_dim3A_243, %select_n3A_233 : vector<16xi1>, vector<16xf32>
      %eq3A_245 = arith.constant 15 : i32
      %eq3A_246 = vector.broadcast %eq3A_245 : i32 to vector<16xi32>
      %eq3A_247 = arith.cmpi eq, %iota3A, %eq3A_246 : vector<16xi32>
      %mul3A_248 = arith.constant 16 : i32
      %mul3A_249 = arith.muli %scan3A_79, %mul3A_248 : i32
      %add3A_250 = arith.constant 15 : i32
      %add3A_251 = arith.addi %mul3A_249, %add3A_250 : i32
      %get3A_252 = arith.index_cast %add3A_251 : i32 to index
      %get3A_253 = memref.load %arg20[%get3A_252] : memref<1024xf32, #tpu.memory_space<smem>>
      %broadcast_in_dim3A_254 = vector.broadcast %get3A_253 : f32 to vector<16xf32>
      %select_n3A_255 = arith.select %eq3A_247, %broadcast_in_dim3A_254, %select_n3A_244 : vector<16xi1>, vector<16xf32>
      %mul3A_256 = arith.constant 16 : i32
      %mul3A_257 = arith.muli %scan3A_79, %mul3A_256 : i32
      %swap3A = arith.index_cast %mul3A_257 : i32 to index
      %swap3A_258 = tpu.vector_load %arg19[%swap3A] {strides = array<i32>} : memref<1024xf32, #tpu.memory_space<vmem>>, vector<16xf32>,
      tpu.vector_store %arg19[%swap3A], %select_n3A_255 {strides = array<i32>} : memref<1024xf32, #tpu.memory_space<vmem>>, vector<16xf32>,
      %scan3A_259 = arith.constant 0 : i32
      scf.yield %scan3A_259 : i32
    }
    %scan3A_78 = arith.constant 64 : i32
    "tpu.region"() ({
      %run_scoped3A = tpu.sem_alloc : memref<!tpu.dma_semaphore, #tpu.memory_space<semaphore_mem>>
      %dma_start3A_79 = tpu.memref_slice %arg9[%mul3A_2] : memref<320000xf32, #tpu.memory_space<hbm>> -> memref<10000xf32, #tpu.memory_space<hbm>>
      %dma_start3A_80 = tpu.memref_slice %arg9[%mul3A_2] : memref<320000xf32, #tpu.memory_space<hbm>> -> memref<10000xf32, #tpu.memory_space<hbm>>
      tpu.enqueue_dma source(%arg15 : memref<10000xf32, #tpu.memory_space<vmem>>) target(%dma_start3A_80 : memref<10000xf32, #tpu.memory_space<hbm>>) target_semaphore(%run_scoped3A : memref<!tpu.dma_semaphore, #tpu.memory_space<semaphore_mem>>)
      %dma_wait3A = tpu.memref_slice %arg9[%mul3A_2] : memref<320000xf32, #tpu.memory_space<hbm>> -> memref<10000xf32, #tpu.memory_space<hbm>>
      %dma_wait3A_81 = tpu.memref_slice %arg9[%mul3A_2] : memref<320000xf32, #tpu.memory_space<hbm>> -> memref<10000xf32, #tpu.memory_space<hbm>>
      tpu.wait_dma2 semaphore(%run_scoped3A : memref<!tpu.dma_semaphore, #tpu.memory_space<semaphore_mem>>) src(%arg15 : memref<10000xf32, #tpu.memory_space<vmem>>) dst(%dma_wait3A_81 : memref<10000xf32, #tpu.memory_space<hbm>>)
      tpu.yield
    }) : () -> ()
    "tpu.region"() ({
      %run_scoped3A = tpu.sem_alloc : memref<!tpu.dma_semaphore, #tpu.memory_space<semaphore_mem>>
      %dma_start3A_79 = arith.constant 0 : i32
      %dma_start3A_80 = tpu.memref_slice %arg10[%add3A, %dma_start3A_79] : memref<32x1024xf32, #tpu.memory_space<hbm>> -> memref<1x1024xf32, #tpu.memory_space<hbm>>
      %dma_start3A_81 = tpu.memref_squeeze %dma_start3A_80 : memref<1x1024xf32, #tpu.memory_space<hbm>> -> memref<1024xf32, #tpu.memory_space<hbm>>
      %dma_start3A_82 = arith.constant 0 : i32
      %dma_start3A_83 = tpu.memref_slice %arg10[%add3A, %dma_start3A_82] : memref<32x1024xf32, #tpu.memory_space<hbm>> -> memref<1x1024xf32, #tpu.memory_space<hbm>>
      %dma_start3A_84 = tpu.memref_squeeze %dma_start3A_83 : memref<1x1024xf32, #tpu.memory_space<hbm>> -> memref<1024xf32, #tpu.memory_space<hbm>>
      tpu.enqueue_dma source(%arg19 : memref<1024xf32, #tpu.memory_space<vmem>>) target(%dma_start3A_84 : memref<1024xf32, #tpu.memory_space<hbm>>) target_semaphore(%run_scoped3A : memref<!tpu.dma_semaphore, #tpu.memory_space<semaphore_mem>>)
      %dma_wait3A = arith.constant 0 : i32
      %dma_wait3A_85 = tpu.memref_slice %arg10[%add3A, %dma_wait3A] : memref<32x1024xf32, #tpu.memory_space<hbm>> -> memref<1x1024xf32, #tpu.memory_space<hbm>>
      %dma_wait3A_86 = tpu.memref_squeeze %dma_wait3A_85 : memref<1x1024xf32, #tpu.memory_space<hbm>> -> memref<1024xf32, #tpu.memory_space<hbm>>
      %dma_wait3A_87 = arith.constant 0 : i32
      %dma_wait3A_88 = tpu.memref_slice %arg10[%add3A, %dma_wait3A_87] : memref<32x1024xf32, #tpu.memory_space<hbm>> -> memref<1x1024xf32, #tpu.memory_space<hbm>>
      %dma_wait3A_89 = tpu.memref_squeeze %dma_wait3A_88 : memref<1x1024xf32, #tpu.memory_space<hbm>> -> memref<1024xf32, #tpu.memory_space<hbm>>
      tpu.wait_dma2 semaphore(%run_scoped3A : memref<!tpu.dma_semaphore, #tpu.memory_space<semaphore_mem>>) src(%arg19 : memref<1024xf32, #tpu.memory_space<vmem>>) dst(%dma_wait3A_89 : memref<1024xf32, #tpu.memory_space<hbm>>)
      tpu.yield
    }) : () -> ()
    return
  }
}

module attributes {stable_mosaic.version = 14 : i64} {
  func.func @_proj_body(%arg0: i32, %arg1: memref<2000x128xf32, #tpu.memory_space<vmem>>, %arg2: memref<2000x128xf32, #tpu.memory_space<vmem>>, %arg3: memref<128x128xf32, #tpu.memory_space<vmem>>, %arg4: memref<128x128xf32, #tpu.memory_space<vmem>>, %arg5: memref<1x128xf32, #tpu.memory_space<vmem>>, %arg6: memref<1x128xf32, #tpu.memory_space<vmem>>, %arg7: memref<2000x128xf32, #tpu.memory_space<vmem>>, %arg8: memref<2000x128xf32, #tpu.memory_space<vmem>>, %arg9: memref<2000x1xf32, #tpu.memory_space<vmem>>, %arg10: memref<2000x1xf32, #tpu.memory_space<vmem>>) attributes {dimension_semantics = [#tpu.dimension_semantics<arbitrary>], iteration_bounds = array<i64: 5>, scalar_prefetch = 0 : i64, scratch_operands = 0 : i64, tpu.core_type = #tpu.core_type<tc>, window_params = [{transform_indices = @transform_0, window_bounds = array<i64: 2000, 128>}, {transform_indices = @transform_1, window_bounds = array<i64: 2000, 128>}, {pipeline_mode = #tpu.pipeline_mode<synchronous>, transform_indices = @transform_2, window_bounds = array<i64: 128, 128>}, {pipeline_mode = #tpu.pipeline_mode<synchronous>, transform_indices = @transform_3, window_bounds = array<i64: 128, 128>}, {pipeline_mode = #tpu.pipeline_mode<synchronous>, transform_indices = @transform_4, window_bounds = array<i64: 1, 128>}, {pipeline_mode = #tpu.pipeline_mode<synchronous>, transform_indices = @transform_5, window_bounds = array<i64: 1, 128>}, {transform_indices = @transform_6, window_bounds = array<i64: 2000, 128>}, {transform_indices = @transform_7, window_bounds = array<i64: 2000, 128>}, {transform_indices = @transform_8, window_bounds = array<i64: 2000, 1>}, {transform_indices = @transform_9, window_bounds = array<i64: 2000, 1>}]} {
    %get3A = arith.constant 0 : index
    %get3A_0 = arith.constant 0 : index
    %get3A_1 = vector.load %arg1[%get3A, %get3A_0] : memref<2000x128xf32, #tpu.memory_space<vmem>>, vector<2000x128xf32>
    %get3A_2 = arith.constant 0 : index
    %get3A_3 = arith.constant 0 : index
    %get3A_4 = vector.load %arg3[%get3A_2, %get3A_3] : memref<128x128xf32, #tpu.memory_space<vmem>>, vector<128x128xf32>
    %dot_general3A = arith.constant dense<0.000000e+00> : vector<2000x128xf32>
    %dot_general3A_5 = tpu.matmul %get3A_1, %get3A_4, %dot_general3A {dimension_numbers = #tpu.dot_dimension_numbers<[1], [0], [0], [1], [0, 0, 1, 1], [], []>, transpose_lhs_hint = false} : vector<2000x128xf32>, vector<128x128xf32>, vector<2000x128xf32> -> vector<2000x128xf32>
    %get3A_6 = arith.constant 0 : index
    %get3A_7 = arith.constant 0 : index
    %get3A_8 = vector.load %arg2[%get3A_6, %get3A_7] : memref<2000x128xf32, #tpu.memory_space<vmem>>, vector<2000x128xf32>
    %get3A_9 = arith.constant 0 : index
    %get3A_10 = arith.constant 0 : index
    %get3A_11 = vector.load %arg4[%get3A_9, %get3A_10] : memref<128x128xf32, #tpu.memory_space<vmem>>, vector<128x128xf32>
    %dot_general3A_12 = arith.constant dense<0.000000e+00> : vector<2000x128xf32>
    %dot_general3A_13 = tpu.matmul %get3A_8, %get3A_11, %dot_general3A_12 {dimension_numbers = #tpu.dot_dimension_numbers<[1], [0], [0], [1], [0, 0, 1, 1], [], []>, transpose_lhs_hint = false} : vector<2000x128xf32>, vector<128x128xf32>, vector<2000x128xf32> -> vector<2000x128xf32>
    %get3A_14 = arith.constant 0 : index
    %get3A_15 = arith.constant 0 : index
    %get3A_16 = vector.load %arg5[%get3A_14, %get3A_15] : memref<1x128xf32, #tpu.memory_space<vmem>>, vector<1x128xf32>
    %add3A = vector.broadcast %get3A_16 : vector<1x128xf32> to vector<2000x128xf32>
    %add3A_17 = arith.addf %dot_general3A_13, %add3A : vector<2000x128xf32>
    %swap3A = arith.constant 0 : index
    %swap3A_18 = arith.constant 0 : index
    %swap3A_19 = vector.load %arg7[%swap3A, %swap3A_18] : memref<2000x128xf32, #tpu.memory_space<vmem>>, vector<2000x128xf32>
    tpu.vector_store %arg7[%swap3A, %swap3A_18], %dot_general3A_5 {strides = array<i32>} : memref<2000x128xf32, #tpu.memory_space<vmem>>, vector<2000x128xf32>,
    %swap3A_20 = arith.constant 0 : index
    %swap3A_21 = arith.constant 0 : index
    %swap3A_22 = vector.load %arg8[%swap3A_20, %swap3A_21] : memref<2000x128xf32, #tpu.memory_space<vmem>>, vector<2000x128xf32>
    tpu.vector_store %arg8[%swap3A_20, %swap3A_21], %add3A_17 {strides = array<i32>} : memref<2000x128xf32, #tpu.memory_space<vmem>>, vector<2000x128xf32>,
    %get3A_23 = arith.constant 0 : index
    %get3A_24 = arith.constant 0 : index
    %get3A_25 = vector.load %arg6[%get3A_23, %get3A_24] : memref<1x128xf32, #tpu.memory_space<vmem>>, vector<1x128xf32>
    %reshape3A = vector.shape_cast %get3A_25 : vector<1x128xf32> to vector<128x1xf32>
    %dot_general3A_26 = arith.constant dense<0.000000e+00> : vector<2000x1xf32>
    %dot_general3A_27 = tpu.matmul %dot_general3A_5, %reshape3A, %dot_general3A_26 {dimension_numbers = #tpu.dot_dimension_numbers<[1], [0], [0], [1], [0, 0, 1, 1], [], []>, transpose_lhs_hint = false} : vector<2000x128xf32>, vector<128x1xf32>, vector<2000x1xf32> -> vector<2000x1xf32>
    %swap3A_28 = arith.constant 0 : index
    %swap3A_29 = arith.constant 0 : index
    %swap3A_30 = vector.load %arg9[%swap3A_28, %swap3A_29] : memref<2000x1xf32, #tpu.memory_space<vmem>>, vector<2000x1xf32>
    tpu.vector_store %arg9[%swap3A_28, %swap3A_29], %dot_general3A_27 {strides = array<i32>} : memref<2000x1xf32, #tpu.memory_space<vmem>>, vector<2000x1xf32>,
    %dot_general3A_31 = arith.constant dense<0.000000e+00> : vector<2000x1xf32>
    %dot_general3A_32 = tpu.matmul %add3A_17, %reshape3A, %dot_general3A_31 {dimension_numbers = #tpu.dot_dimension_numbers<[1], [0], [0], [1], [0, 0, 1, 1], [], []>, transpose_lhs_hint = false} : vector<2000x128xf32>, vector<128x1xf32>, vector<2000x1xf32> -> vector<2000x1xf32>
    %swap3A_33 = arith.constant 0 : index
    %swap3A_34 = arith.constant 0 : index
    %swap3A_35 = vector.load %arg10[%swap3A_33, %swap3A_34] : memref<2000x1xf32, #tpu.memory_space<vmem>>, vector<2000x1xf32>
    tpu.vector_store %arg10[%swap3A_33, %swap3A_34], %dot_general3A_32 {strides = array<i32>} : memref<2000x1xf32, #tpu.memory_space<vmem>>, vector<2000x1xf32>,
    return
  }
  func.func @transform_0(%arg0: i32) -> (i32, i32) {
    %c0_i32 = arith.constant 0 : i32
    %c0_i32_0 = arith.constant 0 : i32
    return %arg0, %c0_i32 : i32, i32
  }
  func.func @transform_1(%arg0: i32) -> (i32, i32) {
    %c0_i32 = arith.constant 0 : i32
    %c0_i32_0 = arith.constant 0 : i32
    return %arg0, %c0_i32 : i32, i32
  }
  func.func @transform_2(%arg0: i32) -> (i32, i32) {
    %c0_i32 = arith.constant 0 : i32
    %c0_i32_0 = arith.constant 0 : i32
    %c0_i32_1 = arith.constant 0 : i32
    return %c0_i32, %c0_i32_0 : i32, i32
  }
  func.func @transform_3(%arg0: i32) -> (i32, i32) {
    %c0_i32 = arith.constant 0 : i32
    %c0_i32_0 = arith.constant 0 : i32
    %c0_i32_1 = arith.constant 0 : i32
    return %c0_i32, %c0_i32_0 : i32, i32
  }
  func.func @transform_4(%arg0: i32) -> (i32, i32) {
    %c0_i32 = arith.constant 0 : i32
    %c0_i32_0 = arith.constant 0 : i32
    %c0_i32_1 = arith.constant 0 : i32
    return %c0_i32, %c0_i32_0 : i32, i32
  }
  func.func @transform_5(%arg0: i32) -> (i32, i32) {
    %c0_i32 = arith.constant 0 : i32
    %c0_i32_0 = arith.constant 0 : i32
    %c0_i32_1 = arith.constant 0 : i32
    return %c0_i32, %c0_i32_0 : i32, i32
  }
  func.func @transform_6(%arg0: i32) -> (i32, i32) {
    %c0_i32 = arith.constant 0 : i32
    %c0_i32_0 = arith.constant 0 : i32
    return %arg0, %c0_i32 : i32, i32
  }
  func.func @transform_7(%arg0: i32) -> (i32, i32) {
    %c0_i32 = arith.constant 0 : i32
    %c0_i32_0 = arith.constant 0 : i32
    return %arg0, %c0_i32 : i32, i32
  }
  func.func @transform_8(%arg0: i32) -> (i32, i32) {
    %c0_i32 = arith.constant 0 : i32
    %c0_i32_0 = arith.constant 0 : i32
    return %arg0, %c0_i32 : i32, i32
  }
  func.func @transform_9(%arg0: i32) -> (i32, i32) {
    %c0_i32 = arith.constant 0 : i32
    %c0_i32_0 = arith.constant 0 : i32
    return %arg0, %c0_i32 : i32, i32
  }
}

</mosaic_0001>

<sc_bundles>
// kernel: kernel.5.cloned.1.call-start
scs
__scs_entry_jumppad:
0x0: {  	(pc) =	sbr.rel $0x88, $3  }
0x1: {  	(tag) =	ssettag $0x0;
	lr =	simm.s32 $0x1  }
0x2: {  	[smem:$0x3F98] =	sst lr;
	_ =	strace $0xD0000000  }
0x3: {  	_ = 	snop  }
0x4: {  	_ = 	snop  }
0x5: {  	_ = 	snop  }
0x6: {  	_ = 	snop  }
0x7: {  	_ = 	snop  }
__scs_overlays_trampoline_lowered:
0x8: {  	[smem:$0x3FA7] =	sst s0  }
0x9: {  	[smem:$0x3FA8] =	sst s1  }
0xa: {  	[smem:$0x3FA9] =	sst s2  }
0xb: {  	[smem:$0x3FAA] =	sst s3  }
0xc: {  	[smem:$0x3FAB] =	sst s4  }
0xd: {  	[smem:$0x3FAC] =	sst s5  }
0xe: {  	[smem:$0x3FAD] =	sst s6  }
0xf: {  	[smem:$0x3FAE] =	sst s7  }
0x10: {  	[smem:$0x3FAF] =	sst s8  }
0x11: {  	[smem:$0x3FB0] =	sst s9;
	s0 =	simm.s32 @!p0 $0x0  }
0x12: {  	s1 =	sld [smem:$0x3F96];
	s0 =	simm.s32 @p0 $0x1  }
0x13: {  	[smem:$0x3FB1] =	sst s0;
	s0 =	simm.s32 @!p1 $0x0  }
0x14: {  	s2 =	sld [smem:$0x3F95];
	s0 =	simm.s32 @p1 $0x1  }
0x15: {  	[smem:$0x3FB2] =	sst s0;
	s0 =	simm.s32 @!p2 $0x0  }
0x16: {  	s3 =	sld [smem:$0x3FDB];
	s0 =	simm.s32 @p2 $0x1  }
0x17: {  	s4 =	simm.s32 $0x1BF5;
	[smem:$0x3FB4] =	sst s0  }
0x18: {  	s0 =	sld [smem:$0x3F97];
	_ =	swait.ge [sflag:s4], $0x0  }
0x19: {  	s7 =	sld [smem:$0x3F98]  }
0x1a: {  	s8 =	sadd.s32 $0xFFFFE003, lr  }
0x1b: {  	s9 =	sadd.s32 $0xFFFFFEF7, lr;
	s5 =	simm.s32 $0xFFFFFFFF;
	p2 =	slt.u32 s8, $0xFFFFF086  }
0x1c: {  	p1 =	slt.u32 s9, $0xF7A;
	s5 =	simm.s32 @!p2 $0x0  }
0x1d: {  	s5 =	simm.s32 @p1 $0x1;
	p0 =	seq.s32 s7, s2  }
0x1e: {  	s7 =	smul.u32 @!p0 $0xF7A, s2;
	p2 =	seq.s32 @!p0 s5, $0x0  }
0x1f: {  	s9 =	smul.u32 $0xF7A, s1;
	s8 =	simm.s32 @!p0 $0x1BF5;
	p2 =	por !p2, p0  }
0x20: {  	[sflag:s8] =	ssyncset.s32 @!p0 $0xFFFFF086;
	s6 =	sadd.s32 @!p0 s3, s7;
	s7 =	simm.s32 @!p0 $0x108  }
0x21: {  	s3 =	sadd.s32 s3, s9;
	s6 =	sadd.s32 @!p0 $0x88, s6;
	s7 =	simm.s32 @p2 $0x1082  }
0x22: {  	[simem:s7], [sflag:s8] =	dma.local @!p0 [hbm:s6], $0xF7A  }
0x23: {  	s9 =	sor.u32 $0xD0000000, s2;
	s6 =	simm.s32 $0x108;
	_ =	swait.ge @!p0 [sflag:s8], $0x0  }
0x24: {  	s3 =	sadd.s32 $0x88, s3;
	s6 =	simm.s32 @!p1 $0x1082;
	[sflag:s4] =	ssyncset.s32 $0xFFFFF086  }
0x25: {  	[simem:s6], [sflag:s4] =	dma.local [hbm:s3], $0xF7A  }
0x26: {  	[smem:$0x3F98] =	sst s1;
	(tag) =	ssettag s2;
	_ =	strace s9  }
0x27: {  	s1 =	sld [smem:$0x3FA8]  }
0x28: {  	s2 =	sld [smem:$0x3FA9]  }
0x29: {  	s4 =	sld [smem:$0x3FAB]  }
0x2a: {  	p0 =	seq.s32 s5, $0x0;
	s5 =	sld [smem:$0x3FAC]  }
0x2b: {  	s6 =	sld [smem:$0x3FAD]  }
0x2c: {  	s7 =	sld [smem:$0x3FAE]  }
0x2d: {  	s3 =	simm.s32 $0x108;
	s8 =	sld [smem:$0x3FAF]  }
0x2e: {  	s3 =	simm.s32 @!p0 $0x1082;
	s9 =	sld [smem:$0x3FB0]  }
0x2f: {  	lr =	sadd.s32 s0, s3;
	s0 =	sld [smem:$0x3FA7]  }
0x30: {  	s3 =	sld [smem:$0x3FAA]  }
0x31: {  	[smem:$0x3FB3] =	sst s10  }
0x32: {  	s10 =	sld [smem:$0x3FB1];
	_ =	sdelay $0x3  }
0x33: {  	p0 =	seq.s32 s10, $0x1;
	s10 =	sld [smem:$0x3FB3];
	_ =	sdelay $0x3  }
0x34: {  	[smem:$0x3FB3] =	sst s10  }
0x35: {  	s10 =	sld [smem:$0x3FB2];
	_ =	sdelay $0x3  }
0x36: {  	p1 =	seq.s32 s10, $0x1;
	s10 =	sld [smem:$0x3FB3];
	_ =	sdelay $0x3  }
0x37: {  	[smem:$0x3FB3] =	sst s10  }
0x38: {  	s10 =	sld [smem:$0x3FB4]  }
0x39: {  	_ = 	snop;
	(pc) =	sbr.ind lr, $3  }
0x3a: {  	_ = 	snop  }
0x3b: {  	_ = 	snop  }
0x3c: {  	p2 =	seq.s32 s10, $0x1;
	s10 =	sld [smem:$0x3FB3]  }
0x3d: {  	_ =	shalt  }
0x3e: {  	_ =	shalt  }
0x3f: {  	_ =	shalt  }
0x40: {  	_ =	shalt  }
0x41: {  	_ =	shalt  }
0x42: {  	_ =	shalt  }
0x43: {  	_ =	shalt  }
0x44: {  	_ =	shalt  }
0x45: {  	_ =	shalt  }
0x46: {  	_ =	shalt  }
0x47: {  	_ =	shalt  }
0x48: {  	_ =	shalt  }
0x49: {  	_ =	shalt  }
0x4a: {  	_ =	shalt  }
0x4b: {  	_ =	shalt  }
0x4c: {  	_ =	shalt  }
0x4d: {  	_ =	shalt  }
0x4e: {  	_ =	shalt  }
0x4f: {  	_ =	shalt  }
0x50: {  	_ =	shalt  }
0x51: {  	_ =	shalt  }
0x52: {  	_ =	shalt  }
0x53: {  	_ =	shalt  }
0x54: {  	_ =	shalt  }
0x55: {  	_ =	shalt  }
0x56: {  	_ =	shalt  }
0x57: {  	_ =	shalt  }
0x58: {  	_ =	shalt  }
0x59: {  	_ =	shalt  }
0x5a: {  	_ =	shalt  }
0x5b: {  	_ =	shalt  }
0x5c: {  	_ =	shalt  }
0x5d: {  	_ =	shalt  }
0x5e: {  	_ =	shalt  }
0x5f: {  	_ =	shalt  }
0x60: {  	_ =	shalt  }
0x61: {  	_ =	shalt  }
0x62: {  	_ =	shalt  }
0x63: {  	_ =	shalt  }
0x64: {  	_ =	shalt  }
0x65: {  	_ =	shalt  }
0x66: {  	_ =	shalt  }
0x67: {  	_ =	shalt  }
0x68: {  	_ =	shalt  }
0x69: {  	_ =	shalt  }
0x6a: {  	_ =	shalt  }
0x6b: {  	_ =	shalt  }
0x6c: {  	_ =	shalt  }
0x6d: {  	_ =	shalt  }
0x6e: {  	_ =	shalt  }
0x6f: {  	_ =	shalt  }
0x70: {  	_ =	shalt  }
0x71: {  	_ =	shalt  }
0x72: {  	_ =	shalt  }
0x73: {  	_ =	shalt  }
0x74: {  	_ =	shalt  }
0x75: {  	_ =	shalt  }
0x76: {  	_ =	shalt  }
0x77: {  	_ =	shalt  }
0x78: {  	_ =	shalt  }
0x79: {  	_ =	shalt  }
0x7a: {  	_ =	shalt  }
0x7b: {  	_ =	shalt  }
0x7c: {  	_ =	shalt  }
0x7d: {  	_ =	shalt  }
0x7e: {  	_ =	shalt  }
0x7f: {  	_ =	shalt  }
0x80: {  	_ =	shalt  }
0x81: {  	_ =	shalt  }
0x82: {  	_ =	shalt  }
0x83: {  	_ =	shalt  }
0x84: {  	_ =	shalt  }
0x85: {  	_ =	shalt  }
0x86: {  	_ =	shalt  }
0x87: {  	_ =	shalt  }
.Lfunc_end0:
.L_simem_size_0:
called_computation_lowered:
.L_overlay_start_0:
0x88: {  	s2 =	sld [smem:$0x3FD9]  }
0x89: {  	s3 =	sld [smem:$0x3FFE];
	_ =	sdelay $0x1  }
0x8a: {  	s1 =	srdreg.scid  }
0x8b: {  	s0 =	sand.u32 $0x1, s1  }
0x8c: {  	s17 =	sshll.u32 s0, $0xA;
	s2 =	sadd.s32 s3, s2  }
0x8d: {  	s2 =	sadd.s32 s2, s17  }
0x8e: {  	[smem:$0x3FBF] =	sst s2  }
0x8f: {  	_ = 	snop  }
0x90: {  	s2 =	sld [smem:$0x3FC6]  }
0x91: {  	s18 =	sld [smem:$0x3FC1];
	(tm) =	ssettm $0x1  }
0x92: {  	s4 =	sld [smem:$0x3FFB];
	_ =	sdelay $0x3  }
0x93: {  	_ =	strace s4  }
0x94: {  	s4 =	sld [smem:$0x3FFC];
	_ =	sdelay $0x3  }
0x95: {  	_ =	strace s4  }
0x96: {  	s4 =	sld [smem:$0x3FFD];
	_ =	sdelay $0x3  }
0x97: {  	_ =	strace s4  }
0x98: {  	_ =	strace $0x8FFFFFFF  }
0x99: {  	s19 =	sld [smem:$0x3FDB];
	_ =	sdelay $0x1  }
0x9a: {  	s5 =	simm.s32 $_scs_section_size  }
0x9b: {  	s6 =	simm.s32 $_size__tile_overlayer_lowered;
	s7 =	simm.s32 $_tile_overlayer_lowered  }
0x9c: {  	s22 =	simm.s32 $0x1BFF;
	s21 =	sshll.u32 s7, $0x1;
	s4 =	sadd.s32 s5, s19  }
0x9d: {  	s8 =	simm.s32 $0x0;
	s20 =	sshll.u32 s6, $0x1;
	s6 =	sadd.s32 s21, s4  }
0x9e: {  	[timem:s8], [sflag:s22] =	dma.local [hbm:s6], s20  }
0x9f: {  	_ =	swait.ge [sflag:s22], s20  }
0xa0: {  	s5 =	ssub.s32 $0x0, s20;
	[sflag:s22] =	ssyncset.done $0x0  }
0xa1: {  	[sflag:s22] =	ssyncadd.s32 s5;
	_ =	sdelay $0x1  }
0xa2: {  	s23 =	simm.s32 $0x1B8B  }
0xa3: {  	_ =	swait.ge [sflag:s23], $0x1  }
0xa4: {  	[sflag:s23] =	ssyncset.done $0x0  }
0xa5: {  	s25 =	simm.s32 $0x1B8E;
	s24 =	sld [smem:$0x3FFE];
	[sflag:s23] =	ssyncadd.s32 $0xFFFFFFFF  }
0xa6: {  	s26 =	simm.s32 $execute0_lowered;
	[smem:$0x3FD2] =	sst s25  }
0xa7: {  	s6 =	sshll.u32 s26, $0x1;
	_ =	strace $0x80000046;
	[dreg:$0x1] =	wrdreg $0xFFFFFFFF  }
0xa8: {  	s28 =	simm.s32 $_size_execute0_lowered;
	s4 =	sadd.s32 s4, s6;
	[dreg:$0x0] =	wrdreg $0x0  }
0xa9: {  	s6 =	sshll.u32 s28, $0x1;
	[dreg:$0x2] =	wrdreg s4  }
0xaa: {  	[dreg:$0x3] =	wrdreg s6  }
0xab: {  	[dreg:$0x4] =	wrdreg $0xC0  }
0xac: {  	_ =	task [dreg:s8], $0x5FFFF  }
0xad: {  	[dreg:$0x1] =	wrdreg $0xFFFFFFFF  }
0xae: {  	[dreg:$0x0] =	wrdreg $0x60  }
0xaf: {  	[dreg:$0x2] =	wrdreg s24  }
0xb0: {  	[dreg:$0x3] =	wrdreg s18  }
0xb1: {  	[dreg:$0x4] =	wrdreg s2  }
0xb2: {  	[dreg:$0x5] =	wrdreg $0x9  }
0xb3: {  	_ =	task.clear_ibuf [dreg:s8], $0x6FFFF;
	_ =	strace $0x90000046  }
0xb4: {  	s29 =	simm.s32 $0x9;
	_ =	strace $0x80000048  }
0xb5: {  	_ =	swait.ge [sflag:s29], $0x1  }
0xb6: {  	[sflag:s29] =	ssyncadd.s32 $0xFFFFFFFF  }
0xb7: {  	_ =	strace $0x90000048  }
0xb8: {  	_ =	sfence  }
0xb9: {  	s30 =	sld [smem:$0x0];
	_ =	sdelay $0x2  }
0xba: {  	s31 =	sshll.u32 s1, $0xD;
	s1 =	sshrl.u32 s1, $0x2  }
0xbb: {  	s3 =	sand.u32 $0x4000, s31;
	s1 =	sadd.s32 s1, s30  }
0xbc: {  	s0 =	sor.u32 s3, s0;
	s1 =	sshll.u32 s1, $0x11  }
0xbd: {  	s0 =	sor.u32 s1, s0  }
0xbe: {  	s0 =	sadd.s32 $0x8F2B, s0  }
0xbf: {  	[sflag:s0] =	ssyncadd.remote.s32 $0x1  }
0xc0: {  	_ =	sfence.sel $0xFFFF  }
0xc1: {  	[dreg:$0x0] =	wrdreg $0xFFFFFFFF;
	(pc) =	sbr.abs _section_cstart, $3  }
0xc2: {  	[dreg:$0x1] =	wrdreg $0xFFFFFFFF  }
0xc3: {  	_ =	task.clear_ibuf [dreg:s8], $0x2FFFF;
	_ =	strace $0x9FFFFFFF  }
0xc4: {  	(tm) =	ssettm $0x7FFFFFFF  }
0xc5: {  	_ =	shalt  }
tec
execute0_lowered:
.L_overlay_start_1:
0x0: {  	(tag) =	ssettag $0x1  }
0x1: {  	s0 =	rddreg [dreg:$0x0];
	s3 =	simm.s32 $0x0;
	vm0 =	vmmov $0x1;
	v0 =	vimm.s32 $0x0  }
0x2: {  	vm1 =	vmmov $0x3;
	v51 =	vimm.s32 $0x0;
	[smem:$0x7FF] =	sst s3;
	v0 =	vsel vm0, $0xFFFFFFFF, v0  }
0x3: {  	s1 =	rddreg [dreg:$0x2];
	vm2 =	vmmov $0x7;
	v52 =	vimm.s32 $0x0;
	_ =	strace $0x80000047;
	[tilespmem:$0x1FF20] =	vst v0;
	v0 =	vsel vm1, $0xFFFFFFFF, v51  }
0x4: {  	vm3 =	vmmov $0xf;
	v53 =	vimm.s32 $0x0;
	[tilespmem:$0x1FF30] =	vst v0;
	v0 =	vsel vm2, $0xFFFFFFFF, v52  }
0x5: {  	s2 =	srdreg.scid;
	s9 =	stileid.u32;
	vm4 =	vmmov $0x1f;
	s14 =	simm.s32 $0x5;
	v54 =	vimm.s32 $0x0;
	[tilespmem:$0x1FF40] =	vst v0;
	v0 =	vsel vm3, $0xFFFFFFFF, v53  }
0x6: {  	vm5 =	vmmov $0x3f;
	s25 =	simm.s32 $0x0;
	v55 =	vimm.s32 $0x0;
	s2 =	sand.u32 $0x1, s2;
	s4 =	sshll.u32 s9, $0x1;
	[tilespmem:$0x1FF50] =	vst v0;
	v0 =	vsel vm4, $0xFFFFFFFF, v54  }
0x7: {  	vm6 =	vmmov $0x7f;
	v56 =	vimm.s32 $0x0;
	s5 =	sadd.s32 $0x48600, s0;
	s10 =	sadd.s32 $0x21200, s0;
	s9 =	sshll.u32 s9, $0x8;
	[tilespmem:$0x1FF60] =	vst v0;
	v0 =	vsel vm5, $0xFFFFFFFF, v55  }
0x8: {  	vm7 =	vmmov $0xff;
	v57 =	vimm.s32 $0x0;
	s6 =	sor.u32 s2, s4;
	s4 =	sadd.s32 $0x21400, s0;
	[dreg:$0x4] =	wrdreg s10;
	[tilespmem:$0x1FF70] =	vst v0;
	v0 =	vsel vm6, $0xFFFFFFFF, v56  }
0x9: {  	vm8 =	vmmov $0x1ff;
	v58 =	vimm.s32 $0x0;
	s2 =	ssub.s32 $0x2, s2;
	s9 =	sand.u32 $0xC00, s9;
	s7 =	sshll.u32 s6, $0xB;
	[tilespmem:$0x1FF80] =	vst v0;
	v0 =	vsel vm7, $0xFFFFFFFF, v57  }
0xa: {  	vm9 =	vmmov $0x3ff;
	v59 =	vimm.s32 $0x0;
	s8 =	smul.u32 $0x4E2, s6;
	s6 =	sshll.u32 s6, $0x4;
	s7 =	sadd.s32 s7, s0;
	[tilespmem:$0x1FF90] =	vst v0;
	v0 =	vsel vm8, $0xFFFFFFFF, v58  }
0xb: {  	vm10 =	vmmov $0x7ff;
	v60 =	vimm.s32 $0x0;
	s11 =	sshrl.u32 s2, $0x1;
	s6 =	sand.u32 $0x70, s6;
	s30 =	sadd.s32 $0x1200, s7;
	[tilespmem:$0x1FFA0] =	vst v0;
	v0 =	vsel vm9, $0xFFFFFFFF, v59  }
0xc: {  	vm11 =	vmmov $0xfff;
	v61 =	vimm.s32 $0x0;
	s29 =	sadd.s32 s8, s0;
	s7 =	sadd.s32 $0x11200, s7;
	[dreg:$0x5] =	wrdreg s30;
	[tilespmem:$0x1FFB0] =	vst v0;
	v0 =	vsel vm10, $0xFFFFFFFF, v60  }
0xd: {  	vm12 =	vmmov $0x1fff;
	v62 =	vimm.s32 $0x0;
	s0 =	sadd.s32 s9, s0;
	s1 =	sadd.s32 s1, s8;
	[dreg:$0x6] =	wrdreg s7;
	[tilespmem:$0x1FFC0] =	vst v0;
	v0 =	vsel vm11, $0xFFFFFFFF, v61  }
0xe: {  	vm13 =	vmmov $0x3fff;
	v63 =	vimm.s32 $0x0;
	[dreg:$0x7] =	wrdreg s1;
	s31 =	sadd.s32 $0x6F800, s29;
	s0 =	sadd.s32 s6, s0;
	[tilespmem:$0x1FFD0] =	vst v0;
	v0 =	vsel vm12, $0xFFFFFFFF, v62  }
0xf: {  	s2 =	ssub.s32 s2, s11;
	[dreg:$0x8] =	wrdreg s31;
	s0 =	sadd.s32 $0x79600, s0;
	[tilespmem:$0x1FFE0] =	vst v0;
	v0 =	vsel vm13, $0xFFFFFFFF, v63  }
0x10: {  	vm14 =	vmmov $0x7fff;
	vm15 =	vcmask $0x3734;
	s12 =	smax.u32 s2, $0x1;
	s2 =	simm.s32 $0x4000;
	[dreg:$0x9] =	wrdreg s0;
	[tilespmem:$0x1FFF0] =	vst v0  }
.LBB2_1:
0x11: {  	s0 =	rddreg [dreg:$0x1];
	s1 =	simm.s32 $0x14780  }
0x12: {  	[tilespmem:s1], [sflag:$0x5] =	stream.linear.gather [hbm4b:s0+s3], $0x80, $0x38;
	[tilespmem:$0x17400] =	vst v63  }
0x13: {  	_ =	swait.ge [sflag:s14], $0x80  }
0x14: {  	[sflag:s14] =	ssyncset.done $0x0  }
0x15: {  	s26 =	simm.s32 $0x14800;
	s24 =	rddreg [dreg:$0x4];
	[sflag:s14] =	ssyncadd.s32 $0xFFFFFF80  }
0x16: {  	[tilespmem:s26], [sflag:$0x5] =	stream.linear.gather [hbm4b:s24+s3], $0x80, $0x38;
	[tilespmem:$0x17400] =	vst v63  }
0x17: {  	_ =	swait.ge [sflag:s14], $0x80  }
0x18: {  	[sflag:s14] =	ssyncset.done $0x0  }
0x19: {  	s28 =	rddreg [dreg:$0x5];
	[sflag:s14] =	ssyncadd.s32 $0xFFFFFF80  }
0x1a: {  	[tilespmem:s3], [sflag:$0x5] =	stream.linear.gather [hbm4b:s28+s3], $0x3E80, $0x38;
	[tilespmem:$0x17400] =	vst v63  }
0x1b: {  	_ =	swait.ge [sflag:s14], $0x3E80  }
0x1c: {  	[sflag:s14] =	ssyncset.done $0x0  }
0x1d: {  	s29 =	rddreg [dreg:$0x6];
	[sflag:s14] =	ssyncadd.s32 $0xFFFFC180  }
0x1e: {  	[tilespmem:s2], [sflag:$0x5] =	stream.linear.gather [hbm4b:s29+s3], $0x3E80, $0x38;
	[tilespmem:$0x17400] =	vst v63  }
0x1f: {  	_ =	swait.ge [sflag:s14], $0x3E80  }
0x20: {  	[sflag:s14] =	ssyncset.done $0x0  }
0x21: {  	s31 =	simm.s32 $0x14880;
	s30 =	rddreg [dreg:$0x7];
	[sflag:s14] =	ssyncadd.s32 $0xFFFFC180  }
0x22: {  	[tilespmem:s31], [sflag:$0x5] =	stream.linear.gather [hbm4b:s30+s3], $0x2710, $0x38;
	[tilespmem:$0x17400] =	vst v63  }
0x23: {  	_ =	swait.ge [sflag:s14], $0x2710  }
0x24: {  	[sflag:s14] =	ssyncset.done $0x0  }
0x25: {  	[sflag:s14] =	ssyncadd.s32 $0xFFFFD8F0  }
0x26: {  	v0 =	vld [tilespmem:$0x14780]  }
0x27: {  	v1 =	vld [tilespmem:$0x14790]  }
0x28: {  	v2 =	vld [tilespmem:$0x147A0]  }
0x29: {  	v3 =	vld [tilespmem:$0x147B0]  }
0x2a: {  	v4 =	vld [tilespmem:$0x147C0]  }
0x2b: {  	v5 =	vld [tilespmem:$0x147D0]  }
0x2c: {  	v6 =	vld [tilespmem:$0x147E0]  }
0x2d: {  	v7 =	vld [tilespmem:$0x147F0]  }
0x2e: {  	v8 =	vld [tilespmem:$0x14800]  }
0x2f: {  	v9 =	vld [tilespmem:$0x14810]  }
0x30: {  	v10 =	vld [tilespmem:$0x14820]  }
0x31: {  	v11 =	vld [tilespmem:$0x14830]  }
0x32: {  	v12 =	vld [tilespmem:$0x14840]  }
0x33: {  	v13 =	vld [tilespmem:$0x14850]  }
0x34: {  	v14 =	vld [tilespmem:$0x14860]  }
0x35: {  	s0 =	simm.s32 $0x4;
	s1 =	simm.s32 $0x0;
	v15 =	vld [tilespmem:$0x14870]  }
.LBB2_2:
0x36: {  	p0 =	sne.s32 s0, $0xFFC  }
0x37: {  	[smem:s1] =	sst s3;
	s1 =	smov.u32 s0;
	s0 =	sadd.s32 $0x4, s0  }
.Ltmp0:
0x38: {  	(pc) =	sbr.rel @p0 .LBB2_2-.Ltmp0, $2  }
0x39: {  	_ =	sdelay $0x2  }
0x3a: {  	s1 =	sshra.s32 s1, $0x2  }
0x3b: {  	s26 =	simm.s32 $0x0;
	s0 =	simm.s32 $0x50;
	s6 =	simm.s32 $0x8000  }
0x3c: {  	[tilespmem:s6], [sflag:$0x1] =	stream.indirect.gather [hbm4b:s4+s0], $0x80, s26, s0, $0xb8;
	[tilespmem:$0x17400] =	vst v63  }
0x3d: {  	s24 =	simm.s32 $0xD000  }
0x3e: {  	[tilespmem:s24], [sflag:$0x2] =	stream.indirect.gather [hbm4b:s5+s0], $0x80, s2, s0, $0xb8;
	[tilespmem:$0x17400] =	vst v63  }
0x3f: {  	v16 =	vld [tilespmem:$0x14880];
	_ =	sdelay $0x4  }
0x40: {  	(v2sf) =	vpush v16, $0x0;
	_ =	sdelay $0xd  }
0x41: {  	[smem:s1] =	sst s3;
	s30 =	simm.f32 $0.0e+00  }
0x42: {  	s28 =	simm.s32 $0x14880;
	s29 =	simm.s32 $0x12000;
	s31 =	spop (v2sf)  }
.LBB2_5:
0x43: {  	s1 =	sand.u32 $0x1, s26;
	p0 =	seq.s32 s26, $0x7C  }
0x44: {  	p1 =	sne.s32 @!p0 s1, $0x0  }
0x45: {  	s0 =	smov.u32 s26;
	s26 =	sadd.s32 $0x1, s26;
	p0 =	por p1, p0  }
0x46: {  	s2 =	sshll.u32 @!p0 s26, $0x7;
	s6 =	simm.s32 @!p0 $0x50;
	s7 =	simm.s32 @!p0 $0xA800  }
0x47: {  	[tilespmem:s7], [sflag:$0x3] =	stream.indirect.gather @!p0 [hbm4b:s4+s6], $0x80, s2, s6, $0xb8;
	[tilespmem:$0x17400] =	vst v63  }
0x48: {  	s2 =	sadd.s32 @!p0 $0x4000, s2;
	s7 =	simm.s32 @!p0 $0xF800  }
0x49: {  	[tilespmem:s7], [sflag:$0x4] =	stream.indirect.gather @!p0 [hbm4b:s5+s6], $0x80, s2, s6, $0xb8;
	[tilespmem:$0x17400] =	vst v63  }
0x4a: {  	p0 =	seq.s32 s1, $0x0  }
0x4b: {  	s2 =	sshll.u32 @!p0 s26, $0x7;
	s6 =	simm.s32 @!p0 $0x50;
	s7 =	simm.s32 @!p0 $0x8000  }
0x4c: {  	[tilespmem:s7], [sflag:$0x1] =	stream.indirect.gather @!p0 [hbm4b:s4+s6], $0x80, s2, s6, $0xb8;
	[tilespmem:$0x17400] =	vst v63  }
0x4d: {  	s2 =	sadd.s32 @!p0 $0x4000, s2;
	s7 =	simm.s32 @!p0 $0xD000  }
0x4e: {  	[tilespmem:s7], [sflag:$0x2] =	stream.indirect.gather @!p0 [hbm4b:s5+s6], $0x80, s2, s6, $0xb8;
	[tilespmem:$0x17400] =	vst v63  }
0x4f: {  	p0 =	sne.s32 s1, $0x0  }
0x50: {  	s2 =	simm.s32 @!p0 $0x1  }
0x51: {  	_ =	swait.ge @!p0 [sflag:s2], $0x2800  }
0x52: {  	[sflag:s2] =	ssyncset.done @!p0 $0x0  }
0x53: {  	[sflag:s2] =	ssyncadd.s32 @!p0 $0xFFFFD800;
	s2 =	simm.s32 @!p0 $0x2  }
0x54: {  	_ =	swait.ge @!p0 [sflag:s2], $0x2800  }
0x55: {  	p1 =	seq.s32 s1, $0x1;
	[sflag:s2] =	ssyncset.done @!p0 $0x0  }
0x56: {  	[sflag:s2] =	ssyncadd.s32 @!p0 $0xFFFFD800;
	s2 =	simm.s32 @p1 $0x3  }
0x57: {  	s1 =	smul.u32 $0x2800, s1;
	_ =	swait.ge @p1 [sflag:s2], $0x2800  }
0x58: {  	s0 =	smul.u32 $0x140, s0;
	[sflag:s2] =	ssyncset.done @p1 $0x0  }
0x59: {  	v16 =	vmov s1;
	[sflag:s2] =	ssyncadd.s32 @p1 $0xFFFFD800;
	s2 =	simm.s32 @p1 $0x4  }
0x5a: {  	s0 =	sshra.s32 s0, $0x2;
	_ =	swait.ge @p1 [sflag:s2], $0x2800  }
0x5b: {  	s0 =	sadd.s32 $0x12000, s0;
	[sflag:s2] =	ssyncset.done @p1 $0x0  }
0x5c: {  	v17 =	vmov s0;
	s0 =	simm.s32 $0x0;
	[sflag:s2] =	ssyncadd.s32 @p1 $0xFFFFD800  }
.LBB2_6:
0x5d: {  	s1 =	sshll.u32 s0, $0xB  }
0x5e: {  	v18 =	vld.idx.msk [tilespmem:v16+s1+$0x8000 ss:$0x1], $0xffff  }
0x5f: {  	v19 =	vld.idx.msk [tilespmem:v16+s1+$0xD000 ss:$0x1], $0xffff  }
0x60: {  	v20 =	vld.idx.msk [tilespmem:v16+s1+$0x8010 ss:$0x1], $0xffff  }
0x61: {  	v21 =	vld.idx.msk [tilespmem:v16+s1+$0xD010 ss:$0x1], $0xffff  }
0x62: {  	v23 =	vld.idx.msk [tilespmem:v16+s1+$0x8030 ss:$0x1], $0xffff  }
0x63: {  	v25 =	vld.idx.msk [tilespmem:v16+s1+$0xD030 ss:$0x1], $0xffff  }
0x64: {  	v46 =	vld.idx.msk [tilespmem:v16+s1+$0x8040 ss:$0x1], $0xffff  }
0x65: {  	v47 =	vld.idx.msk [tilespmem:v16+s1+$0xD040 ss:$0x1], $0xffff  }
0x66: {  	v48 =	vld.idx.msk [tilespmem:v16+s1+$0x8050 ss:$0x1], $0xffff  }
0x67: {  	v50 =	vld.idx.msk [tilespmem:v16+s1+$0xD050 ss:$0x1], $0xffff  }
0x68: {  	v61 =	vld.idx.msk [tilespmem:v16+s1+$0x8090 ss:$0x1], $0xffff  }
0x69: {  	v63 =	vld.idx.msk [tilespmem:v16+s1+$0xD090 ss:$0x1], $0xffff;
	_ =	sdelay $0x1  }
0x6a: {  	v22 =	vld.idx.msk [tilespmem:v16+s1+$0x8020 ss:$0x1], $0xffff  }
0x6b: {  	v28 =	vld.idx.msk [tilespmem:v16+s1+$0x8060 ss:$0x1], $0xffff;
	v18 =	vadd.f32 v19, v18;
	v20 =	vadd.f32 v21, v20  }
0x6c: {  	v52 =	vld.idx.msk [tilespmem:v16+s1+$0xD060 ss:$0x1], $0xffff;
	v23 =	vadd.f32 v25, v23;
	v21 =	vadd.f32 v47, v46  }
0x6d: {  	v19 =	vld.idx.msk [tilespmem:v16+s1+$0xD020 ss:$0x1], $0xffff;
	v25 =	vadd.f32 v50, v48;
	v41 =	vadd.f32 v63, v61  }
0x6e: {  	v43 =	vld.idx.msk [tilespmem:v16+s1+$0x80C0 ss:$0x1], $0xffff;
	v24 =	vmax.f32 v18, $0.0e+00;
	v18 =	vmin.f32 v18, $0.0e+00;
	v26 =	vmax.f32 v20, $0.0e+00  }
0x6f: {  	v29 =	vld.idx.msk [tilespmem:v16+s1+$0xD0C0 ss:$0x1], $0xffff;
	v20 =	vmin.f32 v20, $0.0e+00;
	v51 =	vmax.f32 v23, $0.0e+00;
	v54 =	vmax.f32 v21, $0.0e+00  }
0x70: {  	v53 =	vld.idx.msk [tilespmem:v16+s1+$0x8070 ss:$0x1], $0xffff;
	v21 =	vmin.f32 v21, $0.0e+00;
	v56 =	vmax.f32 v25, $0.0e+00;
	v58 =	vmin.f32 v25, $0.0e+00  }
0x71: {  	v34 =	vld.idx.msk [tilespmem:v16+s1+$0x80A0 ss:$0x1], $0xffff;
	v25 =	vmin.f32 v41, $0.0e+00;
	v24 =	vmul.f32 v24, v0;
	v18 =	vmul.f32 v18, v8  }
0x72: {  	v37 =	vld.idx.msk [tilespmem:v16+s1+$0xD0A0 ss:$0x1], $0xffff;
	v26 =	vmul.f32 v26, v1;
	v20 =	vmul.f32 v20, v9;
	v19 =	vadd.f32 v19, v22  }
0x73: {  	v55 =	vld.idx.msk [tilespmem:v16+s1+$0xD070 ss:$0x1], $0xffff;
	v25 =	vmul.f32 v25, v9;
	v24 =	vadd.f32 $0.0e+00, v24;
	v18 =	vadd.f32 $0.0e+00, v18  }
0x74: {  	v57 =	vld.idx.msk [tilespmem:v16+s1+$0x8080 ss:$0x1], $0xffff;
	v22 =	vadd.f32 v52, v28;
	v28 =	vadd.f32 v29, v43;
	v27 =	vmax.f32 v19, $0.0e+00  }
0x75: {  	v59 =	vld.idx.msk [tilespmem:v16+s1+$0xD080 ss:$0x1], $0xffff;
	v24 =	vadd.f32 v26, v24;
	v19 =	vmin.f32 v19, $0.0e+00;
	v18 =	vadd.f32 v20, v18  }
0x76: {  	v38 =	vld.idx.msk [tilespmem:v16+s1+$0x80B0 ss:$0x1], $0xffff;
	v20 =	vmul.f32 v51, v3;
	v60 =	vmax.f32 v22, $0.0e+00;
	v32 =	vmin.f32 v22, $0.0e+00  }
0x77: {  	v42 =	vld.idx.msk [tilespmem:v16+s1+$0xD0B0 ss:$0x1], $0xffff;
	v22 =	vadd.f32 v37, v34;
	v49 =	vmul.f32 v27, v2;
	v19 =	vmul.f32 v19, v10  }
0x78: {  	v31 =	vld.idx.msk [tilespmem:v16+s1+$0x80D0 ss:$0x1], $0xffff;
	v62 =	vmul.f32 v60, v6;
	v35 =	vmul.f32 v32, v14;
	v27 =	vmax.f32 v41, $0.0e+00  }
0x79: {  	v45 =	vld.idx.msk [tilespmem:v16+s1+$0xD0D0 ss:$0x1], $0xffff;
	v27 =	vmul.f32 v27, v1;
	v30 =	vmax.f32 v22, $0.0e+00;
	v22 =	vmin.f32 v22, $0.0e+00  }
0x7a: {  	v47 =	vld.idx.msk [tilespmem:v16+s1+$0x80E0 ss:$0x1], $0xffff;
	v24 =	vadd.f32 v49, v24;
	v18 =	vadd.f32 v19, v18;
	v19 =	vmin.f32 v23, $0.0e+00  }
0x7b: {  	v50 =	vld.idx.msk [tilespmem:v16+s1+$0x80F0 ss:$0x1], $0xffff;
	v23 =	vadd.f32 v55, v53;
	v44 =	vmul.f32 v30, v2;
	v19 =	vmul.f32 v19, v11  }
0x7c: {  	v61 =	vld.idx.msk [tilespmem:v16+s1+$0x8110 ss:$0x1], $0xffff;
	v22 =	vmul.f32 v22, v10;
	v20 =	vadd.f32 v20, v24;
	v24 =	vmul.f32 v54, v4  }
0x7d: {  	v51 =	vld.idx.msk [tilespmem:v16+s1+$0xD0F0 ss:$0x1], $0xffff;
	v53 =	vmax.f32 v28, $0.0e+00;
	v18 =	vadd.f32 v19, v18;
	v19 =	vmul.f32 v21, v12  }
0x7e: {  	v32 =	vld.idx.msk [tilespmem:v16+s1+$0x8160 ss:$0x1], $0xffff;
	v33 =	vmax.f32 v23, $0.0e+00;
	v39 =	vmin.f32 v23, $0.0e+00;
	v20 =	vadd.f32 v24, v20  }
0x7f: {  	v49 =	vld.idx.msk [tilespmem:v16+s1+$0xD0E0 ss:$0x1], $0xffff;
	v24 =	vadd.f32 v59, v57;
	v18 =	vadd.f32 v19, v18;
	v19 =	vmul.f32 v56, v5  }
0x80: {  	v54 =	vadd.f32 v45, v31;
	v21 =	vmul.f32 v58, v13;
	v56 =	vmul.f32 v53, v4;
	v53 =	vld.idx.msk [tilespmem:v16+s1+$0xD160 ss:$0x1], $0xffff  }
0x81: {  	v55 =	vld.idx.msk [tilespmem:v16+s1+$0x8100 ss:$0x1], $0xffff;
	v36 =	vmul.f32 v33, v7;
	v40 =	vmax.f32 v24, $0.0e+00;
	v19 =	vadd.f32 v19, v20  }
0x82: {  	v58 =	vld.idx.msk [tilespmem:v16+s1+$0xD100 ss:$0x1], $0xffff;
	v24 =	vmin.f32 v24, $0.0e+00;
	v18 =	vadd.f32 v21, v18;
	v23 =	vmul.f32 v40, v0  }
0x83: {  	v33 =	vld.idx.msk [tilespmem:v16+s1+$0xD110 ss:$0x1], $0xffff;
	v24 =	vmul.f32 v24, v8;
	v20 =	vadd.f32 v42, v38;
	v19 =	vadd.f32 v62, v19  }
0x84: {  	v57 =	vmin.f32 v28, $0.0e+00;
	v40 =	vld.idx.msk [tilespmem:v16+s1+$0x8130 ss:$0x1], $0xffff;
	v18 =	vadd.f32 v35, v18;
	v23 =	vadd.f32 $0.0e+00, v23  }
0x85: {  	v21 =	vmul.f32 v39, v15;
	v42 =	vld.idx.msk [tilespmem:v16+s1+$0xD130 ss:$0x1], $0xffff;
	v24 =	vadd.f32 $0.0e+00, v24;
	v26 =	vadd.f32 v53, v32  }
0x86: {  	v59 =	vmax.f32 v54, $0.0e+00;
	v19 =	vadd.f32 v36, v19;
	v23 =	vadd.f32 v27, v23  }
0x87: {  	v60 =	vmul.f32 v59, v5;
	v18 =	vadd.f32 v21, v18;
	v46 =	vadd.f32 v25, v24  }
0x88: {  	v48 =	vmax.f32 v20, $0.0e+00;
	v24 =	vadd.f32 v49, v47;
	v21 =	vadd.f32 v51, v50  }
0x89: {  	v20 =	vmin.f32 v20, $0.0e+00;
	v36 =	vadd.f32 v58, v55;
	v27 =	vadd.f32 v33, v61  }
0x8a: {  	v20 =	vmul.f32 v20, v11;
	v28 =	vadd.f32 v42, v40;
	v23 =	vadd.f32 v44, v23  }
0x8b: {  	v37 =	vld.idx.msk [tilespmem:v16+s1+$0xD120 ss:$0x1], $0xffff;
	v25 =	vmul.f32 v48, v3;
	v18 =	vadd.f32 v18, v19;
	v19 =	vadd.f32 v22, v46  }
0x8c: {  	v35 =	vld.idx.msk [tilespmem:v16+s1+$0x8120 ss:$0x1], $0xffff;
	v63 =	vmax.f32 v24, $0.0e+00;
	v38 =	vmin.f32 v24, $0.0e+00;
	v39 =	vmax.f32 v21, $0.0e+00  }
0x8d: {  	v49 =	vld.idx.msk [tilespmem:v16+s1+$0x8150 ss:$0x1], $0xffff;
	v41 =	vmax.f32 v36, $0.0e+00;
	v46 =	vmax.f32 v27, $0.0e+00;
	v34 =	vmul.f32 v63, v6  }
0x8e: {  	v51 =	vld.idx.msk [tilespmem:v16+s1+$0xD150 ss:$0x1], $0xffff;
	v27 =	vmin.f32 v27, $0.0e+00;
	v22 =	vmul.f32 v38, v14;
	v24 =	vmul.f32 v39, v7  }
0x8f: {  	v21 =	vmin.f32 v21, $0.0e+00;
	v29 =	vmul.f32 v41, v0;
	v27 =	vmul.f32 v27, v9  }
0x90: {  	v47 =	vld.idx.msk [tilespmem:v16+s1+$0xD140 ss:$0x1], $0xffff;
	v21 =	vmul.f32 v21, v15;
	v63 =	vmax.f32 v26, $0.0e+00;
	v52 =	vadd.f32 v25, v23  }
0x91: {  	v55 =	vld.idx.msk [tilespmem:v16+s1+$0x8170 ss:$0x1], $0xffff;
	v19 =	vadd.f32 v20, v19;
	v23 =	vmul.f32 v57, v12;
	v25 =	vmin.f32 v54, $0.0e+00  }
0x92: {  	v44 =	vld.idx.msk [tilespmem:v16+s1+$0x8140 ss:$0x1], $0xffff;
	v54 =	vmin.f32 v28, $0.0e+00;
	v62 =	vmul.f32 v25, v13;
	v45 =	vadd.f32 $0.0e+00, v29  }
0x93: {  	v42 =	vld.idx.msk [tilespmem:v16+s1+$0xD1A0 ss:$0x1], $0xffff;
	v25 =	vadd.f32 v37, v35;
	v29 =	vmul.f32 v46, v1;
	v30 =	vadd.f32 v51, v49  }
0x94: {  	v39 =	vld.idx.msk [tilespmem:v16+s1+$0x81A0 ss:$0x1], $0xffff;
	v35 =	vmul.f32 v63, v6;
	v37 =	vmin.f32 v26, $0.0e+00;
	v20 =	vadd.f32 v56, v52  }
0x95: {  	v57 =	vld.idx.msk [tilespmem:v16+s1+$0xD170 ss:$0x1], $0xffff;
	v19 =	vadd.f32 v23, v19;
	v23 =	vmin.f32 v36, $0.0e+00;
	v52 =	vmax.f32 v28, $0.0e+00  }
0x96: {  	v40 =	vmul.f32 v37, v14;
	v43 =	vmul.f32 v23, v8;
	v48 =	vmax.f32 v25, $0.0e+00  }
0x97: {  	v25 =	vmin.f32 v25, $0.0e+00;
	v23 =	vadd.f32 v47, v44;
	v58 =	vmax.f32 v30, $0.0e+00  }
0x98: {  	v59 =	vld.idx.msk [tilespmem:v16+s1+$0x8180 ss:$0x1], $0xffff;
	v61 =	vmin.f32 v30, $0.0e+00;
	v20 =	vadd.f32 v60, v20;
	v50 =	vmul.f32 v48, v2  }
0x99: {  	v47 =	vld.idx.msk [tilespmem:v16+s1+$0x81C0 ss:$0x1], $0xffff;
	v19 =	vadd.f32 v62, v19;
	v25 =	vmul.f32 v25, v10;
	v60 =	vmul.f32 v58, v5  }
0x9a: {  	v62 =	vld.idx.msk [tilespmem:v16+s1+$0xD180 ss:$0x1], $0xffff;
	v26 =	vadd.f32 v42, v39;
	v56 =	vmax.f32 v23, $0.0e+00;
	v28 =	vadd.f32 v57, v55  }
0x9b: {  	v48 =	vld.idx.msk [tilespmem:v16+s1+$0xD1C0 ss:$0x1], $0xffff;
	v23 =	vmin.f32 v23, $0.0e+00;
	v20 =	vadd.f32 v34, v20;
	v19 =	vadd.f32 v22, v19  }
0x9c: {  	v22 =	vadd.f32 $0.0e+00, v43;
	v23 =	vmul.f32 v23, v12;
	v49 =	vmax.f32 v26, $0.0e+00  }
0x9d: {  	v38 =	vmax.f32 v28, $0.0e+00;
	v20 =	vadd.f32 v24, v20;
	v24 =	vadd.f32 v29, v45  }
0x9e: {  	v22 =	vadd.f32 v27, v22;
	v27 =	vmul.f32 v52, v3;
	v19 =	vadd.f32 v21, v19  }
0x9f: {  	v41 =	vmul.f32 v38, v7;
	v45 =	vmin.f32 v28, $0.0e+00;
	v52 =	vmin.f32 v26, $0.0e+00  }
0xa0: {  	v46 =	vld.idx.msk [tilespmem:v16+s1+$0xD1B0 ss:$0x1], $0xffff;
	v43 =	vadd.f32 v62, v59;
	v55 =	vmul.f32 v52, v10;
	v30 =	vadd.f32 v48, v47  }
0xa1: {  	v44 =	vld.idx.msk [tilespmem:v16+s1+$0x81B0 ss:$0x1], $0xffff;
	v24 =	vadd.f32 v50, v24;
	v22 =	vadd.f32 v25, v22;
	v25 =	vmul.f32 v54, v11  }
0xa2: {  	v33 =	vld.idx.msk [tilespmem:v16+s1+$0x8190 ss:$0x1], $0xffff;
	v19 =	vadd.f32 v19, v20;
	v50 =	vmul.f32 v49, v2;
	v20 =	vmin.f32 v43, $0.0e+00  }
0xa3: {  	v36 =	vld.idx.msk [tilespmem:v16+s1+$0xD190 ss:$0x1], $0xffff;
	v24 =	vadd.f32 v27, v24;
	v27 =	vmul.f32 v56, v4;
	v22 =	vadd.f32 v25, v22  }
0xa4: {  	v59 =	vld.idx.msk [tilespmem:v16+s1+$0x81F0 ss:$0x1], $0xffff;
	v39 =	vmin.f32 v30, $0.0e+00;
	v25 =	vmul.f32 v61, v13;
	v20 =	vmul.f32 v20, v8  }
0xa5: {  	v62 =	vld.idx.msk [tilespmem:v16+s1+$0xD1F0 ss:$0x1], $0xffff;
	v26 =	vmul.f32 v39, v12;
	v24 =	vadd.f32 v27, v24;
	v22 =	vadd.f32 v23, v22  }
0xa6: {  	v53 =	vld.idx.msk [tilespmem:v16+s1+$0x81E0 ss:$0x1], $0xffff;
	v27 =	vmax.f32 v43, $0.0e+00;
	v20 =	vadd.f32 $0.0e+00, v20;
	v23 =	vadd.f32 v46, v44  }
0xa7: {  	v51 =	vld.idx.msk [tilespmem:v16+s1+$0xD1D0 ss:$0x1], $0xffff;
	v27 =	vmul.f32 v27, v0;
	v34 =	vadd.f32 v60, v24;
	v22 =	vadd.f32 v25, v22  }
0xa8: {  	v57 =	vld.idx.msk [tilespmem:v16+s1+$0xD1E0 ss:$0x1], $0xffff;
	v24 =	vadd.f32 v36, v33;
	v25 =	vmul.f32 v45, v15;
	v56 =	vmax.f32 v23, $0.0e+00  }
0xa9: {  	v43 =	vld.idx.msk [tilespmem:v16+s1+$0x8210 ss:$0x1], $0xffff;
	v23 =	vmin.f32 v23, $0.0e+00;
	v27 =	vadd.f32 $0.0e+00, v27;
	v58 =	vmul.f32 v56, v3  }
0xaa: {  	v33 =	vld.idx.msk [tilespmem:v16+s1+$0x81D0 ss:$0x1], $0xffff;
	v61 =	vmul.f32 v23, v11;
	v23 =	vadd.f32 v62, v59;
	v21 =	vadd.f32 v35, v34  }
0xab: {  	v46 =	vld.idx.msk [tilespmem:v16+s1+$0xD210 ss:$0x1], $0xffff;
	v22 =	vadd.f32 v40, v22;
	v29 =	vmax.f32 v24, $0.0e+00;
	v24 =	vmin.f32 v24, $0.0e+00  }
0xac: {  	v35 =	vmax.f32 v30, $0.0e+00;
	v29 =	vmul.f32 v29, v1;
	v24 =	vmul.f32 v24, v9  }
0xad: {  	v37 =	vld.idx.msk [tilespmem:v16+s1+$0x8200 ss:$0x1], $0xffff;
	v38 =	vmul.f32 v35, v4;
	v21 =	vadd.f32 v41, v21;
	v22 =	vadd.f32 v25, v22  }
0xae: {  	v40 =	vld.idx.msk [tilespmem:v16+s1+$0xD200 ss:$0x1], $0xffff;
	v52 =	vmax.f32 v23, $0.0e+00;
	v25 =	vadd.f32 v57, v53;
	v27 =	vadd.f32 v29, v27  }
0xaf: {  	v48 =	vld.idx.msk [tilespmem:v16+s1+$0x8220 ss:$0x1], $0xffff;
	v23 =	vmin.f32 v23, $0.0e+00;
	v24 =	vadd.f32 v24, v20;
	v36 =	vadd.f32 v51, v33  }
0xb0: {  	v62 =	vld.idx.msk [tilespmem:v16+s1+$0x8250 ss:$0x1], $0xffff;
	v23 =	vmul.f32 v23, v15;
	v29 =	vadd.f32 v46, v43;
	v20 =	vadd.f32 v22, v21  }
0xb1: {  	v53 =	vld.idx.msk [tilespmem:v16+s1+$0x8230 ss:$0x1], $0xffff;
	v45 =	vmax.f32 v25, $0.0e+00;
	v51 =	vmin.f32 v25, $0.0e+00;
	v25 =	vmul.f32 v52, v7  }
0xb2: {  	v54 =	vadd.f32 v50, v27;
	v60 =	vadd.f32 v55, v24;
	v41 =	vmax.f32 v36, $0.0e+00;
	v50 =	vld.idx.msk [tilespmem:v16+s1+$0xD220 ss:$0x1], $0xffff  }
0xb3: {  	v27 =	vmin.f32 v36, $0.0e+00;
	v47 =	vmul.f32 v45, v6;
	v49 =	vadd.f32 v40, v37;
	v55 =	vld.idx.msk [tilespmem:v16+s1+$0xD230 ss:$0x1], $0xffff  }
0xb4: {  	v24 =	vmul.f32 v51, v14;
	v59 =	vmax.f32 v29, $0.0e+00;
	v36 =	vld.idx.msk [tilespmem:v16+s1+$0xD250 ss:$0x1], $0xffff;
	v42 =	vmul.f32 v41, v5  }
0xb5: {  	v63 =	vadd.f32 v58, v54;
	v21 =	vadd.f32 v61, v60;
	v54 =	vmax.f32 v49, $0.0e+00  }
0xb6: {  	v29 =	vmin.f32 v29, $0.0e+00;
	v44 =	vmul.f32 v27, v13;
	v31 =	vmul.f32 v54, v0  }
0xb7: {  	v34 =	vld.idx.msk [tilespmem:v16+s1+$0x8260 ss:$0x1], $0xffff;
	v29 =	vmul.f32 v29, v9;
	v22 =	vadd.f32 v38, v63;
	v21 =	vadd.f32 v26, v21  }
0xb8: {  	v35 =	vld.idx.msk [tilespmem:v16+s1+$0x82D0 ss:$0x1], $0xffff;
	v26 =	vmin.f32 v49, $0.0e+00;
	v58 =	vadd.f32 $0.0e+00, v31;
	v27 =	vadd.f32 v50, v48  }
0xb9: {  	v57 =	vld.idx.msk [tilespmem:v16+s1+$0x8240 ss:$0x1], $0xffff;
	v31 =	vmul.f32 v59, v1;
	v30 =	vadd.f32 v55, v53;
	v32 =	vadd.f32 v36, v62  }
0xba: {  	v38 =	vld.idx.msk [tilespmem:v16+s1+$0xD260 ss:$0x1], $0xffff;
	v56 =	vmul.f32 v26, v8;
	v22 =	vadd.f32 v42, v22;
	v21 =	vadd.f32 v44, v21  }
0xbb: {  	v40 =	vld.idx.msk [tilespmem:v16+s1+$0x8270 ss:$0x1], $0xffff;
	v61 =	vmax.f32 v27, $0.0e+00;
	v26 =	vadd.f32 v31, v58;
	v27 =	vmin.f32 v27, $0.0e+00  }
0xbc: {  	v60 =	vld.idx.msk [tilespmem:v16+s1+$0xD240 ss:$0x1], $0xffff;
	v37 =	vmax.f32 v30, $0.0e+00;
	v39 =	vmin.f32 v30, $0.0e+00;
	v43 =	vmax.f32 v32, $0.0e+00  }
0xbd: {  	v42 =	vld.idx.msk [tilespmem:v16+s1+$0xD270 ss:$0x1], $0xffff;
	v46 =	vmin.f32 v32, $0.0e+00;
	v22 =	vadd.f32 v47, v22;
	v21 =	vadd.f32 v24, v21  }
0xbe: {  	v55 =	vld.idx.msk [tilespmem:v16+s1+$0x82A0 ss:$0x1], $0xffff;
	v24 =	vadd.f32 $0.0e+00, v56;
	v63 =	vmul.f32 v61, v2;
	v27 =	vmul.f32 v27, v10  }
0xbf: {  	v44 =	vld.idx.msk [tilespmem:v16+s1+$0x8280 ss:$0x1], $0xffff;
	v45 =	vmul.f32 v43, v5;
	v28 =	vadd.f32 v38, v34;
	v22 =	vadd.f32 v25, v22  }
0xc0: {  	v58 =	vld.idx.msk [tilespmem:v16+s1+$0xD2A0 ss:$0x1], $0xffff;
	v24 =	vadd.f32 v29, v24;
	v26 =	vadd.f32 v63, v26;
	v29 =	vmul.f32 v37, v3  }
0xc1: {  	v47 =	vld.idx.msk [tilespmem:v16+s1+$0xD280 ss:$0x1], $0xffff;
	v25 =	vadd.f32 v60, v57;
	v21 =	vadd.f32 v23, v21;
	v48 =	vmax.f32 v28, $0.0e+00  }
0xc2: {  	v52 =	vld.idx.msk [tilespmem:v16+s1+$0xD290 ss:$0x1], $0xffff;
	v30 =	vadd.f32 v42, v40;
	v53 =	vmin.f32 v28, $0.0e+00;
	v24 =	vadd.f32 v27, v24  }
0xc3: {  	v62 =	vld.idx.msk [tilespmem:v16+s1+$0xD2B0 ss:$0x1], $0xffff;
	v26 =	vadd.f32 v29, v26;
	v27 =	vmul.f32 v39, v11;
	v41 =	vmax.f32 v25, $0.0e+00  }
0xc4: {  	v36 =	vld.idx.msk [tilespmem:v16+s1+$0xD2C0 ss:$0x1], $0xffff;
	v25 =	vmin.f32 v25, $0.0e+00;
	v51 =	vmul.f32 v48, v6;
	v56 =	vmul.f32 v53, v14  }
0xc5: {  	v63 =	vld.idx.msk [tilespmem:v16+s1+$0x82C0 ss:$0x1], $0xffff;
	v21 =	vadd.f32 v21, v22;
	v28 =	vadd.f32 v58, v55;
	v29 =	vmul.f32 v41, v4  }
0xc6: {  	v60 =	vld.idx.msk [tilespmem:v16+s1+$0x82B0 ss:$0x1], $0xffff;
	v25 =	vmul.f32 v25, v12;
	v54 =	vmax.f32 v30, $0.0e+00;
	v59 =	vadd.f32 v47, v44  }
0xc7: {  	v49 =	vld.idx.msk [tilespmem:v16+s1+$0x8290 ss:$0x1], $0xffff;
	v61 =	vmin.f32 v30, $0.0e+00;
	v24 =	vadd.f32 v27, v24;
	v27 =	vmul.f32 v46, v13  }
0xc8: {  	v39 =	vld.idx.msk [tilespmem:v16+s1+$0xD2D0 ss:$0x1], $0xffff;
	v57 =	vmul.f32 v54, v7;
	v37 =	vmax.f32 v28, $0.0e+00;
	v40 =	vmin.f32 v28, $0.0e+00  }
0xc9: {  	v26 =	vadd.f32 v29, v26;
	v29 =	vmax.f32 v59, $0.0e+00;
	v22 =	vmin.f32 v59, $0.0e+00  }
0xca: {  	v38 =	vmul.f32 v37, v2;
	v43 =	vmul.f32 v40, v10;
	v32 =	vadd.f32 v36, v63  }
0xcb: {  	v24 =	vadd.f32 v25, v24;
	v29 =	vmul.f32 v29, v0;
	v25 =	vadd.f32 v62, v60  }
0xcc: {  	v22 =	vmul.f32 v22, v8;
	v50 =	vadd.f32 v45, v26;
	v26 =	vadd.f32 v52, v49  }
0xcd: {  	v41 =	vld.idx.msk [tilespmem:v16+s1+$0x82E0 ss:$0x1], $0xffff;
	v52 =	vmax.f32 v32, $0.0e+00;
	v53 =	vadd.f32 v39, v35;
	v24 =	vadd.f32 v27, v24  }
0xce: {  	v63 =	vld.idx.msk [tilespmem:v16+s1+$0xD310 ss:$0x1], $0xffff;
	v27 =	vmul.f32 v61, v15;
	v29 =	vadd.f32 $0.0e+00, v29;
	v22 =	vadd.f32 $0.0e+00, v22  }
0xcf: {  	v45 =	vld.idx.msk [tilespmem:v16+s1+$0xD2E0 ss:$0x1], $0xffff;
	v44 =	vmax.f32 v25, $0.0e+00;
	v25 =	vmin.f32 v25, $0.0e+00;
	v55 =	vmul.f32 v52, v4  }
0xd0: {  	v60 =	vld.idx.msk [tilespmem:v16+s1+$0x8310 ss:$0x1], $0xffff;
	v23 =	vadd.f32 v51, v50;
	v31 =	vmax.f32 v26, $0.0e+00;
	v26 =	vmin.f32 v26, $0.0e+00  }
0xd1: {  	v47 =	vld.idx.msk [tilespmem:v16+s1+$0x82F0 ss:$0x1], $0xffff;
	v46 =	vmul.f32 v44, v3;
	v24 =	vadd.f32 v56, v24;
	v31 =	vmul.f32 v31, v1  }
0xd2: {  	v49 =	vmul.f32 v25, v11;
	v50 =	vld.idx.msk [tilespmem:v16+s1+$0xD2F0 ss:$0x1], $0xffff;
	v26 =	vmul.f32 v26, v9;
	v23 =	vadd.f32 v57, v23  }
0xd3: {  	v54 =	vld.idx.msk [tilespmem:v16+s1+$0x8300 ss:$0x1], $0xffff;
	v58 =	vmax.f32 v53, $0.0e+00;
	v29 =	vadd.f32 v31, v29;
	v24 =	vadd.f32 v27, v24  }
0xd4: {  	v36 =	vld.idx.msk [tilespmem:v16+s1+$0x8320 ss:$0x1], $0xffff;
	v56 =	vmin.f32 v32, $0.0e+00;
	v26 =	vadd.f32 v26, v22;
	v27 =	vadd.f32 v45, v41  }
0xd5: {  	v52 =	vld.idx.msk [tilespmem:v16+s1+$0xD350 ss:$0x1], $0xffff;
	v59 =	vmul.f32 v58, v5;
	v31 =	vadd.f32 v63, v60;
	v42 =	vadd.f32 v38, v29  }
0xd6: {  	v57 =	vld.idx.msk [tilespmem:v16+s1+$0xD300 ss:$0x1], $0xffff;
	v28 =	vmul.f32 v56, v12;
	v22 =	vadd.f32 v24, v23;
	v48 =	vadd.f32 v43, v26  }
0xd7: {  	v41 =	vld.idx.msk [tilespmem:v16+s1+$0x8330 ss:$0x1], $0xffff;
	v29 =	vmin.f32 v53, $0.0e+00;
	v62 =	vmax.f32 v27, $0.0e+00;
	v25 =	vadd.f32 v50, v47  }
0xd8: {  	v38 =	vld.idx.msk [tilespmem:v16+s1+$0xD320 ss:$0x1], $0xffff;
	v39 =	vmin.f32 v27, $0.0e+00;
	v47 =	vmax.f32 v31, $0.0e+00;
	v61 =	vmul.f32 v29, v13  }
0xd9: {  	v43 =	vld.idx.msk [tilespmem:v16+s1+$0xD330 ss:$0x1], $0xffff;
	v31 =	vmin.f32 v31, $0.0e+00;
	v35 =	vmul.f32 v62, v6;
	v26 =	vmul.f32 v39, v14  }
0xda: {  	v50 =	vld.idx.msk [tilespmem:v16+s1+$0x8350 ss:$0x1], $0xffff;
	v31 =	vmul.f32 v31, v9;
	v51 =	vadd.f32 v46, v42;
	v23 =	vadd.f32 v49, v48  }
0xdb: {  	v58 =	vld.idx.msk [tilespmem:v16+s1+$0xD370 ss:$0x1], $0xffff;
	v37 =	vadd.f32 v57, v54;
	v40 =	vmax.f32 v25, $0.0e+00;
	v25 =	vmin.f32 v25, $0.0e+00  }
0xdc: {  	v56 =	vld.idx.msk [tilespmem:v16+s1+$0x8370 ss:$0x1], $0xffff;
	v27 =	vmul.f32 v40, v7;
	v25 =	vmul.f32 v25, v15;
	v24 =	vadd.f32 v55, v51  }
0xdd: {  	v60 =	vld.idx.msk [tilespmem:v16+s1+$0x8380 ss:$0x1], $0xffff;
	v23 =	vadd.f32 v28, v23;
	v42 =	vmax.f32 v37, $0.0e+00;
	v28 =	vmin.f32 v37, $0.0e+00  }
0xde: {  	v63 =	vld.idx.msk [tilespmem:v16+s1+$0xD380 ss:$0x1], $0xffff;
	v33 =	vmul.f32 v42, v0;
	v29 =	vadd.f32 v38, v36;
	v32 =	vadd.f32 v43, v41  }
0xdf: {  	v45 =	vld.idx.msk [tilespmem:v16+s1+$0x8340 ss:$0x1], $0xffff;
	v44 =	vmul.f32 v28, v8;
	v34 =	vadd.f32 v52, v50;
	v24 =	vadd.f32 v59, v24  }
0xe0: {  	v48 =	vld.idx.msk [tilespmem:v16+s1+$0xD340 ss:$0x1], $0xffff;
	v23 =	vadd.f32 v61, v23;
	v46 =	vadd.f32 $0.0e+00, v33;
	v33 =	vmul.f32 v47, v1  }
0xe1: {  	v54 =	vld.idx.msk [tilespmem:v16+s1+$0xD360 ss:$0x1], $0xffff;
	v49 =	vmax.f32 v29, $0.0e+00;
	v29 =	vmin.f32 v29, $0.0e+00;
	v53 =	vmax.f32 v32, $0.0e+00  }
0xe2: {  	v36 =	vld.idx.msk [tilespmem:v16+s1+$0x8360 ss:$0x1], $0xffff;
	v55 =	vmin.f32 v32, $0.0e+00;
	v59 =	vmax.f32 v34, $0.0e+00;
	v32 =	vadd.f32 v58, v56  }
0xe3: {  	v62 =	vmin.f32 v34, $0.0e+00;
	v47 =	vadd.f32 v63, v60;
	v24 =	vadd.f32 v35, v24  }
0xe4: {  	v23 =	vadd.f32 v26, v23;
	v26 =	vadd.f32 $0.0e+00, v44;
	v51 =	vmul.f32 v49, v2  }
0xe5: {  	v29 =	vmul.f32 v29, v10;
	v61 =	vmul.f32 v59, v5;
	v28 =	vadd.f32 v33, v46  }
0xe6: {  	v40 =	vld.idx.msk [tilespmem:v16+s1+$0xD390 ss:$0x1], $0xffff;
	v42 =	vmax.f32 v32, $0.0e+00;
	v24 =	vadd.f32 v27, v24;
	v26 =	vadd.f32 v31, v26  }
0xe7: {  	v43 =	vld.idx.msk [tilespmem:v16+s1+$0x83A0 ss:$0x1], $0xffff;
	v31 =	vmul.f32 v53, v3;
	v27 =	vadd.f32 v48, v45;
	v30 =	vadd.f32 v54, v36  }
0xe8: {  	v50 =	vld.idx.msk [tilespmem:v16+s1+$0xD3B0 ss:$0x1], $0xffff;
	v23 =	vadd.f32 v25, v23;
	v45 =	vmul.f32 v42, v7;
	v28 =	vadd.f32 v51, v28  }
0xe9: {  	v46 =	vld.idx.msk [tilespmem:v16+s1+$0xD3A0 ss:$0x1], $0xffff;
	v26 =	vadd.f32 v29, v26;
	v29 =	vmul.f32 v55, v11;
	v57 =	vmax.f32 v27, $0.0e+00  }
0xea: {  	v52 =	vld.idx.msk [tilespmem:v16+s1+$0xD3C0 ss:$0x1], $0xffff;
	v27 =	vmin.f32 v27, $0.0e+00;
	v36 =	vmax.f32 v30, $0.0e+00;
	v41 =	vmin.f32 v30, $0.0e+00  }
0xeb: {  	v48 =	vld.idx.msk [tilespmem:v16+s1+$0x83B0 ss:$0x1], $0xffff;
	v23 =	vadd.f32 v23, v24;
	v28 =	vadd.f32 v31, v28;
	v31 =	vmul.f32 v57, v4  }
0xec: {  	v51 =	vld.idx.msk [tilespmem:v16+s1+$0x83C0 ss:$0x1], $0xffff;
	v24 =	vmin.f32 v47, $0.0e+00;
	v27 =	vmul.f32 v27, v12;
	v39 =	vmul.f32 v36, v6  }
0xed: {  	v37 =	vld.idx.msk [tilespmem:v16+s1+$0x8390 ss:$0x1], $0xffff;
	v49 =	vmin.f32 v32, $0.0e+00;
	v44 =	vmul.f32 v41, v14;
	v24 =	vmul.f32 v24, v8  }
0xee: {  	v26 =	vadd.f32 v29, v26;
	v29 =	vmul.f32 v62, v13;
	v30 =	vadd.f32 v46, v43  }
0xef: {  	v28 =	vadd.f32 v31, v28;
	v31 =	vmax.f32 v47, $0.0e+00;
	v24 =	vadd.f32 $0.0e+00, v24  }
0xf0: {  	v63 =	vld.idx.msk [tilespmem:v16+s1+$0x83F0 ss:$0x1], $0xffff;
	v26 =	vadd.f32 v27, v26;
	v31 =	vmul.f32 v31, v0;
	v53 =	vmax.f32 v30, $0.0e+00  }
0xf1: {  	v55 =	vld.idx.msk [tilespmem:v16+s1+$0xD3D0 ss:$0x1], $0xffff;
	v27 =	vadd.f32 v50, v48;
	v56 =	vmin.f32 v30, $0.0e+00;
	v34 =	vadd.f32 v52, v51  }
0xf2: {  	v57 =	vld.idx.msk [tilespmem:v16+s1+$0x83E0 ss:$0x1], $0xffff;
	v38 =	vadd.f32 v61, v28;
	v28 =	vadd.f32 v40, v37;
	v54 =	vmul.f32 v53, v2  }
0xf3: {  	v41 =	vld.idx.msk [tilespmem:v16+s1+$0xD3F0 ss:$0x1], $0xffff;
	v59 =	vmul.f32 v56, v10;
	v26 =	vadd.f32 v29, v26;
	v29 =	vmul.f32 v49, v15  }
0xf4: {  	v48 =	vld.idx.msk [tilespmem:v16+s1+$0xD400 ss:$0x1], $0xffff;
	v31 =	vadd.f32 $0.0e+00, v31;
	v60 =	vmax.f32 v27, $0.0e+00;
	v27 =	vmin.f32 v27, $0.0e+00  }
0xf5: {  	v37 =	vld.idx.msk [tilespmem:v16+s1+$0x83D0 ss:$0x1], $0xffff;
	v43 =	vmax.f32 v34, $0.0e+00;
	v47 =	vmin.f32 v34, $0.0e+00;
	v25 =	vadd.f32 v39, v38  }
0xf6: {  	v61 =	vld.idx.msk [tilespmem:v16+s1+$0xD3E0 ss:$0x1], $0xffff;
	v33 =	vmax.f32 v28, $0.0e+00;
	v62 =	vmul.f32 v60, v3;
	v40 =	vmul.f32 v27, v11  }
0xf7: {  	v51 =	vld.idx.msk [tilespmem:v16+s1+$0x8410 ss:$0x1], $0xffff;
	v28 =	vmin.f32 v28, $0.0e+00;
	v46 =	vmul.f32 v43, v4;
	v33 =	vmul.f32 v33, v1  }
0xf8: {  	v56 =	vld.idx.msk [tilespmem:v16+s1+$0x8420 ss:$0x1], $0xffff;
	v27 =	vadd.f32 v41, v63;
	v26 =	vadd.f32 v44, v26;
	v28 =	vmul.f32 v28, v9  }
0xf9: {  	v30 =	vmul.f32 v47, v12;
	v63 =	vld.idx.msk [tilespmem:v16+s1+$0xD430 ss:$0x1], $0xffff;
	v25 =	vadd.f32 v45, v25;
	v31 =	vadd.f32 v33, v31  }
0xfa: {  	v47 =	vld.idx.msk [tilespmem:v16+s1+$0xD450 ss:$0x1], $0xffff;
	v60 =	vmax.f32 v27, $0.0e+00;
	v26 =	vadd.f32 v29, v26;
	v28 =	vadd.f32 v28, v24  }
0xfb: {  	v45 =	vld.idx.msk [tilespmem:v16+s1+$0x8400 ss:$0x1], $0xffff;
	v27 =	vmin.f32 v27, $0.0e+00;
	v44 =	vadd.f32 v55, v37;
	v29 =	vadd.f32 v61, v57  }
0xfc: {  	v61 =	vld.idx.msk [tilespmem:v16+s1+$0x8430 ss:$0x1], $0xffff;
	v27 =	vmul.f32 v27, v15;
	v58 =	vadd.f32 v54, v31;
	v24 =	vadd.f32 v26, v25  }
0xfd: {  	v38 =	vld.idx.msk [tilespmem:v16+s1+$0x8460 ss:$0x1], $0xffff;
	v39 =	vadd.f32 v59, v28;
	v49 =	vmax.f32 v44, $0.0e+00;
	v31 =	vmin.f32 v44, $0.0e+00  }
0xfe: {  	v53 =	vmax.f32 v29, $0.0e+00;
	v54 =	vld.idx.msk [tilespmem:v16+s1+$0xD410 ss:$0x1], $0xffff;
	v59 =	vmin.f32 v29, $0.0e+00;
	v29 =	vmul.f32 v60, v7  }
0xff: {  	v50 =	vmul.f32 v49, v5;
	v52 =	vmul.f32 v31, v13;
	v49 =	vld.idx.msk [tilespmem:v16+s1+$0xD460 ss:$0x1], $0xffff;
	v42 =	vadd.f32 v62, v58  }
0x100: {  	v55 =	vmul.f32 v53, v6;
	v25 =	vadd.f32 v40, v39;
	v57 =	vadd.f32 v48, v45;
	v58 =	vld.idx.msk [tilespmem:v16+s1+$0xD420 ss:$0x1], $0xffff  }
0x101: {  	v28 =	vmul.f32 v59, v14;
	v45 =	vld.idx.msk [tilespmem:v16+s1+$0x8450 ss:$0x1], $0xffff;
	v34 =	vadd.f32 v63, v61;
	v26 =	vadd.f32 v46, v42  }
0x102: {  	v25 =	vadd.f32 v30, v25;
	v62 =	vmax.f32 v57, $0.0e+00;
	v30 =	vmin.f32 v57, $0.0e+00  }
0x103: {  	v35 =	vmul.f32 v62, v0;
	v33 =	vadd.f32 v54, v51;
	v39 =	vmul.f32 v30, v8  }
0x104: {  	v48 =	vmax.f32 v34, $0.0e+00;
	v26 =	vadd.f32 v50, v26;
	v25 =	vadd.f32 v52, v25  }
0x105: {  	v50 =	vmin.f32 v34, $0.0e+00;
	v32 =	vadd.f32 v49, v38;
	v41 =	vadd.f32 $0.0e+00, v35  }
0x106: {  	v43 =	vld.idx.msk [tilespmem:v16+s1+$0xD440 ss:$0x1], $0xffff;
	v42 =	vmax.f32 v33, $0.0e+00;
	v31 =	vadd.f32 v58, v56;
	v36 =	vadd.f32 v47, v45  }
0x107: {  	v53 =	vld.idx.msk [tilespmem:v16+s1+$0xD470 ss:$0x1], $0xffff;
	v33 =	vmin.f32 v33, $0.0e+00;
	v26 =	vadd.f32 v55, v26;
	v25 =	vadd.f32 v28, v25  }
0x108: {  	v40 =	vld.idx.msk [tilespmem:v16+s1+$0x8440 ss:$0x1], $0xffff;
	v28 =	vadd.f32 $0.0e+00, v39;
	v35 =	vmul.f32 v42, v1;
	v33 =	vmul.f32 v33, v9  }
0x109: {  	v51 =	vld.idx.msk [tilespmem:v16+s1+$0x8470 ss:$0x1], $0xffff;
	v59 =	vmax.f32 v32, $0.0e+00;
	v44 =	vmax.f32 v31, $0.0e+00;
	v31 =	vmin.f32 v31, $0.0e+00  }
0x10a: {  	v58 =	vld.idx.msk [tilespmem:v16+s1+$0xD480 ss:$0x1], $0xffff;
	v54 =	vmax.f32 v36, $0.0e+00;
	v57 =	vmin.f32 v36, $0.0e+00;
	v62 =	vmul.f32 v59, v6  }
0x10b: {  	v45 =	vld.idx.msk [tilespmem:v16+s1+$0xD4A0 ss:$0x1], $0xffff;
	v26 =	vadd.f32 v29, v26;
	v30 =	vadd.f32 v35, v41;
	v46 =	vmul.f32 v44, v2  }
0x10c: {  	v55 =	vld.idx.msk [tilespmem:v16+s1+$0x8480 ss:$0x1], $0xffff;
	v28 =	vadd.f32 v33, v28;
	v31 =	vmul.f32 v31, v10;
	v33 =	vmul.f32 v48, v3  }
0x10d: {  	v42 =	vld.idx.msk [tilespmem:v16+s1+$0x84A0 ss:$0x1], $0xffff;
	v29 =	vadd.f32 v43, v40;
	v56 =	vmul.f32 v54, v5;
	v40 =	vmin.f32 v32, $0.0e+00  }
0x10e: {  	v34 =	vadd.f32 v53, v51;
	v25 =	vadd.f32 v27, v25;
	v43 =	vmul.f32 v40, v14  }
0x10f: {  	v49 =	vld.idx.msk [tilespmem:v16+s1+$0xD4B0 ss:$0x1], $0xffff;
	v30 =	vadd.f32 v46, v30;
	v28 =	vadd.f32 v31, v28;
	v31 =	vmul.f32 v50, v11  }
0x110: {  	v47 =	vld.idx.msk [tilespmem:v16+s1+$0x84B0 ss:$0x1], $0xffff;
	v52 =	vmax.f32 v29, $0.0e+00;
	v29 =	vmin.f32 v29, $0.0e+00;
	v41 =	vmax.f32 v34, $0.0e+00  }
0x111: {  	v51 =	vld.idx.msk [tilespmem:v16+s1+$0xD4C0 ss:$0x1], $0xffff;
	v25 =	vadd.f32 v25, v26;
	v48 =	vmin.f32 v34, $0.0e+00;
	v29 =	vmul.f32 v29, v12  }
0x112: {  	v50 =	vld.idx.msk [tilespmem:v16+s1+$0x84C0 ss:$0x1], $0xffff;
	v44 =	vmul.f32 v41, v7;
	v46 =	vadd.f32 v58, v55;
	v32 =	vadd.f32 v45, v42  }
0x113: {  	v60 =	vld.idx.msk [tilespmem:v16+s1+$0x8490 ss:$0x1], $0xffff;
	v30 =	vadd.f32 v33, v30;
	v33 =	vmul.f32 v52, v4;
	v28 =	vadd.f32 v31, v28  }
0x114: {  	v63 =	vld.idx.msk [tilespmem:v16+s1+$0xD490 ss:$0x1], $0xffff;
	v31 =	vmul.f32 v57, v13;
	v26 =	vmin.f32 v46, $0.0e+00;
	v52 =	vmax.f32 v32, $0.0e+00  }
0x115: {  	v55 =	vmin.f32 v32, $0.0e+00;
	v30 =	vadd.f32 v33, v30;
	v28 =	vadd.f32 v29, v28  }
0x116: {  	v33 =	vmax.f32 v46, $0.0e+00;
	v26 =	vmul.f32 v26, v8;
	v53 =	vmul.f32 v52, v2  }
0x117: {  	v39 =	vld.idx.msk [tilespmem:v16+s1+$0x84D0 ss:$0x1], $0xffff;
	v29 =	vadd.f32 v49, v47;
	v58 =	vmul.f32 v55, v10;
	v36 =	vadd.f32 v51, v50  }
0x118: {  	v54 =	vld.idx.msk [tilespmem:v16+s1+$0xD4D0 ss:$0x1], $0xffff;
	v33 =	vmul.f32 v33, v0;
	v61 =	vadd.f32 v56, v30;
	v28 =	vadd.f32 v31, v28  }
0x119: {  	v52 =	vld.idx.msk [tilespmem:v16+s1+$0xD510 ss:$0x1], $0xffff;
	v30 =	vadd.f32 v63, v60;
	v31 =	vmul.f32 v48, v15;
	v26 =	vadd.f32 $0.0e+00, v26  }
0x11a: {  	v56 =	vld.idx.msk [tilespmem:v16+s1+$0x84E0 ss:$0x1], $0xffff;
	v59 =	vmax.f32 v29, $0.0e+00;
	v29 =	vmin.f32 v29, $0.0e+00;
	v33 =	vadd.f32 $0.0e+00, v33  }
0x11b: {  	v60 =	vld.idx.msk [tilespmem:v16+s1+$0xD4E0 ss:$0x1], $0xffff;
	v40 =	vmul.f32 v29, v11;
	v47 =	vmin.f32 v36, $0.0e+00;
	v27 =	vadd.f32 v62, v61  }
0x11c: {  	v50 =	vld.idx.msk [tilespmem:v16+s1+$0x8510 ss:$0x1], $0xffff;
	v28 =	vadd.f32 v43, v28;
	v35 =	vmax.f32 v30, $0.0e+00;
	v30 =	vmin.f32 v30, $0.0e+00  }
0x11d: {  	v41 =	vld.idx.msk [tilespmem:v16+s1+$0xD4F0 ss:$0x1], $0xffff;
	v61 =	vmul.f32 v59, v3;
	v43 =	vmax.f32 v36, $0.0e+00;
	v35 =	vmul.f32 v35, v1  }
0x11e: {  	v62 =	vld.idx.msk [tilespmem:v16+s1+$0x84F0 ss:$0x1], $0xffff;
	v30 =	vmul.f32 v30, v9;
	v27 =	vadd.f32 v44, v27;
	v28 =	vadd.f32 v31, v28  }
0x11f: {  	v45 =	vld.idx.msk [tilespmem:v16+s1+$0x8500 ss:$0x1], $0xffff;
	v32 =	vmul.f32 v47, v12;
	v44 =	vadd.f32 v54, v39;
	v33 =	vadd.f32 v35, v33  }
0x120: {  	v48 =	vld.idx.msk [tilespmem:v16+s1+$0xD500 ss:$0x1], $0xffff;
	v46 =	vmul.f32 v43, v4;
	v30 =	vadd.f32 v30, v26;
	v31 =	vadd.f32 v60, v56  }
0x121: {  	v47 =	vld.idx.msk [tilespmem:v16+s1+$0xD540 ss:$0x1], $0xffff;
	v35 =	vadd.f32 v52, v50;
	v26 =	vadd.f32 v28, v27;
	v49 =	vmax.f32 v44, $0.0e+00  }
0x122: {  	v56 =	vld.idx.msk [tilespmem:v16+s1+$0x8520 ss:$0x1], $0xffff;
	v57 =	vadd.f32 v53, v33;
	v63 =	vadd.f32 v58, v30;
	v51 =	vmul.f32 v49, v5  }
0x123: {  	v52 =	vld.idx.msk [tilespmem:v16+s1+$0x8560 ss:$0x1], $0xffff;
	v33 =	vmin.f32 v44, $0.0e+00;
	v54 =	vmax.f32 v31, $0.0e+00;
	v29 =	vadd.f32 v41, v62  }
0x124: {  	v31 =	vmin.f32 v31, $0.0e+00;
	v58 =	vld.idx.msk [tilespmem:v16+s1+$0xD520 ss:$0x1], $0xffff;
	v53 =	vmul.f32 v33, v13;
	v55 =	vmul.f32 v54, v6  }
0x125: {  	v59 =	vmul.f32 v31, v14;
	v42 =	vadd.f32 v61, v57;
	v27 =	vadd.f32 v40, v63;
	v61 =	vld.idx.msk [tilespmem:v16+s1+$0x8530 ss:$0x1], $0xffff  }
0x126: {  	v57 =	vadd.f32 v48, v45;
	v60 =	vmax.f32 v29, $0.0e+00;
	v63 =	vld.idx.msk [tilespmem:v16+s1+$0xD530 ss:$0x1], $0xffff;
	v45 =	vmax.f32 v35, $0.0e+00  }
0x127: {  	v29 =	vmin.f32 v29, $0.0e+00;
	v35 =	vmin.f32 v35, $0.0e+00;
	v48 =	vld.idx.msk [tilespmem:v16+s1+$0x8550 ss:$0x1], $0xffff;
	v31 =	vmul.f32 v60, v7  }
0x128: {  	v40 =	vld.idx.msk [tilespmem:v16+s1+$0xD550 ss:$0x1], $0xffff;
	v49 =	vmul.f32 v35, v9;
	v29 =	vmul.f32 v29, v15;
	v28 =	vadd.f32 v46, v42  }
0x129: {  	v41 =	vld.idx.msk [tilespmem:v16+s1+$0xD580 ss:$0x1], $0xffff;
	v27 =	vadd.f32 v32, v27;
	v36 =	vmax.f32 v57, $0.0e+00;
	v32 =	vmin.f32 v57, $0.0e+00  }
0x12a: {  	v54 =	vld.idx.msk [tilespmem:v16+s1+$0xD560 ss:$0x1], $0xffff;
	v62 =	vmul.f32 v36, v0;
	v44 =	vmul.f32 v32, v8;
	v33 =	vadd.f32 v58, v56  }
0x12b: {  	v46 =	vld.idx.msk [tilespmem:v16+s1+$0x8540 ss:$0x1], $0xffff;
	v32 =	vmul.f32 v45, v1;
	v28 =	vadd.f32 v51, v28;
	v27 =	vadd.f32 v53, v27  }
0x12c: {  	v60 =	vld.idx.msk [tilespmem:v16+s1+$0x8580 ss:$0x1], $0xffff;
	v30 =	vadd.f32 $0.0e+00, v62;
	v50 =	vmax.f32 v33, $0.0e+00;
	v36 =	vadd.f32 v63, v61  }
0x12d: {  	v33 =	vmin.f32 v33, $0.0e+00;
	v39 =	vadd.f32 v40, v48;
	v28 =	vadd.f32 v55, v28  }
0x12e: {  	v57 =	vld.idx.msk [tilespmem:v16+s1+$0x8570 ss:$0x1], $0xffff;
	v27 =	vadd.f32 v59, v27;
	v35 =	vmul.f32 v50, v2;
	v51 =	vmul.f32 v33, v10  }
0x12f: {  	v58 =	vld.idx.msk [tilespmem:v16+s1+$0xD570 ss:$0x1], $0xffff;
	v33 =	vadd.f32 v54, v52;
	v30 =	vadd.f32 v32, v30;
	v53 =	vmax.f32 v36, $0.0e+00  }
0x130: {  	v34 =	vadd.f32 v47, v46;
	v56 =	vmin.f32 v36, $0.0e+00;
	v61 =	vmax.f32 v39, $0.0e+00  }
0x131: {  	v39 =	vmin.f32 v39, $0.0e+00;
	v47 =	vadd.f32 v41, v60;
	v28 =	vadd.f32 v31, v28  }
0x132: {  	v31 =	vadd.f32 $0.0e+00, v44;
	v55 =	vmul.f32 v53, v3;
	v62 =	vmul.f32 v61, v5  }
0x133: {  	v45 =	vld.idx.msk [tilespmem:v16+s1+$0x85A0 ss:$0x1], $0xffff;
	v27 =	vadd.f32 v29, v27;
	v43 =	vmax.f32 v33, $0.0e+00;
	v33 =	vmin.f32 v33, $0.0e+00  }
0x134: {  	v48 =	vld.idx.msk [tilespmem:v16+s1+$0xD5A0 ss:$0x1], $0xffff;
	v36 =	vadd.f32 v58, v57;
	v30 =	vadd.f32 v35, v30;
	v35 =	vmul.f32 v56, v11  }
0x135: {  	v42 =	vld.idx.msk [tilespmem:v16+s1+$0x8590 ss:$0x1], $0xffff;
	v38 =	vmax.f32 v34, $0.0e+00;
	v34 =	vmin.f32 v34, $0.0e+00;
	v32 =	vmul.f32 v43, v6  }
0x136: {  	v44 =	vld.idx.msk [tilespmem:v16+s1+$0xD590 ss:$0x1], $0xffff;
	v46 =	vmul.f32 v33, v14;
	v52 =	vmax.f32 v47, $0.0e+00;
	v33 =	vmin.f32 v47, $0.0e+00  }
0x137: {  	v53 =	vld.idx.msk [tilespmem:v16+s1+$0xD5B0 ss:$0x1], $0xffff;
	v31 =	vadd.f32 v49, v31;
	v59 =	vmul.f32 v38, v4;
	v34 =	vmul.f32 v34, v12  }
0x138: {  	v57 =	vld.idx.msk [tilespmem:v16+s1+$0xD5C0 ss:$0x1], $0xffff;
	v27 =	vadd.f32 v27, v28;
	v33 =	vmul.f32 v33, v8;
	v30 =	vadd.f32 v55, v30  }
0x139: {  	v50 =	vmax.f32 v36, $0.0e+00;
	v37 =	vadd.f32 v48, v45;
	v55 =	vld.idx.msk [tilespmem:v16+s1+$0x85C0 ss:$0x1], $0xffff;
	v31 =	vadd.f32 v51, v31  }
0x13a: {  	v54 =	vmin.f32 v36, $0.0e+00;
	v51 =	vld.idx.msk [tilespmem:v16+s1+$0x85B0 ss:$0x1], $0xffff;
	v33 =	vadd.f32 $0.0e+00, v33;
	v30 =	vadd.f32 v59, v30  }
0x13b: {  	v61 =	vld.idx.msk [tilespmem:v16+s1+$0xD5D0 ss:$0x1], $0xffff;
	v58 =	vmax.f32 v37, $0.0e+00;
	v37 =	vmin.f32 v37, $0.0e+00;
	v31 =	vadd.f32 v35, v31  }
0x13c: {  	v59 =	vld.idx.msk [tilespmem:v16+s1+$0x85D0 ss:$0x1], $0xffff;
	v60 =	vmul.f32 v58, v2;
	v30 =	vadd.f32 v62, v30;
	v62 =	vmul.f32 v37, v10  }
0x13d: {  	v63 =	vadd.f32 v34, v31;
	v31 =	vmul.f32 v39, v13;
	v34 =	vadd.f32 v44, v42  }
0x13e: {  	v35 =	vadd.f32 v57, v55;
	v49 =	vadd.f32 v32, v30;
	v30 =	vmul.f32 v50, v7  }
0x13f: {  	v32 =	vadd.f32 v53, v51;
	v29 =	vadd.f32 v31, v63;
	v31 =	vmul.f32 v52, v0  }
0x140: {  	v47 =	vld.idx.msk [tilespmem:v16+s1+$0x85F0 ss:$0x1], $0xffff;
	v56 =	vmax.f32 v34, $0.0e+00;
	v34 =	vmin.f32 v34, $0.0e+00;
	v48 =	vmax.f32 v35, $0.0e+00  }
0x141: {  	v44 =	vld.idx.msk [tilespmem:v16+s1+$0x85E0 ss:$0x1], $0xffff;
	v35 =	vmin.f32 v35, $0.0e+00;
	v39 =	vadd.f32 v61, v59;
	v28 =	vadd.f32 v30, v49  }
0x142: {  	v55 =	vld.idx.msk [tilespmem:v16+s1+$0xD600 ss:$0x1], $0xffff;
	v36 =	vmul.f32 v56, v1;
	v34 =	vmul.f32 v34, v9;
	v63 =	vmax.f32 v32, $0.0e+00  }
0x143: {  	v30 =	vmul.f32 v54, v15;
	v32 =	vmin.f32 v32, $0.0e+00;
	v49 =	vld.idx.msk [tilespmem:v16+s1+$0xD5F0 ss:$0x1], $0xffff;
	v31 =	vadd.f32 $0.0e+00, v31  }
0x144: {  	v51 =	vmul.f32 v35, v12;
	v29 =	vadd.f32 v46, v29;
	v45 =	vmul.f32 v63, v3;
	v46 =	vld.idx.msk [tilespmem:v16+s1+$0xD5E0 ss:$0x1], $0xffff  }
0x145: {  	v52 =	vld.idx.msk [tilespmem:v16+s1+$0x8600 ss:$0x1], $0xffff;
	v32 =	vmul.f32 v32, v11;
	v33 =	vadd.f32 v34, v33;
	v31 =	vadd.f32 v36, v31  }
0x146: {  	v53 =	vmax.f32 v39, $0.0e+00;
	v57 =	vmin.f32 v39, $0.0e+00;
	v29 =	vadd.f32 v30, v29  }
0x147: {  	v58 =	vld.idx.msk [tilespmem:v16+s1+$0x8610 ss:$0x1], $0xffff;
	v56 =	vmul.f32 v53, v5;
	v33 =	vadd.f32 v62, v33;
	v31 =	vadd.f32 v60, v31  }
0x148: {  	v42 =	vld.idx.msk [tilespmem:v16+s1+$0x8650 ss:$0x1], $0xffff;
	v35 =	vmul.f32 v57, v13;
	v34 =	vadd.f32 v49, v47;
	v28 =	vadd.f32 v29, v28  }
0x149: {  	v57 =	vld.idx.msk [tilespmem:v16+s1+$0xD650 ss:$0x1], $0xffff;
	v36 =	vmul.f32 v48, v4;
	v50 =	vadd.f32 v32, v33;
	v54 =	vadd.f32 v46, v44  }
0x14a: {  	v60 =	vld.idx.msk [tilespmem:v16+s1+$0xD610 ss:$0x1], $0xffff;
	v33 =	vadd.f32 v55, v52;
	v31 =	vadd.f32 v45, v31;
	v44 =	vmax.f32 v34, $0.0e+00  }
0x14b: {  	v48 =	vld.idx.msk [tilespmem:v16+s1+$0x8630 ss:$0x1], $0xffff;
	v34 =	vmin.f32 v34, $0.0e+00;
	v30 =	vadd.f32 v51, v50;
	v59 =	vmax.f32 v54, $0.0e+00  }
0x14c: {  	v62 =	vld.idx.msk [tilespmem:v16+s1+$0x8620 ss:$0x1], $0xffff;
	v46 =	vmul.f32 v44, v7;
	v49 =	vmax.f32 v33, $0.0e+00;
	v33 =	vmin.f32 v33, $0.0e+00  }
0x14d: {  	v45 =	vld.idx.msk [tilespmem:v16+s1+$0xD620 ss:$0x1], $0xffff;
	v34 =	vmul.f32 v34, v15;
	v31 =	vadd.f32 v36, v31;
	v36 =	vmin.f32 v54, $0.0e+00  }
0x14e: {  	v55 =	vld.idx.msk [tilespmem:v16+s1+$0xD640 ss:$0x1], $0xffff;
	v32 =	vmul.f32 v49, v0;
	v33 =	vmul.f32 v33, v8;
	v30 =	vadd.f32 v35, v30  }
0x14f: {  	v51 =	vld.idx.msk [tilespmem:v16+s1+$0xD630 ss:$0x1], $0xffff;
	v63 =	vmul.f32 v36, v14;
	v50 =	vadd.f32 v60, v58;
	v36 =	vadd.f32 v57, v42  }
0x150: {  	v61 =	vmul.f32 v59, v6;
	v54 =	vld.idx.msk [tilespmem:v16+s1+$0x8640 ss:$0x1], $0xffff;
	v31 =	vadd.f32 v56, v31;
	v32 =	vadd.f32 $0.0e+00, v32  }
0x151: {  	v33 =	vadd.f32 $0.0e+00, v33;
	v47 =	vadd.f32 v63, v30;
	v52 =	vmax.f32 v50, $0.0e+00  }
0x152: {  	v59 =	vld.idx.msk [tilespmem:v16+s1+$0x8660 ss:$0x1], $0xffff;
	v53 =	vadd.f32 v45, v62;
	v35 =	vmin.f32 v50, $0.0e+00;
	v42 =	vmax.f32 v36, $0.0e+00  }
0x153: {  	v49 =	vld.idx.msk [tilespmem:v16+s1+$0xD680 ss:$0x1], $0xffff;
	v36 =	vmin.f32 v36, $0.0e+00;
	v31 =	vadd.f32 v61, v31;
	v37 =	vmul.f32 v52, v1  }
0x154: {  	v62 =	vld.idx.msk [tilespmem:v16+s1+$0x8670 ss:$0x1], $0xffff;
	v35 =	vmul.f32 v35, v9;
	v30 =	vadd.f32 v51, v48;
	v50 =	vmul.f32 v42, v5  }
0x155: {  	v63 =	vld.idx.msk [tilespmem:v16+s1+$0xD670 ss:$0x1], $0xffff;
	v52 =	vmul.f32 v36, v13;
	v41 =	vmax.f32 v53, $0.0e+00;
	v39 =	vadd.f32 v55, v54  }
0x156: {  	v61 =	vld.idx.msk [tilespmem:v16+s1+$0xD660 ss:$0x1], $0xffff;
	v58 =	vmin.f32 v53, $0.0e+00;
	v29 =	vadd.f32 v34, v47;
	v31 =	vadd.f32 v46, v31  }
0x157: {  	v51 =	vld.idx.msk [tilespmem:v16+s1+$0x8690 ss:$0x1], $0xffff;
	v32 =	vadd.f32 v37, v32;
	v56 =	vmul.f32 v41, v2;
	v33 =	vadd.f32 v35, v33  }
0x158: {  	v54 =	vld.idx.msk [tilespmem:v16+s1+$0xD690 ss:$0x1], $0xffff;
	v35 =	vmul.f32 v58, v10;
	v60 =	vmax.f32 v30, $0.0e+00;
	v30 =	vmin.f32 v30, $0.0e+00  }
0x159: {  	v46 =	vld.idx.msk [tilespmem:v16+s1+$0x8680 ss:$0x1], $0xffff;
	v37 =	vmul.f32 v60, v3;
	v30 =	vmul.f32 v30, v11;
	v45 =	vmax.f32 v39, $0.0e+00  }
0x15a: {  	v48 =	vmin.f32 v39, $0.0e+00;
	v32 =	vadd.f32 v56, v32;
	v33 =	vadd.f32 v35, v33  }
0x15b: {  	v57 =	vld.idx.msk [tilespmem:v16+s1+$0x86A0 ss:$0x1], $0xffff;
	v47 =	vmul.f32 v45, v4;
	v34 =	vadd.f32 v63, v62;
	v29 =	vadd.f32 v29, v31  }
0x15c: {  	v60 =	vld.idx.msk [tilespmem:v16+s1+$0xD6A0 ss:$0x1], $0xffff;
	v35 =	vmul.f32 v48, v12;
	v38 =	vadd.f32 v61, v59;
	v32 =	vadd.f32 v37, v32  }
0x15d: {  	v30 =	vadd.f32 v30, v33;
	v59 =	vmax.f32 v34, $0.0e+00;
	v63 =	vadd.f32 v54, v51  }
0x15e: {  	v45 =	vld.idx.msk [tilespmem:v16+s1+$0xD6B0 ss:$0x1], $0xffff;
	v34 =	vmin.f32 v34, $0.0e+00;
	v53 =	vmax.f32 v38, $0.0e+00;
	v56 =	vadd.f32 v49, v46  }
0x15f: {  	v61 =	vld.idx.msk [tilespmem:v16+s1+$0x86B0 ss:$0x1], $0xffff;
	v58 =	vmin.f32 v38, $0.0e+00;
	v37 =	vmul.f32 v59, v7;
	v34 =	vmul.f32 v34, v15  }
0x160: {  	v51 =	vld.idx.msk [tilespmem:v16+s1+$0x86D0 ss:$0x1], $0xffff;
	v32 =	vadd.f32 v47, v32;
	v30 =	vadd.f32 v35, v30;
	v55 =	vmul.f32 v53, v6  }
0x161: {  	v49 =	vld.idx.msk [tilespmem:v16+s1+$0xD6C0 ss:$0x1], $0xffff;
	v33 =	vmul.f32 v58, v14;
	v48 =	vmax.f32 v63, $0.0e+00;
	v36 =	vadd.f32 v60, v57  }
0x162: {  	v47 =	vld.idx.msk [tilespmem:v16+s1+$0x86C0 ss:$0x1], $0xffff;
	v39 =	vmax.f32 v56, $0.0e+00;
	v46 =	vmin.f32 v56, $0.0e+00;
	v32 =	vadd.f32 v50, v32  }
0x163: {  	v53 =	vld.idx.msk [tilespmem:v16+s1+$0xD6D0 ss:$0x1], $0xffff;
	v30 =	vadd.f32 v52, v30;
	v62 =	vmul.f32 v39, v0;
	v39 =	vmin.f32 v63, $0.0e+00  }
0x164: {  	v52 =	vmax.f32 v36, $0.0e+00;
	v40 =	vadd.f32 v45, v61;
	v36 =	vmin.f32 v36, $0.0e+00  }
0x165: {  	v50 =	vmul.f32 v39, v9;
	v36 =	vmul.f32 v36, v10;
	v32 =	vadd.f32 v55, v32  }
0x166: {  	v43 =	vld.idx.msk [tilespmem:v16+s1+$0x86F0 ss:$0x1], $0xffff;
	v30 =	vadd.f32 v33, v30;
	v31 =	vadd.f32 $0.0e+00, v62;
	v33 =	vmul.f32 v46, v8  }
0x167: {  	v58 =	vld.idx.msk [tilespmem:v16+s1+$0xD6E0 ss:$0x1], $0xffff;
	v54 =	vmax.f32 v40, $0.0e+00;
	v57 =	vmin.f32 v40, $0.0e+00;
	v35 =	vadd.f32 v49, v47  }
0x168: {  	v63 =	vld.idx.msk [tilespmem:v16+s1+$0xD6F0 ss:$0x1], $0xffff;
	v56 =	vmul.f32 v54, v3;
	v59 =	vmul.f32 v57, v11;
	v62 =	vadd.f32 v53, v51  }
0x169: {  	v55 =	vld.idx.msk [tilespmem:v16+s1+$0x86E0 ss:$0x1], $0xffff;
	v32 =	vadd.f32 v37, v32;
	v37 =	vmul.f32 v48, v1;
	v33 =	vadd.f32 $0.0e+00, v33  }
0x16a: {  	v45 =	vld.idx.msk [tilespmem:v16+s1+$0x8700 ss:$0x1], $0xffff;
	v30 =	vadd.f32 v34, v30;
	v60 =	vmax.f32 v35, $0.0e+00;
	v35 =	vmin.f32 v35, $0.0e+00  }
0x16b: {  	v47 =	vld.idx.msk [tilespmem:v16+s1+$0xD700 ss:$0x1], $0xffff;
	v46 =	vmax.f32 v62, $0.0e+00;
	v38 =	vmin.f32 v62, $0.0e+00;
	v31 =	vadd.f32 v37, v31  }
0x16c: {  	v33 =	vadd.f32 v50, v33;
	v37 =	vmul.f32 v52, v2;
	v61 =	vmul.f32 v60, v4  }
0x16d: {  	v48 =	vld.idx.msk [tilespmem:v16+s1+$0x8710 ss:$0x1], $0xffff;
	v35 =	vmul.f32 v35, v12;
	v52 =	vadd.f32 v63, v43;
	v30 =	vadd.f32 v30, v32  }
0x16e: {  	v49 =	vmul.f32 v38, v13;
	v50 =	vld.idx.msk [tilespmem:v16+s1+$0xD710 ss:$0x1], $0xffff;
	v40 =	vadd.f32 v58, v55;
	v31 =	vadd.f32 v37, v31  }
0x16f: {  	v60 =	vld.idx.msk [tilespmem:v16+s1+$0xD730 ss:$0x1], $0xffff;
	v33 =	vadd.f32 v36, v33;
	v37 =	vmul.f32 v46, v5;
	v43 =	vmax.f32 v52, $0.0e+00  }
0x170: {  	v58 =	vld.idx.msk [tilespmem:v16+s1+$0x8730 ss:$0x1], $0xffff;
	v36 =	vadd.f32 v47, v45;
	v38 =	vmin.f32 v52, $0.0e+00;
	v51 =	vmax.f32 v40, $0.0e+00  }
0x171: {  	v55 =	vmin.f32 v40, $0.0e+00;
	v57 =	vmul.f32 v43, v7;
	v31 =	vadd.f32 v56, v31  }
0x172: {  	v53 =	vld.idx.msk [tilespmem:v16+s1+$0x8720 ss:$0x1], $0xffff;
	v33 =	vadd.f32 v59, v33;
	v59 =	vmax.f32 v36, $0.0e+00;
	v36 =	vmin.f32 v36, $0.0e+00  }
0x173: {  	v38 =	vmul.f32 v38, v15;
	v56 =	vld.idx.msk [tilespmem:v16+s1+$0xD720 ss:$0x1], $0xffff;
	v36 =	vmul.f32 v36, v8;
	v31 =	vadd.f32 v61, v31  }
0x174: {  	v54 =	vmul.f32 v51, v6;
	v33 =	vadd.f32 v35, v33;
	v35 =	vadd.f32 v50, v48  }
0x175: {  	v63 =	vld.idx.msk [tilespmem:v16+s1+$0x8740 ss:$0x1], $0xffff;
	v61 =	vmul.f32 v59, v0;
	v34 =	vadd.f32 v60, v58;
	v36 =	vadd.f32 $0.0e+00, v36  }
0x176: {  	v48 =	vld.idx.msk [tilespmem:v16+s1+$0xD740 ss:$0x1], $0xffff;
	v31 =	vadd.f32 v37, v31;
	v33 =	vadd.f32 v49, v33;
	v37 =	vmul.f32 v55, v14  }
0x177: {  	v44 =	vld.idx.msk [tilespmem:v16+s1+$0x8750 ss:$0x1], $0xffff;
	v62 =	vmax.f32 v35, $0.0e+00;
	v32 =	vadd.f32 $0.0e+00, v61;
	v35 =	vmin.f32 v35, $0.0e+00  }
0x178: {  	v51 =	vld.idx.msk [tilespmem:v16+s1+$0xD750 ss:$0x1], $0xffff;
	v39 =	vadd.f32 v56, v53;
	v35 =	vmul.f32 v35, v9;
	v31 =	vadd.f32 v54, v31  }
0x179: {  	v58 =	vld.idx.msk [tilespmem:v16+s1+$0x8780 ss:$0x1], $0xffff;
	v33 =	vadd.f32 v37, v33;
	v37 =	vmul.f32 v62, v1;
	v54 =	vmax.f32 v34, $0.0e+00  }
0x17a: {  	v55 =	vld.idx.msk [tilespmem:v16+s1+$0xD760 ss:$0x1], $0xffff;
	v34 =	vmin.f32 v34, $0.0e+00;
	v49 =	vmax.f32 v39, $0.0e+00;
	v35 =	vadd.f32 v35, v36  }
0x17b: {  	v53 =	vld.idx.msk [tilespmem:v16+s1+$0x8760 ss:$0x1], $0xffff;
	v52 =	vmin.f32 v39, $0.0e+00;
	v40 =	vadd.f32 v48, v63;
	v34 =	vmul.f32 v34, v11  }
0x17c: {  	v61 =	vld.idx.msk [tilespmem:v16+s1+$0xD780 ss:$0x1], $0xffff;
	v31 =	vadd.f32 v57, v31;
	v32 =	vadd.f32 v37, v32;
	v50 =	vmul.f32 v49, v2  }
0x17d: {  	v46 =	vld.idx.msk [tilespmem:v16+s1+$0xD790 ss:$0x1], $0xffff;
	v36 =	vmul.f32 v52, v10;
	v37 =	vmul.f32 v54, v3;
	v57 =	vadd.f32 v51, v44  }
0x17e: {  	v63 =	vld.idx.msk [tilespmem:v16+s1+$0x8790 ss:$0x1], $0xffff;
	v33 =	vadd.f32 v38, v33;
	v56 =	vmax.f32 v40, $0.0e+00;
	v60 =	vmin.f32 v40, $0.0e+00  }
0x17f: {  	v49 =	vld.idx.msk [tilespmem:v16+s1+$0x8770 ss:$0x1], $0xffff;
	v32 =	vadd.f32 v50, v32;
	v35 =	vadd.f32 v36, v35;
	v59 =	vmul.f32 v56, v4  }
0x180: {  	v52 =	vld.idx.msk [tilespmem:v16+s1+$0xD770 ss:$0x1], $0xffff;
	v36 =	vmul.f32 v60, v12;
	v62 =	vmax.f32 v57, $0.0e+00;
	v39 =	vadd.f32 v55, v53  }
0x181: {  	v47 =	vmin.f32 v57, $0.0e+00;
	v31 =	vadd.f32 v33, v31;
	v53 =	vadd.f32 v61, v58  }
0x182: {  	v54 =	vld.idx.msk [tilespmem:v16+s1+$0x87A0 ss:$0x1], $0xffff;
	v45 =	vmul.f32 v62, v5;
	v50 =	vmul.f32 v47, v13;
	v32 =	vadd.f32 v37, v32  }
0x183: {  	v55 =	vld.idx.msk [tilespmem:v16+s1+$0xD7A0 ss:$0x1], $0xffff;
	v34 =	vadd.f32 v34, v35;
	v48 =	vmax.f32 v39, $0.0e+00;
	v56 =	vmin.f32 v39, $0.0e+00  }
0x184: {  	v57 =	vmax.f32 v53, $0.0e+00;
	v38 =	vadd.f32 v46, v63;
	v33 =	vmin.f32 v53, $0.0e+00  }
0x185: {  	v58 =	vld.idx.msk [tilespmem:v16+s1+$0x87B0 ss:$0x1], $0xffff;
	v51 =	vmul.f32 v48, v6;
	v39 =	vmul.f32 v57, v0;
	v37 =	vadd.f32 v52, v49  }
0x186: {  	v61 =	vld.idx.msk [tilespmem:v16+s1+$0x87C0 ss:$0x1], $0xffff;
	v33 =	vmul.f32 v33, v8;
	v32 =	vadd.f32 v59, v32;
	v34 =	vadd.f32 v36, v34  }
0x187: {  	v63 =	vld.idx.msk [tilespmem:v16+s1+$0x87D0 ss:$0x1], $0xffff;
	v36 =	vmul.f32 v56, v14;
	v60 =	vmax.f32 v38, $0.0e+00;
	v38 =	vmin.f32 v38, $0.0e+00  }
0x188: {  	v48 =	vld.idx.msk [tilespmem:v16+s1+$0xD7D0 ss:$0x1], $0xffff;
	v39 =	vadd.f32 $0.0e+00, v39;
	v42 =	vmul.f32 v60, v1;
	v35 =	vadd.f32 v55, v54  }
0x189: {  	v59 =	vld.idx.msk [tilespmem:v16+s1+$0xD7B0 ss:$0x1], $0xffff;
	v33 =	vadd.f32 $0.0e+00, v33;
	v38 =	vmul.f32 v38, v9;
	v32 =	vadd.f32 v45, v32  }
0x18a: {  	v57 =	vld.idx.msk [tilespmem:v16+s1+$0x87F0 ss:$0x1], $0xffff;
	v62 =	vmax.f32 v37, $0.0e+00;
	v34 =	vadd.f32 v50, v34;
	v39 =	vadd.f32 v42, v39  }
0x18b: {  	(xrf2) =	vadd.scan.msk.f32 $0xffff, v18;
	v45 =	vld.idx.msk [tilespmem:v16+s1+$0xD7C0 ss:$0x1], $0xffff;
	v33 =	vadd.f32 v38, v33;
	v47 =	vmax.f32 v35, $0.0e+00;
	v35 =	vmin.f32 v35, $0.0e+00  }
0x18c: {  	v60 =	vld.idx.msk [tilespmem:v16+s1+$0xD7F0 ss:$0x1], $0xffff;
	v32 =	vadd.f32 v51, v32;
	v34 =	vadd.f32 v36, v34;
	v38 =	vmul.f32 v47, v2  }
0x18d: {  	v53 =	vld.idx.msk [tilespmem:v16+s1+$0xD7E0 ss:$0x1], $0xffff;
	v36 =	vmul.f32 v62, v7;
	v18 =	vmul.f32 v35, v10;
	v56 =	vadd.f32 v48, v63  }
0x18e: {  	(xrf2) =	vadd.scan.msk.f32 $0xffff, v19;
	v51 =	vld.idx.msk [tilespmem:v16+s1+$0x87E0 ss:$0x1], $0xffff;
	v41 =	vadd.f32 v59, v58;
	v19 =	vadd.f32 v38, v39  }
0x18f: {  	v63 =	vmin.f32 v37, $0.0e+00;
	v18 =	vadd.f32 v18, v33;
	v58 =	vadd.f32 v36, v32  }
0x190: {  	v36 =	vmin.f32 v56, $0.0e+00;
	v49 =	vmax.f32 v41, $0.0e+00;
	v50 =	vadd.f32 v45, v61  }
0x191: {  	v40 =	vadd.f32 v60, v57;
	v52 =	vmin.f32 v41, $0.0e+00;
	v35 =	vmul.f32 v49, v3  }
0x192: {  	(xrf2) =	vadd.scan.msk.f32 $0xffff, v20;
	v61 =	vmax.f32 v56, $0.0e+00;
	v54 =	vmul.f32 v52, v11;
	v55 =	vmax.f32 v50, $0.0e+00  }
0x193: {  	(xrf2) =	vadd.scan.msk.f32 $0xffff, v21;
	v59 =	vmin.f32 v50, $0.0e+00;
	v62 =	vadd.f32 v53, v51;
	v19 =	vadd.f32 v35, v19  }
0x194: {  	(xrf2) =	vadd.scan.msk.f32 $0xffff, v22;
	v33 =	vmul.f32 v55, v4;
	v18 =	vadd.f32 v54, v18;
	v20 =	vmul.f32 v59, v12  }
0x195: {  	(xrf2) =	vadd.scan.msk.f32 $0xffff, v23;
	v37 =	vmul.f32 v36, v13;
	v22 =	vmul.f32 v61, v5;
	v43 =	vmax.f32 v40, $0.0e+00  }
0x196: {  	(xrf2) =	vadd.scan.msk.f32 $0xffff, v24;
	v39 =	vmax.f32 v62, $0.0e+00;
	v19 =	vadd.f32 v33, v19;
	v18 =	vadd.f32 v20, v18  }
0x197: {  	(xrf2) =	vadd.scan.msk.f32 $0xffff, v25;
	v23 =	vmin.f32 v62, $0.0e+00;
	v33 =	vmul.f32 v63, v15;
	v24 =	vmul.f32 v39, v6  }
0x198: {  	(xrf2) =	vadd.scan.msk.f32 $0xffff, v26;
	v41 =	vmul.f32 v23, v14;
	v19 =	vadd.f32 v22, v19;
	v18 =	vadd.f32 v37, v18  }
0x199: {  	(xrf2) =	vadd.scan.msk.f32 $0xffff, v27;
	v42, _, _ =	vpop (xrf2);
	v25 =	vmin.f32 v40, $0.0e+00;
	v45 =	vmul.f32 v43, v7;
	v20 =	vadd.f32 v33, v34  }
0x19a: {  	(xrf2) =	vadd.scan.msk.f32 $0xffff, v28;
	v44, _, _ =	vpop (xrf2);
	v46 =	vmul.f32 v25, v15;
	v19 =	vadd.f32 v24, v19;
	v18 =	vadd.f32 v41, v18  }
0x19b: {  	(xrf2) =	vadd.scan.msk.f32 $0xffff, v29;
	v26 =	vbroadcast v44, $0xF;
	v20 =	vadd.f32 v20, v58  }
0x19c: {  	v47, _, _ =	vpop (xrf2);
	(xrf2) =	vadd.scan.msk.f32 $0xffff, v30;
	v23 =	vbroadcast v42, $0xF;
	v19 =	vadd.f32 v45, v19;
	v18 =	vadd.f32 v46, v18  }
0x19d: {  	v48, _, _ =	vpop (xrf2);
	(xrf2) =	vadd.scan.msk.f32 $0xffff, v31;
	v49 =	vbroadcast v47, $0xF  }
0x19e: {  	v21 =	vbroadcast v48, $0xF;
	v50, _, _ =	vpop (xrf2);
	v23 =	vsel vm0, v23, v26;
	(xrf2) =	vadd.scan.msk.f32 $0xffff, v20;
	v18 =	vadd.f32 v18, v19  }
0x19f: {  	v51, _, _ =	vpop (xrf2);
	v52 =	vbroadcast v50, $0xF;
	v22 =	vsel vm1, v23, v49  }
0x1a0: {  	v21 =	vsel vm2, v22, v21;
	v20 =	vbroadcast v51, $0xF;
	v19, _, _ =	vpop (xrf2)  }
0x1a1: {  	v21 =	vsel vm3, v21, v52;
	v19 =	vbroadcast v19, $0xF;
	v53, _, _ =	vpop (xrf2)  }
0x1a2: {  	v20 =	vsel vm4, v21, v20;
	(xrf2) =	vadd.scan.msk.f32 $0xffff, v18;
	v18, _, _ =	vpop (xrf2);
	v54 =	vbroadcast v53, $0xF  }
0x1a3: {  	v55, _, _ =	vpop (xrf2);
	v19 =	vsel vm5, v20, v19;
	v18 =	vbroadcast v18, $0xF  }
0x1a4: {  	v56, _, _ =	vpop (xrf2);
	v19 =	vsel vm6, v19, v54;
	v57 =	vbroadcast v55, $0xF  }
0x1a5: {  	v58, _, _ =	vpop (xrf2);
	v18 =	vsel vm7, v19, v18;
	v19 =	vbroadcast v56, $0xF  }
0x1a6: {  	v59, _, _ =	vpop (xrf2);
	v18 =	vsel vm8, v18, v57;
	v60 =	vbroadcast v58, $0xF  }
0x1a7: {  	v61, _, _ =	vpop (xrf2);
	v18 =	vsel vm9, v18, v19;
	v19 =	vbroadcast v59, $0xF  }
0x1a8: {  	v62, _, _ =	vpop (xrf2);
	v18 =	vsel vm10, v18, v60  }
0x1a9: {  	v18 =	vsel vm11, v18, v19;
	v19 =	vbroadcast v62, $0xF  }
0x1aa: {  	v63 =	vbroadcast v61, $0xF;
	_ =	sdelay $0x1  }
0x1ab: {  	v18 =	vsel vm12, v18, v63  }
0x1ac: {  	v18 =	vsel vm13, v18, v19;
	v19, _, _ =	vpop (xrf2)  }
0x1ad: {  	v18 =	vsel vm14, v18, v19  }
0x1ae: {  	v18 =	vmul.f32 $1.442695020e+00, v18;
	_ =	sdelay $0x1  }
0x1af: {  	(erf) = vpow2.f32 v18;
	_ =	sdelay $0x4  }
0x1b0: {  	p0 =	sne.s32 s0, $0x4  }
.Ltmp1:
0x1b1: {  	_ = 	snop;
	(pc) =	sbr.rel @p0 .LBB2_6-.Ltmp1, $4  }
0x1b2: {  	_ = 	snop  }
0x1b3: {  	s24 =	sshll.u32 s0, $0x4  }
0x1b4: {  	s1 =	sand.u32 $0x3FFFFFF0, s24;
	v18 =	vpop (erf)  }
0x1b5: {  	s0 =	sadd.s32 $0x1, s0;
	[tilespmem:v17+s1+$0x0 ss:$0x1] =	vst.idx.msk $0xffff, v18  }
0x1b6: {  	v16 =	vmov s29  }
0x1b7: {  	v17 =	vmov s28;
	_ =	sdelay $0x2  }
0x1b8: {  	s0 =	simm.s32 $0x0  }
0x1b9: {  	v19 =	vld.idx.msk [tilespmem:v16+s0+$0x0 ss:$0x1], $0xffff  }
0x1ba: {  	v20 =	vld.idx.msk [tilespmem:v17+s0+$0x0 ss:$0x1], $0xffff;
	_ =	sdelay $0x3  }
0x1bb: {  	(v2sf) =	vpush v19, $0x0  }
0x1bc: {  	(v2sf) =	vpush v20, $0x0  }
0x1bd: {  	(v2sf) =	vpush v20, $0x1  }
0x1be: {  	(v2sf) =	vpush v19, $0x1;
	_ =	sdelay $0x1  }
0x1bf: {  	(v2sf) =	vpush v20, $0x5  }
0x1c0: {  	(v2sf) =	vpush v19, $0x2  }
0x1c1: {  	(v2sf) =	vpush v20, $0x2;
	_ =	sdelay $0x1  }
0x1c2: {  	(v2sf) =	vpush v19, $0x3  }
0x1c3: {  	(v2sf) =	vpush v20, $0x3;
	_ =	sdelay $0x1  }
0x1c4: {  	(v2sf) =	vpush v19, $0x4  }
0x1c5: {  	(v2sf) =	vpush v20, $0x4;
	_ =	sdelay $0x1  }
0x1c6: {  	s1 =	spop (v2sf);
	(v2sf) =	vpush v19, $0x5  }
0x1c7: {  	s7 =	spop (v2sf);
	s0 =	sadd.f32 s1, s30;
	(v2sf) =	vpush v19, $0x6  }
0x1c8: {  	p0 =	seq.s32 s7, s31;
	s6 =	spop (v2sf);
	(v2sf) =	vpush v20, $0x6  }
0x1c9: {  	s8 =	spop (v2sf);
	s1 =	smov.u32 @p0 s0;
	(v2sf) =	vpush v19, $0x7  }
0x1ca: {  	s0 =	sadd.f32 s1, s8  }
0x1cb: {  	p0 =	seq.s32 s6, s7;
	s2 =	spop (v2sf);
	(v2sf) =	vpush v20, $0x7  }
0x1cc: {  	s9 =	spop (v2sf);
	(v2sf) =	vpush v19, $0xF;
	s8 =	smov.u32 @p0 s0  }
0x1cd: {  	s13 =	spop (v2sf);
	s0 =	sadd.f32 s8, s9  }
0x1ce: {  	p0 =	seq.s32 s13, s6  }
0x1cf: {  	(v2sf) =	vpush v19, $0x8;
	s15 =	spop (v2sf);
	s9 =	smov.u32 @p0 s0  }
0x1d0: {  	s16 =	spop (v2sf);
	s0 =	sadd.f32 s9, s15  }
0x1d1: {  	(v2sf) =	vpush v20, $0x8;
	p0 =	seq.s32 s16, s13  }
0x1d2: {  	(v2sf) =	vpush v20, $0xF;
	s17 =	spop (v2sf);
	s15 =	smov.u32 @p0 s0  }
0x1d3: {  	(v2sf) =	vpush v19, $0x9;
	s18 =	spop (v2sf);
	s0 =	sadd.f32 s15, s17  }
0x1d4: {  	(v2sf) =	vpush v20, $0x9;
	p0 =	seq.s32 s18, s16  }
0x1d5: {  	(v2sf) =	vpush v19, $0xA;
	s19 =	spop (v2sf);
	s17 =	smov.u32 @p0 s0  }
0x1d6: {  	(v2sf) =	vpush v20, $0xA;
	s0 =	sadd.f32 s17, s19;
	s20 =	spop (v2sf)  }
0x1d7: {  	p0 =	seq.s32 s2, s18;
	(v2sf) =	vpush v19, $0xB;
	s21 =	spop (v2sf)  }
0x1d8: {  	s19 =	smov.u32 @p0 s0;
	s22 =	spop (v2sf);
	(v2sf) =	vpush v20, $0xB  }
0x1d9: {  	s0 =	sadd.f32 s19, s20  }
0x1da: {  	p0 =	seq.s32 s21, s2;
	s23 =	spop (v2sf);
	(v2sf) =	vpush v19, $0xC  }
0x1db: {  	s20 =	smov.u32 @p0 s0;
	s0 =	spop (v2sf);
	(v2sf) =	vpush v20, $0xC;
	_ =	sdelay $0x1  }
0x1dc: {  	s24 =	sadd.f32 s20, s22  }
0x1dd: {  	[smem:s7] =	sst s1;
	p0 =	seq.s32 s23, s21;
	s30 =	spop (v2sf);
	(v2sf) =	vpush v19, $0xD  }
0x1de: {  	[smem:s6] =	sst s8;
	s22 =	smov.u32 @p0 s24  }
0x1df: {  	s10 =	simm.s32 $0x10;
	s31 =	spop (v2sf);
	(v2sf) =	vpush v20, $0xD;
	s24 =	sadd.f32 s22, s30  }
0x1e0: {  	v18 =	vld.idx.msk [tilespmem:v16+s10+$0x0 ss:$0x1], $0xffff;
	[smem:s13] =	sst s9;
	s1 =	spop (v2sf);
	p0 =	seq.s32 s31, s23  }
0x1e1: {  	[smem:s16] =	sst s15;
	s6 =	spop (v2sf);
	(v2sf) =	vpush v19, $0xE;
	v19 =	vld.idx.msk [tilespmem:v17+s10+$0x0 ss:$0x1], $0xffff;
	s30 =	smov.u32 @p0 s24  }
0x1e2: {  	s11 =	spop (v2sf);
	(v2sf) =	vpush v20, $0xE;
	s8 =	sadd.f32 s30, s6  }
0x1e3: {  	[smem:s18] =	sst s17;
	p0 =	seq.s32 s11, s31;
	s13 =	spop (v2sf)  }
0x1e4: {  	[smem:s2] =	sst s19;
	s6 =	smov.u32 @p0 s8;
	s18 =	spop (v2sf)  }
0x1e5: {  	(v2sf) =	vpush v18, $0x0;
	s7 =	sadd.f32 s6, s13;
	s2 =	spop (v2sf)  }
0x1e6: {  	[smem:s21] =	sst s20;
	p0 =	seq.s32 s18, s11;
	s21 =	spop (v2sf);
	(v2sf) =	vpush v19, $0x0  }
0x1e7: {  	s13 =	smov.u32 @p0 s7  }
0x1e8: {  	s7 =	sadd.f32 s13, s2;
	s16 =	spop (v2sf);
	(v2sf) =	vpush v19, $0x1  }
0x1e9: {  	p0 =	seq.s32 s21, s18;
	s24 =	spop (v2sf);
	(v2sf) =	vpush v18, $0x1  }
0x1ea: {  	[smem:s23] =	sst s22;
	s2 =	smov.u32 @p0 s7;
	(v2sf) =	vpush v19, $0x5  }
0x1eb: {  	s7 =	sadd.f32 s2, s16  }
0x1ec: {  	[smem:s31] =	sst s30;
	p0 =	seq.s32 s24, s21;
	s9 =	spop (v2sf);
	(v2sf) =	vpush v18, $0x2  }
0x1ed: {  	[smem:s11] =	sst s6;
	s16 =	smov.u32 @p0 s7;
	(v2sf) =	vpush v19, $0x2  }
0x1ee: {  	s30 =	spop (v2sf);
	s6 =	sadd.f32 s16, s9  }
0x1ef: {  	[smem:s18] =	sst s13;
	p0 =	seq.s32 s30, s24;
	(v2sf) =	vpush v18, $0x3  }
0x1f0: {  	[smem:s21] =	sst s2;
	s2 =	spop (v2sf);
	(v2sf) =	vpush v19, $0x3;
	s9 =	smov.u32 @p0 s6  }
0x1f1: {  	s13 =	spop (v2sf);
	s8 =	sadd.f32 s9, s2  }
0x1f2: {  	[smem:s24] =	sst s16;
	(v2sf) =	vpush v18, $0x4;
	p0 =	seq.s32 s13, s30  }
0x1f3: {  	s6 =	simm.s32 $0x80;
	(v2sf) =	vpush v19, $0x4;
	[smem:s30] =	sst s9;
	s2 =	smov.u32 @p0 s8  }
0x1f4: {  	p1 =	seq.s32 s1, s13;
	s31 =	spop (v2sf);
	(v2sf) =	vpush v18, $0x5;
	s7 =	sadd.f32 s2, s0  }
.LBB2_8:
0x1f5: {  	s15 =	spop (v2sf)  }
0x1f6: {  	[smem:s13] =	sst s2;
	s19 =	smov.u32 s6;
	s30 =	sadd.s32 $0x40, s6  }
0x1f7: {  	p2 =	seq.s32 s15, s1;
	s13 =	spop (v2sf);
	s0 =	smov.u32 @p1 s7  }
0x1f8: {  	s7 =	sadd.f32 s31, s0;
	p1 =	seq.s32 s13, s15;
	s17 =	spop (v2sf);
	(v2sf) =	vpush v18, $0x6  }
0x1f9: {  	p0 =	seq.s32 s6, $0x100;
	s2 =	spop (v2sf);
	(v2sf) =	vpush v19, $0x6;
	[smem:s1] =	sst s0  }
0x1fa: {  	s31 =	smov.u32 @p2 s7  }
0x1fb: {  	s0 =	sadd.f32 s31, s17;
	s20 =	spop (v2sf);
	(v2sf) =	vpush v18, $0x7  }
0x1fc: {  	s21 =	spop (v2sf);
	(v2sf) =	vpush v19, $0x7  }
0x1fd: {  	s17 =	smov.u32 @p1 s0;
	p1 =	seq.s32 s21, s13;
	(v2sf) =	vpush v18, $0xF  }
0x1fe: {  	s0 =	sadd.f32 s17, s20;
	s22 =	spop (v2sf);
	(v2sf) =	vpush v18, $0x8  }
0x1ff: {  	s23 =	spop (v2sf);
	(v2sf) =	vpush v19, $0x8  }
0x200: {  	s20 =	smov.u32 @p1 s0;
	p1 =	seq.s32 s23, s21  }
0x201: {  	s0 =	sadd.f32 s20, s22;
	s24 =	spop (v2sf);
	(v2sf) =	vpush v19, $0xF  }
0x202: {  	s16 =	spop (v2sf);
	(v2sf) =	vpush v18, $0x9  }
0x203: {  	s22 =	smov.u32 @p1 s0;
	p1 =	seq.s32 s16, s23  }
0x204: {  	s0 =	sadd.f32 s22, s24;
	s6 =	spop (v2sf);
	(v2sf) =	vpush v19, $0x9  }
0x205: {  	(v2sf) =	vpush v18, $0xA  }
0x206: {  	s24 =	smov.u32 @p1 s0;
	p1 =	seq.s32 s2, s16  }
0x207: {  	s0 =	sadd.f32 s24, s6;
	s18 =	spop (v2sf);
	(v2sf) =	vpush v19, $0xA  }
0x208: {  	s8 =	spop (v2sf);
	(v2sf) =	vpush v18, $0xB  }
0x209: {  	s6 =	smov.u32 @p1 s0;
	p1 =	seq.s32 s8, s2  }
0x20a: {  	s0 =	sadd.f32 s6, s18;
	s7 =	spop (v2sf);
	(v2sf) =	vpush v19, $0xB  }
0x20b: {  	s9 =	spop (v2sf);
	(v2sf) =	vpush v18, $0xC  }
0x20c: {  	s18 =	smov.u32 @p1 s0;
	p1 =	seq.s32 s9, s8;
	s0 =	spop (v2sf)  }
0x20d: {  	s1 =	sadd.f32 s18, s7;
	s10 =	spop (v2sf);
	(v2sf) =	vpush v19, $0xC  }
0x20e: {  	s11 =	spop (v2sf);
	(v2sf) =	vpush v18, $0xD  }
0x20f: {  	s19 =	sshra.s32 s19, $0x2;
	[smem:s15] =	sst s31;
	s7 =	smov.u32 @p1 s1  }
0x210: {  	p1 =	seq.s32 s11, s9;
	v20 =	vld.idx.msk [tilespmem:v16+s19+$0x0 ss:$0x1], $0xffff;
	s15 =	sadd.f32 s7, s10;
	(v2sf) =	vpush v19, $0xD;
	s1 =	spop (v2sf)  }
0x211: {  	v21 =	vld.idx.msk [tilespmem:v17+s19+$0x0 ss:$0x1], $0xffff;
	[smem:s13] =	sst s17;
	s13 =	spop (v2sf);
	(v2sf) =	vpush v18, $0xE  }
0x212: {  	[smem:s21] =	sst s20;
	s10 =	smov.u32 @p1 s15  }
0x213: {  	s15 =	sadd.f32 s10, s13;
	s17 =	spop (v2sf);
	(v2sf) =	vpush v19, $0xE  }
0x214: {  	[smem:s23] =	sst s22;
	p1 =	seq.s32 s17, s11;
	s19 =	spop (v2sf)  }
0x215: {  	[smem:s16] =	sst s24;
	s13 =	smov.u32 @p1 s15  }
0x216: {  	v18 =	vmov v20;
	(v2sf) =	vpush v20, $0x0;
	s15 =	sadd.f32 s13, s19;
	s16 =	spop (v2sf)  }
0x217: {  	v19 =	vmov v21;
	(v2sf) =	vpush v21, $0x0;
	[smem:s2] =	sst s6;
	p1 =	seq.s32 s16, s17;
	s2 =	spop (v2sf)  }
0x218: {  	(v2sf) =	vpush v19, $0x1;
	[smem:s8] =	sst s18;
	s19 =	smov.u32 @p1 s15  }
0x219: {  	(v2sf) =	vpush v18, $0x1;
	s6 =	sadd.f32 s19, s2;
	s8 =	spop (v2sf)  }
0x21a: {  	(v2sf) =	vpush v19, $0x5;
	[smem:s9] =	sst s7;
	p1 =	seq.s32 s8, s16;
	s7 =	spop (v2sf)  }
0x21b: {  	[smem:s11] =	sst s10;
	s2 =	smov.u32 @p1 s6  }
0x21c: {  	(v2sf) =	vpush v18, $0x2;
	s6 =	sadd.f32 s2, s7;
	s9 =	spop (v2sf)  }
0x21d: {  	(v2sf) =	vpush v19, $0x2;
	[smem:s17] =	sst s13;
	p1 =	seq.s32 s9, s8;
	s10 =	spop (v2sf)  }
0x21e: {  	[smem:s16] =	sst s19;
	s7 =	smov.u32 @p1 s6  }
0x21f: {  	(v2sf) =	vpush v18, $0x3;
	s6 =	sadd.f32 s7, s10;
	s11 =	spop (v2sf)  }
0x220: {  	(v2sf) =	vpush v19, $0x3;
	[smem:s8] =	sst s2;
	p1 =	seq.s32 s11, s9;
	s2 =	spop (v2sf)  }
.Ltmp2:
0x221: {  	s10 =	smov.u32 @p1 s6;
	(pc) =	sbr.rel @!p0 .LBB2_8-.Ltmp2, $4  }
0x222: {  	(v2sf) =	vpush v18, $0x4;
	s6 =	sadd.f32 s10, s2;
	s13 =	spop (v2sf)  }
0x223: {  	(v2sf) =	vpush v19, $0x4;
	[smem:s9] =	sst s7;
	p2 =	seq.s32 s13, s11;
	p1 =	seq.s32 s1, s13  }
0x224: {  	[smem:s11] =	sst s10;
	s2 =	smov.u32 @p2 s6  }
0x225: {  	s6 =	smov.u32 s30;
	s31 =	spop (v2sf);
	(v2sf) =	vpush v18, $0x5;
	s7 =	sadd.f32 s2, s0  }
0x226: {  	_ = 	snop  }
0x227: {  	s0 =	smov.u32 @p1 s7  }
0x228: {  	s8 =	spop (v2sf);
	s6 =	sadd.f32 s31, s0  }
0x229: {  	p0 =	seq.s32 s8, s1;
	s7 =	spop (v2sf)  }
0x22a: {  	(v2sf) =	vpush v18, $0x6;
	s9 =	spop (v2sf);
	s31 =	smov.u32 @p0 s6  }
0x22b: {  	(v2sf) =	vpush v19, $0x6;
	s10 =	sadd.f32 s31, s9  }
0x22c: {  	(v2sf) =	vpush v18, $0x7;
	p0 =	seq.s32 s7, s8;
	s6 =	spop (v2sf)  }
0x22d: {  	(v2sf) =	vpush v19, $0x7;
	s11 =	spop (v2sf);
	s9 =	smov.u32 @p0 s10  }
0x22e: {  	s10 =	spop (v2sf);
	s15 =	sadd.f32 s9, s11  }
0x22f: {  	(v2sf) =	vpush v18, $0xF;
	p0 =	seq.s32 s10, s7  }
0x230: {  	(v2sf) =	vpush v18, $0x8;
	s16 =	spop (v2sf);
	s11 =	smov.u32 @p0 s15  }
0x231: {  	(v2sf) =	vpush v19, $0x8;
	s15 =	spop (v2sf);
	s17 =	sadd.f32 s11, s16  }
0x232: {  	(v2sf) =	vpush v19, $0xF;
	p0 =	seq.s32 s15, s10  }
0x233: {  	(v2sf) =	vpush v18, $0x9;
	s18 =	spop (v2sf);
	s16 =	smov.u32 @p0 s17  }
0x234: {  	(v2sf) =	vpush v19, $0x9;
	s17 =	spop (v2sf);
	s19 =	sadd.f32 s16, s18  }
0x235: {  	p0 =	seq.s32 s17, s15  }
0x236: {  	(v2sf) =	vpush v18, $0xA;
	s20 =	spop (v2sf);
	s18 =	smov.u32 @p0 s19  }
0x237: {  	(v2sf) =	vpush v19, $0xA;
	s19 =	sadd.f32 s18, s20  }
0x238: {  	p0 =	seq.s32 s6, s17  }
0x239: {  	s21 =	spop (v2sf);
	(v2sf) =	vpush v18, $0xB;
	s20 =	smov.u32 @p0 s19  }
0x23a: {  	s22 =	spop (v2sf);
	(v2sf) =	vpush v19, $0xB;
	s19 =	sadd.f32 s20, s21  }
0x23b: {  	s23 =	spop (v2sf);
	p0 =	seq.s32 s22, s6  }
0x23c: {  	[smem:s13] =	sst s2;
	s2 =	spop (v2sf);
	(v2sf) =	vpush v18, $0xC;
	s21 =	smov.u32 @p0 s19  }
0x23d: {  	(v2sf) =	vpush v19, $0xC;
	s13 =	sadd.f32 s21, s23  }
0x23e: {  	[smem:s1] =	sst s0;
	s30 =	spop (v2sf);
	p0 =	seq.s32 s2, s22  }
0x23f: {  	[smem:s8] =	sst s31;
	(v2sf) =	vpush v18, $0xD;
	s19 =	spop (v2sf);
	s23 =	smov.u32 @p0 s13  }
0x240: {  	(v2sf) =	vpush v19, $0xD;
	s24 =	spop (v2sf);
	s1 =	sadd.f32 s23, s19  }
0x241: {  	[smem:s7] =	sst s9;
	s31 =	spop (v2sf);
	p0 =	seq.s32 s24, s2  }
0x242: {  	[smem:s10] =	sst s11;
	(v2sf) =	vpush v18, $0xE;
	s7 =	spop (v2sf);
	s19 =	smov.u32 @p0 s1  }
0x243: {  	s13 =	spop (v2sf);
	(v2sf) =	vpush v19, $0xE;
	s1 =	sadd.f32 s19, s7  }
0x244: {  	[smem:s15] =	sst s16;
	p0 =	seq.s32 s13, s24  }
0x245: {  	[smem:s17] =	sst s18;
	s9 =	spop (v2sf);
	s7 =	smov.u32 @p0 s1  }
0x246: {  	s18 =	spop (v2sf);
	s1 =	sadd.f32 s7, s9  }
0x247: {  	[smem:s6] =	sst s20;
	p0 =	seq.s32 s18, s13  }
0x248: {  	[smem:s22] =	sst s21;
	s6 =	spop (v2sf);
	s9 =	smov.u32 @p0 s1  }
0x249: {  	s21 =	spop (v2sf);
	s1 =	sadd.f32 s9, s6  }
0x24a: {  	p0 =	seq.s32 s21, s18  }
0x24b: {  	[smem:s2] =	sst s23;
	s2 =	spop (v2sf);
	s6 =	smov.u32 @p0 s1  }
0x24c: {  	s22 =	spop (v2sf);
	s0 =	sadd.f32 s6, s2  }
0x24d: {  	[smem:s24] =	sst s19;
	p0 =	seq.s32 s22, s21  }
0x24e: {  	[smem:s13] =	sst s7;
	s7 =	spop (v2sf);
	s2 =	smov.u32 @p0 s0  }
0x24f: {  	s23 =	spop (v2sf);
	s0 =	sadd.f32 s2, s7  }
0x250: {  	p0 =	seq.s32 s23, s22  }
0x251: {  	[smem:s18] =	sst s9;
	s9 =	spop (v2sf);
	s7 =	smov.u32 @p0 s0  }
0x252: {  	s24 =	spop (v2sf);
	s0 =	sadd.f32 s7, s9  }
0x253: {  	[smem:s21] =	sst s6;
	p0 =	seq.s32 s24, s23  }
0x254: {  	[smem:s22] =	sst s2;
	s9 =	smov.u32 @p0 s0  }
0x255: {  	s0 =	sadd.f32 s9, s30  }
0x256: {  	[smem:s23] =	sst s7;
	p0 =	seq.s32 s31, s24  }
0x257: {  	[smem:s24] =	sst s9;
	s30 =	smov.u32 @p0 s0  }
0x258: {  	[smem:s31] =	sst s30  }
0x259: {  	p0 =	seq.s32 s26, $0x7D  }
.Ltmp3:
0x25a: {  	_ = 	snop;
	(pc) =	sbr.rel @!p0 .LBB2_5-.Ltmp3, $2  }
0x25b: {  	_ =	sdelay $0x2  }
0x25c: {  	s28 =	sadd.s32 $0x50, s28;
	s29 =	sadd.s32 $0x50, s29  }
0x25d: {  	s0 =	sld [smem:$0xF]  }
0x25e: {  	s1 =	sld [smem:$0x0]  }
0x25f: {  	s2 =	sld [smem:$0x1]  }
0x260: {  	vm0 =	vcmask $0x300;
	s6 =	sld [smem:$0x2];
	v0 =	vmov s0  }
0x261: {  	vm1 =	vcmask $0x704;
	s23 =	sld [smem:$0x3];
	v0 =	vsel vm0, s1, v0  }
0x262: {  	vm2 =	vcmask $0xB08;
	s24 =	sld [smem:$0x4];
	v0 =	vsel vm1, s2, v0  }
0x263: {  	vm3 =	vcmask $0xF0C;
	s26 =	sld [smem:$0x5];
	v0 =	vsel vm2, s6, v0  }
0x264: {  	vm4 =	vcmask $0x1310;
	s28 =	sld [smem:$0x6];
	v0 =	vsel vm3, s23, v0  }
0x265: {  	vm5 =	vcmask $0x1714;
	s29 =	sld [smem:$0x7];
	v0 =	vsel vm4, s24, v0  }
0x266: {  	vm6 =	vcmask $0x1B18;
	s30 =	sld [smem:$0x8];
	v0 =	vsel vm5, s26, v0  }
0x267: {  	vm7 =	vcmask $0x1F1C;
	s31 =	sld [smem:$0x9];
	v0 =	vsel vm6, s28, v0  }
0x268: {  	vm8 =	vcmask $0x2320;
	s8 =	sld [smem:$0xA];
	v0 =	vsel vm7, s29, v0  }
0x269: {  	vm9 =	vcmask $0x2724;
	s9 =	sld [smem:$0xB];
	v0 =	vsel vm8, s30, v0  }
0x26a: {  	vm10 =	vcmask $0x2B28;
	s6 =	sld [smem:$0xC];
	v0 =	vsel vm9, s31, v0  }
0x26b: {  	vm12 =	vmmov vm15;
	vm11 =	vcmask $0x2F2C;
	s0 =	simm.s32 $0x0;
	s7 =	sld [smem:$0xD];
	v0 =	vsel vm10, s8, v0  }
0x26c: {  	vm15 =	vcmask $0x3330;
	vm13 =	vcmask $0x3B38;
	s1 =	simm.s32 $0x10;
	s2 =	simm.s32 $0x80;
	s8 =	sld [smem:$0xE];
	v0 =	vsel vm11, s9, v0  }
.LBB2_11:
0x26d: {  	p0 =	sne.s32 s2, $0xFC0;
	s9 =	sld [smem:s1+$0xF];
	v0 =	vsel vm15, s6, v0  }
0x26e: {  	s6 =	sld [smem:s1+$0x0];
	v0 =	vsel vm12, s7, v0  }
0x26f: {  	s7 =	sld [smem:s1+$0x1];
	v0 =	vsel vm13, s8, v0  }
0x270: {  	s8 =	sld [smem:s1+$0x2];
	v1 =	vmov s9;
	[tilespmem:s0+$0x17000] =	vst v0;
	s0 =	smov.u32 s1  }
0x271: {  	s1 =	sld [smem:s0+$0x3];
	v0 =	vsel vm0, s6, v1  }
0x272: {  	s6 =	sld [smem:s0+$0x4];
	v0 =	vsel vm1, s7, v0  }
0x273: {  	s7 =	sld [smem:s0+$0x5];
	v0 =	vsel vm2, s8, v0  }
0x274: {  	s8 =	sld [smem:s0+$0x6];
	v0 =	vsel vm3, s1, v0  }
0x275: {  	s1 =	sld [smem:s0+$0x7];
	v0 =	vsel vm4, s6, v0  }
0x276: {  	s6 =	sld [smem:s0+$0x8];
	v0 =	vsel vm5, s7, v0  }
0x277: {  	s7 =	sld [smem:s0+$0x9];
	v0 =	vsel vm6, s8, v0  }
.Ltmp4:
0x278: {  	s8 =	sld [smem:s0+$0xA];
	v0 =	vsel vm7, s1, v0;
	(pc) =	sbr.rel @p0 .LBB2_11-.Ltmp4, $4  }
0x279: {  	s9 =	sld [smem:s0+$0xB];
	v0 =	vsel vm8, s6, v0  }
0x27a: {  	s6 =	sld [smem:s0+$0xC];
	v0 =	vsel vm9, s7, v0  }
0x27b: {  	s7 =	sld [smem:s0+$0xD];
	v0 =	vsel vm10, s8, v0  }
0x27c: {  	s1 =	sshra.s32 s2, $0x2;
	s2 =	sadd.s32 $0x40, s2;
	s8 =	sld [smem:s0+$0xE];
	v0 =	vsel vm11, s9, v0  }
0x27d: {  	s2 =	sld [smem:s1+$0xF]  }
0x27e: {  	s9 =	sld [smem:s1+$0x0]  }
0x27f: {  	s10 =	sld [smem:s1+$0x1]  }
0x280: {  	s30 =	sld [smem:s1+$0x2];
	v1 =	vmov s2  }
0x281: {  	s31 =	sld [smem:s1+$0x3];
	v1 =	vsel vm0, s9, v1  }
0x282: {  	s11 =	sld [smem:s1+$0x4];
	v1 =	vsel vm1, s10, v1  }
0x283: {  	s13 =	sld [smem:s1+$0x5];
	v1 =	vsel vm2, s30, v1  }
0x284: {  	s15 =	sld [smem:s1+$0x6];
	v1 =	vsel vm3, s31, v1  }
0x285: {  	s16 =	sld [smem:s1+$0x7];
	v1 =	vsel vm4, s11, v1  }
0x286: {  	s17 =	sld [smem:s1+$0x8];
	v1 =	vsel vm5, s13, v1  }
0x287: {  	s18 =	sld [smem:s1+$0x9];
	v1 =	vsel vm6, s15, v1  }
0x288: {  	s19 =	sld [smem:s1+$0xA];
	v1 =	vsel vm7, s16, v1  }
0x289: {  	s20 =	sld [smem:s1+$0xB];
	v1 =	vsel vm8, s17, v1  }
0x28a: {  	s21 =	sld [smem:s1+$0xC];
	v1 =	vsel vm9, s18, v1  }
0x28b: {  	s22 =	sld [smem:s1+$0xD];
	v1 =	vsel vm10, s19, v1  }
0x28c: {  	v0 =	vsel vm15, s6, v0;
	s23 =	sld [smem:s1+$0xE];
	v1 =	vsel vm11, s20, v1  }
0x28d: {  	v0 =	vsel vm12, s7, v0;
	v1 =	vsel vm15, s21, v1  }
0x28e: {  	v0 =	vsel vm13, s8, v0;
	v1 =	vsel vm12, s22, v1  }
0x28f: {  	[tilespmem:s0+$0x17000] =	vst v0;
	v49 =	vsel vm13, s23, v1  }
0x290: {  	s24 =	rddreg [dreg:$0x8];
	s26 =	simm.s32 $0x12000;
	[tilespmem:s1+$0x17000] =	vst v49  }
0x291: {  	[hbm4b:s24+s3] =	stream.linear.scatter [tilespmem:s26], [sflag:$0x5], $0x2710, $0x38;
	[tilespmem:$0x17400] =	vst v63  }
0x292: {  	_ =	swait.ge [sflag:s14], $0x2710  }
0x293: {  	s29 =	simm.s32 $0x80;
	s30 =	simm.s32 $0x400;
	[sflag:s14] =	ssyncset.done $0x0  }
0x294: {  	s31 =	simm.s32 $0x17000;
	s28 =	rddreg [dreg:$0x9];
	[sflag:s14] =	ssyncadd.s32 $0xFFFFD8F0  }
0x295: {  	[hbm4b:s28+s29] =	stream.strided.scatter [tilespmem:s31], [sflag:$0x5], $0x400, s30, s29, $0x38;
	[tilespmem:$0x17400] =	vst v63  }
0x296: {  	_ =	swait.ge [sflag:s14], $0x400  }
0x297: {  	v50 =	vld [tilespmem:$0x1FF20]  }
0x298: {  	v51 =	vld [tilespmem:$0x1FF30]  }
0x299: {  	v52 =	vld [tilespmem:$0x1FF40]  }
0x29a: {  	v53 =	vld [tilespmem:$0x1FF50]  }
0x29b: {  	v54 =	vld [tilespmem:$0x1FF60]  }
0x29c: {  	v55 =	vld [tilespmem:$0x1FF70]  }
0x29d: {  	v56 =	vld [tilespmem:$0x1FF80]  }
0x29e: {  	v57 =	vld [tilespmem:$0x1FF90]  }
0x29f: {  	v58 =	vld [tilespmem:$0x1FFA0]  }
0x2a0: {  	v59 =	vld [tilespmem:$0x1FFB0]  }
0x2a1: {  	v60 =	vld [tilespmem:$0x1FFC0]  }
0x2a2: {  	v61 =	vld [tilespmem:$0x1FFD0]  }
0x2a3: {  	s25 =	sadd.s32 $0x1, s25;
	v62 =	vld [tilespmem:$0x1FFE0]  }
0x2a4: {  	p0 =	sne.s32 s25, s12;
	v63 =	vld [tilespmem:$0x1FFF0]  }
.Ltmp5:
0x2a5: {  	vm15 =	vmmov vm12;
	vm0 =	vnez.u8 v50;
	vm1 =	vnez.u8 v51;
	(pc) =	sbr.rel @p0 .LBB2_1-.Ltmp5, $4  }
0x2a6: {  	vm2 =	vnez.u8 v52;
	vm3 =	vnez.u8 v53;
	vm4 =	vnez.u8 v54  }
0x2a7: {  	vm5 =	vnez.u8 v55;
	vm6 =	vnez.u8 v56;
	vm7 =	vnez.u8 v57  }
0x2a8: {  	[sflag:s14] =	ssyncset.done $0x0;
	vm8 =	vnez.u8 v58;
	vm9 =	vnez.u8 v59;
	vm10 =	vnez.u8 v60  }
0x2a9: {  	s2 =	simm.s32 $0x4000;
	[sflag:s14] =	ssyncadd.s32 $0xFFFFFC00;
	vm11 =	vnez.u8 v61;
	vm12 =	vnez.u8 v62;
	vm13 =	vnez.u8 v63  }
0x2aa: {  	_ =	sfence.sel $0x180000  }
0x2ab: {  	[bflag:$0x0] =	sbarrier.arrive $0xFFFF  }
0x2ac: {  	_ =	strace $0x90000047  }
0x2ad: {  	s0 =	stileid.u32;
	[bflag:$0x2] =	sbarrier.arrive $0xFFFF  }
0x2ae: {  	p0 =	sne.s32 s0, $0x0;
	s0 =	rddreg [dreg:$0x3]  }
0x2af: {  	s0 =	sadd.s32 @!p0 $0x100000, s0  }
0x2b0: {  	[sflag:s0] =	ssyncadd.tile.s32 @!p0 $0x1;
	_ =	shalt  }
.Lfunc_end2:
_tile_overlayer_lowered:
.L_overlay_start_2:
0x2b1: {  	(tag) =	ssettag $0x2  }
0x2b2: {  	s0 =	rddreg [dreg:$0x0];
	s2 =	stileid.u32  }
0x2b3: {  	s1 =	rddreg [dreg:$0x1];
	p0 =	sne.s32 s2, $0x0  }
0x2b4: {  	s3 =	rddreg [dreg:$0x2];
	[bflag:$0x3] =	sbarrier.arrive $0xFFFF;
	s2 =	simm.s32 @!p0 $0x1C05  }
0x2b5: {  	[timem:s3], [sflag:s2] =	dma.local @!p0 [hbm:s0], s1  }
0x2b6: {  	s0 =	simm.s32 @!p0 $0x5  }
0x2b7: {  	_ =	swait.ge @!p0 [sflag:s0], s1  }
0x2b8: {  	s1 =	ssub.s32 @!p0 $0x0, s1;
	[sflag:s0] =	ssyncset.done @!p0 $0x0  }
0x2b9: {  	[sflag:s0] =	ssyncadd.s32 @!p0 s1  }
0x2ba: {  	[bflag:$0x3] =	sbarrier.arrive $0xFFFF  }
0x2bb: {  	_ =	shalt  }

// kernel: kernel.8.cloned.1.call-start
scs
__scs_entry_jumppad:
0x0: {  	(pc) =	sbr.rel $0x88, $3  }
0x1: {  	(tag) =	ssettag $0x0;
	lr =	simm.s32 $0x1  }
0x2: {  	[smem:$0x3F98] =	sst lr;
	_ =	strace $0xD0000000  }
0x3: {  	_ = 	snop  }
0x4: {  	_ = 	snop  }
0x5: {  	_ = 	snop  }
0x6: {  	_ = 	snop  }
0x7: {  	_ = 	snop  }
__scs_overlays_trampoline_lowered:
0x8: {  	[smem:$0x3FA7] =	sst s0  }
0x9: {  	[smem:$0x3FA8] =	sst s1  }
0xa: {  	[smem:$0x3FA9] =	sst s2  }
0xb: {  	[smem:$0x3FAA] =	sst s3  }
0xc: {  	[smem:$0x3FAB] =	sst s4  }
0xd: {  	[smem:$0x3FAC] =	sst s5  }
0xe: {  	[smem:$0x3FAD] =	sst s6  }
0xf: {  	[smem:$0x3FAE] =	sst s7  }
0x10: {  	[smem:$0x3FAF] =	sst s8  }
0x11: {  	[smem:$0x3FB0] =	sst s9;
	s0 =	simm.s32 @!p0 $0x0  }
0x12: {  	s1 =	sld [smem:$0x3F96];
	s0 =	simm.s32 @p0 $0x1  }
0x13: {  	[smem:$0x3FB1] =	sst s0;
	s0 =	simm.s32 @!p1 $0x0  }
0x14: {  	s2 =	sld [smem:$0x3F95];
	s0 =	simm.s32 @p1 $0x1  }
0x15: {  	[smem:$0x3FB2] =	sst s0;
	s0 =	simm.s32 @!p2 $0x0  }
0x16: {  	s3 =	sld [smem:$0x3FDB];
	s0 =	simm.s32 @p2 $0x1  }
0x17: {  	s4 =	simm.s32 $0x1BF5;
	[smem:$0x3FB4] =	sst s0  }
0x18: {  	s0 =	sld [smem:$0x3F97];
	_ =	swait.ge [sflag:s4], $0x0  }
0x19: {  	s7 =	sld [smem:$0x3F98]  }
0x1a: {  	s8 =	sadd.s32 $0xFFFFE003, lr  }
0x1b: {  	s9 =	sadd.s32 $0xFFFFFEF7, lr;
	s5 =	simm.s32 $0xFFFFFFFF;
	p2 =	slt.u32 s8, $0xFFFFF086  }
0x1c: {  	p1 =	slt.u32 s9, $0xF7A;
	s5 =	simm.s32 @!p2 $0x0  }
0x1d: {  	s5 =	simm.s32 @p1 $0x1;
	p0 =	seq.s32 s7, s2  }
0x1e: {  	s7 =	smul.u32 @!p0 $0xF7A, s2;
	p2 =	seq.s32 @!p0 s5, $0x0  }
0x1f: {  	s9 =	smul.u32 $0xF7A, s1;
	s8 =	simm.s32 @!p0 $0x1BF5;
	p2 =	por !p2, p0  }
0x20: {  	[sflag:s8] =	ssyncset.s32 @!p0 $0xFFFFF086;
	s6 =	sadd.s32 @!p0 s3, s7;
	s7 =	simm.s32 @!p0 $0x108  }
0x21: {  	s3 =	sadd.s32 s3, s9;
	s6 =	sadd.s32 @!p0 $0x88, s6;
	s7 =	simm.s32 @p2 $0x1082  }
0x22: {  	[simem:s7], [sflag:s8] =	dma.local @!p0 [hbm:s6], $0xF7A  }
0x23: {  	s9 =	sor.u32 $0xD0000000, s2;
	s6 =	simm.s32 $0x108;
	_ =	swait.ge @!p0 [sflag:s8], $0x0  }
0x24: {  	s3 =	sadd.s32 $0x88, s3;
	s6 =	simm.s32 @!p1 $0x1082;
	[sflag:s4] =	ssyncset.s32 $0xFFFFF086  }
0x25: {  	[simem:s6], [sflag:s4] =	dma.local [hbm:s3], $0xF7A  }
0x26: {  	[smem:$0x3F98] =	sst s1;
	(tag) =	ssettag s2;
	_ =	strace s9  }
0x27: {  	s1 =	sld [smem:$0x3FA8]  }
0x28: {  	s2 =	sld [smem:$0x3FA9]  }
0x29: {  	s4 =	sld [smem:$0x3FAB]  }
0x2a: {  	p0 =	seq.s32 s5, $0x0;
	s5 =	sld [smem:$0x3FAC]  }
0x2b: {  	s6 =	sld [smem:$0x3FAD]  }
0x2c: {  	s7 =	sld [smem:$0x3FAE]  }
0x2d: {  	s3 =	simm.s32 $0x108;
	s8 =	sld [smem:$0x3FAF]  }
0x2e: {  	s3 =	simm.s32 @!p0 $0x1082;
	s9 =	sld [smem:$0x3FB0]  }
0x2f: {  	lr =	sadd.s32 s0, s3;
	s0 =	sld [smem:$0x3FA7]  }
0x30: {  	s3 =	sld [smem:$0x3FAA]  }
0x31: {  	[smem:$0x3FB3] =	sst s10  }
0x32: {  	s10 =	sld [smem:$0x3FB1];
	_ =	sdelay $0x3  }
0x33: {  	p0 =	seq.s32 s10, $0x1;
	s10 =	sld [smem:$0x3FB3];
	_ =	sdelay $0x3  }
0x34: {  	[smem:$0x3FB3] =	sst s10  }
0x35: {  	s10 =	sld [smem:$0x3FB2];
	_ =	sdelay $0x3  }
0x36: {  	p1 =	seq.s32 s10, $0x1;
	s10 =	sld [smem:$0x3FB3];
	_ =	sdelay $0x3  }
0x37: {  	[smem:$0x3FB3] =	sst s10  }
0x38: {  	s10 =	sld [smem:$0x3FB4]  }
0x39: {  	_ = 	snop;
	(pc) =	sbr.ind lr, $3  }
0x3a: {  	_ = 	snop  }
0x3b: {  	_ = 	snop  }
0x3c: {  	p2 =	seq.s32 s10, $0x1;
	s10 =	sld [smem:$0x3FB3]  }
0x3d: {  	_ =	shalt  }
0x3e: {  	_ =	shalt  }
0x3f: {  	_ =	shalt  }
0x40: {  	_ =	shalt  }
0x41: {  	_ =	shalt  }
0x42: {  	_ =	shalt  }
0x43: {  	_ =	shalt  }
0x44: {  	_ =	shalt  }
0x45: {  	_ =	shalt  }
0x46: {  	_ =	shalt  }
0x47: {  	_ =	shalt  }
0x48: {  	_ =	shalt  }
0x49: {  	_ =	shalt  }
0x4a: {  	_ =	shalt  }
0x4b: {  	_ =	shalt  }
0x4c: {  	_ =	shalt  }
0x4d: {  	_ =	shalt  }
0x4e: {  	_ =	shalt  }
0x4f: {  	_ =	shalt  }
0x50: {  	_ =	shalt  }
0x51: {  	_ =	shalt  }
0x52: {  	_ =	shalt  }
0x53: {  	_ =	shalt  }
0x54: {  	_ =	shalt  }
0x55: {  	_ =	shalt  }
0x56: {  	_ =	shalt  }
0x57: {  	_ =	shalt  }
0x58: {  	_ =	shalt  }
0x59: {  	_ =	shalt  }
0x5a: {  	_ =	shalt  }
0x5b: {  	_ =	shalt  }
0x5c: {  	_ =	shalt  }
0x5d: {  	_ =	shalt  }
0x5e: {  	_ =	shalt  }
0x5f: {  	_ =	shalt  }
0x60: {  	_ =	shalt  }
0x61: {  	_ =	shalt  }
0x62: {  	_ =	shalt  }
0x63: {  	_ =	shalt  }
0x64: {  	_ =	shalt  }
0x65: {  	_ =	shalt  }
0x66: {  	_ =	shalt  }
0x67: {  	_ =	shalt  }
0x68: {  	_ =	shalt  }
0x69: {  	_ =	shalt  }
0x6a: {  	_ =	shalt  }
0x6b: {  	_ =	shalt  }
0x6c: {  	_ =	shalt  }
0x6d: {  	_ =	shalt  }
0x6e: {  	_ =	shalt  }
0x6f: {  	_ =	shalt  }
0x70: {  	_ =	shalt  }
0x71: {  	_ =	shalt  }
0x72: {  	_ =	shalt  }
0x73: {  	_ =	shalt  }
0x74: {  	_ =	shalt  }
0x75: {  	_ =	shalt  }
0x76: {  	_ =	shalt  }
0x77: {  	_ =	shalt  }
0x78: {  	_ =	shalt  }
0x79: {  	_ =	shalt  }
0x7a: {  	_ =	shalt  }
0x7b: {  	_ =	shalt  }
0x7c: {  	_ =	shalt  }
0x7d: {  	_ =	shalt  }
0x7e: {  	_ =	shalt  }
0x7f: {  	_ =	shalt  }
0x80: {  	_ =	shalt  }
0x81: {  	_ =	shalt  }
0x82: {  	_ =	shalt  }
0x83: {  	_ =	shalt  }
0x84: {  	_ =	shalt  }
0x85: {  	_ =	shalt  }
0x86: {  	_ =	shalt  }
0x87: {  	_ =	shalt  }
.Lfunc_end0:
.L_simem_size_0:
called_computation.1_lowered:
.L_overlay_start_0:
0x88: {  	s2 =	sld [smem:$0x3FD9]  }
0x89: {  	s3 =	sld [smem:$0x3FFE];
	_ =	sdelay $0x1  }
0x8a: {  	s1 =	srdreg.scid  }
0x8b: {  	s0 =	sand.u32 $0x1, s1  }
0x8c: {  	s17 =	sshll.u32 s0, $0xA;
	s2 =	sadd.s32 s3, s2  }
0x8d: {  	s2 =	sadd.s32 s2, s17  }
0x8e: {  	[smem:$0x3FBF] =	sst s2  }
0x8f: {  	_ = 	snop  }
0x90: {  	s2 =	sld [smem:$0x3FC6]  }
0x91: {  	s18 =	sld [smem:$0x3FD0];
	(tm) =	ssettm $0x1  }
0x92: {  	s4 =	sld [smem:$0x3FFB];
	_ =	sdelay $0x3  }
0x93: {  	_ =	strace s4  }
0x94: {  	s4 =	sld [smem:$0x3FFC];
	_ =	sdelay $0x3  }
0x95: {  	_ =	strace s4  }
0x96: {  	s4 =	sld [smem:$0x3FFD];
	_ =	sdelay $0x3  }
0x97: {  	_ =	strace s4  }
0x98: {  	_ =	strace $0x8FFFFFFF  }
0x99: {  	s19 =	sld [smem:$0x3FDB];
	_ =	sdelay $0x1  }
0x9a: {  	s5 =	simm.s32 $_scs_section_size  }
0x9b: {  	s6 =	simm.s32 $_size__tile_overlayer_lowered;
	s7 =	simm.s32 $_tile_overlayer_lowered  }
0x9c: {  	s22 =	simm.s32 $0x1BFF;
	s21 =	sshll.u32 s7, $0x1;
	s4 =	sadd.s32 s5, s19  }
0x9d: {  	s8 =	simm.s32 $0x0;
	s20 =	sshll.u32 s6, $0x1;
	s6 =	sadd.s32 s21, s4  }
0x9e: {  	[timem:s8], [sflag:s22] =	dma.local [hbm:s6], s20  }
0x9f: {  	_ =	swait.ge [sflag:s22], s20  }
0xa0: {  	s5 =	ssub.s32 $0x0, s20;
	[sflag:s22] =	ssyncset.done $0x0  }
0xa1: {  	[sflag:s22] =	ssyncadd.s32 s5;
	_ =	sdelay $0x1  }
0xa2: {  	s23 =	simm.s32 $0x1B8B  }
0xa3: {  	_ =	swait.ge [sflag:s23], $0x1  }
0xa4: {  	[sflag:s23] =	ssyncset.done $0x0  }
0xa5: {  	s25 =	simm.s32 $0x1B8E;
	s24 =	sld [smem:$0x3FFE];
	[sflag:s23] =	ssyncadd.s32 $0xFFFFFFFF  }
0xa6: {  	s26 =	simm.s32 $execute0_lowered;
	[smem:$0x3FD2] =	sst s25  }
0xa7: {  	s6 =	sshll.u32 s26, $0x1;
	_ =	strace $0x80000049;
	[dreg:$0x1] =	wrdreg $0xFFFFFFFF  }
0xa8: {  	s28 =	simm.s32 $_size_execute0_lowered;
	s4 =	sadd.s32 s4, s6;
	[dreg:$0x0] =	wrdreg $0x0  }
0xa9: {  	s6 =	sshll.u32 s28, $0x1;
	[dreg:$0x2] =	wrdreg s4  }
0xaa: {  	[dreg:$0x3] =	wrdreg s6  }
0xab: {  	[dreg:$0x4] =	wrdreg $0xC0  }
0xac: {  	_ =	task [dreg:s8], $0x5FFFF  }
0xad: {  	[dreg:$0x1] =	wrdreg $0xFFFFFFFF  }
0xae: {  	[dreg:$0x0] =	wrdreg $0x60  }
0xaf: {  	[dreg:$0x2] =	wrdreg s24  }
0xb0: {  	[dreg:$0x3] =	wrdreg s2  }
0xb1: {  	[dreg:$0x4] =	wrdreg s18  }
0xb2: {  	[dreg:$0x5] =	wrdreg $0x9  }
0xb3: {  	_ =	task.clear_ibuf [dreg:s8], $0x6FFFF;
	_ =	strace $0x90000049  }
0xb4: {  	s29 =	simm.s32 $0x9;
	_ =	strace $0x8000004B  }
0xb5: {  	_ =	swait.ge [sflag:s29], $0x1  }
0xb6: {  	[sflag:s29] =	ssyncadd.s32 $0xFFFFFFFF  }
0xb7: {  	_ =	strace $0x9000004B  }
0xb8: {  	_ =	sfence  }
0xb9: {  	s30 =	sld [smem:$0x0];
	_ =	sdelay $0x2  }
0xba: {  	s31 =	sshll.u32 s1, $0xD;
	s1 =	sshrl.u32 s1, $0x2  }
0xbb: {  	s3 =	sand.u32 $0x4000, s31;
	s1 =	sadd.s32 s1, s30  }
0xbc: {  	s0 =	sor.u32 s3, s0;
	s1 =	sshll.u32 s1, $0x11  }
0xbd: {  	s0 =	sor.u32 s1, s0  }
0xbe: {  	s0 =	sadd.s32 $0x8F2B, s0  }
0xbf: {  	[sflag:s0] =	ssyncadd.remote.s32 $0x1  }
0xc0: {  	_ =	sfence.sel $0xFFFF  }
0xc1: {  	[dreg:$0x0] =	wrdreg $0xFFFFFFFF;
	(pc) =	sbr.abs _section_cstart, $3  }
0xc2: {  	[dreg:$0x1] =	wrdreg $0xFFFFFFFF  }
0xc3: {  	_ =	task.clear_ibuf [dreg:s8], $0x2FFFF;
	_ =	strace $0x9FFFFFFF  }
0xc4: {  	(tm) =	ssettm $0x7FFFFFFF  }
0xc5: {  	_ =	shalt  }
tec
execute0_lowered:
.L_overlay_start_1:
0x0: {  	(tag) =	ssettag $0x1  }
0x1: {  	s3 =	rddreg [dreg:$0x0]  }
0x2: {  	s5 =	rddreg [dreg:$0x1];
	s1 =	srdreg.scid  }
0x3: {  	s0 =	stileid.u32;
	s6 =	rddreg [dreg:$0x2];
	s2 =	simm.s32 $0x0  }
0x4: {  	s10 =	simm.s32 $0x2780;
	s4 =	sand.u32 $0x1, s1;
	s7 =	sshll.u32 s0, $0x1  }
0x5: {  	s11 =	simm.s32 $0xCF00;
	s12 =	simm.s32 $0x0;
	s7 =	sor.u32 s4, s7  }
0x6: {  	[smem:$0x7FF] =	sst s2;
	s4 =	ssub.s32 $0x2, s4;
	s7 =	smul.u32 $0x4E2, s7  }
0x7: {  	s1 =	rddreg [dreg:$0x3];
	_ =	strace $0x8000004A;
	s8 =	sshrl.u32 s4, $0x1  }
0x8: {  	s8 =	ssub.s32 s4, s8;
	s9 =	sadd.s32 s7, s3;
	s3 =	sadd.s32 $0x79600, s3  }
0x9: {  	s5 =	sadd.s32 s5, s7;
	s6 =	sadd.s32 s6, s7;
	s7 =	smax.u32 s8, $0x1  }
0xa: {  	s8 =	simm.s32 $0x4F00;
	s4 =	sadd.s32 $0x6F800, s9;
	s9 =	simm.s32 $0x1  }
.LBB2_1:
0xb: {  	[tilespmem:s8], [sflag:$0x1] =	stream.linear.gather [hbm4b:s3+s2], $0x8000, $0x38;
	[tilespmem:$0xD300] =	vst v63  }
0xc: {  	_ =	swait.ge [sflag:s9], $0x8000  }
0xd: {  	[sflag:s9] =	ssyncset.done $0x0  }
0xe: {  	[sflag:s9] =	ssyncadd.s32 $0xFFFF8000  }
0xf: {  	[tilespmem:s2], [sflag:$0x1] =	stream.linear.gather [hbm4b:s4+s2], $0x2710, $0x38;
	[tilespmem:$0xD300] =	vst v63  }
0x10: {  	_ =	swait.ge [sflag:s9], $0x2710  }
0x11: {  	[sflag:s9] =	ssyncset.done $0x0  }
0x12: {  	[sflag:s9] =	ssyncadd.s32 $0xFFFFD8F0  }
0x13: {  	[tilespmem:s10], [sflag:$0x1] =	stream.linear.gather [hbm4b:s5+s2], $0x2710, $0x38;
	[tilespmem:$0xD300] =	vst v63  }
0x14: {  	_ =	swait.ge [sflag:s9], $0x2710  }
0x15: {  	[sflag:s9] =	ssyncset.done $0x0  }
0x16: {  	s13 =	simm.s32 $0x0;
	[sflag:s9] =	ssyncadd.s32 $0xFFFFD8F0  }
.LBB2_2:
0x17: {  	s14 =	sshll.u32 s13, $0x4  }
0x18: {  	s15 =	sand.u32 $0x70, s14  }
0x19: {  	s16 =	sshll.u32 s13, $0x7;
	v0 =	vmov s15  }
0x1a: {  	s31 =	simm.s32 $0x0;
	s30 =	sand.u32 $0x1C00, s16  }
0x1b: {  	s17 =	sand.u32 $0x6000, s31;
	s15 =	sadd.s32 $0x4F00, s30  }
0x1c: {  	s16 =	sand.u32 $0x380, s31;
	s17 =	sadd.s32 s17, s15  }
0x1d: {  	s17 =	sadd.s32 s16, s17  }
0x1e: {  	v2 =	vld.idx.msk [tilespmem:v0+s17+$0x0 ss:$0x1], $0xffff  }
0x1f: {  	v1 =	vimm.f32 $0.0e+00;
	s16 =	simm.s32 $0x400;
	s17 =	simm.s32 $0x80  }
.LBB2_3:
0x20: {  	s18 =	sand.u32 $0x6000, s16;
	p0 =	sne.s32 s16, $0x7C00;
	s16 =	sadd.s32 $0x400, s16  }
.Ltmp0:
0x21: {  	s19 =	sand.u32 $0x380, s17;
	s18 =	sadd.s32 s18, s15;
	(pc) =	sbr.rel @p0 .LBB2_3-.Ltmp0, $3  }
0x22: {  	s18 =	sadd.s32 s19, s18  }
0x23: {  	v1 =	vadd.f32 v2, v1;
	v2 =	vld.idx.msk [tilespmem:v0+s18+$0x0 ss:$0x1], $0xffff;
	_ =	sdelay $0x1  }
0x24: {  	s17 =	sadd.s32 $0x80, s17  }
0x25: {  	s13 =	sadd.s32 $0x1, s13  }
0x26: {  	p0 =	sne.s32 s13, $0x40  }
.Ltmp1:
0x27: {  	_ = 	snop;
	(pc) =	sbr.rel @p0 .LBB2_2-.Ltmp1, $4  }
0x28: {  	_ = 	snop  }
0x29: {  	v0 =	vadd.f32 v2, v1  }
0x2a: {  	s14 =	sand.u32 $0x3FFFFFF0, s14  }
0x2b: {  	[tilespmem:s14+$0xCF00] =	vst v0  }
0x2c: {  	s13 =	simm.s32 $0x0  }
0x2d: {  	v0 =	vld [tilespmem:s13+$0x2780];
	_ =	sdelay $0x7  }
0x2e: {  	v0 =	vld.idx.msk [tilespmem:v0+s11+$0x0], $0xffff;
	_ =	sdelay $0x4  }
0x2f: {  	(erf) = vrcp.f32 v0;
	_ =	sdelay $0x2  }
0x30: {  	s14 =	simm.s32 $0x10  }
0x31: {  	s15 =	simm.s32 $0x80;
	v0 =	vld [tilespmem:s14+$0x2780]  }
.LBB2_6:
0x32: {  	p0 =	sne.s32 s15, $0x9C00;
	v1 =	vld [tilespmem:s13+$0x0];
	_ =	sdelay $0x3  }
0x33: {  	v2 =	vpop (erf)  }
0x34: {  	v1 =	vmul.f32 v2, v1;
	_ =	sdelay $0x1  }
0x35: {  	[tilespmem:s13+$0x0] =	vst v1;
	s13 =	smov.u32 s14  }
0x36: {  	v0 =	vld.idx.msk [tilespmem:v0+s11+$0x0], $0xffff;
	_ =	sdelay $0x5  }
.Ltmp2:
0x37: {  	(erf) = vrcp.f32 v0;
	(pc) =	sbr.rel @p0 .LBB2_6-.Ltmp2, $3  }
0x38: {  	_ =	sdelay $0x1  }
0x39: {  	s14 =	sshra.s32 s15, $0x2  }
0x3a: {  	s15 =	sadd.s32 $0x40, s15;
	v0 =	vld [tilespmem:s14+$0x2780]  }
0x3b: {  	v1 =	vld [tilespmem:s13+$0x0];
	_ =	sdelay $0x3  }
0x3c: {  	v2 =	vpop (erf)  }
0x3d: {  	v1 =	vmul.f32 v2, v1;
	_ =	sdelay $0x1  }
0x3e: {  	[tilespmem:s13+$0x0] =	vst v1  }
0x3f: {  	v0 =	vld.idx.msk [tilespmem:v0+s11+$0x0], $0xffff;
	_ =	sdelay $0x4  }
0x40: {  	(erf) = vrcp.f32 v0;
	_ =	sdelay $0x4  }
0x41: {  	v62 =	vld [tilespmem:s14+$0x0];
	_ =	sdelay $0x3  }
0x42: {  	v63 =	vpop (erf)  }
0x43: {  	s12 =	sadd.s32 $0x1, s12;
	v0 =	vmul.f32 v63, v62  }
0x44: {  	p0 =	sne.s32 s12, s7  }
.Ltmp3:
0x45: {  	[tilespmem:s14+$0x0] =	vst v0;
	(pc) =	sbr.rel @p0 .LBB2_1-.Ltmp3, $4  }
0x46: {  	[hbm4b:s6+s2] =	stream.linear.scatter [tilespmem:s2], [sflag:$0x1], $0x2710, $0x38;
	[tilespmem:$0xD300] =	vst v63  }
0x47: {  	_ =	swait.ge [sflag:s9], $0x2710  }
0x48: {  	[sflag:s9] =	ssyncset.done $0x0  }
0x49: {  	[sflag:s9] =	ssyncadd.s32 $0xFFFFD8F0  }
0x4a: {  	_ =	sfence.sel $0x180000  }
0x4b: {  	[bflag:$0x0] =	sbarrier.arrive $0xFFFF  }
0x4c: {  	p0 =	sne.s32 s0, $0x0;
	_ =	strace $0x9000004A  }
0x4d: {  	s0 =	sadd.s32 @!p0 $0x100000, s1;
	[bflag:$0x2] =	sbarrier.arrive $0xFFFF  }
0x4e: {  	[sflag:s0] =	ssyncadd.tile.s32 @!p0 $0x1;
	_ =	shalt  }
.Lfunc_end2:
_tile_overlayer_lowered:
.L_overlay_start_2:
0x4f: {  	(tag) =	ssettag $0x2  }
0x50: {  	s0 =	rddreg [dreg:$0x0];
	s2 =	stileid.u32  }
0x51: {  	s1 =	rddreg [dreg:$0x1];
	p0 =	sne.s32 s2, $0x0  }
0x52: {  	s3 =	rddreg [dreg:$0x2];
	[bflag:$0x3] =	sbarrier.arrive $0xFFFF;
	s2 =	simm.s32 @!p0 $0x1C01  }
0x53: {  	[timem:s3], [sflag:s2] =	dma.local @!p0 [hbm:s0], s1  }
0x54: {  	s0 =	simm.s32 @!p0 $0x1  }
0x55: {  	_ =	swait.ge @!p0 [sflag:s0], s1  }
0x56: {  	s1 =	ssub.s32 @!p0 $0x0, s1;
	[sflag:s0] =	ssyncset.done @!p0 $0x0  }
0x57: {  	[sflag:s0] =	ssyncadd.s32 @!p0 s1  }
0x58: {  	[bflag:$0x3] =	sbarrier.arrive $0xFFFF  }
0x59: {  	_ =	shalt  }

</sc_bundles>
